<compile_context>
chip_gen: v7x
topology: tpu7x:2x2x1
jax: 0.10.2.dev20260603
libtpu: 0.0.44.dev20260713+nightly
codegen_flags: <defaults>
</compile_context>

<pallas_src>
import functools

import jax
import jax.numpy as jnp
from jax import lax
from jax.experimental import pallas as pl
from jax.experimental.pallas import tpu as pltpu
from jax.experimental.pallas import tpu_sc as plsc

N = 10000
E = 320000
D = 128

NC, NS, L = 2, 16, 16
NW = NC * NS
EPW = E // NW
_MESH = plsc.VectorSubcoreMesh(core_axis_name="c", subcore_axis_name="s")
_SC_PARAMS = pltpu.CompilerParams(needs_layout_passes=False)

_CH = 256
_CHUNKS = E // _CH
_ROUNDS = (_CHUNKS + NW - 1) // NW


def _wid():
    return lax.axis_index("s") * NC + lax.axis_index("c")


def _zero_vmem(ref, n):
    def body(i, _):
        ref[pl.ds(i * L, L)] = jnp.zeros((L,), jnp.float32)
        return 0
    lax.fori_loop(0, n // L, body, 0)


def _leaky(v):
    return jnp.where(v >= 0, v, 0.2 * v)



def _matmul_kernel(x_ref, w_ref, o_ref):
    o_ref[...] = jnp.dot(x_ref[...], w_ref[...],
                         preferred_element_type=jnp.float32)


def _block_matmul(x, w, block_rows):
    m, k = x.shape
    _, n = w.shape
    return pl.pallas_call(
        _matmul_kernel,
        grid=(m // block_rows,),
        in_specs=[
            pl.BlockSpec((block_rows, k), lambda i: (i, 0)),
            pl.BlockSpec((k, n), lambda i: (0, 0)),
        ],
        out_specs=pl.BlockSpec((block_rows, n), lambda i: (i, 0)),
        out_shape=jax.ShapeDtypeStruct((m, n), jnp.float32),
    )(x, w)


def _matmul_bias_kernel(x_ref, w_ref, b_ref, o_ref):
    o_ref[...] = jnp.dot(x_ref[...], w_ref[...],
                         preferred_element_type=jnp.float32) + b_ref[...]


def _block_matmul_bias(x, w, b, block_rows):
    m, k = x.shape
    _, n = w.shape
    return pl.pallas_call(
        _matmul_bias_kernel,
        grid=(m // block_rows,),
        in_specs=[
            pl.BlockSpec((block_rows, k), lambda i: (i, 0)),
            pl.BlockSpec((k, n), lambda i: (0, 0)),
            pl.BlockSpec((1, n), lambda i: (0, 0)),
        ],
        out_specs=pl.BlockSpec((block_rows, n), lambda i: (i, 0)),
        out_shape=jax.ShapeDtypeStruct((m, n), jnp.float32),
    )(x, w, b)


def _assemble_kernel(acc_ref, a16_ref, dinv_ref, res_ref, c2_ref, wt_ref,
                     b_ref, x_ref, t_ref):
    node = dinv_ref[...] * (
        acc_ref[0] + acc_ref[1]
        + jnp.dot(a16_ref[0] + a16_ref[1], c2_ref[...],
                  preferred_element_type=jnp.float32))
    x_ref[...] = jnp.maximum(node + res_ref[...] + b_ref[...], 0.0)
    t_ref[...] = jnp.dot(node, wt_ref[...], preferred_element_type=jnp.float32)


def _assemble(acc128p, acc16p, dinv2d, res, c2, wt8, bias2d, block_rows):
    return pl.pallas_call(
        _assemble_kernel,
        grid=(N // block_rows,),
        in_specs=[
            pl.BlockSpec((2, block_rows, D), lambda i: (0, i, 0)),
            pl.BlockSpec((2, block_rows, 16), lambda i: (0, i, 0)),
            pl.BlockSpec((block_rows, 1), lambda i: (i, 0)),
            pl.BlockSpec((block_rows, D), lambda i: (i, 0)),
            pl.BlockSpec((16, D), lambda i: (0, 0)),
            pl.BlockSpec((D, 8), lambda i: (0, 0)),
            pl.BlockSpec((1, D), lambda i: (0, 0)),
        ],
        out_specs=[
            pl.BlockSpec((block_rows, D), lambda i: (i, 0)),
            pl.BlockSpec((block_rows, 8), lambda i: (i, 0)),
        ],
        out_shape=[
            jax.ShapeDtypeStruct((N, D), jnp.float32),
            jax.ShapeDtypeStruct((N, 8), jnp.float32),
        ],
    )(acc128p, acc16p, dinv2d, res, c2, wt8, bias2d)



def _zero_stripe(zsrc, acc_s, base_r, sid, width_rows):

    def zero_rows(total):
        n_full, rem = divmod(total, width_rows)
        for i in range(n_full):
            pltpu.sync_copy(zsrc,
                            acc_s.at[pl.ds(base_r + i * width_rows,
                                           width_rows)])
        if rem:
            pltpu.sync_copy(zsrc.at[pl.ds(0, rem)],
                            acc_s.at[pl.ds(base_r + n_full * width_rows,
                                           rem)])

    @pl.when(sid < NS - 1)
    def _full():
        zero_rows(640)

    @pl.when(sid == NS - 1)
    def _tail():
        zero_rows(400)


def _dump_stripe(acc_s, out_view, base_r, sid):
    @pl.when(sid < NS - 1)
    def _full():
        pltpu.sync_copy(acc_s.at[pl.ds(base_r, 640)],
                        out_view.at[pl.ds(base_r, 640)])

    @pl.when(sid == NS - 1)
    def _tail():
        pltpu.sync_copy(acc_s.at[pl.ds(base_r, 400)],
                        out_view.at[pl.ds(base_r, 400)])


@functools.partial(
    pl.kernel,
    out_type=(jax.ShapeDtypeStruct((E,), jnp.float32),
              jax.ShapeDtypeStruct((NW, N), jnp.float32),
              jax.ShapeDtypeStruct((NC, N, 16), jnp.float32)),
    mesh=_MESH,
    compiler_params=_SC_PARAMS,
    scratch_types=[
        pltpu.VMEM((N,), jnp.float32),
        pltpu.VMEM((N,), jnp.float32),
        pltpu.VMEM((N,), jnp.float32),
        pltpu.VMEM((8, 128), jnp.int32),
        pltpu.VMEM((8, 128), jnp.int32),
        pltpu.VMEM((_CH,), jnp.float32),
        pltpu.VMEM((_CH,), jnp.float32),
        pltpu.VMEM((_CH, 16), jnp.float32),
        pltpu.VMEM_SHARED((N, 16), jnp.float32),
    ],
)
def _sc_alpha(src2_hbm, dst2_hbm, s1_hbm, s2_hbm, s3_hbm, ea_hbm, z16_hbm,
              e_hbm, den_hbm, acc16_hbm,
              s1_v, s2_v, den_v, src_i, dst_i, s3_v, e_v, ea_v, acc16_s):
    w = _wid()
    sid = lax.axis_index("s")
    cid = lax.axis_index("c")
    pltpu.sync_copy(s1_hbm, s1_v)
    pltpu.sync_copy(s2_hbm, s2_v)
    _zero_vmem(den_v, N)

    def zrow(i, _):
        ea_v[i, pl.ds(0, 16)] = jnp.zeros((16,), jnp.float32)
        return 0

    lax.fori_loop(0, _CH, zrow, 0)

    plsc.subcore_barrier()

    def round_body(c, _):
        chunk = w + c * NW

        @pl.when(chunk < _CHUNKS)
        def _():
            off = chunk * _CH
            pltpu.sync_copy(src2_hbm.at[pl.ds(chunk * 8, 8)], src_i)
            pltpu.sync_copy(dst2_hbm.at[pl.ds(chunk * 8, 8)], dst_i)
            pltpu.sync_copy(s3_hbm.at[pl.ds(off, _CH)], s3_v)
            pltpu.sync_copy(ea_hbm.at[pl.ds(off, _CH)], ea_v)
            for rr in range(_CH // 128):
                def lane(j, _, rr=rr):
                    dv = dst_i[rr, pl.ds(j * L, L)]
                    sv = src_i[rr, pl.ds(j * L, L)]
                    sl = pl.ds(rr * 128 + j * L, L)
                    lv = (plsc.load_gather(s1_v, [dv])
                          + plsc.load_gather(s2_v, [sv]) + s3_v[sl])
                    ev = jnp.exp(_leaky(lv))
                    e_v[sl] = ev
                    plsc.addupdate_scatter(den_v, [dv], ev)
                    return 0

                lax.fori_loop(0, 128 // L, lane, 0)

            def escale(r, _):
                el = plsc.load_gather(e_v, [jnp.zeros((L,), jnp.int32) + r])
                ea_v[r, pl.ds(0, 16)] = ea_v[r, pl.ds(0, 16)] * el
                return 0

            lax.fori_loop(0, _CH, escale, 0)
            pltpu.sync_copy(e_v, e_hbm.at[pl.ds(off, _CH)])

        return 0

    lax.fori_loop(0, _ROUNDS, round_body, 0)
    pltpu.sync_copy(den_v, den_hbm.at[w])
    plsc.subcore_barrier()


@functools.partial(
    pl.kernel,
    out_type=jax.ShapeDtypeStruct((NC, N, D), jnp.float32),
    mesh=_MESH,
    compiler_params=_SC_PARAMS,
    scratch_types=[
        pltpu.VMEM((8, 128), jnp.int32),
        pltpu.VMEM((8, 128), jnp.int32),
        pltpu.VMEM((_CH,), jnp.float32),
        pltpu.VMEM((_CH, D), jnp.float32),
        pltpu.VMEM_SHARED((N, D), jnp.float32),
        pltpu.SemaphoreType.DMA,
    ],
)
def _sc_aggregate(src2_hbm, dst2_hbm, e_hbm, p_hbm, acc_hbm,
                  src_i, dst_i, e_v, rows_v, acc_s, sem):
    w = _wid()
    sid = lax.axis_index("s")
    cid = lax.axis_index("c")
    base_r = pl.multiple_of(sid * 640, 8)

    def zrow(i, _):
        for k in range(D // L):
            rows_v[i, pl.ds(k * L, L)] = jnp.zeros((L,), jnp.float32)
        return 0

    lax.fori_loop(0, _CH, zrow, 0)
    _zero_stripe(rows_v, acc_s, base_r, sid, _CH)
    plsc.subcore_barrier()

    def round_body(c, _):
        chunk = w + c * NW

        @pl.when(chunk < _CHUNKS)
        def _():
            off = chunk * _CH
            pltpu.sync_copy(src2_hbm.at[pl.ds(chunk * 8, 8)], src_i)
            pltpu.sync_copy(dst2_hbm.at[pl.ds(chunk * 8, 8)], dst_i)
            pltpu.sync_copy(e_hbm.at[pl.ds(off, _CH)], e_v)
            cps = [pltpu.async_copy(p_hbm.at[src_i.at[j]],
                                    rows_v.at[pl.ds(j * 128, 128)], sem)
                   for j in range(_CH // 128)]
            for cp in cps:
                cp.wait()

            def rs(r, _):
                el = plsc.load_gather(e_v, [jnp.zeros((L,), jnp.int32) + r])
                for k in range(D // L):
                    rows_v[r, pl.ds(k * L, L)] = (
                        rows_v[r, pl.ds(k * L, L)] * el)
                return 0

            lax.fori_loop(0, _CH, rs, 0)
            for rr in range(_CH // 128):
                pltpu.sync_copy(rows_v.at[pl.ds(rr * 128, 128)],
                                acc_s.at[dst_i.at[rr]], add=True)

        return 0

    lax.fori_loop(0, _ROUNDS, round_body, 0)
    plsc.subcore_barrier()
    _dump_stripe(acc_s, acc_hbm.at[cid], base_r, sid)


_A_CH = 2000


@functools.partial(
    pl.kernel,
    out_type=(jax.ShapeDtypeStruct((E,), jnp.float32),
              jax.ShapeDtypeStruct((NW, N), jnp.float32)),
    mesh=_MESH,
    compiler_params=_SC_PARAMS,
    scratch_types=[
        pltpu.VMEM((N,), jnp.float32),
        pltpu.VMEM((N,), jnp.float32),
        pltpu.VMEM((N,), jnp.float32),
        pltpu.VMEM((N,), jnp.float32),
        pltpu.VMEM((_A_CH,), jnp.int32),
        pltpu.VMEM((_A_CH,), jnp.int32),
        pltpu.VMEM((_A_CH,), jnp.float32),
        pltpu.VMEM((_A_CH,), jnp.float32),
    ],
)
def _sc_beta(src_hbm, dst_hbm, t1_hbm, t2_hbm, dinv_hbm, e_hbm, u_hbm,
             den_hbm, t1_v, t2_v, dinv_v, den_v, src_v, dst_v, e_v, u_v):
    w = _wid()
    base = w * EPW
    pltpu.sync_copy(t1_hbm, t1_v)
    pltpu.sync_copy(t2_hbm, t2_v)
    pltpu.sync_copy(dinv_hbm, dinv_v)
    _zero_vmem(den_v, N)
    for c in range(EPW // _A_CH):
        off = base + c * _A_CH
        pltpu.sync_copy(src_hbm.at[pl.ds(off, _A_CH)], src_v)
        pltpu.sync_copy(dst_hbm.at[pl.ds(off, _A_CH)], dst_v)
        pltpu.sync_copy(e_hbm.at[pl.ds(off, _A_CH)], e_v)

        def body(j, _):
            dv = dst_v[pl.ds(j * L, L)]
            sv = src_v[pl.ds(j * L, L)]
            lv = plsc.load_gather(t1_v, [dv]) + plsc.load_gather(t2_v, [sv])
            ebv = jnp.exp(_leaky(lv))
            u_v[pl.ds(j * L, L)] = (e_v[pl.ds(j * L, L)] * ebv
                                    * plsc.load_gather(dinv_v, [dv]))
            plsc.addupdate_scatter(den_v, [dv], ebv)
            return 0

        lax.fori_loop(0, _A_CH // L, body, 0)
        pltpu.sync_copy(u_v, u_hbm.at[pl.ds(off, _A_CH)])
    pltpu.sync_copy(den_v, den_hbm.at[w])


@functools.partial(
    pl.kernel,
    out_type=jax.ShapeDtypeStruct((E,), jnp.float32),
    mesh=_MESH,
    compiler_params=_SC_PARAMS,
    scratch_types=[
        pltpu.VMEM((N,), jnp.float32),
        pltpu.VMEM((_A_CH,), jnp.int32),
        pltpu.VMEM((_A_CH,), jnp.float32),
        pltpu.VMEM((_A_CH,), jnp.float32),
    ],
)
def _sc_gamma(dst_hbm, u_hbm, dinvb_hbm, g_hbm, dinvb_v, dst_v, u_v, g_v):
    w = _wid()
    base = w * EPW
    pltpu.sync_copy(dinvb_hbm, dinvb_v)
    for c in range(EPW // _A_CH):
        off = base + c * _A_CH
        pltpu.sync_copy(dst_hbm.at[pl.ds(off, _A_CH)], dst_v)
        pltpu.sync_copy(u_hbm.at[pl.ds(off, _A_CH)], u_v)

        def body(j, _):
            dv = dst_v[pl.ds(j * L, L)]
            g_v[pl.ds(j * L, L)] = (u_v[pl.ds(j * L, L)]
                                    * plsc.load_gather(dinvb_v, [dv]))
            return 0

        lax.fori_loop(0, _A_CH // L, body, 0)
        pltpu.sync_copy(g_v, g_hbm.at[pl.ds(off, _A_CH)])


@functools.partial(
    pl.kernel,
    out_type=jax.ShapeDtypeStruct((E, D), jnp.float32),
    mesh=_MESH,
    compiler_params=_SC_PARAMS,
    scratch_types=[
        pltpu.VMEM((8, 128), jnp.int32),
        pltpu.VMEM((_CH,), jnp.float32),
        pltpu.VMEM((_CH, D), jnp.float32),
        pltpu.VMEM((_CH, D), jnp.float32),
        pltpu.SemaphoreType.DMA,
    ],
)
def _sc_edge_out(src2_hbm, g_hbm, z_hbm, pu_hbm, eo_hbm,
                 src_i, g_v, z_v, rows_v, sem):
    w = _wid()

    def round_body(c, _):
        chunk = w + c * NW

        @pl.when(chunk < _CHUNKS)
        def _():
            off = chunk * _CH
            pltpu.sync_copy(src2_hbm.at[pl.ds(chunk * 8, 8)], src_i)
            pltpu.sync_copy(g_hbm.at[pl.ds(off, _CH)], g_v)
            pltpu.sync_copy(z_hbm.at[pl.ds(off, _CH)], z_v)
            cps = [pltpu.async_copy(pu_hbm.at[src_i.at[j]],
                                    rows_v.at[pl.ds(j * 128, 128)], sem)
                   for j in range(_CH // 128)]
            for cp in cps:
                cp.wait()

            def rs(r, _):
                gl = plsc.load_gather(g_v, [jnp.zeros((L,), jnp.int32) + r])
                for k in range(D // L):
                    z_v[r, pl.ds(k * L, L)] = jnp.maximum(
                        z_v[r, pl.ds(k * L, L)]
                        + gl * rows_v[r, pl.ds(k * L, L)], 0.0)
                return 0

            lax.fori_loop(0, _CH, rs, 0)
            pltpu.sync_copy(z_v, eo_hbm.at[pl.ds(off, _CH)])

        return 0

    lax.fori_loop(0, _ROUNDS, round_body, 0)



def kernel(x, edge_index, edge_attr, W_lin, W_lin_edge, W_node_attn,
           W_node_update, W_out_lin, W_edge_attn, W_edge_update, W_res,
           W_res_edge, bias, bias_edge):
    src = edge_index[0]
    dst = edge_index[1]
    pad28 = lambda v: jnp.pad(v.reshape(_CHUNKS, 2, 128),
                              ((0, 0), (0, 6), (0, 0))).reshape(-1, 128)
    src2 = pad28(src)
    dst2 = pad28(dst)

    a = W_node_attn[0]
    a1, a2, a3 = a[:D], a[D:2 * D], a[2 * D:]
    Wn1, Wn2 = W_node_update[:, :D], W_node_update[:, D:]
    We1, We2 = W_edge_update[:, :D], W_edge_update[:, D:]
    b1, b2 = W_edge_attn[0, :D], W_edge_attn[0, D:]
    Cn1 = Wn1 @ W_lin
    Ce1 = We1 @ W_lin
    c1 = W_lin.T @ a1
    c2 = W_lin.T @ a2
    c3 = W_lin_edge.T @ a3
    Cn2e = Wn2 @ W_lin_edge
    Cq = We2 @ W_lin_edge

    node_w = jnp.concatenate([
        Cn1.T, Ce1.T, W_res.T,
        jnp.concatenate([c1[:, None], c2[:, None],
                         jnp.zeros((D, 126), jnp.float32)], axis=1),
    ], axis=1)
    nodes = _block_matmul(x, node_w, 1000)
    p = nodes[:, :D]
    pu = nodes[:, D:2 * D]
    res = nodes[:, 2 * D:3 * D]
    s1 = nodes[:, 3 * D]
    s2 = nodes[:, 3 * D + 1]

    b8 = jnp.kron(jnp.eye(8, dtype=jnp.float32), c3[:, None])
    s3 = _block_matmul(edge_attr.reshape(E // 8, 128), b8, 5000).reshape(E)

    e_arr, den_p, _acc16_unused = _sc_alpha(src2, dst2, s1, s2, s3, edge_attr,
                                            jnp.zeros((N, 16), jnp.float32))
    acc16s = jax.ops.segment_sum(e_arr[:, None] * edge_attr, dst,
                                 num_segments=N)
    acc16p = jnp.stack([acc16s, jnp.zeros_like(acc16s)])
    dinv = 1.0 / (den_p.sum(axis=0) + 1e-16)

    seg = jax.ops.segment_sum(e_arr[:, None] * p[src], dst, num_segments=N)
    acc128p = jnp.stack([seg, jnp.zeros_like(seg)])

    wt2 = W_out_lin.T @ jnp.stack([b1, b2], axis=1)
    wt8 = jnp.concatenate([wt2, jnp.zeros((D, 6), jnp.float32)], axis=1)
    x_out, t8 = _assemble(acc128p, acc16p, dinv[:, None], res, Cn2e.T, wt8,
                          bias[None, :], 1000)
    t1 = t8[:, 0]
    t2 = t8[:, 1]

    u, denb_p = _sc_beta(src, dst, t1, t2, dinv, e_arr)
    dinvb = 1.0 / (denb_p.sum(axis=0) + 1e-16)
    g = _sc_gamma(dst, u, dinvb)

    x32 = jnp.concatenate([g[:, None] * edge_attr, edge_attr], axis=1)
    cc = jnp.concatenate([Cq.T, W_res_edge.T], axis=0)
    z = _block_matmul_bias(x32, cc, bias_edge[None, :], 4000)

    e_out = _sc_edge_out(src2, g, z, pu)
    return (x_out, e_out)

# --- scband reference (transcript-rebuilt; emitter-appended) ---
"""Pipeline reference for scband-gatlayer-19499151524590 (READ-ONLY COPY).

The authoritative reference and input builder live on the scoring server;
editing this copy changes nothing except your own understanding.
"""

import jax, jax.numpy as jnp
import numpy as np

N = 10000
E = 320000
D_IN = 128
D_OUT = 128
D_EDGE_IN = 16


def _seg_softmax(logits, seg, num_segments):
    m = jax.ops.segment_max(logits, seg, num_segments=num_segments)
    m = jnp.where(jnp.isfinite(m), m, 0.0)
    e = jnp.exp(logits - m[seg])
    s = jax.ops.segment_sum(e, seg, num_segments=num_segments)
    return e / (s[seg] + 1e-16)


def setup_inputs(seed: int = 0):
    key = jax.random.key(seed)
    ks = jax.random.split(key, 14)

    def w(k, shape, fan_in):
        return jax.random.normal(k, shape, dtype=jnp.float32) / np.sqrt(fan_in)

    return {
        "x": jax.random.normal(ks[0], (N, D_IN), dtype=jnp.float32),
        "edge_index": jax.random.randint(ks[1], (2, E), 0, N, dtype=jnp.int32),
        "edge_attr": jax.random.normal(ks[2], (E, D_EDGE_IN), dtype=jnp.float32),
        "W_lin": w(ks[3], (D_OUT, D_IN), D_IN),
        "W_lin_edge": w(ks[4], (D_OUT, D_EDGE_IN), D_EDGE_IN),
        "W_node_attn": w(ks[5], (1, 3 * D_OUT), 3 * D_OUT),
        "W_node_update": w(ks[6], (D_OUT, 2 * D_OUT), 2 * D_OUT),
        "W_out_lin": w(ks[7], (D_OUT, D_OUT), D_OUT),
        "W_edge_attn": w(ks[8], (1, 2 * D_OUT), 2 * D_OUT),
        "W_edge_update": w(ks[9], (D_OUT, 2 * D_OUT), 2 * D_OUT),
        "W_res": w(ks[10], (D_OUT, D_IN), D_IN),
        "W_res_edge": w(ks[11], (D_OUT, D_EDGE_IN), D_EDGE_IN),
        "bias": jax.random.normal(ks[12], (D_OUT,), dtype=jnp.float32) * 0.05,
        "bias_edge": jax.random.normal(ks[13], (D_OUT,), dtype=jnp.float32) * 0.05,
    }


def reference(x, edge_index, edge_attr, W_lin, W_lin_edge, W_node_attn, W_node_update,
              W_out_lin, W_edge_attn, W_edge_update, W_res, W_res_edge, bias, bias_edge):
    src = edge_index[0]
    dst = edge_index[1]
    # residual projections
    res = x @ W_res.T
    res_edge = edge_attr @ W_res_edge.T
    # input projections
    h = x @ W_lin.T
    ea = edge_attr @ W_lin_edge.T
    # gather endpoint features (x_i = dst, x_j = src; PyG source_to_target flow)
    x_j = h[src]
    x_i = h[dst]
    # node attention
    alpha = jax.nn.leaky_relu(jnp.concatenate([x_i, x_j, ea], axis=-1) @ W_node_attn.T, 0.2)
    alpha = _seg_softmax(alpha, dst, N)
    # message + aggregate (scatter-add by dst)
    msg = alpha * jnp.concatenate([x_j, ea], axis=-1)
    aggr = jax.ops.segment_sum(msg, dst, num_segments=N)
    # node update
    node_out = aggr @ W_node_update.T
    out_proj = node_out @ W_out_lin.T
    # edge update
    beta = jax.nn.leaky_relu(jnp.concatenate([out_proj[dst], out_proj[src]], axis=-1) @ W_edge_attn.T, 0.2)
    beta = _seg_softmax(beta, dst, N)
    edge_out = (beta * msg) @ W_edge_update.T
    # residual + bias + activation
    x_out = jax.nn.relu(node_out + res + bias)
    e_out = jax.nn.relu(edge_out + res_edge + bias_edge)
    return (x_out, e_out)

if __name__ == "__main__":
    import jax
    _d = setup_inputs()
    print(jax.jit(kernel)(*tuple(_d.values())))

</pallas_src>

<mosaic_0001>
#map = affine_map<(d0, d1) -> (0, 0)>
#map1 = affine_map<(d0, d1) -> (0)>
#map2 = affine_map<(d0, d1) -> (0, 0, 0)>
module attributes {stable_mosaic.version = 14 : i64} {
  func.func @_sc_alpha(%arg0: i32, %arg1: i32, %arg2: memref<10000x128xi32, #tpu.memory_space<hbm>>, %arg3: memref<10000x128xi32, #tpu.memory_space<hbm>>, %arg4: memref<10000xf32, #tpu.memory_space<hbm>>, %arg5: memref<10000xf32, #tpu.memory_space<hbm>>, %arg6: memref<320000xf32, #tpu.memory_space<hbm>>, %arg7: memref<320000x16xf32, #tpu.memory_space<hbm>>, %arg8: memref<10000x16xf32, #tpu.memory_space<hbm>>, %arg9: memref<320000xf32, #tpu.memory_space<hbm>>, %arg10: memref<32x10000xf32, #tpu.memory_space<hbm>>, %arg11: memref<2x10000x16xf32, #tpu.memory_space<hbm>>, %arg12: memref<10000xf32, #tpu.memory_space<vmem>>, %arg13: memref<10000xf32, #tpu.memory_space<vmem>>, %arg14: memref<10000xf32, #tpu.memory_space<vmem>>, %arg15: memref<8x128xi32, #tpu.memory_space<vmem>>, %arg16: memref<8x128xi32, #tpu.memory_space<vmem>>, %arg17: memref<256xf32, #tpu.memory_space<vmem>>, %arg18: memref<256xf32, #tpu.memory_space<vmem>>, %arg19: memref<256x16xf32, #tpu.memory_space<vmem>>, %arg20: memref<10000x16xf32, #tpu.memory_space<vmem_shared>>) attributes {dimension_semantics = [#tpu.dimension_semantics<core_parallel>, #tpu.dimension_semantics<subcore_parallel>], iteration_bounds = array<i64: 2, 16>, scalar_prefetch = 0 : i64, scratch_operands = 9 : i64, tpu.core_type = #tpu.core_type<sc_vector_subcore>, window_params = [{transform_indices = #map}, {transform_indices = #map}, {transform_indices = #map1}, {transform_indices = #map1}, {transform_indices = #map1}, {transform_indices = #map}, {transform_indices = #map}, {transform_indices = #map1}, {transform_indices = #map}, {transform_indices = #map2}]} {
    %mul3A = arith.constant 2 : i32
    %mul3A_0 = arith.muli %arg1, %mul3A : i32
    %add3A = arith.addi %mul3A_0, %arg0 : i32
    "tpu.region"() ({
      %run_scoped3A = tpu.sem_alloc : memref<!tpu.dma_semaphore, #tpu.memory_space<semaphore_mem>>
      tpu.enqueue_dma source(%arg4 : memref<10000xf32, #tpu.memory_space<hbm>>) target(%arg12 : memref<10000xf32, #tpu.memory_space<vmem>>) target_semaphore(%run_scoped3A : memref<!tpu.dma_semaphore, #tpu.memory_space<semaphore_mem>>)
      tpu.wait_dma2 semaphore(%run_scoped3A : memref<!tpu.dma_semaphore, #tpu.memory_space<semaphore_mem>>) src(%arg4 : memref<10000xf32, #tpu.memory_space<hbm>>) dst(%arg12 : memref<10000xf32, #tpu.memory_space<vmem>>)
      tpu.yield
    }) : () -> ()
    "tpu.region"() ({
      %run_scoped3A = tpu.sem_alloc : memref<!tpu.dma_semaphore, #tpu.memory_space<semaphore_mem>>
      tpu.enqueue_dma source(%arg5 : memref<10000xf32, #tpu.memory_space<hbm>>) target(%arg13 : memref<10000xf32, #tpu.memory_space<vmem>>) target_semaphore(%run_scoped3A : memref<!tpu.dma_semaphore, #tpu.memory_space<semaphore_mem>>)
      tpu.wait_dma2 semaphore(%run_scoped3A : memref<!tpu.dma_semaphore, #tpu.memory_space<semaphore_mem>>) src(%arg5 : memref<10000xf32, #tpu.memory_space<hbm>>) dst(%arg13 : memref<10000xf32, #tpu.memory_space<vmem>>)
      tpu.yield
    }) : () -> ()
    %scan3A = arith.constant 0 : i32
    %scan3A_1 = arith.constant 0 : i32
    %scan3A_2 = arith.constant 625 : i32
    %scan3A_3 = arith.addi %scan3A_1, %scan3A_2 : i32
    %scan3A_4 = arith.constant 1 : i32
    %scan3A_5 = scf.for %scan3A_22 = %scan3A_1 to %scan3A_3 step %scan3A_4 iter_args(%scan3A_23 = %scan3A) -> (i32)  : i32 {
      %broadcast_in_dim3A = arith.constant 0.000000e+00 : f32
      %broadcast_in_dim3A_24 = vector.broadcast %broadcast_in_dim3A : f32 to vector<16xf32>
      %mul3A_25 = arith.constant 16 : i32
      %mul3A_26 = arith.muli %scan3A_22, %mul3A_25 : i32
      %swap3A = arith.index_cast %mul3A_26 : i32 to index
      %swap3A_27 = tpu.vector_load %arg14[%swap3A] {strides = array<i32>} : memref<10000xf32, #tpu.memory_space<vmem>>, vector<16xf32>,
      tpu.vector_store %arg14[%swap3A], %broadcast_in_dim3A_24 {strides = array<i32>} : memref<10000xf32, #tpu.memory_space<vmem>>, vector<16xf32>,
      %scan3A_28 = arith.constant 0 : i32
      scf.yield %scan3A_28 : i32
    }
    %scan3A_6 = arith.constant 625 : i32
    %scan3A_7 = arith.constant 0 : i32
    %scan3A_8 = arith.constant 0 : i32
    %scan3A_9 = arith.constant 256 : i32
    %scan3A_10 = arith.addi %scan3A_8, %scan3A_9 : i32
    %scan3A_11 = arith.constant 1 : i32
    %scan3A_12 = scf.for %scan3A_22 = %scan3A_8 to %scan3A_10 step %scan3A_11 iter_args(%scan3A_23 = %scan3A_7) -> (i32)  : i32 {
      %broadcast_in_dim3A = arith.constant 0.000000e+00 : f32
      %broadcast_in_dim3A_24 = vector.broadcast %broadcast_in_dim3A : f32 to vector<16xf32>
      %swap3A = arith.index_cast %scan3A_22 : i32 to index
      %swap3A_25 = arith.constant 0 : index
      %swap3A_26 = tpu.vector_load %arg19[%swap3A, %swap3A_25] {strides = array<i32>} : memref<256x16xf32, #tpu.memory_space<vmem>>, vector<16xf32>,
      tpu.vector_store %arg19[%swap3A, %swap3A_25], %broadcast_in_dim3A_24 {strides = array<i32>} : memref<256x16xf32, #tpu.memory_space<vmem>>, vector<16xf32>,
      %scan3A_27 = arith.constant 0 : i32
      scf.yield %scan3A_27 : i32
    }
    %scan3A_13 = arith.constant 256 : i32
    %barrier3A = arith.constant 0 : index
    tpu.barrier barrier_id(%barrier3A)
    %scan3A_14 = arith.constant 0 : i32
    %scan3A_15 = arith.constant 0 : i32
    %scan3A_16 = arith.constant 40 : i32
    %scan3A_17 = arith.addi %scan3A_15, %scan3A_16 : i32
    %scan3A_18 = arith.constant 1 : i32
    %scan3A_19 = scf.for %scan3A_22 = %scan3A_15 to %scan3A_17 step %scan3A_18 iter_args(%scan3A_23 = %scan3A_14) -> (i32)  : i32 {
      %mul3A_24 = arith.constant 32 : i32
      %mul3A_25 = arith.muli %scan3A_22, %mul3A_24 : i32
      %add3A_26 = arith.addi %add3A, %mul3A_25 : i32
      %lt3A = arith.constant 1250 : i32
      %lt3A_27 = arith.cmpi slt, %add3A_26, %lt3A : i32
      %convert_element_type3A = arith.extui %lt3A_27 : i1 to i32
      %cond3A = arith.constant 0 : i32
      %cond3A_28 = arith.cmpi ne, %convert_element_type3A, %cond3A : i32
      scf.if %cond3A_28 {
        %mul3A_30 = arith.constant 256 : i32
        %mul3A_31 = arith.muli %add3A_26, %mul3A_30 : i32
        %mul3A_32 = arith.constant 8 : i32
        %mul3A_33 = arith.muli %add3A_26, %mul3A_32 : i32
        "tpu.region"() ({
          %run_scoped3A = tpu.sem_alloc : memref<!tpu.dma_semaphore, #tpu.memory_space<semaphore_mem>>
          %dma_start3A = arith.constant 0 : i32
          %dma_start3A_57 = tpu.memref_slice %arg2[%mul3A_33, %dma_start3A] : memref<10000x128xi32, #tpu.memory_space<hbm>> -> memref<8x128xi32, #tpu.memory_space<hbm>>
          %dma_start3A_58 = arith.constant 0 : i32
          %dma_start3A_59 = tpu.memref_slice %arg2[%mul3A_33, %dma_start3A_58] : memref<10000x128xi32, #tpu.memory_space<hbm>> -> memref<8x128xi32, #tpu.memory_space<hbm>>
          tpu.enqueue_dma source(%dma_start3A_59 : memref<8x128xi32, #tpu.memory_space<hbm>>) target(%arg15 : memref<8x128xi32, #tpu.memory_space<vmem>>) target_semaphore(%run_scoped3A : memref<!tpu.dma_semaphore, #tpu.memory_space<semaphore_mem>>)
          %dma_wait3A = arith.constant 0 : i32
          %dma_wait3A_60 = tpu.memref_slice %arg2[%mul3A_33, %dma_wait3A] : memref<10000x128xi32, #tpu.memory_space<hbm>> -> memref<8x128xi32, #tpu.memory_space<hbm>>
          %dma_wait3A_61 = arith.constant 0 : i32
          %dma_wait3A_62 = tpu.memref_slice %arg2[%mul3A_33, %dma_wait3A_61] : memref<10000x128xi32, #tpu.memory_space<hbm>> -> memref<8x128xi32, #tpu.memory_space<hbm>>
          tpu.wait_dma2 semaphore(%run_scoped3A : memref<!tpu.dma_semaphore, #tpu.memory_space<semaphore_mem>>) src(%dma_wait3A_62 : memref<8x128xi32, #tpu.memory_space<hbm>>) dst(%arg15 : memref<8x128xi32, #tpu.memory_space<vmem>>)
          tpu.yield
        }) : () -> ()
        %mul3A_34 = arith.constant 8 : i32
        %mul3A_35 = arith.muli %add3A_26, %mul3A_34 : i32
        "tpu.region"() ({
          %run_scoped3A = tpu.sem_alloc : memref<!tpu.dma_semaphore, #tpu.memory_space<semaphore_mem>>
          %dma_start3A = arith.constant 0 : i32
          %dma_start3A_57 = tpu.memref_slice %arg3[%mul3A_35, %dma_start3A] : memref<10000x128xi32, #tpu.memory_space<hbm>> -> memref<8x128xi32, #tpu.memory_space<hbm>>
          %dma_start3A_58 = arith.constant 0 : i32
          %dma_start3A_59 = tpu.memref_slice %arg3[%mul3A_35, %dma_start3A_58] : memref<10000x128xi32, #tpu.memory_space<hbm>> -> memref<8x128xi32, #tpu.memory_space<hbm>>
          tpu.enqueue_dma source(%dma_start3A_59 : memref<8x128xi32, #tpu.memory_space<hbm>>) target(%arg16 : memref<8x128xi32, #tpu.memory_space<vmem>>) target_semaphore(%run_scoped3A : memref<!tpu.dma_semaphore, #tpu.memory_space<semaphore_mem>>)
          %dma_wait3A = arith.constant 0 : i32
          %dma_wait3A_60 = tpu.memref_slice %arg3[%mul3A_35, %dma_wait3A] : memref<10000x128xi32, #tpu.memory_space<hbm>> -> memref<8x128xi32, #tpu.memory_space<hbm>>
          %dma_wait3A_61 = arith.constant 0 : i32
          %dma_wait3A_62 = tpu.memref_slice %arg3[%mul3A_35, %dma_wait3A_61] : memref<10000x128xi32, #tpu.memory_space<hbm>> -> memref<8x128xi32, #tpu.memory_space<hbm>>
          tpu.wait_dma2 semaphore(%run_scoped3A : memref<!tpu.dma_semaphore, #tpu.memory_space<semaphore_mem>>) src(%dma_wait3A_62 : memref<8x128xi32, #tpu.memory_space<hbm>>) dst(%arg16 : memref<8x128xi32, #tpu.memory_space<vmem>>)
          tpu.yield
        }) : () -> ()
        "tpu.region"() ({
          %run_scoped3A = tpu.sem_alloc : memref<!tpu.dma_semaphore, #tpu.memory_space<semaphore_mem>>
          %dma_start3A = tpu.memref_slice %arg6[%mul3A_31] : memref<320000xf32, #tpu.memory_space<hbm>> -> memref<256xf32, #tpu.memory_space<hbm>>
          %dma_start3A_57 = tpu.memref_slice %arg6[%mul3A_31] : memref<320000xf32, #tpu.memory_space<hbm>> -> memref<256xf32, #tpu.memory_space<hbm>>
          tpu.enqueue_dma source(%dma_start3A_57 : memref<256xf32, #tpu.memory_space<hbm>>) target(%arg17 : memref<256xf32, #tpu.memory_space<vmem>>) target_semaphore(%run_scoped3A : memref<!tpu.dma_semaphore, #tpu.memory_space<semaphore_mem>>)
          %dma_wait3A = tpu.memref_slice %arg6[%mul3A_31] : memref<320000xf32, #tpu.memory_space<hbm>> -> memref<256xf32, #tpu.memory_space<hbm>>
          %dma_wait3A_58 = tpu.memref_slice %arg6[%mul3A_31] : memref<320000xf32, #tpu.memory_space<hbm>> -> memref<256xf32, #tpu.memory_space<hbm>>
          tpu.wait_dma2 semaphore(%run_scoped3A : memref<!tpu.dma_semaphore, #tpu.memory_space<semaphore_mem>>) src(%dma_wait3A_58 : memref<256xf32, #tpu.memory_space<hbm>>) dst(%arg17 : memref<256xf32, #tpu.memory_space<vmem>>)
          tpu.yield
        }) : () -> ()
        "tpu.region"() ({
          %run_scoped3A = tpu.sem_alloc : memref<!tpu.dma_semaphore, #tpu.memory_space<semaphore_mem>>
          %dma_start3A = arith.constant 0 : i32
          %dma_start3A_57 = tpu.memref_slice %arg7[%mul3A_31, %dma_start3A] : memref<320000x16xf32, #tpu.memory_space<hbm>> -> memref<256x16xf32, #tpu.memory_space<hbm>>
          %dma_start3A_58 = arith.constant 0 : i32
          %dma_start3A_59 = tpu.memref_slice %arg7[%mul3A_31, %dma_start3A_58] : memref<320000x16xf32, #tpu.memory_space<hbm>> -> memref<256x16xf32, #tpu.memory_space<hbm>>
          tpu.enqueue_dma source(%dma_start3A_59 : memref<256x16xf32, #tpu.memory_space<hbm>>) target(%arg19 : memref<256x16xf32, #tpu.memory_space<vmem>>) target_semaphore(%run_scoped3A : memref<!tpu.dma_semaphore, #tpu.memory_space<semaphore_mem>>)
          %dma_wait3A = arith.constant 0 : i32
          %dma_wait3A_60 = tpu.memref_slice %arg7[%mul3A_31, %dma_wait3A] : memref<320000x16xf32, #tpu.memory_space<hbm>> -> memref<256x16xf32, #tpu.memory_space<hbm>>
          %dma_wait3A_61 = arith.constant 0 : i32
          %dma_wait3A_62 = tpu.memref_slice %arg7[%mul3A_31, %dma_wait3A_61] : memref<320000x16xf32, #tpu.memory_space<hbm>> -> memref<256x16xf32, #tpu.memory_space<hbm>>
          tpu.wait_dma2 semaphore(%run_scoped3A : memref<!tpu.dma_semaphore, #tpu.memory_space<semaphore_mem>>) src(%dma_wait3A_62 : memref<256x16xf32, #tpu.memory_space<hbm>>) dst(%arg19 : memref<256x16xf32, #tpu.memory_space<vmem>>)
          tpu.yield
        }) : () -> ()
        %scan3A_36 = arith.constant 0 : i32
        %scan3A_37 = arith.constant 0 : i32
        %scan3A_38 = arith.constant 8 : i32
        %scan3A_39 = arith.addi %scan3A_37, %scan3A_38 : i32
        %scan3A_40 = arith.constant 1 : i32
        %scan3A_41 = scf.for %scan3A_57 = %scan3A_37 to %scan3A_39 step %scan3A_40 iter_args(%scan3A_58 = %scan3A_36) -> (i32)  : i32 {
          %mul3A_59 = arith.constant 16 : i32
          %mul3A_60 = arith.muli %scan3A_57, %mul3A_59 : i32
          %get3A = arith.constant 0 : i32
          %get3A_61 = arith.index_cast %get3A : i32 to index
          %get3A_62 = arith.index_cast %mul3A_60 : i32 to index
          %get3A_63 = tpu.vector_load %arg16[%get3A_61, %get3A_62] {strides = array<i32>} : memref<8x128xi32, #tpu.memory_space<vmem>>, vector<16xi32>,
          %mul3A_64 = arith.constant 16 : i32
          %mul3A_65 = arith.muli %scan3A_57, %mul3A_64 : i32
          %get3A_66 = arith.constant 0 : i32
          %get3A_67 = arith.index_cast %get3A_66 : i32 to index
          %get3A_68 = arith.index_cast %mul3A_65 : i32 to index
          %get3A_69 = tpu.vector_load %arg15[%get3A_67, %get3A_68] {strides = array<i32>} : memref<8x128xi32, #tpu.memory_space<vmem>>, vector<16xi32>,
          %mul3A_70 = arith.constant 16 : i32
          %mul3A_71 = arith.muli %scan3A_57, %mul3A_70 : i32
          %add3A_72 = arith.constant 0 : i32
          %add3A_73 = arith.addi %add3A_72, %mul3A_71 : i32
          %gather3A = tpu.vector_load_idx %arg12[%get3A_63] : memref<10000xf32, #tpu.memory_space<vmem>>[vector<16xi32>], vector<16xf32>,
          %gather3A_74 = tpu.vector_load_idx %arg13[%get3A_69] : memref<10000xf32, #tpu.memory_space<vmem>>[vector<16xi32>], vector<16xf32>,
          %add3A_75 = arith.addf %gather3A, %gather3A_74 : vector<16xf32>
          %get3A_76 = arith.index_cast %add3A_73 : i32 to index
          %get3A_77 = tpu.vector_load %arg17[%get3A_76] {strides = array<i32>} : memref<256xf32, #tpu.memory_space<vmem>>, vector<16xf32>,
          %add3A_78 = arith.addf %add3A_75, %get3A_77 : vector<16xf32>
          %ge3A = arith.constant 0.000000e+00 : f32
          %ge3A_79 = vector.broadcast %ge3A : f32 to vector<16xf32>
          %ge3A_80 = arith.cmpf oge, %add3A_78, %ge3A_79 : vector<16xf32>
          %mul3A_81 = arith.constant 2.000000e-01 : f32
          %mul3A_82 = vector.broadcast %mul3A_81 : f32 to vector<16xf32>
          %mul3A_83 = arith.mulf %mul3A_82, %add3A_78 : vector<16xf32>
          %select_n3A = arith.select %ge3A_80, %add3A_78, %mul3A_83 : vector<16xi1>, vector<16xf32>
          %exp3A = math.exp %select_n3A : vector<16xf32>
          %swap3A = arith.index_cast %add3A_73 : i32 to index
          %swap3A_84 = tpu.vector_load %arg18[%swap3A] {strides = array<i32>} : memref<256xf32, #tpu.memory_space<vmem>>, vector<16xf32>,
          tpu.vector_store %arg18[%swap3A], %exp3A {strides = array<i32>} : memref<256xf32, #tpu.memory_space<vmem>>, vector<16xf32>,
          tpu.vector_store_idx %arg14[%get3A_63], %exp3A {add = true} : memref<10000xf32, #tpu.memory_space<vmem>>[vector<16xi32>], vector<16xf32>,
          %scan3A_85 = arith.constant 0 : i32
          scf.yield %scan3A_85 : i32
        }
        %scan3A_42 = arith.constant 8 : i32
        %scan3A_43 = arith.constant 0 : i32
        %scan3A_44 = arith.constant 0 : i32
        %scan3A_45 = arith.constant 8 : i32
        %scan3A_46 = arith.addi %scan3A_44, %scan3A_45 : i32
        %scan3A_47 = arith.constant 1 : i32
        %scan3A_48 = scf.for %scan3A_57 = %scan3A_44 to %scan3A_46 step %scan3A_47 iter_args(%scan3A_58 = %scan3A_43) -> (i32)  : i32 {
          %mul3A_59 = arith.constant 16 : i32
          %mul3A_60 = arith.muli %scan3A_57, %mul3A_59 : i32
          %get3A = arith.constant 1 : i32
          %get3A_61 = arith.index_cast %get3A : i32 to index
          %get3A_62 = arith.index_cast %mul3A_60 : i32 to index
          %get3A_63 = tpu.vector_load %arg16[%get3A_61, %get3A_62] {strides = array<i32>} : memref<8x128xi32, #tpu.memory_space<vmem>>, vector<16xi32>,
          %mul3A_64 = arith.constant 16 : i32
          %mul3A_65 = arith.muli %scan3A_57, %mul3A_64 : i32
          %get3A_66 = arith.constant 1 : i32
          %get3A_67 = arith.index_cast %get3A_66 : i32 to index
          %get3A_68 = arith.index_cast %mul3A_65 : i32 to index
          %get3A_69 = tpu.vector_load %arg15[%get3A_67, %get3A_68] {strides = array<i32>} : memref<8x128xi32, #tpu.memory_space<vmem>>, vector<16xi32>,
          %mul3A_70 = arith.constant 16 : i32
          %mul3A_71 = arith.muli %scan3A_57, %mul3A_70 : i32
          %add3A_72 = arith.constant 128 : i32
          %add3A_73 = arith.addi %add3A_72, %mul3A_71 : i32
          %gather3A = tpu.vector_load_idx %arg12[%get3A_63] : memref<10000xf32, #tpu.memory_space<vmem>>[vector<16xi32>], vector<16xf32>,
          %gather3A_74 = tpu.vector_load_idx %arg13[%get3A_69] : memref<10000xf32, #tpu.memory_space<vmem>>[vector<16xi32>], vector<16xf32>,
          %add3A_75 = arith.addf %gather3A, %gather3A_74 : vector<16xf32>
          %get3A_76 = arith.index_cast %add3A_73 : i32 to index
          %get3A_77 = tpu.vector_load %arg17[%get3A_76] {strides = array<i32>} : memref<256xf32, #tpu.memory_space<vmem>>, vector<16xf32>,
          %add3A_78 = arith.addf %add3A_75, %get3A_77 : vector<16xf32>
          %ge3A = arith.constant 0.000000e+00 : f32
          %ge3A_79 = vector.broadcast %ge3A : f32 to vector<16xf32>
          %ge3A_80 = arith.cmpf oge, %add3A_78, %ge3A_79 : vector<16xf32>
          %mul3A_81 = arith.constant 2.000000e-01 : f32
          %mul3A_82 = vector.broadcast %mul3A_81 : f32 to vector<16xf32>
          %mul3A_83 = arith.mulf %mul3A_82, %add3A_78 : vector<16xf32>
          %select_n3A = arith.select %ge3A_80, %add3A_78, %mul3A_83 : vector<16xi1>, vector<16xf32>
          %exp3A = math.exp %select_n3A : vector<16xf32>
          %swap3A = arith.index_cast %add3A_73 : i32 to index
          %swap3A_84 = tpu.vector_load %arg18[%swap3A] {strides = array<i32>} : memref<256xf32, #tpu.memory_space<vmem>>, vector<16xf32>,
          tpu.vector_store %arg18[%swap3A], %exp3A {strides = array<i32>} : memref<256xf32, #tpu.memory_space<vmem>>, vector<16xf32>,
          tpu.vector_store_idx %arg14[%get3A_63], %exp3A {add = true} : memref<10000xf32, #tpu.memory_space<vmem>>[vector<16xi32>], vector<16xf32>,
          %scan3A_85 = arith.constant 0 : i32
          scf.yield %scan3A_85 : i32
        }
        %scan3A_49 = arith.constant 8 : i32
        %scan3A_50 = arith.constant 0 : i32
        %scan3A_51 = arith.constant 0 : i32
        %scan3A_52 = arith.constant 256 : i32
        %scan3A_53 = arith.addi %scan3A_51, %scan3A_52 : i32
        %scan3A_54 = arith.constant 1 : i32
        %scan3A_55 = scf.for %scan3A_57 = %scan3A_51 to %scan3A_53 step %scan3A_54 iter_args(%scan3A_58 = %scan3A_50) -> (i32)  : i32 {
          %broadcast_in_dim3A = arith.constant 0 : i32
          %broadcast_in_dim3A_59 = vector.broadcast %broadcast_in_dim3A : i32 to vector<16xi32>
          %add3A_60 = vector.broadcast %scan3A_57 : i32 to vector<16xi32>
          %add3A_61 = arith.addi %broadcast_in_dim3A_59, %add3A_60 : vector<16xi32>
          %gather3A = tpu.vector_load_idx %arg18[%add3A_61] : memref<256xf32, #tpu.memory_space<vmem>>[vector<16xi32>], vector<16xf32>,
          %get3A = arith.index_cast %scan3A_57 : i32 to index
          %get3A_62 = arith.constant 0 : index
          %get3A_63 = tpu.vector_load %arg19[%get3A, %get3A_62] {strides = array<i32>} : memref<256x16xf32, #tpu.memory_space<vmem>>, vector<16xf32>,
          %mul3A_64 = arith.mulf %get3A_63, %gather3A : vector<16xf32>
          %swap3A = arith.index_cast %scan3A_57 : i32 to index
          %swap3A_65 = arith.constant 0 : index
          %swap3A_66 = tpu.vector_load %arg19[%swap3A, %swap3A_65] {strides = array<i32>} : memref<256x16xf32, #tpu.memory_space<vmem>>, vector<16xf32>,
          tpu.vector_store %arg19[%swap3A, %swap3A_65], %mul3A_64 {strides = array<i32>} : memref<256x16xf32, #tpu.memory_space<vmem>>, vector<16xf32>,
          %scan3A_67 = arith.constant 0 : i32
          scf.yield %scan3A_67 : i32
        }
        %scan3A_56 = arith.constant 256 : i32
        "tpu.region"() ({
          %run_scoped3A = tpu.sem_alloc : memref<!tpu.dma_semaphore, #tpu.memory_space<semaphore_mem>>
          %dma_start3A = tpu.memref_slice %arg9[%mul3A_31] : memref<320000xf32, #tpu.memory_space<hbm>> -> memref<256xf32, #tpu.memory_space<hbm>>
          %dma_start3A_57 = tpu.memref_slice %arg9[%mul3A_31] : memref<320000xf32, #tpu.memory_space<hbm>> -> memref<256xf32, #tpu.memory_space<hbm>>
          tpu.enqueue_dma source(%arg18 : memref<256xf32, #tpu.memory_space<vmem>>) target(%dma_start3A_57 : memref<256xf32, #tpu.memory_space<hbm>>) target_semaphore(%run_scoped3A : memref<!tpu.dma_semaphore, #tpu.memory_space<semaphore_mem>>)
          %dma_wait3A = tpu.memref_slice %arg9[%mul3A_31] : memref<320000xf32, #tpu.memory_space<hbm>> -> memref<256xf32, #tpu.memory_space<hbm>>
          %dma_wait3A_58 = tpu.memref_slice %arg9[%mul3A_31] : memref<320000xf32, #tpu.memory_space<hbm>> -> memref<256xf32, #tpu.memory_space<hbm>>
          tpu.wait_dma2 semaphore(%run_scoped3A : memref<!tpu.dma_semaphore, #tpu.memory_space<semaphore_mem>>) src(%arg18 : memref<256xf32, #tpu.memory_space<vmem>>) dst(%dma_wait3A_58 : memref<256xf32, #tpu.memory_space<hbm>>)
          tpu.yield
        }) : () -> ()
      } else {
      }
      %scan3A_29 = arith.constant 0 : i32
      scf.yield %scan3A_29 : i32
    }
    %scan3A_20 = arith.constant 40 : i32
    "tpu.region"() ({
      %run_scoped3A = tpu.sem_alloc : memref<!tpu.dma_semaphore, #tpu.memory_space<semaphore_mem>>
      %dma_start3A = arith.constant 0 : i32
      %dma_start3A_22 = tpu.memref_slice %arg10[%add3A, %dma_start3A] : memref<32x10000xf32, #tpu.memory_space<hbm>> -> memref<1x10000xf32, #tpu.memory_space<hbm>>
      %dma_start3A_23 = tpu.memref_squeeze %dma_start3A_22 : memref<1x10000xf32, #tpu.memory_space<hbm>> -> memref<10000xf32, #tpu.memory_space<hbm>>
      %dma_start3A_24 = arith.constant 0 : i32
      %dma_start3A_25 = tpu.memref_slice %arg10[%add3A, %dma_start3A_24] : memref<32x10000xf32, #tpu.memory_space<hbm>> -> memref<1x10000xf32, #tpu.memory_space<hbm>>
      %dma_start3A_26 = tpu.memref_squeeze %dma_start3A_25 : memref<1x10000xf32, #tpu.memory_space<hbm>> -> memref<10000xf32, #tpu.memory_space<hbm>>
      tpu.enqueue_dma source(%arg14 : memref<10000xf32, #tpu.memory_space<vmem>>) target(%dma_start3A_26 : memref<10000xf32, #tpu.memory_space<hbm>>) target_semaphore(%run_scoped3A : memref<!tpu.dma_semaphore, #tpu.memory_space<semaphore_mem>>)
      %dma_wait3A = arith.constant 0 : i32
      %dma_wait3A_27 = tpu.memref_slice %arg10[%add3A, %dma_wait3A] : memref<32x10000xf32, #tpu.memory_space<hbm>> -> memref<1x10000xf32, #tpu.memory_space<hbm>>
      %dma_wait3A_28 = tpu.memref_squeeze %dma_wait3A_27 : memref<1x10000xf32, #tpu.memory_space<hbm>> -> memref<10000xf32, #tpu.memory_space<hbm>>
      %dma_wait3A_29 = arith.constant 0 : i32
      %dma_wait3A_30 = tpu.memref_slice %arg10[%add3A, %dma_wait3A_29] : memref<32x10000xf32, #tpu.memory_space<hbm>> -> memref<1x10000xf32, #tpu.memory_space<hbm>>
      %dma_wait3A_31 = tpu.memref_squeeze %dma_wait3A_30 : memref<1x10000xf32, #tpu.memory_space<hbm>> -> memref<10000xf32, #tpu.memory_space<hbm>>
      tpu.wait_dma2 semaphore(%run_scoped3A : memref<!tpu.dma_semaphore, #tpu.memory_space<semaphore_mem>>) src(%arg14 : memref<10000xf32, #tpu.memory_space<vmem>>) dst(%dma_wait3A_31 : memref<10000xf32, #tpu.memory_space<hbm>>)
      tpu.yield
    }) : () -> ()
    %barrier3A_21 = arith.constant 0 : index
    tpu.barrier barrier_id(%barrier3A_21)
    return
  }
}

#map = affine_map<(d0, d1) -> (0)>
#map1 = affine_map<(d0, d1) -> (0, 0)>
module attributes {stable_mosaic.version = 14 : i64} {
  func.func @_sc_beta(%arg0: i32, %arg1: i32, %arg2: memref<320000xi32, #tpu.memory_space<hbm>>, %arg3: memref<320000xi32, #tpu.memory_space<hbm>>, %arg4: memref<10000xf32, #tpu.memory_space<hbm>>, %arg5: memref<10000xf32, #tpu.memory_space<hbm>>, %arg6: memref<10000xf32, #tpu.memory_space<hbm>>, %arg7: memref<320000xf32, #tpu.memory_space<hbm>>, %arg8: memref<320000xf32, #tpu.memory_space<hbm>>, %arg9: memref<32x10000xf32, #tpu.memory_space<hbm>>, %arg10: memref<10000xf32, #tpu.memory_space<vmem>>, %arg11: memref<10000xf32, #tpu.memory_space<vmem>>, %arg12: memref<10000xf32, #tpu.memory_space<vmem>>, %arg13: memref<10000xf32, #tpu.memory_space<vmem>>, %arg14: memref<2000xi32, #tpu.memory_space<vmem>>, %arg15: memref<2000xi32, #tpu.memory_space<vmem>>, %arg16: memref<2000xf32, #tpu.memory_space<vmem>>, %arg17: memref<2000xf32, #tpu.memory_space<vmem>>) attributes {dimension_semantics = [#tpu.dimension_semantics<core_parallel>, #tpu.dimension_semantics<subcore_parallel>], iteration_bounds = array<i64: 2, 16>, scalar_prefetch = 0 : i64, scratch_operands = 8 : i64, tpu.core_type = #tpu.core_type<sc_vector_subcore>, window_params = [{transform_indices = #map}, {transform_indices = #map}, {transform_indices = #map}, {transform_indices = #map}, {transform_indices = #map}, {transform_indices = #map}, {transform_indices = #map}, {transform_indices = #map1}]} {
    %mul3A = arith.constant 2 : i32
    %mul3A_0 = arith.muli %arg1, %mul3A : i32
    %add3A = arith.addi %mul3A_0, %arg0 : i32
    %mul3A_1 = arith.constant 10000 : i32
    %mul3A_2 = arith.muli %add3A, %mul3A_1 : i32
    "tpu.region"() ({
      %run_scoped3A = tpu.sem_alloc : memref<!tpu.dma_semaphore, #tpu.memory_space<semaphore_mem>>
      tpu.enqueue_dma source(%arg4 : memref<10000xf32, #tpu.memory_space<hbm>>) target(%arg10 : memref<10000xf32, #tpu.memory_space<vmem>>) target_semaphore(%run_scoped3A : memref<!tpu.dma_semaphore, #tpu.memory_space<semaphore_mem>>)
      tpu.wait_dma2 semaphore(%run_scoped3A : memref<!tpu.dma_semaphore, #tpu.memory_space<semaphore_mem>>) src(%arg4 : memref<10000xf32, #tpu.memory_space<hbm>>) dst(%arg10 : memref<10000xf32, #tpu.memory_space<vmem>>)
      tpu.yield
    }) : () -> ()
    "tpu.region"() ({
      %run_scoped3A = tpu.sem_alloc : memref<!tpu.dma_semaphore, #tpu.memory_space<semaphore_mem>>
      tpu.enqueue_dma source(%arg5 : memref<10000xf32, #tpu.memory_space<hbm>>) target(%arg11 : memref<10000xf32, #tpu.memory_space<vmem>>) target_semaphore(%run_scoped3A : memref<!tpu.dma_semaphore, #tpu.memory_space<semaphore_mem>>)
      tpu.wait_dma2 semaphore(%run_scoped3A : memref<!tpu.dma_semaphore, #tpu.memory_space<semaphore_mem>>) src(%arg5 : memref<10000xf32, #tpu.memory_space<hbm>>) dst(%arg11 : memref<10000xf32, #tpu.memory_space<vmem>>)
      tpu.yield
    }) : () -> ()
    "tpu.region"() ({
      %run_scoped3A = tpu.sem_alloc : memref<!tpu.dma_semaphore, #tpu.memory_space<semaphore_mem>>
      tpu.enqueue_dma source(%arg6 : memref<10000xf32, #tpu.memory_space<hbm>>) target(%arg12 : memref<10000xf32, #tpu.memory_space<vmem>>) target_semaphore(%run_scoped3A : memref<!tpu.dma_semaphore, #tpu.memory_space<semaphore_mem>>)
      tpu.wait_dma2 semaphore(%run_scoped3A : memref<!tpu.dma_semaphore, #tpu.memory_space<semaphore_mem>>) src(%arg6 : memref<10000xf32, #tpu.memory_space<hbm>>) dst(%arg12 : memref<10000xf32, #tpu.memory_space<vmem>>)
      tpu.yield
    }) : () -> ()
    %scan3A = arith.constant 0 : i32
    %scan3A_3 = arith.constant 0 : i32
    %scan3A_4 = arith.constant 625 : i32
    %scan3A_5 = arith.addi %scan3A_3, %scan3A_4 : i32
    %scan3A_6 = arith.constant 1 : i32
    %scan3A_7 = scf.for %scan3A_54 = %scan3A_3 to %scan3A_5 step %scan3A_6 iter_args(%scan3A_55 = %scan3A) -> (i32)  : i32 {
      %broadcast_in_dim3A = arith.constant 0.000000e+00 : f32
      %broadcast_in_dim3A_56 = vector.broadcast %broadcast_in_dim3A : f32 to vector<16xf32>
      %mul3A_57 = arith.constant 16 : i32
      %mul3A_58 = arith.muli %scan3A_54, %mul3A_57 : i32
      %swap3A = arith.index_cast %mul3A_58 : i32 to index
      %swap3A_59 = tpu.vector_load %arg13[%swap3A] {strides = array<i32>} : memref<10000xf32, #tpu.memory_space<vmem>>, vector<16xf32>,
      tpu.vector_store %arg13[%swap3A], %broadcast_in_dim3A_56 {strides = array<i32>} : memref<10000xf32, #tpu.memory_space<vmem>>, vector<16xf32>,
      %scan3A_60 = arith.constant 0 : i32
      scf.yield %scan3A_60 : i32
    }
    %scan3A_8 = arith.constant 625 : i32
    %add3A_9 = arith.constant 0 : i32
    %add3A_10 = arith.addi %mul3A_2, %add3A_9 : i32
    "tpu.region"() ({
      %run_scoped3A = tpu.sem_alloc : memref<!tpu.dma_semaphore, #tpu.memory_space<semaphore_mem>>
      %dma_start3A = tpu.memref_slice %arg2[%add3A_10] : memref<320000xi32, #tpu.memory_space<hbm>> -> memref<2000xi32, #tpu.memory_space<hbm>>
      %dma_start3A_54 = tpu.memref_slice %arg2[%add3A_10] : memref<320000xi32, #tpu.memory_space<hbm>> -> memref<2000xi32, #tpu.memory_space<hbm>>
      tpu.enqueue_dma source(%dma_start3A_54 : memref<2000xi32, #tpu.memory_space<hbm>>) target(%arg14 : memref<2000xi32, #tpu.memory_space<vmem>>) target_semaphore(%run_scoped3A : memref<!tpu.dma_semaphore, #tpu.memory_space<semaphore_mem>>)
      %dma_wait3A = tpu.memref_slice %arg2[%add3A_10] : memref<320000xi32, #tpu.memory_space<hbm>> -> memref<2000xi32, #tpu.memory_space<hbm>>
      %dma_wait3A_55 = tpu.memref_slice %arg2[%add3A_10] : memref<320000xi32, #tpu.memory_space<hbm>> -> memref<2000xi32, #tpu.memory_space<hbm>>
      tpu.wait_dma2 semaphore(%run_scoped3A : memref<!tpu.dma_semaphore, #tpu.memory_space<semaphore_mem>>) src(%dma_wait3A_55 : memref<2000xi32, #tpu.memory_space<hbm>>) dst(%arg14 : memref<2000xi32, #tpu.memory_space<vmem>>)
      tpu.yield
    }) : () -> ()
    "tpu.region"() ({
      %run_scoped3A = tpu.sem_alloc : memref<!tpu.dma_semaphore, #tpu.memory_space<semaphore_mem>>
      %dma_start3A = tpu.memref_slice %arg3[%add3A_10] : memref<320000xi32, #tpu.memory_space<hbm>> -> memref<2000xi32, #tpu.memory_space<hbm>>
      %dma_start3A_54 = tpu.memref_slice %arg3[%add3A_10] : memref<320000xi32, #tpu.memory_space<hbm>> -> memref<2000xi32, #tpu.memory_space<hbm>>
      tpu.enqueue_dma source(%dma_start3A_54 : memref<2000xi32, #tpu.memory_space<hbm>>) target(%arg15 : memref<2000xi32, #tpu.memory_space<vmem>>) target_semaphore(%run_scoped3A : memref<!tpu.dma_semaphore, #tpu.memory_space<semaphore_mem>>)
      %dma_wait3A = tpu.memref_slice %arg3[%add3A_10] : memref<320000xi32, #tpu.memory_space<hbm>> -> memref<2000xi32, #tpu.memory_space<hbm>>
      %dma_wait3A_55 = tpu.memref_slice %arg3[%add3A_10] : memref<320000xi32, #tpu.memory_space<hbm>> -> memref<2000xi32, #tpu.memory_space<hbm>>
      tpu.wait_dma2 semaphore(%run_scoped3A : memref<!tpu.dma_semaphore, #tpu.memory_space<semaphore_mem>>) src(%dma_wait3A_55 : memref<2000xi32, #tpu.memory_space<hbm>>) dst(%arg15 : memref<2000xi32, #tpu.memory_space<vmem>>)
      tpu.yield
    }) : () -> ()
    "tpu.region"() ({
      %run_scoped3A = tpu.sem_alloc : memref<!tpu.dma_semaphore, #tpu.memory_space<semaphore_mem>>
      %dma_start3A = tpu.memref_slice %arg7[%add3A_10] : memref<320000xf32, #tpu.memory_space<hbm>> -> memref<2000xf32, #tpu.memory_space<hbm>>
      %dma_start3A_54 = tpu.memref_slice %arg7[%add3A_10] : memref<320000xf32, #tpu.memory_space<hbm>> -> memref<2000xf32, #tpu.memory_space<hbm>>
      tpu.enqueue_dma source(%dma_start3A_54 : memref<2000xf32, #tpu.memory_space<hbm>>) target(%arg16 : memref<2000xf32, #tpu.memory_space<vmem>>) target_semaphore(%run_scoped3A : memref<!tpu.dma_semaphore, #tpu.memory_space<semaphore_mem>>)
      %dma_wait3A = tpu.memref_slice %arg7[%add3A_10] : memref<320000xf32, #tpu.memory_space<hbm>> -> memref<2000xf32, #tpu.memory_space<hbm>>
      %dma_wait3A_55 = tpu.memref_slice %arg7[%add3A_10] : memref<320000xf32, #tpu.memory_space<hbm>> -> memref<2000xf32, #tpu.memory_space<hbm>>
      tpu.wait_dma2 semaphore(%run_scoped3A : memref<!tpu.dma_semaphore, #tpu.memory_space<semaphore_mem>>) src(%dma_wait3A_55 : memref<2000xf32, #tpu.memory_space<hbm>>) dst(%arg16 : memref<2000xf32, #tpu.memory_space<vmem>>)
      tpu.yield
    }) : () -> ()
    %scan3A_11 = arith.constant 0 : i32
    %scan3A_12 = arith.constant 0 : i32
    %scan3A_13 = arith.constant 125 : i32
    %scan3A_14 = arith.addi %scan3A_12, %scan3A_13 : i32
    %scan3A_15 = arith.constant 1 : i32
    %scan3A_16 = scf.for %scan3A_54 = %scan3A_12 to %scan3A_14 step %scan3A_15 iter_args(%scan3A_55 = %scan3A_11) -> (i32)  : i32 {
      %mul3A_56 = arith.constant 16 : i32
      %mul3A_57 = arith.muli %scan3A_54, %mul3A_56 : i32
      %get3A = arith.index_cast %mul3A_57 : i32 to index
      %get3A_58 = tpu.vector_load %arg15[%get3A] {strides = array<i32>} : memref<2000xi32, #tpu.memory_space<vmem>>, vector<16xi32>,
      %mul3A_59 = arith.constant 16 : i32
      %mul3A_60 = arith.muli %scan3A_54, %mul3A_59 : i32
      %get3A_61 = arith.index_cast %mul3A_60 : i32 to index
      %get3A_62 = tpu.vector_load %arg14[%get3A_61] {strides = array<i32>} : memref<2000xi32, #tpu.memory_space<vmem>>, vector<16xi32>,
      %gather3A = tpu.vector_load_idx %arg10[%get3A_58] : memref<10000xf32, #tpu.memory_space<vmem>>[vector<16xi32>], vector<16xf32>,
      %gather3A_63 = tpu.vector_load_idx %arg11[%get3A_62] : memref<10000xf32, #tpu.memory_space<vmem>>[vector<16xi32>], vector<16xf32>,
      %add3A_64 = arith.addf %gather3A, %gather3A_63 : vector<16xf32>
      %ge3A = arith.constant 0.000000e+00 : f32
      %ge3A_65 = vector.broadcast %ge3A : f32 to vector<16xf32>
      %ge3A_66 = arith.cmpf oge, %add3A_64, %ge3A_65 : vector<16xf32>
      %mul3A_67 = arith.constant 2.000000e-01 : f32
      %mul3A_68 = vector.broadcast %mul3A_67 : f32 to vector<16xf32>
      %mul3A_69 = arith.mulf %mul3A_68, %add3A_64 : vector<16xf32>
      %select_n3A = arith.select %ge3A_66, %add3A_64, %mul3A_69 : vector<16xi1>, vector<16xf32>
      %exp3A = math.exp %select_n3A : vector<16xf32>
      %mul3A_70 = arith.constant 16 : i32
      %mul3A_71 = arith.muli %scan3A_54, %mul3A_70 : i32
      %get3A_72 = arith.index_cast %mul3A_71 : i32 to index
      %get3A_73 = tpu.vector_load %arg16[%get3A_72] {strides = array<i32>} : memref<2000xf32, #tpu.memory_space<vmem>>, vector<16xf32>,
      %mul3A_74 = arith.mulf %get3A_73, %exp3A : vector<16xf32>
      %gather3A_75 = tpu.vector_load_idx %arg12[%get3A_58] : memref<10000xf32, #tpu.memory_space<vmem>>[vector<16xi32>], vector<16xf32>,
      %mul3A_76 = arith.mulf %mul3A_74, %gather3A_75 : vector<16xf32>
      %mul3A_77 = arith.constant 16 : i32
      %mul3A_78 = arith.muli %scan3A_54, %mul3A_77 : i32
      %swap3A = arith.index_cast %mul3A_78 : i32 to index
      %swap3A_79 = tpu.vector_load %arg17[%swap3A] {strides = array<i32>} : memref<2000xf32, #tpu.memory_space<vmem>>, vector<16xf32>,
      tpu.vector_store %arg17[%swap3A], %mul3A_76 {strides = array<i32>} : memref<2000xf32, #tpu.memory_space<vmem>>, vector<16xf32>,
      tpu.vector_store_idx %arg13[%get3A_58], %exp3A {add = true} : memref<10000xf32, #tpu.memory_space<vmem>>[vector<16xi32>], vector<16xf32>,
      %scan3A_80 = arith.constant 0 : i32
      scf.yield %scan3A_80 : i32
    }
    %scan3A_17 = arith.constant 125 : i32
    "tpu.region"() ({
      %run_scoped3A = tpu.sem_alloc : memref<!tpu.dma_semaphore, #tpu.memory_space<semaphore_mem>>
      %dma_start3A = tpu.memref_slice %arg8[%add3A_10] : memref<320000xf32, #tpu.memory_space<hbm>> -> memref<2000xf32, #tpu.memory_space<hbm>>
      %dma_start3A_54 = tpu.memref_slice %arg8[%add3A_10] : memref<320000xf32, #tpu.memory_space<hbm>> -> memref<2000xf32, #tpu.memory_space<hbm>>
      tpu.enqueue_dma source(%arg17 : memref<2000xf32, #tpu.memory_space<vmem>>) target(%dma_start3A_54 : memref<2000xf32, #tpu.memory_space<hbm>>) target_semaphore(%run_scoped3A : memref<!tpu.dma_semaphore, #tpu.memory_space<semaphore_mem>>)
      %dma_wait3A = tpu.memref_slice %arg8[%add3A_10] : memref<320000xf32, #tpu.memory_space<hbm>> -> memref<2000xf32, #tpu.memory_space<hbm>>
      %dma_wait3A_55 = tpu.memref_slice %arg8[%add3A_10] : memref<320000xf32, #tpu.memory_space<hbm>> -> memref<2000xf32, #tpu.memory_space<hbm>>
      tpu.wait_dma2 semaphore(%run_scoped3A : memref<!tpu.dma_semaphore, #tpu.memory_space<semaphore_mem>>) src(%arg17 : memref<2000xf32, #tpu.memory_space<vmem>>) dst(%dma_wait3A_55 : memref<2000xf32, #tpu.memory_space<hbm>>)
      tpu.yield
    }) : () -> ()
    %add3A_18 = arith.constant 2000 : i32
    %add3A_19 = arith.addi %mul3A_2, %add3A_18 : i32
    "tpu.region"() ({
      %run_scoped3A = tpu.sem_alloc : memref<!tpu.dma_semaphore, #tpu.memory_space<semaphore_mem>>
      %dma_start3A = tpu.memref_slice %arg2[%add3A_19] : memref<320000xi32, #tpu.memory_space<hbm>> -> memref<2000xi32, #tpu.memory_space<hbm>>
      %dma_start3A_54 = tpu.memref_slice %arg2[%add3A_19] : memref<320000xi32, #tpu.memory_space<hbm>> -> memref<2000xi32, #tpu.memory_space<hbm>>
      tpu.enqueue_dma source(%dma_start3A_54 : memref<2000xi32, #tpu.memory_space<hbm>>) target(%arg14 : memref<2000xi32, #tpu.memory_space<vmem>>) target_semaphore(%run_scoped3A : memref<!tpu.dma_semaphore, #tpu.memory_space<semaphore_mem>>)
      %dma_wait3A = tpu.memref_slice %arg2[%add3A_19] : memref<320000xi32, #tpu.memory_space<hbm>> -> memref<2000xi32, #tpu.memory_space<hbm>>
      %dma_wait3A_55 = tpu.memref_slice %arg2[%add3A_19] : memref<320000xi32, #tpu.memory_space<hbm>> -> memref<2000xi32, #tpu.memory_space<hbm>>
      tpu.wait_dma2 semaphore(%run_scoped3A : memref<!tpu.dma_semaphore, #tpu.memory_space<semaphore_mem>>) src(%dma_wait3A_55 : memref<2000xi32, #tpu.memory_space<hbm>>) dst(%arg14 : memref<2000xi32, #tpu.memory_space<vmem>>)
      tpu.yield
    }) : () -> ()
    "tpu.region"() ({
      %run_scoped3A = tpu.sem_alloc : memref<!tpu.dma_semaphore, #tpu.memory_space<semaphore_mem>>
      %dma_start3A = tpu.memref_slice %arg3[%add3A_19] : memref<320000xi32, #tpu.memory_space<hbm>> -> memref<2000xi32, #tpu.memory_space<hbm>>
      %dma_start3A_54 = tpu.memref_slice %arg3[%add3A_19] : memref<320000xi32, #tpu.memory_space<hbm>> -> memref<2000xi32, #tpu.memory_space<hbm>>
      tpu.enqueue_dma source(%dma_start3A_54 : memref<2000xi32, #tpu.memory_space<hbm>>) target(%arg15 : memref<2000xi32, #tpu.memory_space<vmem>>) target_semaphore(%run_scoped3A : memref<!tpu.dma_semaphore, #tpu.memory_space<semaphore_mem>>)
      %dma_wait3A = tpu.memref_slice %arg3[%add3A_19] : memref<320000xi32, #tpu.memory_space<hbm>> -> memref<2000xi32, #tpu.memory_space<hbm>>
      %dma_wait3A_55 = tpu.memref_slice %arg3[%add3A_19] : memref<320000xi32, #tpu.memory_space<hbm>> -> memref<2000xi32, #tpu.memory_space<hbm>>
      tpu.wait_dma2 semaphore(%run_scoped3A : memref<!tpu.dma_semaphore, #tpu.memory_space<semaphore_mem>>) src(%dma_wait3A_55 : memref<2000xi32, #tpu.memory_space<hbm>>) dst(%arg15 : memref<2000xi32, #tpu.memory_space<vmem>>)
      tpu.yield
    }) : () -> ()
    "tpu.region"() ({
      %run_scoped3A = tpu.sem_alloc : memref<!tpu.dma_semaphore, #tpu.memory_space<semaphore_mem>>
      %dma_start3A = tpu.memref_slice %arg7[%add3A_19] : memref<320000xf32, #tpu.memory_space<hbm>> -> memref<2000xf32, #tpu.memory_space<hbm>>
      %dma_start3A_54 = tpu.memref_slice %arg7[%add3A_19] : memref<320000xf32, #tpu.memory_space<hbm>> -> memref<2000xf32, #tpu.memory_space<hbm>>
      tpu.enqueue_dma source(%dma_start3A_54 : memref<2000xf32, #tpu.memory_space<hbm>>) target(%arg16 : memref<2000xf32, #tpu.memory_space<vmem>>) target_semaphore(%run_scoped3A : memref<!tpu.dma_semaphore, #tpu.memory_space<semaphore_mem>>)
      %dma_wait3A = tpu.memref_slice %arg7[%add3A_19] : memref<320000xf32, #tpu.memory_space<hbm>> -> memref<2000xf32, #tpu.memory_space<hbm>>
      %dma_wait3A_55 = tpu.memref_slice %arg7[%add3A_19] : memref<320000xf32, #tpu.memory_space<hbm>> -> memref<2000xf32, #tpu.memory_space<hbm>>
      tpu.wait_dma2 semaphore(%run_scoped3A : memref<!tpu.dma_semaphore, #tpu.memory_space<semaphore_mem>>) src(%dma_wait3A_55 : memref<2000xf32, #tpu.memory_space<hbm>>) dst(%arg16 : memref<2000xf32, #tpu.memory_space<vmem>>)
      tpu.yield
    }) : () -> ()
    %scan3A_20 = arith.constant 0 : i32
    %scan3A_21 = arith.constant 0 : i32
    %scan3A_22 = arith.constant 125 : i32
    %scan3A_23 = arith.addi %scan3A_21, %scan3A_22 : i32
    %scan3A_24 = arith.constant 1 : i32
    %scan3A_25 = scf.for %scan3A_54 = %scan3A_21 to %scan3A_23 step %scan3A_24 iter_args(%scan3A_55 = %scan3A_20) -> (i32)  : i32 {
      %mul3A_56 = arith.constant 16 : i32
      %mul3A_57 = arith.muli %scan3A_54, %mul3A_56 : i32
      %get3A = arith.index_cast %mul3A_57 : i32 to index
      %get3A_58 = tpu.vector_load %arg15[%get3A] {strides = array<i32>} : memref<2000xi32, #tpu.memory_space<vmem>>, vector<16xi32>,
      %mul3A_59 = arith.constant 16 : i32
      %mul3A_60 = arith.muli %scan3A_54, %mul3A_59 : i32
      %get3A_61 = arith.index_cast %mul3A_60 : i32 to index
      %get3A_62 = tpu.vector_load %arg14[%get3A_61] {strides = array<i32>} : memref<2000xi32, #tpu.memory_space<vmem>>, vector<16xi32>,
      %gather3A = tpu.vector_load_idx %arg10[%get3A_58] : memref<10000xf32, #tpu.memory_space<vmem>>[vector<16xi32>], vector<16xf32>,
      %gather3A_63 = tpu.vector_load_idx %arg11[%get3A_62] : memref<10000xf32, #tpu.memory_space<vmem>>[vector<16xi32>], vector<16xf32>,
      %add3A_64 = arith.addf %gather3A, %gather3A_63 : vector<16xf32>
      %ge3A = arith.constant 0.000000e+00 : f32
      %ge3A_65 = vector.broadcast %ge3A : f32 to vector<16xf32>
      %ge3A_66 = arith.cmpf oge, %add3A_64, %ge3A_65 : vector<16xf32>
      %mul3A_67 = arith.constant 2.000000e-01 : f32
      %mul3A_68 = vector.broadcast %mul3A_67 : f32 to vector<16xf32>
      %mul3A_69 = arith.mulf %mul3A_68, %add3A_64 : vector<16xf32>
      %select_n3A = arith.select %ge3A_66, %add3A_64, %mul3A_69 : vector<16xi1>, vector<16xf32>
      %exp3A = math.exp %select_n3A : vector<16xf32>
      %mul3A_70 = arith.constant 16 : i32
      %mul3A_71 = arith.muli %scan3A_54, %mul3A_70 : i32
      %get3A_72 = arith.index_cast %mul3A_71 : i32 to index
      %get3A_73 = tpu.vector_load %arg16[%get3A_72] {strides = array<i32>} : memref<2000xf32, #tpu.memory_space<vmem>>, vector<16xf32>,
      %mul3A_74 = arith.mulf %get3A_73, %exp3A : vector<16xf32>
      %gather3A_75 = tpu.vector_load_idx %arg12[%get3A_58] : memref<10000xf32, #tpu.memory_space<vmem>>[vector<16xi32>], vector<16xf32>,
      %mul3A_76 = arith.mulf %mul3A_74, %gather3A_75 : vector<16xf32>
      %mul3A_77 = arith.constant 16 : i32
      %mul3A_78 = arith.muli %scan3A_54, %mul3A_77 : i32
      %swap3A = arith.index_cast %mul3A_78 : i32 to index
      %swap3A_79 = tpu.vector_load %arg17[%swap3A] {strides = array<i32>} : memref<2000xf32, #tpu.memory_space<vmem>>, vector<16xf32>,
      tpu.vector_store %arg17[%swap3A], %mul3A_76 {strides = array<i32>} : memref<2000xf32, #tpu.memory_space<vmem>>, vector<16xf32>,
      tpu.vector_store_idx %arg13[%get3A_58], %exp3A {add = true} : memref<10000xf32, #tpu.memory_space<vmem>>[vector<16xi32>], vector<16xf32>,
      %scan3A_80 = arith.constant 0 : i32
      scf.yield %scan3A_80 : i32
    }
    %scan3A_26 = arith.constant 125 : i32
    "tpu.region"() ({
      %run_scoped3A = tpu.sem_alloc : memref<!tpu.dma_semaphore, #tpu.memory_space<semaphore_mem>>
      %dma_start3A = tpu.memref_slice %arg8[%add3A_19] : memref<320000xf32, #tpu.memory_space<hbm>> -> memref<2000xf32, #tpu.memory_space<hbm>>
      %dma_start3A_54 = tpu.memref_slice %arg8[%add3A_19] : memref<320000xf32, #tpu.memory_space<hbm>> -> memref<2000xf32, #tpu.memory_space<hbm>>
      tpu.enqueue_dma source(%arg17 : memref<2000xf32, #tpu.memory_space<vmem>>) target(%dma_start3A_54 : memref<2000xf32, #tpu.memory_space<hbm>>) target_semaphore(%run_scoped3A : memref<!tpu.dma_semaphore, #tpu.memory_space<semaphore_mem>>)
      %dma_wait3A = tpu.memref_slice %arg8[%add3A_19] : memref<320000xf32, #tpu.memory_space<hbm>> -> memref<2000xf32, #tpu.memory_space<hbm>>
      %dma_wait3A_55 = tpu.memref_slice %arg8[%add3A_19] : memref<320000xf32, #tpu.memory_space<hbm>> -> memref<2000xf32, #tpu.memory_space<hbm>>
      tpu.wait_dma2 semaphore(%run_scoped3A : memref<!tpu.dma_semaphore, #tpu.memory_space<semaphore_mem>>) src(%arg17 : memref<2000xf32, #tpu.memory_space<vmem>>) dst(%dma_wait3A_55 : memref<2000xf32, #tpu.memory_space<hbm>>)
      tpu.yield
    }) : () -> ()
    %add3A_27 = arith.constant 4000 : i32
    %add3A_28 = arith.addi %mul3A_2, %add3A_27 : i32
    "tpu.region"() ({
      %run_scoped3A = tpu.sem_alloc : memref<!tpu.dma_semaphore, #tpu.memory_space<semaphore_mem>>
      %dma_start3A = tpu.memref_slice %arg2[%add3A_28] : memref<320000xi32, #tpu.memory_space<hbm>> -> memref<2000xi32, #tpu.memory_space<hbm>>
      %dma_start3A_54 = tpu.memref_slice %arg2[%add3A_28] : memref<320000xi32, #tpu.memory_space<hbm>> -> memref<2000xi32, #tpu.memory_space<hbm>>
      tpu.enqueue_dma source(%dma_start3A_54 : memref<2000xi32, #tpu.memory_space<hbm>>) target(%arg14 : memref<2000xi32, #tpu.memory_space<vmem>>) target_semaphore(%run_scoped3A : memref<!tpu.dma_semaphore, #tpu.memory_space<semaphore_mem>>)
      %dma_wait3A = tpu.memref_slice %arg2[%add3A_28] : memref<320000xi32, #tpu.memory_space<hbm>> -> memref<2000xi32, #tpu.memory_space<hbm>>
      %dma_wait3A_55 = tpu.memref_slice %arg2[%add3A_28] : memref<320000xi32, #tpu.memory_space<hbm>> -> memref<2000xi32, #tpu.memory_space<hbm>>
      tpu.wait_dma2 semaphore(%run_scoped3A : memref<!tpu.dma_semaphore, #tpu.memory_space<semaphore_mem>>) src(%dma_wait3A_55 : memref<2000xi32, #tpu.memory_space<hbm>>) dst(%arg14 : memref<2000xi32, #tpu.memory_space<vmem>>)
      tpu.yield
    }) : () -> ()
    "tpu.region"() ({
      %run_scoped3A = tpu.sem_alloc : memref<!tpu.dma_semaphore, #tpu.memory_space<semaphore_mem>>
      %dma_start3A = tpu.memref_slice %arg3[%add3A_28] : memref<320000xi32, #tpu.memory_space<hbm>> -> memref<2000xi32, #tpu.memory_space<hbm>>
      %dma_start3A_54 = tpu.memref_slice %arg3[%add3A_28] : memref<320000xi32, #tpu.memory_space<hbm>> -> memref<2000xi32, #tpu.memory_space<hbm>>
      tpu.enqueue_dma source(%dma_start3A_54 : memref<2000xi32, #tpu.memory_space<hbm>>) target(%arg15 : memref<2000xi32, #tpu.memory_space<vmem>>) target_semaphore(%run_scoped3A : memref<!tpu.dma_semaphore, #tpu.memory_space<semaphore_mem>>)
      %dma_wait3A = tpu.memref_slice %arg3[%add3A_28] : memref<320000xi32, #tpu.memory_space<hbm>> -> memref<2000xi32, #tpu.memory_space<hbm>>
      %dma_wait3A_55 = tpu.memref_slice %arg3[%add3A_28] : memref<320000xi32, #tpu.memory_space<hbm>> -> memref<2000xi32, #tpu.memory_space<hbm>>
      tpu.wait_dma2 semaphore(%run_scoped3A : memref<!tpu.dma_semaphore, #tpu.memory_space<semaphore_mem>>) src(%dma_wait3A_55 : memref<2000xi32, #tpu.memory_space<hbm>>) dst(%arg15 : memref<2000xi32, #tpu.memory_space<vmem>>)
      tpu.yield
    }) : () -> ()
    "tpu.region"() ({
      %run_scoped3A = tpu.sem_alloc : memref<!tpu.dma_semaphore, #tpu.memory_space<semaphore_mem>>
      %dma_start3A = tpu.memref_slice %arg7[%add3A_28] : memref<320000xf32, #tpu.memory_space<hbm>> -> memref<2000xf32, #tpu.memory_space<hbm>>
      %dma_start3A_54 = tpu.memref_slice %arg7[%add3A_28] : memref<320000xf32, #tpu.memory_space<hbm>> -> memref<2000xf32, #tpu.memory_space<hbm>>
      tpu.enqueue_dma source(%dma_start3A_54 : memref<2000xf32, #tpu.memory_space<hbm>>) target(%arg16 : memref<2000xf32, #tpu.memory_space<vmem>>) target_semaphore(%run_scoped3A : memref<!tpu.dma_semaphore, #tpu.memory_space<semaphore_mem>>)
      %dma_wait3A = tpu.memref_slice %arg7[%add3A_28] : memref<320000xf32, #tpu.memory_space<hbm>> -> memref<2000xf32, #tpu.memory_space<hbm>>
      %dma_wait3A_55 = tpu.memref_slice %arg7[%add3A_28] : memref<320000xf32, #tpu.memory_space<hbm>> -> memref<2000xf32, #tpu.memory_space<hbm>>
      tpu.wait_dma2 semaphore(%run_scoped3A : memref<!tpu.dma_semaphore, #tpu.memory_space<semaphore_mem>>) src(%dma_wait3A_55 : memref<2000xf32, #tpu.memory_space<hbm>>) dst(%arg16 : memref<2000xf32, #tpu.memory_space<vmem>>)
      tpu.yield
    }) : () -> ()
    %scan3A_29 = arith.constant 0 : i32
    %scan3A_30 = arith.constant 0 : i32
    %scan3A_31 = arith.constant 125 : i32
    %scan3A_32 = arith.addi %scan3A_30, %scan3A_31 : i32
    %scan3A_33 = arith.constant 1 : i32
    %scan3A_34 = scf.for %scan3A_54 = %scan3A_30 to %scan3A_32 step %scan3A_33 iter_args(%scan3A_55 = %scan3A_29) -> (i32)  : i32 {
      %mul3A_56 = arith.constant 16 : i32
      %mul3A_57 = arith.muli %scan3A_54, %mul3A_56 : i32
      %get3A = arith.index_cast %mul3A_57 : i32 to index
      %get3A_58 = tpu.vector_load %arg15[%get3A] {strides = array<i32>} : memref<2000xi32, #tpu.memory_space<vmem>>, vector<16xi32>,
      %mul3A_59 = arith.constant 16 : i32
      %mul3A_60 = arith.muli %scan3A_54, %mul3A_59 : i32
      %get3A_61 = arith.index_cast %mul3A_60 : i32 to index
      %get3A_62 = tpu.vector_load %arg14[%get3A_61] {strides = array<i32>} : memref<2000xi32, #tpu.memory_space<vmem>>, vector<16xi32>,
      %gather3A = tpu.vector_load_idx %arg10[%get3A_58] : memref<10000xf32, #tpu.memory_space<vmem>>[vector<16xi32>], vector<16xf32>,
      %gather3A_63 = tpu.vector_load_idx %arg11[%get3A_62] : memref<10000xf32, #tpu.memory_space<vmem>>[vector<16xi32>], vector<16xf32>,
      %add3A_64 = arith.addf %gather3A, %gather3A_63 : vector<16xf32>
      %ge3A = arith.constant 0.000000e+00 : f32
      %ge3A_65 = vector.broadcast %ge3A : f32 to vector<16xf32>
      %ge3A_66 = arith.cmpf oge, %add3A_64, %ge3A_65 : vector<16xf32>
      %mul3A_67 = arith.constant 2.000000e-01 : f32
      %mul3A_68 = vector.broadcast %mul3A_67 : f32 to vector<16xf32>
      %mul3A_69 = arith.mulf %mul3A_68, %add3A_64 : vector<16xf32>
      %select_n3A = arith.select %ge3A_66, %add3A_64, %mul3A_69 : vector<16xi1>, vector<16xf32>
      %exp3A = math.exp %select_n3A : vector<16xf32>
      %mul3A_70 = arith.constant 16 : i32
      %mul3A_71 = arith.muli %scan3A_54, %mul3A_70 : i32
      %get3A_72 = arith.index_cast %mul3A_71 : i32 to index
      %get3A_73 = tpu.vector_load %arg16[%get3A_72] {strides = array<i32>} : memref<2000xf32, #tpu.memory_space<vmem>>, vector<16xf32>,
      %mul3A_74 = arith.mulf %get3A_73, %exp3A : vector<16xf32>
      %gather3A_75 = tpu.vector_load_idx %arg12[%get3A_58] : memref<10000xf32, #tpu.memory_space<vmem>>[vector<16xi32>], vector<16xf32>,
      %mul3A_76 = arith.mulf %mul3A_74, %gather3A_75 : vector<16xf32>
      %mul3A_77 = arith.constant 16 : i32
      %mul3A_78 = arith.muli %scan3A_54, %mul3A_77 : i32
      %swap3A = arith.index_cast %mul3A_78 : i32 to index
      %swap3A_79 = tpu.vector_load %arg17[%swap3A] {strides = array<i32>} : memref<2000xf32, #tpu.memory_space<vmem>>, vector<16xf32>,
      tpu.vector_store %arg17[%swap3A], %mul3A_76 {strides = array<i32>} : memref<2000xf32, #tpu.memory_space<vmem>>, vector<16xf32>,
      tpu.vector_store_idx %arg13[%get3A_58], %exp3A {add = true} : memref<10000xf32, #tpu.memory_space<vmem>>[vector<16xi32>], vector<16xf32>,
      %scan3A_80 = arith.constant 0 : i32
      scf.yield %scan3A_80 : i32
    }
    %scan3A_35 = arith.constant 125 : i32
    "tpu.region"() ({
      %run_scoped3A = tpu.sem_alloc : memref<!tpu.dma_semaphore, #tpu.memory_space<semaphore_mem>>
      %dma_start3A = tpu.memref_slice %arg8[%add3A_28] : memref<320000xf32, #tpu.memory_space<hbm>> -> memref<2000xf32, #tpu.memory_space<hbm>>
      %dma_start3A_54 = tpu.memref_slice %arg8[%add3A_28] : memref<320000xf32, #tpu.memory_space<hbm>> -> memref<2000xf32, #tpu.memory_space<hbm>>
      tpu.enqueue_dma source(%arg17 : memref<2000xf32, #tpu.memory_space<vmem>>) target(%dma_start3A_54 : memref<2000xf32, #tpu.memory_space<hbm>>) target_semaphore(%run_scoped3A : memref<!tpu.dma_semaphore, #tpu.memory_space<semaphore_mem>>)
      %dma_wait3A = tpu.memref_slice %arg8[%add3A_28] : memref<320000xf32, #tpu.memory_space<hbm>> -> memref<2000xf32, #tpu.memory_space<hbm>>
      %dma_wait3A_55 = tpu.memref_slice %arg8[%add3A_28] : memref<320000xf32, #tpu.memory_space<hbm>> -> memref<2000xf32, #tpu.memory_space<hbm>>
      tpu.wait_dma2 semaphore(%run_scoped3A : memref<!tpu.dma_semaphore, #tpu.memory_space<semaphore_mem>>) src(%arg17 : memref<2000xf32, #tpu.memory_space<vmem>>) dst(%dma_wait3A_55 : memref<2000xf32, #tpu.memory_space<hbm>>)
      tpu.yield
    }) : () -> ()
    %add3A_36 = arith.constant 6000 : i32
    %add3A_37 = arith.addi %mul3A_2, %add3A_36 : i32
    "tpu.region"() ({
      %run_scoped3A = tpu.sem_alloc : memref<!tpu.dma_semaphore, #tpu.memory_space<semaphore_mem>>
      %dma_start3A = tpu.memref_slice %arg2[%add3A_37] : memref<320000xi32, #tpu.memory_space<hbm>> -> memref<2000xi32, #tpu.memory_space<hbm>>
      %dma_start3A_54 = tpu.memref_slice %arg2[%add3A_37] : memref<320000xi32, #tpu.memory_space<hbm>> -> memref<2000xi32, #tpu.memory_space<hbm>>
      tpu.enqueue_dma source(%dma_start3A_54 : memref<2000xi32, #tpu.memory_space<hbm>>) target(%arg14 : memref<2000xi32, #tpu.memory_space<vmem>>) target_semaphore(%run_scoped3A : memref<!tpu.dma_semaphore, #tpu.memory_space<semaphore_mem>>)
      %dma_wait3A = tpu.memref_slice %arg2[%add3A_37] : memref<320000xi32, #tpu.memory_space<hbm>> -> memref<2000xi32, #tpu.memory_space<hbm>>
      %dma_wait3A_55 = tpu.memref_slice %arg2[%add3A_37] : memref<320000xi32, #tpu.memory_space<hbm>> -> memref<2000xi32, #tpu.memory_space<hbm>>
      tpu.wait_dma2 semaphore(%run_scoped3A : memref<!tpu.dma_semaphore, #tpu.memory_space<semaphore_mem>>) src(%dma_wait3A_55 : memref<2000xi32, #tpu.memory_space<hbm>>) dst(%arg14 : memref<2000xi32, #tpu.memory_space<vmem>>)
      tpu.yield
    }) : () -> ()
    "tpu.region"() ({
      %run_scoped3A = tpu.sem_alloc : memref<!tpu.dma_semaphore, #tpu.memory_space<semaphore_mem>>
      %dma_start3A = tpu.memref_slice %arg3[%add3A_37] : memref<320000xi32, #tpu.memory_space<hbm>> -> memref<2000xi32, #tpu.memory_space<hbm>>
      %dma_start3A_54 = tpu.memref_slice %arg3[%add3A_37] : memref<320000xi32, #tpu.memory_space<hbm>> -> memref<2000xi32, #tpu.memory_space<hbm>>
      tpu.enqueue_dma source(%dma_start3A_54 : memref<2000xi32, #tpu.memory_space<hbm>>) target(%arg15 : memref<2000xi32, #tpu.memory_space<vmem>>) target_semaphore(%run_scoped3A : memref<!tpu.dma_semaphore, #tpu.memory_space<semaphore_mem>>)
      %dma_wait3A = tpu.memref_slice %arg3[%add3A_37] : memref<320000xi32, #tpu.memory_space<hbm>> -> memref<2000xi32, #tpu.memory_space<hbm>>
      %dma_wait3A_55 = tpu.memref_slice %arg3[%add3A_37] : memref<320000xi32, #tpu.memory_space<hbm>> -> memref<2000xi32, #tpu.memory_space<hbm>>
      tpu.wait_dma2 semaphore(%run_scoped3A : memref<!tpu.dma_semaphore, #tpu.memory_space<semaphore_mem>>) src(%dma_wait3A_55 : memref<2000xi32, #tpu.memory_space<hbm>>) dst(%arg15 : memref<2000xi32, #tpu.memory_space<vmem>>)
      tpu.yield
    }) : () -> ()
    "tpu.region"() ({
      %run_scoped3A = tpu.sem_alloc : memref<!tpu.dma_semaphore, #tpu.memory_space<semaphore_mem>>
      %dma_start3A = tpu.memref_slice %arg7[%add3A_37] : memref<320000xf32, #tpu.memory_space<hbm>> -> memref<2000xf32, #tpu.memory_space<hbm>>
      %dma_start3A_54 = tpu.memref_slice %arg7[%add3A_37] : memref<320000xf32, #tpu.memory_space<hbm>> -> memref<2000xf32, #tpu.memory_space<hbm>>
      tpu.enqueue_dma source(%dma_start3A_54 : memref<2000xf32, #tpu.memory_space<hbm>>) target(%arg16 : memref<2000xf32, #tpu.memory_space<vmem>>) target_semaphore(%run_scoped3A : memref<!tpu.dma_semaphore, #tpu.memory_space<semaphore_mem>>)
      %dma_wait3A = tpu.memref_slice %arg7[%add3A_37] : memref<320000xf32, #tpu.memory_space<hbm>> -> memref<2000xf32, #tpu.memory_space<hbm>>
      %dma_wait3A_55 = tpu.memref_slice %arg7[%add3A_37] : memref<320000xf32, #tpu.memory_space<hbm>> -> memref<2000xf32, #tpu.memory_space<hbm>>
      tpu.wait_dma2 semaphore(%run_scoped3A : memref<!tpu.dma_semaphore, #tpu.memory_space<semaphore_mem>>) src(%dma_wait3A_55 : memref<2000xf32, #tpu.memory_space<hbm>>) dst(%arg16 : memref<2000xf32, #tpu.memory_space<vmem>>)
      tpu.yield
    }) : () -> ()
    %scan3A_38 = arith.constant 0 : i32
    %scan3A_39 = arith.constant 0 : i32
    %scan3A_40 = arith.constant 125 : i32
    %scan3A_41 = arith.addi %scan3A_39, %scan3A_40 : i32
    %scan3A_42 = arith.constant 1 : i32
    %scan3A_43 = scf.for %scan3A_54 = %scan3A_39 to %scan3A_41 step %scan3A_42 iter_args(%scan3A_55 = %scan3A_38) -> (i32)  : i32 {
      %mul3A_56 = arith.constant 16 : i32
      %mul3A_57 = arith.muli %scan3A_54, %mul3A_56 : i32
      %get3A = arith.index_cast %mul3A_57 : i32 to index
      %get3A_58 = tpu.vector_load %arg15[%get3A] {strides = array<i32>} : memref<2000xi32, #tpu.memory_space<vmem>>, vector<16xi32>,
      %mul3A_59 = arith.constant 16 : i32
      %mul3A_60 = arith.muli %scan3A_54, %mul3A_59 : i32
      %get3A_61 = arith.index_cast %mul3A_60 : i32 to index
      %get3A_62 = tpu.vector_load %arg14[%get3A_61] {strides = array<i32>} : memref<2000xi32, #tpu.memory_space<vmem>>, vector<16xi32>,
      %gather3A = tpu.vector_load_idx %arg10[%get3A_58] : memref<10000xf32, #tpu.memory_space<vmem>>[vector<16xi32>], vector<16xf32>,
      %gather3A_63 = tpu.vector_load_idx %arg11[%get3A_62] : memref<10000xf32, #tpu.memory_space<vmem>>[vector<16xi32>], vector<16xf32>,
      %add3A_64 = arith.addf %gather3A, %gather3A_63 : vector<16xf32>
      %ge3A = arith.constant 0.000000e+00 : f32
      %ge3A_65 = vector.broadcast %ge3A : f32 to vector<16xf32>
      %ge3A_66 = arith.cmpf oge, %add3A_64, %ge3A_65 : vector<16xf32>
      %mul3A_67 = arith.constant 2.000000e-01 : f32
      %mul3A_68 = vector.broadcast %mul3A_67 : f32 to vector<16xf32>
      %mul3A_69 = arith.mulf %mul3A_68, %add3A_64 : vector<16xf32>
      %select_n3A = arith.select %ge3A_66, %add3A_64, %mul3A_69 : vector<16xi1>, vector<16xf32>
      %exp3A = math.exp %select_n3A : vector<16xf32>
      %mul3A_70 = arith.constant 16 : i32
      %mul3A_71 = arith.muli %scan3A_54, %mul3A_70 : i32
      %get3A_72 = arith.index_cast %mul3A_71 : i32 to index
      %get3A_73 = tpu.vector_load %arg16[%get3A_72] {strides = array<i32>} : memref<2000xf32, #tpu.memory_space<vmem>>, vector<16xf32>,
      %mul3A_74 = arith.mulf %get3A_73, %exp3A : vector<16xf32>
      %gather3A_75 = tpu.vector_load_idx %arg12[%get3A_58] : memref<10000xf32, #tpu.memory_space<vmem>>[vector<16xi32>], vector<16xf32>,
      %mul3A_76 = arith.mulf %mul3A_74, %gather3A_75 : vector<16xf32>
      %mul3A_77 = arith.constant 16 : i32
      %mul3A_78 = arith.muli %scan3A_54, %mul3A_77 : i32
      %swap3A = arith.index_cast %mul3A_78 : i32 to index
      %swap3A_79 = tpu.vector_load %arg17[%swap3A] {strides = array<i32>} : memref<2000xf32, #tpu.memory_space<vmem>>, vector<16xf32>,
      tpu.vector_store %arg17[%swap3A], %mul3A_76 {strides = array<i32>} : memref<2000xf32, #tpu.memory_space<vmem>>, vector<16xf32>,
      tpu.vector_store_idx %arg13[%get3A_58], %exp3A {add = true} : memref<10000xf32, #tpu.memory_space<vmem>>[vector<16xi32>], vector<16xf32>,
      %scan3A_80 = arith.constant 0 : i32
      scf.yield %scan3A_80 : i32
    }
    %scan3A_44 = arith.constant 125 : i32
    "tpu.region"() ({
      %run_scoped3A = tpu.sem_alloc : memref<!tpu.dma_semaphore, #tpu.memory_space<semaphore_mem>>
      %dma_start3A = tpu.memref_slice %arg8[%add3A_37] : memref<320000xf32, #tpu.memory_space<hbm>> -> memref<2000xf32, #tpu.memory_space<hbm>>
      %dma_start3A_54 = tpu.memref_slice %arg8[%add3A_37] : memref<320000xf32, #tpu.memory_space<hbm>> -> memref<2000xf32, #tpu.memory_space<hbm>>
      tpu.enqueue_dma source(%arg17 : memref<2000xf32, #tpu.memory_space<vmem>>) target(%dma_start3A_54 : memref<2000xf32, #tpu.memory_space<hbm>>) target_semaphore(%run_scoped3A : memref<!tpu.dma_semaphore, #tpu.memory_space<semaphore_mem>>)
      %dma_wait3A = tpu.memref_slice %arg8[%add3A_37] : memref<320000xf32, #tpu.memory_space<hbm>> -> memref<2000xf32, #tpu.memory_space<hbm>>
      %dma_wait3A_55 = tpu.memref_slice %arg8[%add3A_37] : memref<320000xf32, #tpu.memory_space<hbm>> -> memref<2000xf32, #tpu.memory_space<hbm>>
      tpu.wait_dma2 semaphore(%run_scoped3A : memref<!tpu.dma_semaphore, #tpu.memory_space<semaphore_mem>>) src(%arg17 : memref<2000xf32, #tpu.memory_space<vmem>>) dst(%dma_wait3A_55 : memref<2000xf32, #tpu.memory_space<hbm>>)
      tpu.yield
    }) : () -> ()
    %add3A_45 = arith.constant 8000 : i32
    %add3A_46 = arith.addi %mul3A_2, %add3A_45 : i32
    "tpu.region"() ({
      %run_scoped3A = tpu.sem_alloc : memref<!tpu.dma_semaphore, #tpu.memory_space<semaphore_mem>>
      %dma_start3A = tpu.memref_slice %arg2[%add3A_46] : memref<320000xi32, #tpu.memory_space<hbm>> -> memref<2000xi32, #tpu.memory_space<hbm>>
      %dma_start3A_54 = tpu.memref_slice %arg2[%add3A_46] : memref<320000xi32, #tpu.memory_space<hbm>> -> memref<2000xi32, #tpu.memory_space<hbm>>
      tpu.enqueue_dma source(%dma_start3A_54 : memref<2000xi32, #tpu.memory_space<hbm>>) target(%arg14 : memref<2000xi32, #tpu.memory_space<vmem>>) target_semaphore(%run_scoped3A : memref<!tpu.dma_semaphore, #tpu.memory_space<semaphore_mem>>)
      %dma_wait3A = tpu.memref_slice %arg2[%add3A_46] : memref<320000xi32, #tpu.memory_space<hbm>> -> memref<2000xi32, #tpu.memory_space<hbm>>
      %dma_wait3A_55 = tpu.memref_slice %arg2[%add3A_46] : memref<320000xi32, #tpu.memory_space<hbm>> -> memref<2000xi32, #tpu.memory_space<hbm>>
      tpu.wait_dma2 semaphore(%run_scoped3A : memref<!tpu.dma_semaphore, #tpu.memory_space<semaphore_mem>>) src(%dma_wait3A_55 : memref<2000xi32, #tpu.memory_space<hbm>>) dst(%arg14 : memref<2000xi32, #tpu.memory_space<vmem>>)
      tpu.yield
    }) : () -> ()
    "tpu.region"() ({
      %run_scoped3A = tpu.sem_alloc : memref<!tpu.dma_semaphore, #tpu.memory_space<semaphore_mem>>
      %dma_start3A = tpu.memref_slice %arg3[%add3A_46] : memref<320000xi32, #tpu.memory_space<hbm>> -> memref<2000xi32, #tpu.memory_space<hbm>>
      %dma_start3A_54 = tpu.memref_slice %arg3[%add3A_46] : memref<320000xi32, #tpu.memory_space<hbm>> -> memref<2000xi32, #tpu.memory_space<hbm>>
      tpu.enqueue_dma source(%dma_start3A_54 : memref<2000xi32, #tpu.memory_space<hbm>>) target(%arg15 : memref<2000xi32, #tpu.memory_space<vmem>>) target_semaphore(%run_scoped3A : memref<!tpu.dma_semaphore, #tpu.memory_space<semaphore_mem>>)
      %dma_wait3A = tpu.memref_slice %arg3[%add3A_46] : memref<320000xi32, #tpu.memory_space<hbm>> -> memref<2000xi32, #tpu.memory_space<hbm>>
      %dma_wait3A_55 = tpu.memref_slice %arg3[%add3A_46] : memref<320000xi32, #tpu.memory_space<hbm>> -> memref<2000xi32, #tpu.memory_space<hbm>>
      tpu.wait_dma2 semaphore(%run_scoped3A : memref<!tpu.dma_semaphore, #tpu.memory_space<semaphore_mem>>) src(%dma_wait3A_55 : memref<2000xi32, #tpu.memory_space<hbm>>) dst(%arg15 : memref<2000xi32, #tpu.memory_space<vmem>>)
      tpu.yield
    }) : () -> ()
    "tpu.region"() ({
      %run_scoped3A = tpu.sem_alloc : memref<!tpu.dma_semaphore, #tpu.memory_space<semaphore_mem>>
      %dma_start3A = tpu.memref_slice %arg7[%add3A_46] : memref<320000xf32, #tpu.memory_space<hbm>> -> memref<2000xf32, #tpu.memory_space<hbm>>
      %dma_start3A_54 = tpu.memref_slice %arg7[%add3A_46] : memref<320000xf32, #tpu.memory_space<hbm>> -> memref<2000xf32, #tpu.memory_space<hbm>>
      tpu.enqueue_dma source(%dma_start3A_54 : memref<2000xf32, #tpu.memory_space<hbm>>) target(%arg16 : memref<2000xf32, #tpu.memory_space<vmem>>) target_semaphore(%run_scoped3A : memref<!tpu.dma_semaphore, #tpu.memory_space<semaphore_mem>>)
      %dma_wait3A = tpu.memref_slice %arg7[%add3A_46] : memref<320000xf32, #tpu.memory_space<hbm>> -> memref<2000xf32, #tpu.memory_space<hbm>>
      %dma_wait3A_55 = tpu.memref_slice %arg7[%add3A_46] : memref<320000xf32, #tpu.memory_space<hbm>> -> memref<2000xf32, #tpu.memory_space<hbm>>
      tpu.wait_dma2 semaphore(%run_scoped3A : memref<!tpu.dma_semaphore, #tpu.memory_space<semaphore_mem>>) src(%dma_wait3A_55 : memref<2000xf32, #tpu.memory_space<hbm>>) dst(%arg16 : memref<2000xf32, #tpu.memory_space<vmem>>)
      tpu.yield
    }) : () -> ()
    %scan3A_47 = arith.constant 0 : i32
    %scan3A_48 = arith.constant 0 : i32
    %scan3A_49 = arith.constant 125 : i32
    %scan3A_50 = arith.addi %scan3A_48, %scan3A_49 : i32
    %scan3A_51 = arith.constant 1 : i32
    %scan3A_52 = scf.for %scan3A_54 = %scan3A_48 to %scan3A_50 step %scan3A_51 iter_args(%scan3A_55 = %scan3A_47) -> (i32)  : i32 {
      %mul3A_56 = arith.constant 16 : i32
      %mul3A_57 = arith.muli %scan3A_54, %mul3A_56 : i32
      %get3A = arith.index_cast %mul3A_57 : i32 to index
      %get3A_58 = tpu.vector_load %arg15[%get3A] {strides = array<i32>} : memref<2000xi32, #tpu.memory_space<vmem>>, vector<16xi32>,
      %mul3A_59 = arith.constant 16 : i32
      %mul3A_60 = arith.muli %scan3A_54, %mul3A_59 : i32
      %get3A_61 = arith.index_cast %mul3A_60 : i32 to index
      %get3A_62 = tpu.vector_load %arg14[%get3A_61] {strides = array<i32>} : memref<2000xi32, #tpu.memory_space<vmem>>, vector<16xi32>,
      %gather3A = tpu.vector_load_idx %arg10[%get3A_58] : memref<10000xf32, #tpu.memory_space<vmem>>[vector<16xi32>], vector<16xf32>,
      %gather3A_63 = tpu.vector_load_idx %arg11[%get3A_62] : memref<10000xf32, #tpu.memory_space<vmem>>[vector<16xi32>], vector<16xf32>,
      %add3A_64 = arith.addf %gather3A, %gather3A_63 : vector<16xf32>
      %ge3A = arith.constant 0.000000e+00 : f32
      %ge3A_65 = vector.broadcast %ge3A : f32 to vector<16xf32>
      %ge3A_66 = arith.cmpf oge, %add3A_64, %ge3A_65 : vector<16xf32>
      %mul3A_67 = arith.constant 2.000000e-01 : f32
      %mul3A_68 = vector.broadcast %mul3A_67 : f32 to vector<16xf32>
      %mul3A_69 = arith.mulf %mul3A_68, %add3A_64 : vector<16xf32>
      %select_n3A = arith.select %ge3A_66, %add3A_64, %mul3A_69 : vector<16xi1>, vector<16xf32>
      %exp3A = math.exp %select_n3A : vector<16xf32>
      %mul3A_70 = arith.constant 16 : i32
      %mul3A_71 = arith.muli %scan3A_54, %mul3A_70 : i32
      %get3A_72 = arith.index_cast %mul3A_71 : i32 to index
      %get3A_73 = tpu.vector_load %arg16[%get3A_72] {strides = array<i32>} : memref<2000xf32, #tpu.memory_space<vmem>>, vector<16xf32>,
      %mul3A_74 = arith.mulf %get3A_73, %exp3A : vector<16xf32>
      %gather3A_75 = tpu.vector_load_idx %arg12[%get3A_58] : memref<10000xf32, #tpu.memory_space<vmem>>[vector<16xi32>], vector<16xf32>,
      %mul3A_76 = arith.mulf %mul3A_74, %gather3A_75 : vector<16xf32>
      %mul3A_77 = arith.constant 16 : i32
      %mul3A_78 = arith.muli %scan3A_54, %mul3A_77 : i32
      %swap3A = arith.index_cast %mul3A_78 : i32 to index
      %swap3A_79 = tpu.vector_load %arg17[%swap3A] {strides = array<i32>} : memref<2000xf32, #tpu.memory_space<vmem>>, vector<16xf32>,
      tpu.vector_store %arg17[%swap3A], %mul3A_76 {strides = array<i32>} : memref<2000xf32, #tpu.memory_space<vmem>>, vector<16xf32>,
      tpu.vector_store_idx %arg13[%get3A_58], %exp3A {add = true} : memref<10000xf32, #tpu.memory_space<vmem>>[vector<16xi32>], vector<16xf32>,
      %scan3A_80 = arith.constant 0 : i32
      scf.yield %scan3A_80 : i32
    }
    %scan3A_53 = arith.constant 125 : i32
    "tpu.region"() ({
      %run_scoped3A = tpu.sem_alloc : memref<!tpu.dma_semaphore, #tpu.memory_space<semaphore_mem>>
      %dma_start3A = tpu.memref_slice %arg8[%add3A_46] : memref<320000xf32, #tpu.memory_space<hbm>> -> memref<2000xf32, #tpu.memory_space<hbm>>
      %dma_start3A_54 = tpu.memref_slice %arg8[%add3A_46] : memref<320000xf32, #tpu.memory_space<hbm>> -> memref<2000xf32, #tpu.memory_space<hbm>>
      tpu.enqueue_dma source(%arg17 : memref<2000xf32, #tpu.memory_space<vmem>>) target(%dma_start3A_54 : memref<2000xf32, #tpu.memory_space<hbm>>) target_semaphore(%run_scoped3A : memref<!tpu.dma_semaphore, #tpu.memory_space<semaphore_mem>>)
      %dma_wait3A = tpu.memref_slice %arg8[%add3A_46] : memref<320000xf32, #tpu.memory_space<hbm>> -> memref<2000xf32, #tpu.memory_space<hbm>>
      %dma_wait3A_55 = tpu.memref_slice %arg8[%add3A_46] : memref<320000xf32, #tpu.memory_space<hbm>> -> memref<2000xf32, #tpu.memory_space<hbm>>
      tpu.wait_dma2 semaphore(%run_scoped3A : memref<!tpu.dma_semaphore, #tpu.memory_space<semaphore_mem>>) src(%arg17 : memref<2000xf32, #tpu.memory_space<vmem>>) dst(%dma_wait3A_55 : memref<2000xf32, #tpu.memory_space<hbm>>)
      tpu.yield
    }) : () -> ()
    "tpu.region"() ({
      %run_scoped3A = tpu.sem_alloc : memref<!tpu.dma_semaphore, #tpu.memory_space<semaphore_mem>>
      %dma_start3A = arith.constant 0 : i32
      %dma_start3A_54 = tpu.memref_slice %arg9[%add3A, %dma_start3A] : memref<32x10000xf32, #tpu.memory_space<hbm>> -> memref<1x10000xf32, #tpu.memory_space<hbm>>
      %dma_start3A_55 = tpu.memref_squeeze %dma_start3A_54 : memref<1x10000xf32, #tpu.memory_space<hbm>> -> memref<10000xf32, #tpu.memory_space<hbm>>
      %dma_start3A_56 = arith.constant 0 : i32
      %dma_start3A_57 = tpu.memref_slice %arg9[%add3A, %dma_start3A_56] : memref<32x10000xf32, #tpu.memory_space<hbm>> -> memref<1x10000xf32, #tpu.memory_space<hbm>>
      %dma_start3A_58 = tpu.memref_squeeze %dma_start3A_57 : memref<1x10000xf32, #tpu.memory_space<hbm>> -> memref<10000xf32, #tpu.memory_space<hbm>>
      tpu.enqueue_dma source(%arg13 : memref<10000xf32, #tpu.memory_space<vmem>>) target(%dma_start3A_58 : memref<10000xf32, #tpu.memory_space<hbm>>) target_semaphore(%run_scoped3A : memref<!tpu.dma_semaphore, #tpu.memory_space<semaphore_mem>>)
      %dma_wait3A = arith.constant 0 : i32
      %dma_wait3A_59 = tpu.memref_slice %arg9[%add3A, %dma_wait3A] : memref<32x10000xf32, #tpu.memory_space<hbm>> -> memref<1x10000xf32, #tpu.memory_space<hbm>>
      %dma_wait3A_60 = tpu.memref_squeeze %dma_wait3A_59 : memref<1x10000xf32, #tpu.memory_space<hbm>> -> memref<10000xf32, #tpu.memory_space<hbm>>
      %dma_wait3A_61 = arith.constant 0 : i32
      %dma_wait3A_62 = tpu.memref_slice %arg9[%add3A, %dma_wait3A_61] : memref<32x10000xf32, #tpu.memory_space<hbm>> -> memref<1x10000xf32, #tpu.memory_space<hbm>>
      %dma_wait3A_63 = tpu.memref_squeeze %dma_wait3A_62 : memref<1x10000xf32, #tpu.memory_space<hbm>> -> memref<10000xf32, #tpu.memory_space<hbm>>
      tpu.wait_dma2 semaphore(%run_scoped3A : memref<!tpu.dma_semaphore, #tpu.memory_space<semaphore_mem>>) src(%arg13 : memref<10000xf32, #tpu.memory_space<vmem>>) dst(%dma_wait3A_63 : memref<10000xf32, #tpu.memory_space<hbm>>)
      tpu.yield
    }) : () -> ()
    return
  }
}

#map = affine_map<(d0, d1) -> (0)>
module attributes {stable_mosaic.version = 14 : i64} {
  func.func @_sc_gamma(%arg0: i32, %arg1: i32, %arg2: memref<320000xi32, #tpu.memory_space<hbm>>, %arg3: memref<320000xf32, #tpu.memory_space<hbm>>, %arg4: memref<10000xf32, #tpu.memory_space<hbm>>, %arg5: memref<320000xf32, #tpu.memory_space<hbm>>, %arg6: memref<10000xf32, #tpu.memory_space<vmem>>, %arg7: memref<2000xi32, #tpu.memory_space<vmem>>, %arg8: memref<2000xf32, #tpu.memory_space<vmem>>, %arg9: memref<2000xf32, #tpu.memory_space<vmem>>) attributes {dimension_semantics = [#tpu.dimension_semantics<core_parallel>, #tpu.dimension_semantics<subcore_parallel>], iteration_bounds = array<i64: 2, 16>, scalar_prefetch = 0 : i64, scratch_operands = 4 : i64, tpu.core_type = #tpu.core_type<sc_vector_subcore>, window_params = [{transform_indices = #map}, {transform_indices = #map}, {transform_indices = #map}, {transform_indices = #map}]} {
    %mul3A = arith.constant 2 : i32
    %mul3A_0 = arith.muli %arg1, %mul3A : i32
    %add3A = arith.addi %mul3A_0, %arg0 : i32
    %mul3A_1 = arith.constant 10000 : i32
    %mul3A_2 = arith.muli %add3A, %mul3A_1 : i32
    "tpu.region"() ({
      %run_scoped3A = tpu.sem_alloc : memref<!tpu.dma_semaphore, #tpu.memory_space<semaphore_mem>>
      tpu.enqueue_dma source(%arg4 : memref<10000xf32, #tpu.memory_space<hbm>>) target(%arg6 : memref<10000xf32, #tpu.memory_space<vmem>>) target_semaphore(%run_scoped3A : memref<!tpu.dma_semaphore, #tpu.memory_space<semaphore_mem>>)
      tpu.wait_dma2 semaphore(%run_scoped3A : memref<!tpu.dma_semaphore, #tpu.memory_space<semaphore_mem>>) src(%arg4 : memref<10000xf32, #tpu.memory_space<hbm>>) dst(%arg6 : memref<10000xf32, #tpu.memory_space<vmem>>)
      tpu.yield
    }) : () -> ()
    %add3A_3 = arith.constant 0 : i32
    %add3A_4 = arith.addi %mul3A_2, %add3A_3 : i32
    "tpu.region"() ({
      %run_scoped3A = tpu.sem_alloc : memref<!tpu.dma_semaphore, #tpu.memory_space<semaphore_mem>>
      %dma_start3A = tpu.memref_slice %arg2[%add3A_4] : memref<320000xi32, #tpu.memory_space<hbm>> -> memref<2000xi32, #tpu.memory_space<hbm>>
      %dma_start3A_47 = tpu.memref_slice %arg2[%add3A_4] : memref<320000xi32, #tpu.memory_space<hbm>> -> memref<2000xi32, #tpu.memory_space<hbm>>
      tpu.enqueue_dma source(%dma_start3A_47 : memref<2000xi32, #tpu.memory_space<hbm>>) target(%arg7 : memref<2000xi32, #tpu.memory_space<vmem>>) target_semaphore(%run_scoped3A : memref<!tpu.dma_semaphore, #tpu.memory_space<semaphore_mem>>)
      %dma_wait3A = tpu.memref_slice %arg2[%add3A_4] : memref<320000xi32, #tpu.memory_space<hbm>> -> memref<2000xi32, #tpu.memory_space<hbm>>
      %dma_wait3A_48 = tpu.memref_slice %arg2[%add3A_4] : memref<320000xi32, #tpu.memory_space<hbm>> -> memref<2000xi32, #tpu.memory_space<hbm>>
      tpu.wait_dma2 semaphore(%run_scoped3A : memref<!tpu.dma_semaphore, #tpu.memory_space<semaphore_mem>>) src(%dma_wait3A_48 : memref<2000xi32, #tpu.memory_space<hbm>>) dst(%arg7 : memref<2000xi32, #tpu.memory_space<vmem>>)
      tpu.yield
    }) : () -> ()
    "tpu.region"() ({
      %run_scoped3A = tpu.sem_alloc : memref<!tpu.dma_semaphore, #tpu.memory_space<semaphore_mem>>
      %dma_start3A = tpu.memref_slice %arg3[%add3A_4] : memref<320000xf32, #tpu.memory_space<hbm>> -> memref<2000xf32, #tpu.memory_space<hbm>>
      %dma_start3A_47 = tpu.memref_slice %arg3[%add3A_4] : memref<320000xf32, #tpu.memory_space<hbm>> -> memref<2000xf32, #tpu.memory_space<hbm>>
      tpu.enqueue_dma source(%dma_start3A_47 : memref<2000xf32, #tpu.memory_space<hbm>>) target(%arg8 : memref<2000xf32, #tpu.memory_space<vmem>>) target_semaphore(%run_scoped3A : memref<!tpu.dma_semaphore, #tpu.memory_space<semaphore_mem>>)
      %dma_wait3A = tpu.memref_slice %arg3[%add3A_4] : memref<320000xf32, #tpu.memory_space<hbm>> -> memref<2000xf32, #tpu.memory_space<hbm>>
      %dma_wait3A_48 = tpu.memref_slice %arg3[%add3A_4] : memref<320000xf32, #tpu.memory_space<hbm>> -> memref<2000xf32, #tpu.memory_space<hbm>>
      tpu.wait_dma2 semaphore(%run_scoped3A : memref<!tpu.dma_semaphore, #tpu.memory_space<semaphore_mem>>) src(%dma_wait3A_48 : memref<2000xf32, #tpu.memory_space<hbm>>) dst(%arg8 : memref<2000xf32, #tpu.memory_space<vmem>>)
      tpu.yield
    }) : () -> ()
    %scan3A = arith.constant 0 : i32
    %scan3A_5 = arith.constant 0 : i32
    %scan3A_6 = arith.constant 125 : i32
    %scan3A_7 = arith.addi %scan3A_5, %scan3A_6 : i32
    %scan3A_8 = arith.constant 1 : i32
    %scan3A_9 = scf.for %scan3A_47 = %scan3A_5 to %scan3A_7 step %scan3A_8 iter_args(%scan3A_48 = %scan3A) -> (i32)  : i32 {
      %mul3A_49 = arith.constant 16 : i32
      %mul3A_50 = arith.muli %scan3A_47, %mul3A_49 : i32
      %get3A = arith.index_cast %mul3A_50 : i32 to index
      %get3A_51 = tpu.vector_load %arg7[%get3A] {strides = array<i32>} : memref<2000xi32, #tpu.memory_space<vmem>>, vector<16xi32>,
      %mul3A_52 = arith.constant 16 : i32
      %mul3A_53 = arith.muli %scan3A_47, %mul3A_52 : i32
      %get3A_54 = arith.index_cast %mul3A_53 : i32 to index
      %get3A_55 = tpu.vector_load %arg8[%get3A_54] {strides = array<i32>} : memref<2000xf32, #tpu.memory_space<vmem>>, vector<16xf32>,
      %gather3A = tpu.vector_load_idx %arg6[%get3A_51] : memref<10000xf32, #tpu.memory_space<vmem>>[vector<16xi32>], vector<16xf32>,
      %mul3A_56 = arith.mulf %get3A_55, %gather3A : vector<16xf32>
      %mul3A_57 = arith.constant 16 : i32
      %mul3A_58 = arith.muli %scan3A_47, %mul3A_57 : i32
      %swap3A = arith.index_cast %mul3A_58 : i32 to index
      %swap3A_59 = tpu.vector_load %arg9[%swap3A] {strides = array<i32>} : memref<2000xf32, #tpu.memory_space<vmem>>, vector<16xf32>,
      tpu.vector_store %arg9[%swap3A], %mul3A_56 {strides = array<i32>} : memref<2000xf32, #tpu.memory_space<vmem>>, vector<16xf32>,
      %scan3A_60 = arith.constant 0 : i32
      scf.yield %scan3A_60 : i32
    }
    %scan3A_10 = arith.constant 125 : i32
    "tpu.region"() ({
      %run_scoped3A = tpu.sem_alloc : memref<!tpu.dma_semaphore, #tpu.memory_space<semaphore_mem>>
      %dma_start3A = tpu.memref_slice %arg5[%add3A_4] : memref<320000xf32, #tpu.memory_space<hbm>> -> memref<2000xf32, #tpu.memory_space<hbm>>
      %dma_start3A_47 = tpu.memref_slice %arg5[%add3A_4] : memref<320000xf32, #tpu.memory_space<hbm>> -> memref<2000xf32, #tpu.memory_space<hbm>>
      tpu.enqueue_dma source(%arg9 : memref<2000xf32, #tpu.memory_space<vmem>>) target(%dma_start3A_47 : memref<2000xf32, #tpu.memory_space<hbm>>) target_semaphore(%run_scoped3A : memref<!tpu.dma_semaphore, #tpu.memory_space<semaphore_mem>>)
      %dma_wait3A = tpu.memref_slice %arg5[%add3A_4] : memref<320000xf32, #tpu.memory_space<hbm>> -> memref<2000xf32, #tpu.memory_space<hbm>>
      %dma_wait3A_48 = tpu.memref_slice %arg5[%add3A_4] : memref<320000xf32, #tpu.memory_space<hbm>> -> memref<2000xf32, #tpu.memory_space<hbm>>
      tpu.wait_dma2 semaphore(%run_scoped3A : memref<!tpu.dma_semaphore, #tpu.memory_space<semaphore_mem>>) src(%arg9 : memref<2000xf32, #tpu.memory_space<vmem>>) dst(%dma_wait3A_48 : memref<2000xf32, #tpu.memory_space<hbm>>)
      tpu.yield
    }) : () -> ()
    %add3A_11 = arith.constant 2000 : i32
    %add3A_12 = arith.addi %mul3A_2, %add3A_11 : i32
    "tpu.region"() ({
      %run_scoped3A = tpu.sem_alloc : memref<!tpu.dma_semaphore, #tpu.memory_space<semaphore_mem>>
      %dma_start3A = tpu.memref_slice %arg2[%add3A_12] : memref<320000xi32, #tpu.memory_space<hbm>> -> memref<2000xi32, #tpu.memory_space<hbm>>
      %dma_start3A_47 = tpu.memref_slice %arg2[%add3A_12] : memref<320000xi32, #tpu.memory_space<hbm>> -> memref<2000xi32, #tpu.memory_space<hbm>>
      tpu.enqueue_dma source(%dma_start3A_47 : memref<2000xi32, #tpu.memory_space<hbm>>) target(%arg7 : memref<2000xi32, #tpu.memory_space<vmem>>) target_semaphore(%run_scoped3A : memref<!tpu.dma_semaphore, #tpu.memory_space<semaphore_mem>>)
      %dma_wait3A = tpu.memref_slice %arg2[%add3A_12] : memref<320000xi32, #tpu.memory_space<hbm>> -> memref<2000xi32, #tpu.memory_space<hbm>>
      %dma_wait3A_48 = tpu.memref_slice %arg2[%add3A_12] : memref<320000xi32, #tpu.memory_space<hbm>> -> memref<2000xi32, #tpu.memory_space<hbm>>
      tpu.wait_dma2 semaphore(%run_scoped3A : memref<!tpu.dma_semaphore, #tpu.memory_space<semaphore_mem>>) src(%dma_wait3A_48 : memref<2000xi32, #tpu.memory_space<hbm>>) dst(%arg7 : memref<2000xi32, #tpu.memory_space<vmem>>)
      tpu.yield
    }) : () -> ()
    "tpu.region"() ({
      %run_scoped3A = tpu.sem_alloc : memref<!tpu.dma_semaphore, #tpu.memory_space<semaphore_mem>>
      %dma_start3A = tpu.memref_slice %arg3[%add3A_12] : memref<320000xf32, #tpu.memory_space<hbm>> -> memref<2000xf32, #tpu.memory_space<hbm>>
      %dma_start3A_47 = tpu.memref_slice %arg3[%add3A_12] : memref<320000xf32, #tpu.memory_space<hbm>> -> memref<2000xf32, #tpu.memory_space<hbm>>
      tpu.enqueue_dma source(%dma_start3A_47 : memref<2000xf32, #tpu.memory_space<hbm>>) target(%arg8 : memref<2000xf32, #tpu.memory_space<vmem>>) target_semaphore(%run_scoped3A : memref<!tpu.dma_semaphore, #tpu.memory_space<semaphore_mem>>)
      %dma_wait3A = tpu.memref_slice %arg3[%add3A_12] : memref<320000xf32, #tpu.memory_space<hbm>> -> memref<2000xf32, #tpu.memory_space<hbm>>
      %dma_wait3A_48 = tpu.memref_slice %arg3[%add3A_12] : memref<320000xf32, #tpu.memory_space<hbm>> -> memref<2000xf32, #tpu.memory_space<hbm>>
      tpu.wait_dma2 semaphore(%run_scoped3A : memref<!tpu.dma_semaphore, #tpu.memory_space<semaphore_mem>>) src(%dma_wait3A_48 : memref<2000xf32, #tpu.memory_space<hbm>>) dst(%arg8 : memref<2000xf32, #tpu.memory_space<vmem>>)
      tpu.yield
    }) : () -> ()
    %scan3A_13 = arith.constant 0 : i32
    %scan3A_14 = arith.constant 0 : i32
    %scan3A_15 = arith.constant 125 : i32
    %scan3A_16 = arith.addi %scan3A_14, %scan3A_15 : i32
    %scan3A_17 = arith.constant 1 : i32
    %scan3A_18 = scf.for %scan3A_47 = %scan3A_14 to %scan3A_16 step %scan3A_17 iter_args(%scan3A_48 = %scan3A_13) -> (i32)  : i32 {
      %mul3A_49 = arith.constant 16 : i32
      %mul3A_50 = arith.muli %scan3A_47, %mul3A_49 : i32
      %get3A = arith.index_cast %mul3A_50 : i32 to index
      %get3A_51 = tpu.vector_load %arg7[%get3A] {strides = array<i32>} : memref<2000xi32, #tpu.memory_space<vmem>>, vector<16xi32>,
      %mul3A_52 = arith.constant 16 : i32
      %mul3A_53 = arith.muli %scan3A_47, %mul3A_52 : i32
      %get3A_54 = arith.index_cast %mul3A_53 : i32 to index
      %get3A_55 = tpu.vector_load %arg8[%get3A_54] {strides = array<i32>} : memref<2000xf32, #tpu.memory_space<vmem>>, vector<16xf32>,
      %gather3A = tpu.vector_load_idx %arg6[%get3A_51] : memref<10000xf32, #tpu.memory_space<vmem>>[vector<16xi32>], vector<16xf32>,
      %mul3A_56 = arith.mulf %get3A_55, %gather3A : vector<16xf32>
      %mul3A_57 = arith.constant 16 : i32
      %mul3A_58 = arith.muli %scan3A_47, %mul3A_57 : i32
      %swap3A = arith.index_cast %mul3A_58 : i32 to index
      %swap3A_59 = tpu.vector_load %arg9[%swap3A] {strides = array<i32>} : memref<2000xf32, #tpu.memory_space<vmem>>, vector<16xf32>,
      tpu.vector_store %arg9[%swap3A], %mul3A_56 {strides = array<i32>} : memref<2000xf32, #tpu.memory_space<vmem>>, vector<16xf32>,
      %scan3A_60 = arith.constant 0 : i32
      scf.yield %scan3A_60 : i32
    }
    %scan3A_19 = arith.constant 125 : i32
    "tpu.region"() ({
      %run_scoped3A = tpu.sem_alloc : memref<!tpu.dma_semaphore, #tpu.memory_space<semaphore_mem>>
      %dma_start3A = tpu.memref_slice %arg5[%add3A_12] : memref<320000xf32, #tpu.memory_space<hbm>> -> memref<2000xf32, #tpu.memory_space<hbm>>
      %dma_start3A_47 = tpu.memref_slice %arg5[%add3A_12] : memref<320000xf32, #tpu.memory_space<hbm>> -> memref<2000xf32, #tpu.memory_space<hbm>>
      tpu.enqueue_dma source(%arg9 : memref<2000xf32, #tpu.memory_space<vmem>>) target(%dma_start3A_47 : memref<2000xf32, #tpu.memory_space<hbm>>) target_semaphore(%run_scoped3A : memref<!tpu.dma_semaphore, #tpu.memory_space<semaphore_mem>>)
      %dma_wait3A = tpu.memref_slice %arg5[%add3A_12] : memref<320000xf32, #tpu.memory_space<hbm>> -> memref<2000xf32, #tpu.memory_space<hbm>>
      %dma_wait3A_48 = tpu.memref_slice %arg5[%add3A_12] : memref<320000xf32, #tpu.memory_space<hbm>> -> memref<2000xf32, #tpu.memory_space<hbm>>
      tpu.wait_dma2 semaphore(%run_scoped3A : memref<!tpu.dma_semaphore, #tpu.memory_space<semaphore_mem>>) src(%arg9 : memref<2000xf32, #tpu.memory_space<vmem>>) dst(%dma_wait3A_48 : memref<2000xf32, #tpu.memory_space<hbm>>)
      tpu.yield
    }) : () -> ()
    %add3A_20 = arith.constant 4000 : i32
    %add3A_21 = arith.addi %mul3A_2, %add3A_20 : i32
    "tpu.region"() ({
      %run_scoped3A = tpu.sem_alloc : memref<!tpu.dma_semaphore, #tpu.memory_space<semaphore_mem>>
      %dma_start3A = tpu.memref_slice %arg2[%add3A_21] : memref<320000xi32, #tpu.memory_space<hbm>> -> memref<2000xi32, #tpu.memory_space<hbm>>
      %dma_start3A_47 = tpu.memref_slice %arg2[%add3A_21] : memref<320000xi32, #tpu.memory_space<hbm>> -> memref<2000xi32, #tpu.memory_space<hbm>>
      tpu.enqueue_dma source(%dma_start3A_47 : memref<2000xi32, #tpu.memory_space<hbm>>) target(%arg7 : memref<2000xi32, #tpu.memory_space<vmem>>) target_semaphore(%run_scoped3A : memref<!tpu.dma_semaphore, #tpu.memory_space<semaphore_mem>>)
      %dma_wait3A = tpu.memref_slice %arg2[%add3A_21] : memref<320000xi32, #tpu.memory_space<hbm>> -> memref<2000xi32, #tpu.memory_space<hbm>>
      %dma_wait3A_48 = tpu.memref_slice %arg2[%add3A_21] : memref<320000xi32, #tpu.memory_space<hbm>> -> memref<2000xi32, #tpu.memory_space<hbm>>
      tpu.wait_dma2 semaphore(%run_scoped3A : memref<!tpu.dma_semaphore, #tpu.memory_space<semaphore_mem>>) src(%dma_wait3A_48 : memref<2000xi32, #tpu.memory_space<hbm>>) dst(%arg7 : memref<2000xi32, #tpu.memory_space<vmem>>)
      tpu.yield
    }) : () -> ()
    "tpu.region"() ({
      %run_scoped3A = tpu.sem_alloc : memref<!tpu.dma_semaphore, #tpu.memory_space<semaphore_mem>>
      %dma_start3A = tpu.memref_slice %arg3[%add3A_21] : memref<320000xf32, #tpu.memory_space<hbm>> -> memref<2000xf32, #tpu.memory_space<hbm>>
      %dma_start3A_47 = tpu.memref_slice %arg3[%add3A_21] : memref<320000xf32, #tpu.memory_space<hbm>> -> memref<2000xf32, #tpu.memory_space<hbm>>
      tpu.enqueue_dma source(%dma_start3A_47 : memref<2000xf32, #tpu.memory_space<hbm>>) target(%arg8 : memref<2000xf32, #tpu.memory_space<vmem>>) target_semaphore(%run_scoped3A : memref<!tpu.dma_semaphore, #tpu.memory_space<semaphore_mem>>)
      %dma_wait3A = tpu.memref_slice %arg3[%add3A_21] : memref<320000xf32, #tpu.memory_space<hbm>> -> memref<2000xf32, #tpu.memory_space<hbm>>
      %dma_wait3A_48 = tpu.memref_slice %arg3[%add3A_21] : memref<320000xf32, #tpu.memory_space<hbm>> -> memref<2000xf32, #tpu.memory_space<hbm>>
      tpu.wait_dma2 semaphore(%run_scoped3A : memref<!tpu.dma_semaphore, #tpu.memory_space<semaphore_mem>>) src(%dma_wait3A_48 : memref<2000xf32, #tpu.memory_space<hbm>>) dst(%arg8 : memref<2000xf32, #tpu.memory_space<vmem>>)
      tpu.yield
    }) : () -> ()
    %scan3A_22 = arith.constant 0 : i32
    %scan3A_23 = arith.constant 0 : i32
    %scan3A_24 = arith.constant 125 : i32
    %scan3A_25 = arith.addi %scan3A_23, %scan3A_24 : i32
    %scan3A_26 = arith.constant 1 : i32
    %scan3A_27 = scf.for %scan3A_47 = %scan3A_23 to %scan3A_25 step %scan3A_26 iter_args(%scan3A_48 = %scan3A_22) -> (i32)  : i32 {
      %mul3A_49 = arith.constant 16 : i32
      %mul3A_50 = arith.muli %scan3A_47, %mul3A_49 : i32
      %get3A = arith.index_cast %mul3A_50 : i32 to index
      %get3A_51 = tpu.vector_load %arg7[%get3A] {strides = array<i32>} : memref<2000xi32, #tpu.memory_space<vmem>>, vector<16xi32>,
      %mul3A_52 = arith.constant 16 : i32
      %mul3A_53 = arith.muli %scan3A_47, %mul3A_52 : i32
      %get3A_54 = arith.index_cast %mul3A_53 : i32 to index
      %get3A_55 = tpu.vector_load %arg8[%get3A_54] {strides = array<i32>} : memref<2000xf32, #tpu.memory_space<vmem>>, vector<16xf32>,
      %gather3A = tpu.vector_load_idx %arg6[%get3A_51] : memref<10000xf32, #tpu.memory_space<vmem>>[vector<16xi32>], vector<16xf32>,
      %mul3A_56 = arith.mulf %get3A_55, %gather3A : vector<16xf32>
      %mul3A_57 = arith.constant 16 : i32
      %mul3A_58 = arith.muli %scan3A_47, %mul3A_57 : i32
      %swap3A = arith.index_cast %mul3A_58 : i32 to index
      %swap3A_59 = tpu.vector_load %arg9[%swap3A] {strides = array<i32>} : memref<2000xf32, #tpu.memory_space<vmem>>, vector<16xf32>,
      tpu.vector_store %arg9[%swap3A], %mul3A_56 {strides = array<i32>} : memref<2000xf32, #tpu.memory_space<vmem>>, vector<16xf32>,
      %scan3A_60 = arith.constant 0 : i32
      scf.yield %scan3A_60 : i32
    }
    %scan3A_28 = arith.constant 125 : i32
    "tpu.region"() ({
      %run_scoped3A = tpu.sem_alloc : memref<!tpu.dma_semaphore, #tpu.memory_space<semaphore_mem>>
      %dma_start3A = tpu.memref_slice %arg5[%add3A_21] : memref<320000xf32, #tpu.memory_space<hbm>> -> memref<2000xf32, #tpu.memory_space<hbm>>
      %dma_start3A_47 = tpu.memref_slice %arg5[%add3A_21] : memref<320000xf32, #tpu.memory_space<hbm>> -> memref<2000xf32, #tpu.memory_space<hbm>>
      tpu.enqueue_dma source(%arg9 : memref<2000xf32, #tpu.memory_space<vmem>>) target(%dma_start3A_47 : memref<2000xf32, #tpu.memory_space<hbm>>) target_semaphore(%run_scoped3A : memref<!tpu.dma_semaphore, #tpu.memory_space<semaphore_mem>>)
      %dma_wait3A = tpu.memref_slice %arg5[%add3A_21] : memref<320000xf32, #tpu.memory_space<hbm>> -> memref<2000xf32, #tpu.memory_space<hbm>>
      %dma_wait3A_48 = tpu.memref_slice %arg5[%add3A_21] : memref<320000xf32, #tpu.memory_space<hbm>> -> memref<2000xf32, #tpu.memory_space<hbm>>
      tpu.wait_dma2 semaphore(%run_scoped3A : memref<!tpu.dma_semaphore, #tpu.memory_space<semaphore_mem>>) src(%arg9 : memref<2000xf32, #tpu.memory_space<vmem>>) dst(%dma_wait3A_48 : memref<2000xf32, #tpu.memory_space<hbm>>)
      tpu.yield
    }) : () -> ()
    %add3A_29 = arith.constant 6000 : i32
    %add3A_30 = arith.addi %mul3A_2, %add3A_29 : i32
    "tpu.region"() ({
      %run_scoped3A = tpu.sem_alloc : memref<!tpu.dma_semaphore, #tpu.memory_space<semaphore_mem>>
      %dma_start3A = tpu.memref_slice %arg2[%add3A_30] : memref<320000xi32, #tpu.memory_space<hbm>> -> memref<2000xi32, #tpu.memory_space<hbm>>
      %dma_start3A_47 = tpu.memref_slice %arg2[%add3A_30] : memref<320000xi32, #tpu.memory_space<hbm>> -> memref<2000xi32, #tpu.memory_space<hbm>>
      tpu.enqueue_dma source(%dma_start3A_47 : memref<2000xi32, #tpu.memory_space<hbm>>) target(%arg7 : memref<2000xi32, #tpu.memory_space<vmem>>) target_semaphore(%run_scoped3A : memref<!tpu.dma_semaphore, #tpu.memory_space<semaphore_mem>>)
      %dma_wait3A = tpu.memref_slice %arg2[%add3A_30] : memref<320000xi32, #tpu.memory_space<hbm>> -> memref<2000xi32, #tpu.memory_space<hbm>>
      %dma_wait3A_48 = tpu.memref_slice %arg2[%add3A_30] : memref<320000xi32, #tpu.memory_space<hbm>> -> memref<2000xi32, #tpu.memory_space<hbm>>
      tpu.wait_dma2 semaphore(%run_scoped3A : memref<!tpu.dma_semaphore, #tpu.memory_space<semaphore_mem>>) src(%dma_wait3A_48 : memref<2000xi32, #tpu.memory_space<hbm>>) dst(%arg7 : memref<2000xi32, #tpu.memory_space<vmem>>)
      tpu.yield
    }) : () -> ()
    "tpu.region"() ({
      %run_scoped3A = tpu.sem_alloc : memref<!tpu.dma_semaphore, #tpu.memory_space<semaphore_mem>>
      %dma_start3A = tpu.memref_slice %arg3[%add3A_30] : memref<320000xf32, #tpu.memory_space<hbm>> -> memref<2000xf32, #tpu.memory_space<hbm>>
      %dma_start3A_47 = tpu.memref_slice %arg3[%add3A_30] : memref<320000xf32, #tpu.memory_space<hbm>> -> memref<2000xf32, #tpu.memory_space<hbm>>
      tpu.enqueue_dma source(%dma_start3A_47 : memref<2000xf32, #tpu.memory_space<hbm>>) target(%arg8 : memref<2000xf32, #tpu.memory_space<vmem>>) target_semaphore(%run_scoped3A : memref<!tpu.dma_semaphore, #tpu.memory_space<semaphore_mem>>)
      %dma_wait3A = tpu.memref_slice %arg3[%add3A_30] : memref<320000xf32, #tpu.memory_space<hbm>> -> memref<2000xf32, #tpu.memory_space<hbm>>
      %dma_wait3A_48 = tpu.memref_slice %arg3[%add3A_30] : memref<320000xf32, #tpu.memory_space<hbm>> -> memref<2000xf32, #tpu.memory_space<hbm>>
      tpu.wait_dma2 semaphore(%run_scoped3A : memref<!tpu.dma_semaphore, #tpu.memory_space<semaphore_mem>>) src(%dma_wait3A_48 : memref<2000xf32, #tpu.memory_space<hbm>>) dst(%arg8 : memref<2000xf32, #tpu.memory_space<vmem>>)
      tpu.yield
    }) : () -> ()
    %scan3A_31 = arith.constant 0 : i32
    %scan3A_32 = arith.constant 0 : i32
    %scan3A_33 = arith.constant 125 : i32
    %scan3A_34 = arith.addi %scan3A_32, %scan3A_33 : i32
    %scan3A_35 = arith.constant 1 : i32
    %scan3A_36 = scf.for %scan3A_47 = %scan3A_32 to %scan3A_34 step %scan3A_35 iter_args(%scan3A_48 = %scan3A_31) -> (i32)  : i32 {
      %mul3A_49 = arith.constant 16 : i32
      %mul3A_50 = arith.muli %scan3A_47, %mul3A_49 : i32
      %get3A = arith.index_cast %mul3A_50 : i32 to index
      %get3A_51 = tpu.vector_load %arg7[%get3A] {strides = array<i32>} : memref<2000xi32, #tpu.memory_space<vmem>>, vector<16xi32>,
      %mul3A_52 = arith.constant 16 : i32
      %mul3A_53 = arith.muli %scan3A_47, %mul3A_52 : i32
      %get3A_54 = arith.index_cast %mul3A_53 : i32 to index
      %get3A_55 = tpu.vector_load %arg8[%get3A_54] {strides = array<i32>} : memref<2000xf32, #tpu.memory_space<vmem>>, vector<16xf32>,
      %gather3A = tpu.vector_load_idx %arg6[%get3A_51] : memref<10000xf32, #tpu.memory_space<vmem>>[vector<16xi32>], vector<16xf32>,
      %mul3A_56 = arith.mulf %get3A_55, %gather3A : vector<16xf32>
      %mul3A_57 = arith.constant 16 : i32
      %mul3A_58 = arith.muli %scan3A_47, %mul3A_57 : i32
      %swap3A = arith.index_cast %mul3A_58 : i32 to index
      %swap3A_59 = tpu.vector_load %arg9[%swap3A] {strides = array<i32>} : memref<2000xf32, #tpu.memory_space<vmem>>, vector<16xf32>,
      tpu.vector_store %arg9[%swap3A], %mul3A_56 {strides = array<i32>} : memref<2000xf32, #tpu.memory_space<vmem>>, vector<16xf32>,
      %scan3A_60 = arith.constant 0 : i32
      scf.yield %scan3A_60 : i32
    }
    %scan3A_37 = arith.constant 125 : i32
    "tpu.region"() ({
      %run_scoped3A = tpu.sem_alloc : memref<!tpu.dma_semaphore, #tpu.memory_space<semaphore_mem>>
      %dma_start3A = tpu.memref_slice %arg5[%add3A_30] : memref<320000xf32, #tpu.memory_space<hbm>> -> memref<2000xf32, #tpu.memory_space<hbm>>
      %dma_start3A_47 = tpu.memref_slice %arg5[%add3A_30] : memref<320000xf32, #tpu.memory_space<hbm>> -> memref<2000xf32, #tpu.memory_space<hbm>>
      tpu.enqueue_dma source(%arg9 : memref<2000xf32, #tpu.memory_space<vmem>>) target(%dma_start3A_47 : memref<2000xf32, #tpu.memory_space<hbm>>) target_semaphore(%run_scoped3A : memref<!tpu.dma_semaphore, #tpu.memory_space<semaphore_mem>>)
      %dma_wait3A = tpu.memref_slice %arg5[%add3A_30] : memref<320000xf32, #tpu.memory_space<hbm>> -> memref<2000xf32, #tpu.memory_space<hbm>>
      %dma_wait3A_48 = tpu.memref_slice %arg5[%add3A_30] : memref<320000xf32, #tpu.memory_space<hbm>> -> memref<2000xf32, #tpu.memory_space<hbm>>
      tpu.wait_dma2 semaphore(%run_scoped3A : memref<!tpu.dma_semaphore, #tpu.memory_space<semaphore_mem>>) src(%arg9 : memref<2000xf32, #tpu.memory_space<vmem>>) dst(%dma_wait3A_48 : memref<2000xf32, #tpu.memory_space<hbm>>)
      tpu.yield
    }) : () -> ()
    %add3A_38 = arith.constant 8000 : i32
    %add3A_39 = arith.addi %mul3A_2, %add3A_38 : i32
    "tpu.region"() ({
      %run_scoped3A = tpu.sem_alloc : memref<!tpu.dma_semaphore, #tpu.memory_space<semaphore_mem>>
      %dma_start3A = tpu.memref_slice %arg2[%add3A_39] : memref<320000xi32, #tpu.memory_space<hbm>> -> memref<2000xi32, #tpu.memory_space<hbm>>
      %dma_start3A_47 = tpu.memref_slice %arg2[%add3A_39] : memref<320000xi32, #tpu.memory_space<hbm>> -> memref<2000xi32, #tpu.memory_space<hbm>>
      tpu.enqueue_dma source(%dma_start3A_47 : memref<2000xi32, #tpu.memory_space<hbm>>) target(%arg7 : memref<2000xi32, #tpu.memory_space<vmem>>) target_semaphore(%run_scoped3A : memref<!tpu.dma_semaphore, #tpu.memory_space<semaphore_mem>>)
      %dma_wait3A = tpu.memref_slice %arg2[%add3A_39] : memref<320000xi32, #tpu.memory_space<hbm>> -> memref<2000xi32, #tpu.memory_space<hbm>>
      %dma_wait3A_48 = tpu.memref_slice %arg2[%add3A_39] : memref<320000xi32, #tpu.memory_space<hbm>> -> memref<2000xi32, #tpu.memory_space<hbm>>
      tpu.wait_dma2 semaphore(%run_scoped3A : memref<!tpu.dma_semaphore, #tpu.memory_space<semaphore_mem>>) src(%dma_wait3A_48 : memref<2000xi32, #tpu.memory_space<hbm>>) dst(%arg7 : memref<2000xi32, #tpu.memory_space<vmem>>)
      tpu.yield
    }) : () -> ()
    "tpu.region"() ({
      %run_scoped3A = tpu.sem_alloc : memref<!tpu.dma_semaphore, #tpu.memory_space<semaphore_mem>>
      %dma_start3A = tpu.memref_slice %arg3[%add3A_39] : memref<320000xf32, #tpu.memory_space<hbm>> -> memref<2000xf32, #tpu.memory_space<hbm>>
      %dma_start3A_47 = tpu.memref_slice %arg3[%add3A_39] : memref<320000xf32, #tpu.memory_space<hbm>> -> memref<2000xf32, #tpu.memory_space<hbm>>
      tpu.enqueue_dma source(%dma_start3A_47 : memref<2000xf32, #tpu.memory_space<hbm>>) target(%arg8 : memref<2000xf32, #tpu.memory_space<vmem>>) target_semaphore(%run_scoped3A : memref<!tpu.dma_semaphore, #tpu.memory_space<semaphore_mem>>)
      %dma_wait3A = tpu.memref_slice %arg3[%add3A_39] : memref<320000xf32, #tpu.memory_space<hbm>> -> memref<2000xf32, #tpu.memory_space<hbm>>
      %dma_wait3A_48 = tpu.memref_slice %arg3[%add3A_39] : memref<320000xf32, #tpu.memory_space<hbm>> -> memref<2000xf32, #tpu.memory_space<hbm>>
      tpu.wait_dma2 semaphore(%run_scoped3A : memref<!tpu.dma_semaphore, #tpu.memory_space<semaphore_mem>>) src(%dma_wait3A_48 : memref<2000xf32, #tpu.memory_space<hbm>>) dst(%arg8 : memref<2000xf32, #tpu.memory_space<vmem>>)
      tpu.yield
    }) : () -> ()
    %scan3A_40 = arith.constant 0 : i32
    %scan3A_41 = arith.constant 0 : i32
    %scan3A_42 = arith.constant 125 : i32
    %scan3A_43 = arith.addi %scan3A_41, %scan3A_42 : i32
    %scan3A_44 = arith.constant 1 : i32
    %scan3A_45 = scf.for %scan3A_47 = %scan3A_41 to %scan3A_43 step %scan3A_44 iter_args(%scan3A_48 = %scan3A_40) -> (i32)  : i32 {
      %mul3A_49 = arith.constant 16 : i32
      %mul3A_50 = arith.muli %scan3A_47, %mul3A_49 : i32
      %get3A = arith.index_cast %mul3A_50 : i32 to index
      %get3A_51 = tpu.vector_load %arg7[%get3A] {strides = array<i32>} : memref<2000xi32, #tpu.memory_space<vmem>>, vector<16xi32>,
      %mul3A_52 = arith.constant 16 : i32
      %mul3A_53 = arith.muli %scan3A_47, %mul3A_52 : i32
      %get3A_54 = arith.index_cast %mul3A_53 : i32 to index
      %get3A_55 = tpu.vector_load %arg8[%get3A_54] {strides = array<i32>} : memref<2000xf32, #tpu.memory_space<vmem>>, vector<16xf32>,
      %gather3A = tpu.vector_load_idx %arg6[%get3A_51] : memref<10000xf32, #tpu.memory_space<vmem>>[vector<16xi32>], vector<16xf32>,
      %mul3A_56 = arith.mulf %get3A_55, %gather3A : vector<16xf32>
      %mul3A_57 = arith.constant 16 : i32
      %mul3A_58 = arith.muli %scan3A_47, %mul3A_57 : i32
      %swap3A = arith.index_cast %mul3A_58 : i32 to index
      %swap3A_59 = tpu.vector_load %arg9[%swap3A] {strides = array<i32>} : memref<2000xf32, #tpu.memory_space<vmem>>, vector<16xf32>,
      tpu.vector_store %arg9[%swap3A], %mul3A_56 {strides = array<i32>} : memref<2000xf32, #tpu.memory_space<vmem>>, vector<16xf32>,
      %scan3A_60 = arith.constant 0 : i32
      scf.yield %scan3A_60 : i32
    }
    %scan3A_46 = arith.constant 125 : i32
    "tpu.region"() ({
      %run_scoped3A = tpu.sem_alloc : memref<!tpu.dma_semaphore, #tpu.memory_space<semaphore_mem>>
      %dma_start3A = tpu.memref_slice %arg5[%add3A_39] : memref<320000xf32, #tpu.memory_space<hbm>> -> memref<2000xf32, #tpu.memory_space<hbm>>
      %dma_start3A_47 = tpu.memref_slice %arg5[%add3A_39] : memref<320000xf32, #tpu.memory_space<hbm>> -> memref<2000xf32, #tpu.memory_space<hbm>>
      tpu.enqueue_dma source(%arg9 : memref<2000xf32, #tpu.memory_space<vmem>>) target(%dma_start3A_47 : memref<2000xf32, #tpu.memory_space<hbm>>) target_semaphore(%run_scoped3A : memref<!tpu.dma_semaphore, #tpu.memory_space<semaphore_mem>>)
      %dma_wait3A = tpu.memref_slice %arg5[%add3A_39] : memref<320000xf32, #tpu.memory_space<hbm>> -> memref<2000xf32, #tpu.memory_space<hbm>>
      %dma_wait3A_48 = tpu.memref_slice %arg5[%add3A_39] : memref<320000xf32, #tpu.memory_space<hbm>> -> memref<2000xf32, #tpu.memory_space<hbm>>
      tpu.wait_dma2 semaphore(%run_scoped3A : memref<!tpu.dma_semaphore, #tpu.memory_space<semaphore_mem>>) src(%arg9 : memref<2000xf32, #tpu.memory_space<vmem>>) dst(%dma_wait3A_48 : memref<2000xf32, #tpu.memory_space<hbm>>)
      tpu.yield
    }) : () -> ()
    return
  }
}

#map = affine_map<(d0, d1) -> (0, 0)>
#map1 = affine_map<(d0, d1) -> (0)>
module attributes {stable_mosaic.version = 14 : i64} {
  func.func @_sc_edge_out(%arg0: i32, %arg1: i32, %arg2: memref<10000x128xi32, #tpu.memory_space<hbm>>, %arg3: memref<320000xf32, #tpu.memory_space<hbm>>, %arg4: memref<320000x128xf32, #tpu.memory_space<hbm>>, %arg5: memref<10000x128xf32, #tpu.memory_space<hbm>>, %arg6: memref<320000x128xf32, #tpu.memory_space<hbm>>, %arg7: memref<8x128xi32, #tpu.memory_space<vmem>>, %arg8: memref<256xf32, #tpu.memory_space<vmem>>, %arg9: memref<256x128xf32, #tpu.memory_space<vmem>>, %arg10: memref<256x128xf32, #tpu.memory_space<vmem>>, %arg11: memref<!tpu.dma_semaphore, #tpu.memory_space<semaphore_mem>>) attributes {dimension_semantics = [#tpu.dimension_semantics<core_parallel>, #tpu.dimension_semantics<subcore_parallel>], iteration_bounds = array<i64: 2, 16>, scalar_prefetch = 0 : i64, scratch_operands = 5 : i64, tpu.core_type = #tpu.core_type<sc_vector_subcore>, window_params = [{transform_indices = #map}, {transform_indices = #map1}, {transform_indices = #map}, {transform_indices = #map}, {transform_indices = #map}]} {
    %mul3A = arith.constant 2 : i32
    %mul3A_0 = arith.muli %arg1, %mul3A : i32
    %add3A = arith.addi %mul3A_0, %arg0 : i32
    %scan3A = arith.constant 0 : i32
    %scan3A_1 = arith.constant 0 : i32
    %scan3A_2 = arith.constant 40 : i32
    %scan3A_3 = arith.addi %scan3A_1, %scan3A_2 : i32
    %scan3A_4 = arith.constant 1 : i32
    %scan3A_5 = scf.for %scan3A_7 = %scan3A_1 to %scan3A_3 step %scan3A_4 iter_args(%scan3A_8 = %scan3A) -> (i32)  : i32 {
      %mul3A_9 = arith.constant 32 : i32
      %mul3A_10 = arith.muli %scan3A_7, %mul3A_9 : i32
      %add3A_11 = arith.addi %add3A, %mul3A_10 : i32
      %lt3A = arith.constant 1250 : i32
      %lt3A_12 = arith.cmpi slt, %add3A_11, %lt3A : i32
      %convert_element_type3A = arith.extui %lt3A_12 : i1 to i32
      %cond3A = arith.constant 0 : i32
      %cond3A_13 = arith.cmpi ne, %convert_element_type3A, %cond3A : i32
      scf.if %cond3A_13 {
        %mul3A_15 = arith.constant 256 : i32
        %mul3A_16 = arith.muli %add3A_11, %mul3A_15 : i32
        %mul3A_17 = arith.constant 8 : i32
        %mul3A_18 = arith.muli %add3A_11, %mul3A_17 : i32
        "tpu.region"() ({
          %run_scoped3A = tpu.sem_alloc : memref<!tpu.dma_semaphore, #tpu.memory_space<semaphore_mem>>
          %dma_start3A_64 = arith.constant 0 : i32
          %dma_start3A_65 = tpu.memref_slice %arg2[%mul3A_18, %dma_start3A_64] : memref<10000x128xi32, #tpu.memory_space<hbm>> -> memref<8x128xi32, #tpu.memory_space<hbm>>
          %dma_start3A_66 = arith.constant 0 : i32
          %dma_start3A_67 = tpu.memref_slice %arg2[%mul3A_18, %dma_start3A_66] : memref<10000x128xi32, #tpu.memory_space<hbm>> -> memref<8x128xi32, #tpu.memory_space<hbm>>
          tpu.enqueue_dma source(%dma_start3A_67 : memref<8x128xi32, #tpu.memory_space<hbm>>) target(%arg7 : memref<8x128xi32, #tpu.memory_space<vmem>>) target_semaphore(%run_scoped3A : memref<!tpu.dma_semaphore, #tpu.memory_space<semaphore_mem>>)
          %dma_wait3A_68 = arith.constant 0 : i32
          %dma_wait3A_69 = tpu.memref_slice %arg2[%mul3A_18, %dma_wait3A_68] : memref<10000x128xi32, #tpu.memory_space<hbm>> -> memref<8x128xi32, #tpu.memory_space<hbm>>
          %dma_wait3A_70 = arith.constant 0 : i32
          %dma_wait3A_71 = tpu.memref_slice %arg2[%mul3A_18, %dma_wait3A_70] : memref<10000x128xi32, #tpu.memory_space<hbm>> -> memref<8x128xi32, #tpu.memory_space<hbm>>
          tpu.wait_dma2 semaphore(%run_scoped3A : memref<!tpu.dma_semaphore, #tpu.memory_space<semaphore_mem>>) src(%dma_wait3A_71 : memref<8x128xi32, #tpu.memory_space<hbm>>) dst(%arg7 : memref<8x128xi32, #tpu.memory_space<vmem>>)
          tpu.yield
        }) : () -> ()
        "tpu.region"() ({
          %run_scoped3A = tpu.sem_alloc : memref<!tpu.dma_semaphore, #tpu.memory_space<semaphore_mem>>
          %dma_start3A_64 = tpu.memref_slice %arg3[%mul3A_16] : memref<320000xf32, #tpu.memory_space<hbm>> -> memref<256xf32, #tpu.memory_space<hbm>>
          %dma_start3A_65 = tpu.memref_slice %arg3[%mul3A_16] : memref<320000xf32, #tpu.memory_space<hbm>> -> memref<256xf32, #tpu.memory_space<hbm>>
          tpu.enqueue_dma source(%dma_start3A_65 : memref<256xf32, #tpu.memory_space<hbm>>) target(%arg8 : memref<256xf32, #tpu.memory_space<vmem>>) target_semaphore(%run_scoped3A : memref<!tpu.dma_semaphore, #tpu.memory_space<semaphore_mem>>)
          %dma_wait3A_66 = tpu.memref_slice %arg3[%mul3A_16] : memref<320000xf32, #tpu.memory_space<hbm>> -> memref<256xf32, #tpu.memory_space<hbm>>
          %dma_wait3A_67 = tpu.memref_slice %arg3[%mul3A_16] : memref<320000xf32, #tpu.memory_space<hbm>> -> memref<256xf32, #tpu.memory_space<hbm>>
          tpu.wait_dma2 semaphore(%run_scoped3A : memref<!tpu.dma_semaphore, #tpu.memory_space<semaphore_mem>>) src(%dma_wait3A_67 : memref<256xf32, #tpu.memory_space<hbm>>) dst(%arg8 : memref<256xf32, #tpu.memory_space<vmem>>)
          tpu.yield
        }) : () -> ()
        "tpu.region"() ({
          %run_scoped3A = tpu.sem_alloc : memref<!tpu.dma_semaphore, #tpu.memory_space<semaphore_mem>>
          %dma_start3A_64 = arith.constant 0 : i32
          %dma_start3A_65 = tpu.memref_slice %arg4[%mul3A_16, %dma_start3A_64] : memref<320000x128xf32, #tpu.memory_space<hbm>> -> memref<256x128xf32, #tpu.memory_space<hbm>>
          %dma_start3A_66 = arith.constant 0 : i32
          %dma_start3A_67 = tpu.memref_slice %arg4[%mul3A_16, %dma_start3A_66] : memref<320000x128xf32, #tpu.memory_space<hbm>> -> memref<256x128xf32, #tpu.memory_space<hbm>>
          tpu.enqueue_dma source(%dma_start3A_67 : memref<256x128xf32, #tpu.memory_space<hbm>>) target(%arg9 : memref<256x128xf32, #tpu.memory_space<vmem>>) target_semaphore(%run_scoped3A : memref<!tpu.dma_semaphore, #tpu.memory_space<semaphore_mem>>)
          %dma_wait3A_68 = arith.constant 0 : i32
          %dma_wait3A_69 = tpu.memref_slice %arg4[%mul3A_16, %dma_wait3A_68] : memref<320000x128xf32, #tpu.memory_space<hbm>> -> memref<256x128xf32, #tpu.memory_space<hbm>>
          %dma_wait3A_70 = arith.constant 0 : i32
          %dma_wait3A_71 = tpu.memref_slice %arg4[%mul3A_16, %dma_wait3A_70] : memref<320000x128xf32, #tpu.memory_space<hbm>> -> memref<256x128xf32, #tpu.memory_space<hbm>>
          tpu.wait_dma2 semaphore(%run_scoped3A : memref<!tpu.dma_semaphore, #tpu.memory_space<semaphore_mem>>) src(%dma_wait3A_71 : memref<256x128xf32, #tpu.memory_space<hbm>>) dst(%arg9 : memref<256x128xf32, #tpu.memory_space<vmem>>)
          tpu.yield
        }) : () -> ()
        %dma_start3A = arith.constant 0 : i32
        %dma_start3A_19 = arith.constant 0 : i32
        %dma_start3A_20 = arith.constant 0 : i32
        %dma_start3A_21 = tpu.memref_slice %arg10[%dma_start3A_19, %dma_start3A_20] : memref<256x128xf32, #tpu.memory_space<vmem>> -> memref<128x128xf32, #tpu.memory_space<vmem>>
        %dma_start3A_22 = arith.constant 0 : i32
        %dma_start3A_23 = tpu.memref_slice %arg7[%dma_start3A, %dma_start3A_22] : memref<8x128xi32, #tpu.memory_space<vmem>> -> memref<1x128xi32, #tpu.memory_space<vmem>>
        %dma_start3A_24 = tpu.memref_squeeze %dma_start3A_23 : memref<1x128xi32, #tpu.memory_space<vmem>> -> memref<128xi32, #tpu.memory_space<vmem>>
        %dma_start3A_25 = arith.constant 0 : i32
        %dma_start3A_26 = arith.constant 0 : i32
        %dma_start3A_27 = tpu.memref_slice %arg5[%dma_start3A_25, %dma_start3A_26] : memref<10000x128xf32, #tpu.memory_space<hbm>> -> memref<10000x128xf32, #tpu.memory_space<hbm>>
        tpu.enqueue_indirect_dma source(%dma_start3A_27 : memref<10000x128xf32, #tpu.memory_space<hbm>>) target(%dma_start3A_21 : memref<128x128xf32, #tpu.memory_space<vmem>>) offsets(%dma_start3A_24 : memref<128xi32, #tpu.memory_space<vmem>>) semaphore(%arg11 : memref<!tpu.dma_semaphore, #tpu.memory_space<semaphore_mem>>)
        %dma_start3A_28 = arith.constant 1 : i32
        %dma_start3A_29 = arith.constant 128 : i32
        %dma_start3A_30 = arith.constant 0 : i32
        %dma_start3A_31 = tpu.memref_slice %arg10[%dma_start3A_29, %dma_start3A_30] : memref<256x128xf32, #tpu.memory_space<vmem>> -> memref<128x128xf32, #tpu.memory_space<vmem>>
        %dma_start3A_32 = arith.constant 0 : i32
        %dma_start3A_33 = tpu.memref_slice %arg7[%dma_start3A_28, %dma_start3A_32] : memref<8x128xi32, #tpu.memory_space<vmem>> -> memref<1x128xi32, #tpu.memory_space<vmem>>
        %dma_start3A_34 = tpu.memref_squeeze %dma_start3A_33 : memref<1x128xi32, #tpu.memory_space<vmem>> -> memref<128xi32, #tpu.memory_space<vmem>>
        %dma_start3A_35 = arith.constant 0 : i32
        %dma_start3A_36 = arith.constant 0 : i32
        %dma_start3A_37 = tpu.memref_slice %arg5[%dma_start3A_35, %dma_start3A_36] : memref<10000x128xf32, #tpu.memory_space<hbm>> -> memref<10000x128xf32, #tpu.memory_space<hbm>>
        tpu.enqueue_indirect_dma source(%dma_start3A_37 : memref<10000x128xf32, #tpu.memory_space<hbm>>) target(%dma_start3A_31 : memref<128x128xf32, #tpu.memory_space<vmem>>) offsets(%dma_start3A_34 : memref<128xi32, #tpu.memory_space<vmem>>) semaphore(%arg11 : memref<!tpu.dma_semaphore, #tpu.memory_space<semaphore_mem>>)
        %dma_wait3A = arith.constant 0 : i32
        %dma_wait3A_38 = arith.constant 0 : i32
        %dma_wait3A_39 = arith.constant 0 : i32
        %dma_wait3A_40 = tpu.memref_slice %arg10[%dma_wait3A_38, %dma_wait3A_39] : memref<256x128xf32, #tpu.memory_space<vmem>> -> memref<128x128xf32, #tpu.memory_space<vmem>>
        %dma_wait3A_41 = arith.constant 0 : i32
        %dma_wait3A_42 = tpu.memref_slice %arg7[%dma_wait3A, %dma_wait3A_41] : memref<8x128xi32, #tpu.memory_space<vmem>> -> memref<1x128xi32, #tpu.memory_space<vmem>>
        %dma_wait3A_43 = tpu.memref_squeeze %dma_wait3A_42 : memref<1x128xi32, #tpu.memory_space<vmem>> -> memref<128xi32, #tpu.memory_space<vmem>>
        %dma_wait3A_44 = arith.constant 0 : i32
        %dma_wait3A_45 = arith.constant 0 : i32
        %dma_wait3A_46 = tpu.memref_slice %arg5[%dma_wait3A_44, %dma_wait3A_45] : memref<10000x128xf32, #tpu.memory_space<hbm>> -> memref<10000x128xf32, #tpu.memory_space<hbm>>
        tpu.wait_indirect_dma semaphore(%arg11 : memref<!tpu.dma_semaphore, #tpu.memory_space<semaphore_mem>>) src(%dma_wait3A_46 : memref<10000x128xf32, #tpu.memory_space<hbm>>) dst(%dma_wait3A_40 : memref<128x128xf32, #tpu.memory_space<vmem>>)
        %dma_wait3A_47 = arith.constant 1 : i32
        %dma_wait3A_48 = arith.constant 128 : i32
        %dma_wait3A_49 = arith.constant 0 : i32
        %dma_wait3A_50 = tpu.memref_slice %arg10[%dma_wait3A_48, %dma_wait3A_49] : memref<256x128xf32, #tpu.memory_space<vmem>> -> memref<128x128xf32, #tpu.memory_space<vmem>>
        %dma_wait3A_51 = arith.constant 0 : i32
        %dma_wait3A_52 = tpu.memref_slice %arg7[%dma_wait3A_47, %dma_wait3A_51] : memref<8x128xi32, #tpu.memory_space<vmem>> -> memref<1x128xi32, #tpu.memory_space<vmem>>
        %dma_wait3A_53 = tpu.memref_squeeze %dma_wait3A_52 : memref<1x128xi32, #tpu.memory_space<vmem>> -> memref<128xi32, #tpu.memory_space<vmem>>
        %dma_wait3A_54 = arith.constant 0 : i32
        %dma_wait3A_55 = arith.constant 0 : i32
        %dma_wait3A_56 = tpu.memref_slice %arg5[%dma_wait3A_54, %dma_wait3A_55] : memref<10000x128xf32, #tpu.memory_space<hbm>> -> memref<10000x128xf32, #tpu.memory_space<hbm>>
        tpu.wait_indirect_dma semaphore(%arg11 : memref<!tpu.dma_semaphore, #tpu.memory_space<semaphore_mem>>) src(%dma_wait3A_56 : memref<10000x128xf32, #tpu.memory_space<hbm>>) dst(%dma_wait3A_50 : memref<128x128xf32, #tpu.memory_space<vmem>>)
        %scan3A_57 = arith.constant 0 : i32
        %scan3A_58 = arith.constant 0 : i32
        %scan3A_59 = arith.constant 256 : i32
        %scan3A_60 = arith.addi %scan3A_58, %scan3A_59 : i32
        %scan3A_61 = arith.constant 1 : i32
        %scan3A_62 = scf.for %scan3A_64 = %scan3A_58 to %scan3A_60 step %scan3A_61 iter_args(%scan3A_65 = %scan3A_57) -> (i32)  : i32 {
          %broadcast_in_dim3A = arith.constant 0 : i32
          %broadcast_in_dim3A_66 = vector.broadcast %broadcast_in_dim3A : i32 to vector<16xi32>
          %add3A_67 = vector.broadcast %scan3A_64 : i32 to vector<16xi32>
          %add3A_68 = arith.addi %broadcast_in_dim3A_66, %add3A_67 : vector<16xi32>
          %gather3A = tpu.vector_load_idx %arg8[%add3A_68] : memref<256xf32, #tpu.memory_space<vmem>>[vector<16xi32>], vector<16xf32>,
          %get3A = arith.index_cast %scan3A_64 : i32 to index
          %get3A_69 = arith.constant 0 : index
          %get3A_70 = tpu.vector_load %arg9[%get3A, %get3A_69] {strides = array<i32>} : memref<256x128xf32, #tpu.memory_space<vmem>>, vector<16xf32>,
          %get3A_71 = arith.index_cast %scan3A_64 : i32 to index
          %get3A_72 = arith.constant 0 : index
          %get3A_73 = tpu.vector_load %arg10[%get3A_71, %get3A_72] {strides = array<i32>} : memref<256x128xf32, #tpu.memory_space<vmem>>, vector<16xf32>,
          %mul3A_74 = arith.mulf %gather3A, %get3A_73 : vector<16xf32>
          %add3A_75 = arith.addf %get3A_70, %mul3A_74 : vector<16xf32>
          %max3A = arith.constant 0.000000e+00 : f32
          %max3A_76 = vector.broadcast %max3A : f32 to vector<16xf32>
          %max3A_77 = arith.maximumf %add3A_75, %max3A_76 : vector<16xf32>
          %swap3A = arith.index_cast %scan3A_64 : i32 to index
          %swap3A_78 = arith.constant 0 : index
          %swap3A_79 = tpu.vector_load %arg9[%swap3A, %swap3A_78] {strides = array<i32>} : memref<256x128xf32, #tpu.memory_space<vmem>>, vector<16xf32>,
          tpu.vector_store %arg9[%swap3A, %swap3A_78], %max3A_77 {strides = array<i32>} : memref<256x128xf32, #tpu.memory_space<vmem>>, vector<16xf32>,
          %get3A_80 = arith.index_cast %scan3A_64 : i32 to index
          %get3A_81 = arith.constant 16 : index
          %get3A_82 = tpu.vector_load %arg9[%get3A_80, %get3A_81] {strides = array<i32>} : memref<256x128xf32, #tpu.memory_space<vmem>>, vector<16xf32>,
          %get3A_83 = arith.index_cast %scan3A_64 : i32 to index
          %get3A_84 = arith.constant 16 : index
          %get3A_85 = tpu.vector_load %arg10[%get3A_83, %get3A_84] {strides = array<i32>} : memref<256x128xf32, #tpu.memory_space<vmem>>, vector<16xf32>,
          %mul3A_86 = arith.mulf %gather3A, %get3A_85 : vector<16xf32>
          %add3A_87 = arith.addf %get3A_82, %mul3A_86 : vector<16xf32>
          %max3A_88 = arith.constant 0.000000e+00 : f32
          %max3A_89 = vector.broadcast %max3A_88 : f32 to vector<16xf32>
          %max3A_90 = arith.maximumf %add3A_87, %max3A_89 : vector<16xf32>
          %swap3A_91 = arith.index_cast %scan3A_64 : i32 to index
          %swap3A_92 = arith.constant 16 : index
          %swap3A_93 = tpu.vector_load %arg9[%swap3A_91, %swap3A_92] {strides = array<i32>} : memref<256x128xf32, #tpu.memory_space<vmem>>, vector<16xf32>,
          tpu.vector_store %arg9[%swap3A_91, %swap3A_92], %max3A_90 {strides = array<i32>} : memref<256x128xf32, #tpu.memory_space<vmem>>, vector<16xf32>,
          %get3A_94 = arith.index_cast %scan3A_64 : i32 to index
          %get3A_95 = arith.constant 32 : index
          %get3A_96 = tpu.vector_load %arg9[%get3A_94, %get3A_95] {strides = array<i32>} : memref<256x128xf32, #tpu.memory_space<vmem>>, vector<16xf32>,
          %get3A_97 = arith.index_cast %scan3A_64 : i32 to index
          %get3A_98 = arith.constant 32 : index
          %get3A_99 = tpu.vector_load %arg10[%get3A_97, %get3A_98] {strides = array<i32>} : memref<256x128xf32, #tpu.memory_space<vmem>>, vector<16xf32>,
          %mul3A_100 = arith.mulf %gather3A, %get3A_99 : vector<16xf32>
          %add3A_101 = arith.addf %get3A_96, %mul3A_100 : vector<16xf32>
          %max3A_102 = arith.constant 0.000000e+00 : f32
          %max3A_103 = vector.broadcast %max3A_102 : f32 to vector<16xf32>
          %max3A_104 = arith.maximumf %add3A_101, %max3A_103 : vector<16xf32>
          %swap3A_105 = arith.index_cast %scan3A_64 : i32 to index
          %swap3A_106 = arith.constant 32 : index
          %swap3A_107 = tpu.vector_load %arg9[%swap3A_105, %swap3A_106] {strides = array<i32>} : memref<256x128xf32, #tpu.memory_space<vmem>>, vector<16xf32>,
          tpu.vector_store %arg9[%swap3A_105, %swap3A_106], %max3A_104 {strides = array<i32>} : memref<256x128xf32, #tpu.memory_space<vmem>>, vector<16xf32>,
          %get3A_108 = arith.index_cast %scan3A_64 : i32 to index
          %get3A_109 = arith.constant 48 : index
          %get3A_110 = tpu.vector_load %arg9[%get3A_108, %get3A_109] {strides = array<i32>} : memref<256x128xf32, #tpu.memory_space<vmem>>, vector<16xf32>,
          %get3A_111 = arith.index_cast %scan3A_64 : i32 to index
          %get3A_112 = arith.constant 48 : index
          %get3A_113 = tpu.vector_load %arg10[%get3A_111, %get3A_112] {strides = array<i32>} : memref<256x128xf32, #tpu.memory_space<vmem>>, vector<16xf32>,
          %mul3A_114 = arith.mulf %gather3A, %get3A_113 : vector<16xf32>
          %add3A_115 = arith.addf %get3A_110, %mul3A_114 : vector<16xf32>
          %max3A_116 = arith.constant 0.000000e+00 : f32
          %max3A_117 = vector.broadcast %max3A_116 : f32 to vector<16xf32>
          %max3A_118 = arith.maximumf %add3A_115, %max3A_117 : vector<16xf32>
          %swap3A_119 = arith.index_cast %scan3A_64 : i32 to index
          %swap3A_120 = arith.constant 48 : index
          %swap3A_121 = tpu.vector_load %arg9[%swap3A_119, %swap3A_120] {strides = array<i32>} : memref<256x128xf32, #tpu.memory_space<vmem>>, vector<16xf32>,
          tpu.vector_store %arg9[%swap3A_119, %swap3A_120], %max3A_118 {strides = array<i32>} : memref<256x128xf32, #tpu.memory_space<vmem>>, vector<16xf32>,
          %get3A_122 = arith.index_cast %scan3A_64 : i32 to index
          %get3A_123 = arith.constant 64 : index
          %get3A_124 = tpu.vector_load %arg9[%get3A_122, %get3A_123] {strides = array<i32>} : memref<256x128xf32, #tpu.memory_space<vmem>>, vector<16xf32>,
          %get3A_125 = arith.index_cast %scan3A_64 : i32 to index
          %get3A_126 = arith.constant 64 : index
          %get3A_127 = tpu.vector_load %arg10[%get3A_125, %get3A_126] {strides = array<i32>} : memref<256x128xf32, #tpu.memory_space<vmem>>, vector<16xf32>,
          %mul3A_128 = arith.mulf %gather3A, %get3A_127 : vector<16xf32>
          %add3A_129 = arith.addf %get3A_124, %mul3A_128 : vector<16xf32>
          %max3A_130 = arith.constant 0.000000e+00 : f32
          %max3A_131 = vector.broadcast %max3A_130 : f32 to vector<16xf32>
          %max3A_132 = arith.maximumf %add3A_129, %max3A_131 : vector<16xf32>
          %swap3A_133 = arith.index_cast %scan3A_64 : i32 to index
          %swap3A_134 = arith.constant 64 : index
          %swap3A_135 = tpu.vector_load %arg9[%swap3A_133, %swap3A_134] {strides = array<i32>} : memref<256x128xf32, #tpu.memory_space<vmem>>, vector<16xf32>,
          tpu.vector_store %arg9[%swap3A_133, %swap3A_134], %max3A_132 {strides = array<i32>} : memref<256x128xf32, #tpu.memory_space<vmem>>, vector<16xf32>,
          %get3A_136 = arith.index_cast %scan3A_64 : i32 to index
          %get3A_137 = arith.constant 80 : index
          %get3A_138 = tpu.vector_load %arg9[%get3A_136, %get3A_137] {strides = array<i32>} : memref<256x128xf32, #tpu.memory_space<vmem>>, vector<16xf32>,
          %get3A_139 = arith.index_cast %scan3A_64 : i32 to index
          %get3A_140 = arith.constant 80 : index
          %get3A_141 = tpu.vector_load %arg10[%get3A_139, %get3A_140] {strides = array<i32>} : memref<256x128xf32, #tpu.memory_space<vmem>>, vector<16xf32>,
          %mul3A_142 = arith.mulf %gather3A, %get3A_141 : vector<16xf32>
          %add3A_143 = arith.addf %get3A_138, %mul3A_142 : vector<16xf32>
          %max3A_144 = arith.constant 0.000000e+00 : f32
          %max3A_145 = vector.broadcast %max3A_144 : f32 to vector<16xf32>
          %max3A_146 = arith.maximumf %add3A_143, %max3A_145 : vector<16xf32>
          %swap3A_147 = arith.index_cast %scan3A_64 : i32 to index
          %swap3A_148 = arith.constant 80 : index
          %swap3A_149 = tpu.vector_load %arg9[%swap3A_147, %swap3A_148] {strides = array<i32>} : memref<256x128xf32, #tpu.memory_space<vmem>>, vector<16xf32>,
          tpu.vector_store %arg9[%swap3A_147, %swap3A_148], %max3A_146 {strides = array<i32>} : memref<256x128xf32, #tpu.memory_space<vmem>>, vector<16xf32>,
          %get3A_150 = arith.index_cast %scan3A_64 : i32 to index
          %get3A_151 = arith.constant 96 : index
          %get3A_152 = tpu.vector_load %arg9[%get3A_150, %get3A_151] {strides = array<i32>} : memref<256x128xf32, #tpu.memory_space<vmem>>, vector<16xf32>,
          %get3A_153 = arith.index_cast %scan3A_64 : i32 to index
          %get3A_154 = arith.constant 96 : index
          %get3A_155 = tpu.vector_load %arg10[%get3A_153, %get3A_154] {strides = array<i32>} : memref<256x128xf32, #tpu.memory_space<vmem>>, vector<16xf32>,
          %mul3A_156 = arith.mulf %gather3A, %get3A_155 : vector<16xf32>
          %add3A_157 = arith.addf %get3A_152, %mul3A_156 : vector<16xf32>
          %max3A_158 = arith.constant 0.000000e+00 : f32
          %max3A_159 = vector.broadcast %max3A_158 : f32 to vector<16xf32>
          %max3A_160 = arith.maximumf %add3A_157, %max3A_159 : vector<16xf32>
          %swap3A_161 = arith.index_cast %scan3A_64 : i32 to index
          %swap3A_162 = arith.constant 96 : index
          %swap3A_163 = tpu.vector_load %arg9[%swap3A_161, %swap3A_162] {strides = array<i32>} : memref<256x128xf32, #tpu.memory_space<vmem>>, vector<16xf32>,
          tpu.vector_store %arg9[%swap3A_161, %swap3A_162], %max3A_160 {strides = array<i32>} : memref<256x128xf32, #tpu.memory_space<vmem>>, vector<16xf32>,
          %get3A_164 = arith.index_cast %scan3A_64 : i32 to index
          %get3A_165 = arith.constant 112 : index
          %get3A_166 = tpu.vector_load %arg9[%get3A_164, %get3A_165] {strides = array<i32>} : memref<256x128xf32, #tpu.memory_space<vmem>>, vector<16xf32>,
          %get3A_167 = arith.index_cast %scan3A_64 : i32 to index
          %get3A_168 = arith.constant 112 : index
          %get3A_169 = tpu.vector_load %arg10[%get3A_167, %get3A_168] {strides = array<i32>} : memref<256x128xf32, #tpu.memory_space<vmem>>, vector<16xf32>,
          %mul3A_170 = arith.mulf %gather3A, %get3A_169 : vector<16xf32>
          %add3A_171 = arith.addf %get3A_166, %mul3A_170 : vector<16xf32>
          %max3A_172 = arith.constant 0.000000e+00 : f32
          %max3A_173 = vector.broadcast %max3A_172 : f32 to vector<16xf32>
          %max3A_174 = arith.maximumf %add3A_171, %max3A_173 : vector<16xf32>
          %swap3A_175 = arith.index_cast %scan3A_64 : i32 to index
          %swap3A_176 = arith.constant 112 : index
          %swap3A_177 = tpu.vector_load %arg9[%swap3A_175, %swap3A_176] {strides = array<i32>} : memref<256x128xf32, #tpu.memory_space<vmem>>, vector<16xf32>,
          tpu.vector_store %arg9[%swap3A_175, %swap3A_176], %max3A_174 {strides = array<i32>} : memref<256x128xf32, #tpu.memory_space<vmem>>, vector<16xf32>,
          %scan3A_178 = arith.constant 0 : i32
          scf.yield %scan3A_178 : i32
        }
        %scan3A_63 = arith.constant 256 : i32
        "tpu.region"() ({
          %run_scoped3A = tpu.sem_alloc : memref<!tpu.dma_semaphore, #tpu.memory_space<semaphore_mem>>
          %dma_start3A_64 = arith.constant 0 : i32
          %dma_start3A_65 = tpu.memref_slice %arg6[%mul3A_16, %dma_start3A_64] : memref<320000x128xf32, #tpu.memory_space<hbm>> -> memref<256x128xf32, #tpu.memory_space<hbm>>
          %dma_start3A_66 = arith.constant 0 : i32
          %dma_start3A_67 = tpu.memref_slice %arg6[%mul3A_16, %dma_start3A_66] : memref<320000x128xf32, #tpu.memory_space<hbm>> -> memref<256x128xf32, #tpu.memory_space<hbm>>
          tpu.enqueue_dma source(%arg9 : memref<256x128xf32, #tpu.memory_space<vmem>>) target(%dma_start3A_67 : memref<256x128xf32, #tpu.memory_space<hbm>>) target_semaphore(%run_scoped3A : memref<!tpu.dma_semaphore, #tpu.memory_space<semaphore_mem>>)
          %dma_wait3A_68 = arith.constant 0 : i32
          %dma_wait3A_69 = tpu.memref_slice %arg6[%mul3A_16, %dma_wait3A_68] : memref<320000x128xf32, #tpu.memory_space<hbm>> -> memref<256x128xf32, #tpu.memory_space<hbm>>
          %dma_wait3A_70 = arith.constant 0 : i32
          %dma_wait3A_71 = tpu.memref_slice %arg6[%mul3A_16, %dma_wait3A_70] : memref<320000x128xf32, #tpu.memory_space<hbm>> -> memref<256x128xf32, #tpu.memory_space<hbm>>
          tpu.wait_dma2 semaphore(%run_scoped3A : memref<!tpu.dma_semaphore, #tpu.memory_space<semaphore_mem>>) src(%arg9 : memref<256x128xf32, #tpu.memory_space<vmem>>) dst(%dma_wait3A_71 : memref<256x128xf32, #tpu.memory_space<hbm>>)
          tpu.yield
        }) : () -> ()
      } else {
      }
      %scan3A_14 = arith.constant 0 : i32
      scf.yield %scan3A_14 : i32
    }
    %scan3A_6 = arith.constant 40 : i32
    return
  }
}

module attributes {stable_mosaic.version = 14 : i64} {
  func.func @_matmul_kernel(%arg0: i32, %arg1: memref<1000x128xf32, #tpu.memory_space<vmem>>, %arg2: memref<128x512xf32, #tpu.memory_space<vmem>>, %arg3: memref<1000x512xf32, #tpu.memory_space<vmem>>) attributes {dimension_semantics = [#tpu.dimension_semantics<arbitrary>], iteration_bounds = array<i64: 10>, scalar_prefetch = 0 : i64, scratch_operands = 0 : i64, tpu.core_type = #tpu.core_type<tc>, window_params = [{transform_indices = @transform_0, window_bounds = array<i64: 1000, 128>}, {pipeline_mode = #tpu.pipeline_mode<synchronous>, transform_indices = @transform_1, window_bounds = array<i64: 128, 512>}, {transform_indices = @transform_2, window_bounds = array<i64: 1000, 512>}]} {
    %get3A = arith.constant 0 : index
    %get3A_0 = arith.constant 0 : index
    %get3A_1 = vector.load %arg1[%get3A, %get3A_0] : memref<1000x128xf32, #tpu.memory_space<vmem>>, vector<1000x128xf32>
    %get3A_2 = arith.constant 0 : index
    %get3A_3 = arith.constant 0 : index
    %get3A_4 = vector.load %arg2[%get3A_2, %get3A_3] : memref<128x512xf32, #tpu.memory_space<vmem>>, vector<128x512xf32>
    %dot_general3A = arith.constant dense<0.000000e+00> : vector<1000x512xf32>
    %dot_general3A_5 = tpu.matmul %get3A_1, %get3A_4, %dot_general3A {dimension_numbers = #tpu.dot_dimension_numbers<[1], [0], [0], [1], [0, 0, 1, 1], [], []>, transpose_lhs_hint = false} : vector<1000x128xf32>, vector<128x512xf32>, vector<1000x512xf32> -> vector<1000x512xf32>
    %swap3A = arith.constant 0 : index
    %swap3A_6 = arith.constant 0 : index
    %swap3A_7 = vector.load %arg3[%swap3A, %swap3A_6] : memref<1000x512xf32, #tpu.memory_space<vmem>>, vector<1000x512xf32>
    tpu.vector_store %arg3[%swap3A, %swap3A_6], %dot_general3A_5 {strides = array<i32>} : memref<1000x512xf32, #tpu.memory_space<vmem>>, vector<1000x512xf32>,
    return
  }
  func.func @transform_0(%arg0: i32) -> (i32, i32) {
    %c0_i32 = arith.constant 0 : i32
    %c0_i32_0 = arith.constant 0 : i32
    return %arg0, %c0_i32 : i32, i32
  }
  func.func @transform_1(%arg0: i32) -> (i32, i32) {
    %c0_i32 = arith.constant 0 : i32
    %c0_i32_0 = arith.constant 0 : i32
    %c0_i32_1 = arith.constant 0 : i32
    return %c0_i32, %c0_i32_0 : i32, i32
  }
  func.func @transform_2(%arg0: i32) -> (i32, i32) {
    %c0_i32 = arith.constant 0 : i32
    %c0_i32_0 = arith.constant 0 : i32
    return %arg0, %c0_i32 : i32, i32
  }
}

module attributes {stable_mosaic.version = 14 : i64} {
  func.func @_matmul_kernel(%arg0: i32, %arg1: memref<5000x128xf32, #tpu.memory_space<vmem>>, %arg2: memref<128x8xf32, #tpu.memory_space<vmem>>, %arg3: memref<5000x8xf32, #tpu.memory_space<vmem>>) attributes {dimension_semantics = [#tpu.dimension_semantics<arbitrary>], iteration_bounds = array<i64: 8>, scalar_prefetch = 0 : i64, scratch_operands = 0 : i64, tpu.core_type = #tpu.core_type<tc>, window_params = [{transform_indices = @transform_0, window_bounds = array<i64: 5000, 128>}, {pipeline_mode = #tpu.pipeline_mode<synchronous>, transform_indices = @transform_1, window_bounds = array<i64: 128, 8>}, {transform_indices = @transform_2, window_bounds = array<i64: 5000, 8>}]} {
    %get3A = arith.constant 0 : index
    %get3A_0 = arith.constant 0 : index
    %get3A_1 = vector.load %arg1[%get3A, %get3A_0] : memref<5000x128xf32, #tpu.memory_space<vmem>>, vector<5000x128xf32>
    %get3A_2 = arith.constant 0 : index
    %get3A_3 = arith.constant 0 : index
    %get3A_4 = vector.load %arg2[%get3A_2, %get3A_3] : memref<128x8xf32, #tpu.memory_space<vmem>>, vector<128x8xf32>
    %dot_general3A = arith.constant dense<0.000000e+00> : vector<5000x8xf32>
    %dot_general3A_5 = tpu.matmul %get3A_1, %get3A_4, %dot_general3A {dimension_numbers = #tpu.dot_dimension_numbers<[1], [0], [0], [1], [0, 0, 1, 1], [], []>, transpose_lhs_hint = false} : vector<5000x128xf32>, vector<128x8xf32>, vector<5000x8xf32> -> vector<5000x8xf32>
    %swap3A = arith.constant 0 : index
    %swap3A_6 = arith.constant 0 : index
    %swap3A_7 = vector.load %arg3[%swap3A, %swap3A_6] : memref<5000x8xf32, #tpu.memory_space<vmem>>, vector<5000x8xf32>
    tpu.vector_store %arg3[%swap3A, %swap3A_6], %dot_general3A_5 {strides = array<i32>} : memref<5000x8xf32, #tpu.memory_space<vmem>>, vector<5000x8xf32>,
    return
  }
  func.func @transform_0(%arg0: i32) -> (i32, i32) {
    %c0_i32 = arith.constant 0 : i32
    %c0_i32_0 = arith.constant 0 : i32
    return %arg0, %c0_i32 : i32, i32
  }
  func.func @transform_1(%arg0: i32) -> (i32, i32) {
    %c0_i32 = arith.constant 0 : i32
    %c0_i32_0 = arith.constant 0 : i32
    %c0_i32_1 = arith.constant 0 : i32
    return %c0_i32, %c0_i32_0 : i32, i32
  }
  func.func @transform_2(%arg0: i32) -> (i32, i32) {
    %c0_i32 = arith.constant 0 : i32
    %c0_i32_0 = arith.constant 0 : i32
    return %arg0, %c0_i32 : i32, i32
  }
}

module attributes {stable_mosaic.version = 14 : i64} {
  func.func @_assemble_kernel(%arg0: i32, %arg1: memref<2x1000x128xf32, #tpu.memory_space<vmem>>, %arg2: memref<2x1000x16xf32, #tpu.memory_space<vmem>>, %arg3: memref<1000x1xf32, #tpu.memory_space<vmem>>, %arg4: memref<1000x128xf32, #tpu.memory_space<vmem>>, %arg5: memref<16x128xf32, #tpu.memory_space<vmem>>, %arg6: memref<128x8xf32, #tpu.memory_space<vmem>>, %arg7: memref<1x128xf32, #tpu.memory_space<vmem>>, %arg8: memref<1000x128xf32, #tpu.memory_space<vmem>>, %arg9: memref<1000x8xf32, #tpu.memory_space<vmem>>) attributes {dimension_semantics = [#tpu.dimension_semantics<arbitrary>], iteration_bounds = array<i64: 10>, scalar_prefetch = 0 : i64, scratch_operands = 0 : i64, tpu.core_type = #tpu.core_type<tc>, window_params = [{transform_indices = @transform_0, window_bounds = array<i64: 2, 1000, 128>}, {transform_indices = @transform_1, window_bounds = array<i64: 2, 1000, 16>}, {transform_indices = @transform_2, window_bounds = array<i64: 1000, 1>}, {transform_indices = @transform_3, window_bounds = array<i64: 1000, 128>}, {pipeline_mode = #tpu.pipeline_mode<synchronous>, transform_indices = @transform_4, window_bounds = array<i64: 16, 128>}, {pipeline_mode = #tpu.pipeline_mode<synchronous>, transform_indices = @transform_5, window_bounds = array<i64: 128, 8>}, {pipeline_mode = #tpu.pipeline_mode<synchronous>, transform_indices = @transform_6, window_bounds = array<i64: 1, 128>}, {transform_indices = @transform_7, window_bounds = array<i64: 1000, 128>}, {transform_indices = @transform_8, window_bounds = array<i64: 1000, 8>}]} {
    %get3A = arith.constant 0 : index
    %get3A_0 = arith.constant 0 : index
    %get3A_1 = vector.load %arg3[%get3A, %get3A_0] : memref<1000x1xf32, #tpu.memory_space<vmem>>, vector<1000x1xf32>
    %get3A_2 = arith.constant 0 : index
    %get3A_3 = arith.constant 0 : index
    %get3A_4 = arith.constant 0 : index
    %get3A_5 = vector.load %arg1[%get3A_2, %get3A_3, %get3A_4] : memref<2x1000x128xf32, #tpu.memory_space<vmem>>, vector<1x1000x128xf32>
    %get3A_6 = vector.shape_cast %get3A_5 : vector<1x1000x128xf32> to vector<1000x128xf32>
    %get3A_7 = arith.constant 1 : index
    %get3A_8 = arith.constant 0 : index
    %get3A_9 = arith.constant 0 : index
    %get3A_10 = vector.load %arg1[%get3A_7, %get3A_8, %get3A_9] : memref<2x1000x128xf32, #tpu.memory_space<vmem>>, vector<1x1000x128xf32>
    %get3A_11 = vector.shape_cast %get3A_10 : vector<1x1000x128xf32> to vector<1000x128xf32>
    %add3A = arith.addf %get3A_6, %get3A_11 : vector<1000x128xf32>
    %get3A_12 = arith.constant 0 : index
    %get3A_13 = arith.constant 0 : index
    %get3A_14 = arith.constant 0 : index
    %get3A_15 = vector.load %arg2[%get3A_12, %get3A_13, %get3A_14] : memref<2x1000x16xf32, #tpu.memory_space<vmem>>, vector<1x1000x16xf32>
    %get3A_16 = vector.shape_cast %get3A_15 : vector<1x1000x16xf32> to vector<1000x16xf32>
    %get3A_17 = arith.constant 1 : index
    %get3A_18 = arith.constant 0 : index
    %get3A_19 = arith.constant 0 : index
    %get3A_20 = vector.load %arg2[%get3A_17, %get3A_18, %get3A_19] : memref<2x1000x16xf32, #tpu.memory_space<vmem>>, vector<1x1000x16xf32>
    %get3A_21 = vector.shape_cast %get3A_20 : vector<1x1000x16xf32> to vector<1000x16xf32>
    %add3A_22 = arith.addf %get3A_16, %get3A_21 : vector<1000x16xf32>
    %get3A_23 = arith.constant 0 : index
    %get3A_24 = arith.constant 0 : index
    %get3A_25 = vector.load %arg5[%get3A_23, %get3A_24] : memref<16x128xf32, #tpu.memory_space<vmem>>, vector<16x128xf32>
    %dot_general3A = arith.constant dense<0.000000e+00> : vector<1000x128xf32>
    %dot_general3A_26 = tpu.matmul %add3A_22, %get3A_25, %dot_general3A {dimension_numbers = #tpu.dot_dimension_numbers<[1], [0], [0], [1], [0, 0, 1, 1], [], []>, transpose_lhs_hint = false} : vector<1000x16xf32>, vector<16x128xf32>, vector<1000x128xf32> -> vector<1000x128xf32>
    %add3A_27 = arith.addf %add3A, %dot_general3A_26 : vector<1000x128xf32>
    %mul3A = vector.broadcast %get3A_1 : vector<1000x1xf32> to vector<1000x128xf32>
    %mul3A_28 = arith.mulf %mul3A, %add3A_27 : vector<1000x128xf32>
    %get3A_29 = arith.constant 0 : index
    %get3A_30 = arith.constant 0 : index
    %get3A_31 = vector.load %arg4[%get3A_29, %get3A_30] : memref<1000x128xf32, #tpu.memory_space<vmem>>, vector<1000x128xf32>
    %add3A_32 = arith.addf %mul3A_28, %get3A_31 : vector<1000x128xf32>
    %get3A_33 = arith.constant 0 : index
    %get3A_34 = arith.constant 0 : index
    %get3A_35 = vector.load %arg7[%get3A_33, %get3A_34] : memref<1x128xf32, #tpu.memory_space<vmem>>, vector<1x128xf32>
    %add3A_36 = vector.broadcast %get3A_35 : vector<1x128xf32> to vector<1000x128xf32>
    %add3A_37 = arith.addf %add3A_32, %add3A_36 : vector<1000x128xf32>
    %max3A = arith.constant 0.000000e+00 : f32
    %max3A_38 = vector.broadcast %max3A : f32 to vector<1000x128xf32>
    %max3A_39 = arith.maximumf %add3A_37, %max3A_38 : vector<1000x128xf32>
    %swap3A = arith.constant 0 : index
    %swap3A_40 = arith.constant 0 : index
    %swap3A_41 = vector.load %arg8[%swap3A, %swap3A_40] : memref<1000x128xf32, #tpu.memory_space<vmem>>, vector<1000x128xf32>
    tpu.vector_store %arg8[%swap3A, %swap3A_40], %max3A_39 {strides = array<i32>} : memref<1000x128xf32, #tpu.memory_space<vmem>>, vector<1000x128xf32>,
    %get3A_42 = arith.constant 0 : index
    %get3A_43 = arith.constant 0 : index
    %get3A_44 = vector.load %arg6[%get3A_42, %get3A_43] : memref<128x8xf32, #tpu.memory_space<vmem>>, vector<128x8xf32>
    %dot_general3A_45 = arith.constant dense<0.000000e+00> : vector<1000x8xf32>
    %dot_general3A_46 = tpu.matmul %mul3A_28, %get3A_44, %dot_general3A_45 {dimension_numbers = #tpu.dot_dimension_numbers<[1], [0], [0], [1], [0, 0, 1, 1], [], []>, transpose_lhs_hint = false} : vector<1000x128xf32>, vector<128x8xf32>, vector<1000x8xf32> -> vector<1000x8xf32>
    %swap3A_47 = arith.constant 0 : index
    %swap3A_48 = arith.constant 0 : index
    %swap3A_49 = vector.load %arg9[%swap3A_47, %swap3A_48] : memref<1000x8xf32, #tpu.memory_space<vmem>>, vector<1000x8xf32>
    tpu.vector_store %arg9[%swap3A_47, %swap3A_48], %dot_general3A_46 {strides = array<i32>} : memref<1000x8xf32, #tpu.memory_space<vmem>>, vector<1000x8xf32>,
    return
  }
  func.func @transform_0(%arg0: i32) -> (i32, i32, i32) {
    %c0_i32 = arith.constant 0 : i32
    %c0_i32_0 = arith.constant 0 : i32
    %c0_i32_1 = arith.constant 0 : i32
    return %c0_i32, %arg0, %c0_i32_0 : i32, i32, i32
  }
  func.func @transform_1(%arg0: i32) -> (i32, i32, i32) {
    %c0_i32 = arith.constant 0 : i32
    %c0_i32_0 = arith.constant 0 : i32
    %c0_i32_1 = arith.constant 0 : i32
    return %c0_i32, %arg0, %c0_i32_0 : i32, i32, i32
  }
  func.func @transform_2(%arg0: i32) -> (i32, i32) {
    %c0_i32 = arith.constant 0 : i32
    %c0_i32_0 = arith.constant 0 : i32
    return %arg0, %c0_i32 : i32, i32
  }
  func.func @transform_3(%arg0: i32) -> (i32, i32) {
    %c0_i32 = arith.constant 0 : i32
    %c0_i32_0 = arith.constant 0 : i32
    return %arg0, %c0_i32 : i32, i32
  }
  func.func @transform_4(%arg0: i32) -> (i32, i32) {
    %c0_i32 = arith.constant 0 : i32
    %c0_i32_0 = arith.constant 0 : i32
    %c0_i32_1 = arith.constant 0 : i32
    return %c0_i32, %c0_i32_0 : i32, i32
  }
  func.func @transform_5(%arg0: i32) -> (i32, i32) {
    %c0_i32 = arith.constant 0 : i32
    %c0_i32_0 = arith.constant 0 : i32
    %c0_i32_1 = arith.constant 0 : i32
    return %c0_i32, %c0_i32_0 : i32, i32
  }
  func.func @transform_6(%arg0: i32) -> (i32, i32) {
    %c0_i32 = arith.constant 0 : i32
    %c0_i32_0 = arith.constant 0 : i32
    %c0_i32_1 = arith.constant 0 : i32
    return %c0_i32, %c0_i32_0 : i32, i32
  }
  func.func @transform_7(%arg0: i32) -> (i32, i32) {
    %c0_i32 = arith.constant 0 : i32
    %c0_i32_0 = arith.constant 0 : i32
    return %arg0, %c0_i32 : i32, i32
  }
  func.func @transform_8(%arg0: i32) -> (i32, i32) {
    %c0_i32 = arith.constant 0 : i32
    %c0_i32_0 = arith.constant 0 : i32
    return %arg0, %c0_i32 : i32, i32
  }
}

module attributes {stable_mosaic.version = 14 : i64} {
  func.func @_matmul_bias_kernel(%arg0: i32, %arg1: memref<4000x32xf32, #tpu.memory_space<vmem>>, %arg2: memref<32x128xf32, #tpu.memory_space<vmem>>, %arg3: memref<1x128xf32, #tpu.memory_space<vmem>>, %arg4: memref<4000x128xf32, #tpu.memory_space<vmem>>) attributes {dimension_semantics = [#tpu.dimension_semantics<arbitrary>], iteration_bounds = array<i64: 80>, scalar_prefetch = 0 : i64, scratch_operands = 0 : i64, tpu.core_type = #tpu.core_type<tc>, window_params = [{transform_indices = @transform_0, window_bounds = array<i64: 4000, 32>}, {pipeline_mode = #tpu.pipeline_mode<synchronous>, transform_indices = @transform_1, window_bounds = array<i64: 32, 128>}, {pipeline_mode = #tpu.pipeline_mode<synchronous>, transform_indices = @transform_2, window_bounds = array<i64: 1, 128>}, {transform_indices = @transform_3, window_bounds = array<i64: 4000, 128>}]} {
    %get3A = arith.constant 0 : index
    %get3A_0 = arith.constant 0 : index
    %get3A_1 = vector.load %arg1[%get3A, %get3A_0] : memref<4000x32xf32, #tpu.memory_space<vmem>>, vector<4000x32xf32>
    %get3A_2 = arith.constant 0 : index
    %get3A_3 = arith.constant 0 : index
    %get3A_4 = vector.load %arg2[%get3A_2, %get3A_3] : memref<32x128xf32, #tpu.memory_space<vmem>>, vector<32x128xf32>
    %dot_general3A = arith.constant dense<0.000000e+00> : vector<4000x128xf32>
    %dot_general3A_5 = tpu.matmul %get3A_1, %get3A_4, %dot_general3A {dimension_numbers = #tpu.dot_dimension_numbers<[1], [0], [0], [1], [0, 0, 1, 1], [], []>, transpose_lhs_hint = false} : vector<4000x32xf32>, vector<32x128xf32>, vector<4000x128xf32> -> vector<4000x128xf32>
    %get3A_6 = arith.constant 0 : index
    %get3A_7 = arith.constant 0 : index
    %get3A_8 = vector.load %arg3[%get3A_6, %get3A_7] : memref<1x128xf32, #tpu.memory_space<vmem>>, vector<1x128xf32>
    %add3A = vector.broadcast %get3A_8 : vector<1x128xf32> to vector<4000x128xf32>
    %add3A_9 = arith.addf %dot_general3A_5, %add3A : vector<4000x128xf32>
    %swap3A = arith.constant 0 : index
    %swap3A_10 = arith.constant 0 : index
    %swap3A_11 = vector.load %arg4[%swap3A, %swap3A_10] : memref<4000x128xf32, #tpu.memory_space<vmem>>, vector<4000x128xf32>
    tpu.vector_store %arg4[%swap3A, %swap3A_10], %add3A_9 {strides = array<i32>} : memref<4000x128xf32, #tpu.memory_space<vmem>>, vector<4000x128xf32>,
    return
  }
  func.func @transform_0(%arg0: i32) -> (i32, i32) {
    %c0_i32 = arith.constant 0 : i32
    %c0_i32_0 = arith.constant 0 : i32
    return %arg0, %c0_i32 : i32, i32
  }
  func.func @transform_1(%arg0: i32) -> (i32, i32) {
    %c0_i32 = arith.constant 0 : i32
    %c0_i32_0 = arith.constant 0 : i32
    %c0_i32_1 = arith.constant 0 : i32
    return %c0_i32, %c0_i32_0 : i32, i32
  }
  func.func @transform_2(%arg0: i32) -> (i32, i32) {
    %c0_i32 = arith.constant 0 : i32
    %c0_i32_0 = arith.constant 0 : i32
    %c0_i32_1 = arith.constant 0 : i32
    return %c0_i32, %c0_i32_0 : i32, i32
  }
  func.func @transform_3(%arg0: i32) -> (i32, i32) {
    %c0_i32 = arith.constant 0 : i32
    %c0_i32_0 = arith.constant 0 : i32
    return %arg0, %c0_i32 : i32, i32
  }
}

</mosaic_0001>

<sc_bundles>
// kernel: kernel.10.cloned.1.call-start
scs
__scs_entry_jumppad:
0x0: {  	(pc) =	sbr.rel $0x88, $3  }
0x1: {  	(tag) =	ssettag $0x0;
	lr =	simm.s32 $0x1  }
0x2: {  	[smem:$0x3F93] =	sst lr;
	_ =	strace $0xD0000000  }
0x3: {  	_ = 	snop  }
0x4: {  	_ = 	snop  }
0x5: {  	_ = 	snop  }
0x6: {  	_ = 	snop  }
0x7: {  	_ = 	snop  }
__scs_overlays_trampoline_lowered:
0x8: {  	[smem:$0x3FA2] =	sst s0  }
0x9: {  	[smem:$0x3FA3] =	sst s1  }
0xa: {  	[smem:$0x3FA4] =	sst s2  }
0xb: {  	[smem:$0x3FA5] =	sst s3  }
0xc: {  	[smem:$0x3FA6] =	sst s4  }
0xd: {  	[smem:$0x3FA7] =	sst s5  }
0xe: {  	[smem:$0x3FA8] =	sst s6  }
0xf: {  	[smem:$0x3FA9] =	sst s7  }
0x10: {  	[smem:$0x3FAA] =	sst s8  }
0x11: {  	[smem:$0x3FAB] =	sst s9;
	s0 =	simm.s32 @!p0 $0x0  }
0x12: {  	s1 =	sld [smem:$0x3F91];
	s0 =	simm.s32 @p0 $0x1  }
0x13: {  	[smem:$0x3FAC] =	sst s0;
	s0 =	simm.s32 @!p1 $0x0  }
0x14: {  	s2 =	sld [smem:$0x3F90];
	s0 =	simm.s32 @p1 $0x1  }
0x15: {  	[smem:$0x3FAD] =	sst s0;
	s0 =	simm.s32 @!p2 $0x0  }
0x16: {  	s3 =	sld [smem:$0x3FDB];
	s0 =	simm.s32 @p2 $0x1  }
0x17: {  	s4 =	simm.s32 $0x1BF5;
	[smem:$0x3FAF] =	sst s0  }
0x18: {  	s0 =	sld [smem:$0x3F92];
	_ =	swait.ge [sflag:s4], $0x0  }
0x19: {  	s7 =	sld [smem:$0x3F93]  }
0x1a: {  	s8 =	sadd.s32 $0xFFFFE003, lr  }
0x1b: {  	s9 =	sadd.s32 $0xFFFFFEF7, lr;
	s5 =	simm.s32 $0xFFFFFFFF;
	p2 =	slt.u32 s8, $0xFFFFF086  }
0x1c: {  	p1 =	slt.u32 s9, $0xF7A;
	s5 =	simm.s32 @!p2 $0x0  }
0x1d: {  	s5 =	simm.s32 @p1 $0x1;
	p0 =	seq.s32 s7, s2  }
0x1e: {  	s7 =	smul.u32 @!p0 $0xF7A, s2;
	p2 =	seq.s32 @!p0 s5, $0x0  }
0x1f: {  	s9 =	smul.u32 $0xF7A, s1;
	s8 =	simm.s32 @!p0 $0x1BF5;
	p2 =	por !p2, p0  }
0x20: {  	[sflag:s8] =	ssyncset.s32 @!p0 $0xFFFFF086;
	s6 =	sadd.s32 @!p0 s3, s7;
	s7 =	simm.s32 @!p0 $0x108  }
0x21: {  	s3 =	sadd.s32 s3, s9;
	s6 =	sadd.s32 @!p0 $0x88, s6;
	s7 =	simm.s32 @p2 $0x1082  }
0x22: {  	[simem:s7], [sflag:s8] =	dma.local @!p0 [hbm:s6], $0xF7A  }
0x23: {  	s9 =	sor.u32 $0xD0000000, s2;
	s6 =	simm.s32 $0x108;
	_ =	swait.ge @!p0 [sflag:s8], $0x0  }
0x24: {  	s3 =	sadd.s32 $0x88, s3;
	s6 =	simm.s32 @!p1 $0x1082;
	[sflag:s4] =	ssyncset.s32 $0xFFFFF086  }
0x25: {  	[simem:s6], [sflag:s4] =	dma.local [hbm:s3], $0xF7A  }
0x26: {  	[smem:$0x3F93] =	sst s1;
	(tag) =	ssettag s2;
	_ =	strace s9  }
0x27: {  	s1 =	sld [smem:$0x3FA3]  }
0x28: {  	s2 =	sld [smem:$0x3FA4]  }
0x29: {  	s4 =	sld [smem:$0x3FA6]  }
0x2a: {  	p0 =	seq.s32 s5, $0x0;
	s5 =	sld [smem:$0x3FA7]  }
0x2b: {  	s6 =	sld [smem:$0x3FA8]  }
0x2c: {  	s7 =	sld [smem:$0x3FA9]  }
0x2d: {  	s3 =	simm.s32 $0x108;
	s8 =	sld [smem:$0x3FAA]  }
0x2e: {  	s3 =	simm.s32 @!p0 $0x1082;
	s9 =	sld [smem:$0x3FAB]  }
0x2f: {  	lr =	sadd.s32 s0, s3;
	s0 =	sld [smem:$0x3FA2]  }
0x30: {  	s3 =	sld [smem:$0x3FA5]  }
0x31: {  	[smem:$0x3FAE] =	sst s10  }
0x32: {  	s10 =	sld [smem:$0x3FAC];
	_ =	sdelay $0x3  }
0x33: {  	p0 =	seq.s32 s10, $0x1;
	s10 =	sld [smem:$0x3FAE];
	_ =	sdelay $0x3  }
0x34: {  	[smem:$0x3FAE] =	sst s10  }
0x35: {  	s10 =	sld [smem:$0x3FAD];
	_ =	sdelay $0x3  }
0x36: {  	p1 =	seq.s32 s10, $0x1;
	s10 =	sld [smem:$0x3FAE];
	_ =	sdelay $0x3  }
0x37: {  	[smem:$0x3FAE] =	sst s10  }
0x38: {  	s10 =	sld [smem:$0x3FAF]  }
0x39: {  	_ = 	snop;
	(pc) =	sbr.ind lr, $3  }
0x3a: {  	_ = 	snop  }
0x3b: {  	_ = 	snop  }
0x3c: {  	p2 =	seq.s32 s10, $0x1;
	s10 =	sld [smem:$0x3FAE]  }
0x3d: {  	_ =	shalt  }
0x3e: {  	_ =	shalt  }
0x3f: {  	_ =	shalt  }
0x40: {  	_ =	shalt  }
0x41: {  	_ =	shalt  }
0x42: {  	_ =	shalt  }
0x43: {  	_ =	shalt  }
0x44: {  	_ =	shalt  }
0x45: {  	_ =	shalt  }
0x46: {  	_ =	shalt  }
0x47: {  	_ =	shalt  }
0x48: {  	_ =	shalt  }
0x49: {  	_ =	shalt  }
0x4a: {  	_ =	shalt  }
0x4b: {  	_ =	shalt  }
0x4c: {  	_ =	shalt  }
0x4d: {  	_ =	shalt  }
0x4e: {  	_ =	shalt  }
0x4f: {  	_ =	shalt  }
0x50: {  	_ =	shalt  }
0x51: {  	_ =	shalt  }
0x52: {  	_ =	shalt  }
0x53: {  	_ =	shalt  }
0x54: {  	_ =	shalt  }
0x55: {  	_ =	shalt  }
0x56: {  	_ =	shalt  }
0x57: {  	_ =	shalt  }
0x58: {  	_ =	shalt  }
0x59: {  	_ =	shalt  }
0x5a: {  	_ =	shalt  }
0x5b: {  	_ =	shalt  }
0x5c: {  	_ =	shalt  }
0x5d: {  	_ =	shalt  }
0x5e: {  	_ =	shalt  }
0x5f: {  	_ =	shalt  }
0x60: {  	_ =	shalt  }
0x61: {  	_ =	shalt  }
0x62: {  	_ =	shalt  }
0x63: {  	_ =	shalt  }
0x64: {  	_ =	shalt  }
0x65: {  	_ =	shalt  }
0x66: {  	_ =	shalt  }
0x67: {  	_ =	shalt  }
0x68: {  	_ =	shalt  }
0x69: {  	_ =	shalt  }
0x6a: {  	_ =	shalt  }
0x6b: {  	_ =	shalt  }
0x6c: {  	_ =	shalt  }
0x6d: {  	_ =	shalt  }
0x6e: {  	_ =	shalt  }
0x6f: {  	_ =	shalt  }
0x70: {  	_ =	shalt  }
0x71: {  	_ =	shalt  }
0x72: {  	_ =	shalt  }
0x73: {  	_ =	shalt  }
0x74: {  	_ =	shalt  }
0x75: {  	_ =	shalt  }
0x76: {  	_ =	shalt  }
0x77: {  	_ =	shalt  }
0x78: {  	_ =	shalt  }
0x79: {  	_ =	shalt  }
0x7a: {  	_ =	shalt  }
0x7b: {  	_ =	shalt  }
0x7c: {  	_ =	shalt  }
0x7d: {  	_ =	shalt  }
0x7e: {  	_ =	shalt  }
0x7f: {  	_ =	shalt  }
0x80: {  	_ =	shalt  }
0x81: {  	_ =	shalt  }
0x82: {  	_ =	shalt  }
0x83: {  	_ =	shalt  }
0x84: {  	_ =	shalt  }
0x85: {  	_ =	shalt  }
0x86: {  	_ =	shalt  }
0x87: {  	_ =	shalt  }
.Lfunc_end0:
.L_simem_size_0:
called_computation.2_lowered:
.L_overlay_start_0:
0x88: {  	s2 =	sld [smem:$0x3FD9]  }
0x89: {  	s3 =	sld [smem:$0x3FFE];
	_ =	sdelay $0x1  }
0x8a: {  	s1 =	srdreg.scid  }
0x8b: {  	s0 =	sand.u32 $0x1, s1  }
0x8c: {  	s14 =	sshll.u32 s0, $0xA;
	s2 =	sadd.s32 s3, s2  }
0x8d: {  	s2 =	sadd.s32 s2, s14  }
0x8e: {  	[smem:$0x3FBA] =	sst s2  }
0x8f: {  	_ = 	snop  }
0x90: {  	s2 =	sld [smem:$0x3FD0];
	_ =	sdelay $0x2  }
0x91: {  	s15 =	simm.s32 $0xB;
	s4 =	simm.s32 $0x10  }
0x92: {  	[smem:s4], [sflag:s15] =	dma.local [hbm:s2], $0x1  }
0x93: {  	_ =	swait.eq [sflag:s15], $0x1  }
0x94: {  	[sflag:s15] =	ssyncset.done $0x0  }
0x95: {  	s16 =	sld [smem:$0x10];
	[sflag:s15] =	ssyncadd.s32 $0xFFFFFFFF  }
0x96: {  	s17 =	sld [smem:$0x11];
	(tm) =	ssettm $0x1  }
0x97: {  	s18 =	sld [smem:$0x3FFB];
	_ =	sdelay $0x3  }
0x98: {  	_ =	strace s18  }
0x99: {  	s4 =	sld [smem:$0x3FFC];
	_ =	sdelay $0x3  }
0x9a: {  	_ =	strace s4  }
0x9b: {  	s4 =	sld [smem:$0x3FFD];
	_ =	sdelay $0x3  }
0x9c: {  	_ =	strace s4  }
0x9d: {  	_ =	strace $0x8FFFFFFF  }
0x9e: {  	s19 =	sld [smem:$0x3FDB];
	_ =	sdelay $0x1  }
0x9f: {  	s5 =	simm.s32 $_scs_section_size  }
0xa0: {  	s6 =	simm.s32 $_size__tile_overlayer_lowered;
	s7 =	simm.s32 $_tile_overlayer_lowered  }
0xa1: {  	s22 =	simm.s32 $0x1BFF;
	s21 =	sshll.u32 s7, $0x1;
	s4 =	sadd.s32 s5, s19  }
0xa2: {  	s8 =	simm.s32 $0x0;
	s20 =	sshll.u32 s6, $0x1;
	s6 =	sadd.s32 s21, s4  }
0xa3: {  	[timem:s8], [sflag:s22] =	dma.local [hbm:s6], s20  }
0xa4: {  	_ =	swait.ge [sflag:s22], s20  }
0xa5: {  	s5 =	ssub.s32 $0x0, s20;
	[sflag:s22] =	ssyncset.done $0x0  }
0xa6: {  	[sflag:s22] =	ssyncadd.s32 s5;
	_ =	sdelay $0x1  }
0xa7: {  	s23 =	simm.s32 $0x1B8B  }
0xa8: {  	_ =	swait.ge [sflag:s23], $0x1  }
0xa9: {  	[sflag:s23] =	ssyncset.done $0x0  }
0xaa: {  	s25 =	simm.s32 $0x1B8E;
	s24 =	sld [smem:$0x3FFE];
	[sflag:s23] =	ssyncadd.s32 $0xFFFFFFFF  }
0xab: {  	s26 =	simm.s32 $execute0_lowered;
	[smem:$0x3FD2] =	sst s25  }
0xac: {  	s6 =	sshll.u32 s26, $0x1;
	_ =	strace $0x80000046;
	[dreg:$0x1] =	wrdreg $0xFFFFFFFF  }
0xad: {  	s28 =	simm.s32 $_size_execute0_lowered;
	s4 =	sadd.s32 s4, s6;
	[dreg:$0x0] =	wrdreg $0x0  }
0xae: {  	s6 =	sshll.u32 s28, $0x1;
	[dreg:$0x2] =	wrdreg s4  }
0xaf: {  	[dreg:$0x3] =	wrdreg s6  }
0xb0: {  	[dreg:$0x4] =	wrdreg $0xC0  }
0xb1: {  	_ =	task [dreg:s8], $0x5FFFF  }
0xb2: {  	[dreg:$0x1] =	wrdreg $0xFFFFFFFF  }
0xb3: {  	[dreg:$0x0] =	wrdreg $0x60  }
0xb4: {  	[dreg:$0x2] =	wrdreg s24  }
0xb5: {  	[dreg:$0x3] =	wrdreg s16  }
0xb6: {  	[dreg:$0x4] =	wrdreg s17  }
0xb7: {  	[dreg:$0x5] =	wrdreg $0x9  }
0xb8: {  	_ =	task.clear_ibuf [dreg:s8], $0x6FFFF;
	_ =	strace $0x90000046  }
0xb9: {  	s29 =	simm.s32 $0x9;
	_ =	strace $0x80000048  }
0xba: {  	_ =	swait.ge [sflag:s29], $0x1  }
0xbb: {  	[sflag:s29] =	ssyncadd.s32 $0xFFFFFFFF  }
0xbc: {  	_ =	strace $0x90000048  }
0xbd: {  	_ =	sfence  }
0xbe: {  	s30 =	sld [smem:$0x0];
	_ =	sdelay $0x2  }
0xbf: {  	s31 =	sshll.u32 s1, $0xD;
	s1 =	sshrl.u32 s1, $0x2  }
0xc0: {  	s3 =	sand.u32 $0x4000, s31;
	s1 =	sadd.s32 s1, s30  }
0xc1: {  	s0 =	sor.u32 s3, s0;
	s1 =	sshll.u32 s1, $0x11  }
0xc2: {  	s0 =	sor.u32 s1, s0  }
0xc3: {  	s0 =	sadd.s32 $0x8F2B, s0  }
0xc4: {  	[sflag:s0] =	ssyncadd.remote.s32 $0x1  }
0xc5: {  	_ =	sfence.sel $0xFFFF  }
0xc6: {  	[dreg:$0x0] =	wrdreg $0xFFFFFFFF;
	(pc) =	sbr.abs _section_cstart, $3  }
0xc7: {  	[dreg:$0x1] =	wrdreg $0xFFFFFFFF  }
0xc8: {  	_ =	task.clear_ibuf [dreg:s8], $0x2FFFF;
	_ =	strace $0x9FFFFFFF  }
0xc9: {  	(tm) =	ssettm $0x7FFFFFFF  }
tec
execute0_lowered:
.L_overlay_start_1:
0x0: {  	(tag) =	ssettag $0x1  }
0x1: {  	s10 =	rddreg [dreg:$0x0]  }
0x2: {  	s2 =	rddreg [dreg:$0x1]  }
0x3: {  	s3 =	rddreg [dreg:$0x2]  }
0x4: {  	s4 =	srdreg.scid;
	s1 =	stileid.u32  }
0x5: {  	s0 =	rddreg [dreg:$0x3];
	s14 =	simm.s32 $0x2780;
	s15 =	simm.s32 $0x7680  }
0x6: {  	s16 =	simm.s32 $0x2;
	s17 =	simm.s32 $0x7A80;
	s18 =	simm.s32 $0x7E80  }
0x7: {  	s19 =	simm.s32 $0x4F00;
	s20 =	simm.s32 $0x7F80;
	s21 =	simm.s32 $0x80  }
0x8: {  	s22 =	simm.s32 $0x400;
	s23 =	simm.s32 $0x0;
	s9 =	sand.u32 $0x1, s4  }
0x9: {  	s5 =	sshll.u32 s1, $0x1;
	s4 =	simm.s32 $0x0;
	s6 =	sshrl.u32 s1, $0x2  }
0xa: {  	s7 =	sadd.s32 $0xB3A00, s10;
	s5 =	sor.u32 s9, s5;
	[smem:$0x7FF] =	sst s4  }
0xb: {  	s8 =	smul.u32 $0x13C00, s6;
	s6 =	sadd.s32 $0xBDE00, s10;
	s31 =	sshll.u32 s5, $0x7  }
.Ltmp0:
0xc: {  	s12 =	ssub.s32 $0x2, s9;
	s11 =	sand.u32 $0x380, s31;
	(pc) =	sbr.rel .LBB2_1-.Ltmp0, $4  }
0xd: {  	s9 =	sadd.s32 $0xB4000, s10;
	s13 =	sshrl.u32 s12, $0x1;
	s11 =	sor.u32 s8, s11  }
0xe: {  	_ =	strace $0x80000047;
	s12 =	ssub.s32 s12, s13;
	s11 =	sshrl.u32 s11, $0x3  }
0xf: {  	s13 =	simm.s32 $0x1;
	s8 =	sadd.s32 $0xB3400, s10;
	s11 =	sadd.s32 s11, s10  }
0x10: {  	v0 =	vimm.f32 $0.0e+00;
	s12 =	smax.u32 s12, $0x1;
	s10 =	sadd.s32 $0x164200, s10;
	s11 =	sadd.s32 $0x15A400, s11  }
.LBB2_11:
0x11: {  	[hbm4b:s11+s21] =	stream.strided.scatter [tilespmem:s19], [sflag:$0x1], $0x2780, s22, s21, $0x38;
	[tilespmem:$0x10080] =	vst v63  }
0x12: {  	s23 =	sadd.s32 $0x1, s23  }
0x13: {  	p0 =	sne.s32 s23, s12  }
.Ltmp1:
0x14: {  	_ =	swait.ge [sflag:s13], $0x2780;
	(pc) =	sbr.rel @!p0 .LBB2_12-.Ltmp1, $3  }
0x15: {  	[sflag:s13] =	ssyncset.done $0x0  }
0x16: {  	[sflag:s13] =	ssyncadd.s32 $0xFFFFD880  }
0x17: {  	[bflag:$0x0] =	sbarrier.arrive $0xFFFF;
	_ =	sdelay $0x1  }
.LBB2_1:
0x18: {  	[tilespmem:s4], [sflag:$0x1] =	stream.linear.gather [hbm4b:s7+s4], $0x2780, $0x38;
	[tilespmem:$0x10080] =	vst v63  }
0x19: {  	_ =	swait.ge [sflag:s13], $0x2780  }
0x1a: {  	[sflag:s13] =	ssyncset.done $0x0  }
0x1b: {  	[sflag:s13] =	ssyncadd.s32 $0xFFFFD880  }
0x1c: {  	[tilespmem:s14], [sflag:$0x1] =	stream.linear.gather [hbm4b:s8+s4], $0x2780, $0x38;
	[tilespmem:$0x10080] =	vst v63  }
0x1d: {  	_ =	swait.ge [sflag:s13], $0x2780  }
0x1e: {  	[sflag:s13] =	ssyncset.done $0x0  }
0x1f: {  	s24 =	simm.s32 $0x0;
	[sflag:s13] =	ssyncadd.s32 $0xFFFFD880  }
.LBB2_2:
0x20: {  	p0 =	sne.s32 s24, $0x9C00  }
.Ltmp2:
0x21: {  	_ = 	snop;
	(pc) =	sbr.rel @p0 .LBB2_2-.Ltmp2, $3  }
0x22: {  	_ =	sdelay $0x1  }
0x23: {  	s25 =	sshra.s32 s24, $0x2  }
0x24: {  	s24 =	sadd.s32 $0x40, s24;
	[tilespmem:s25+$0x4F00] =	vst v0  }
0x25: {  	s24 =	simm.s32 $0x200;
	s25 =	simm.s32 $0x0  }
.LBB2_4:
0x26: {  	p0 =	sne.s32 s24, $0x1FE00;
	[tilespmem:s25+$0x8080] =	vst v0;
	s25 =	smov.u32 s24;
	s24 =	sadd.s32 $0x200, s24  }
.Ltmp3:
0x27: {  	(pc) =	sbr.rel @p0 .LBB2_4-.Ltmp3, $2  }
0x28: {  	_ =	sdelay $0x2  }
0x29: {  	s25 =	sshra.s32 s25, $0x2  }
.Ltmp4:
0x2a: {  	(pc) =	sbr.rel .LBB2_6-.Ltmp4, $4  }
0x2b: {  	_ = 	snop  }
0x2c: {  	[tilespmem:s25+$0x8080] =	vst v0  }
0x2d: {  	[bflag:$0x0] =	sbarrier.arrive $0xFFFF  }
0x2e: {  	s24 =	simm.s32 $0x0  }
.LBB2_10:
0x2f: {  	s24 =	sadd.s32 $0x1, s24  }
0x30: {  	p0 =	sne.s32 s24, $0x28  }
.Ltmp5:
0x31: {  	_ = 	snop;
	(pc) =	sbr.rel @!p0 .LBB2_11-.Ltmp5, $1  }
0x32: {  	_ =	sdelay $0x3  }
.LBB2_6:
0x33: {  	s25 =	sshll.u32 s24, $0x5  }
0x34: {  	s26 =	sor.u32 s5, s25  }
0x35: {  	p0 =	sgt.u32 s26, $0x4E1  }
.Ltmp6:
0x36: {  	_ = 	snop;
	(pc) =	sbr.rel @p0 .LBB2_10-.Ltmp6, $1  }
0x37: {  	_ =	sdelay $0x3  }
0x38: {  	s25 =	sshll.u32 s26, $0x7  }
0x39: {  	s28 =	simm.s32 $0x0;
	s29 =	sadd.s32 s6, s25  }
0x3a: {  	[tilespmem:s15], [sflag:$0x2] =	stream.linear.gather [hbm4b:s29+s28], $0x400, $0x38;
	[tilespmem:$0x10080] =	vst v63  }
0x3b: {  	_ =	swait.ge [sflag:s16], $0x400  }
0x3c: {  	[sflag:s16] =	ssyncset.done $0x0  }
0x3d: {  	s25 =	sadd.s32 s2, s25;
	[sflag:s16] =	ssyncadd.s32 $0xFFFFFC00  }
0x3e: {  	[tilespmem:s17], [sflag:$0x2] =	stream.linear.gather [hbm4b:s25+s28], $0x400, $0x38;
	[tilespmem:$0x10080] =	vst v63  }
0x3f: {  	_ =	swait.ge [sflag:s16], $0x400  }
0x40: {  	s25 =	sshll.u32 s26, $0x5;
	[sflag:s16] =	ssyncset.done $0x0  }
0x41: {  	s31 =	sadd.s32 s9, s25;
	[sflag:s16] =	ssyncadd.s32 $0xFFFFFC00  }
0x42: {  	[tilespmem:s18], [sflag:$0x2] =	stream.linear.gather [hbm4b:s31+s28], $0x100, $0x38;
	[tilespmem:$0x10080] =	vst v63  }
0x43: {  	_ =	swait.ge [sflag:s16], $0x100  }
0x44: {  	s30 =	sshll.u32 s26, $0xC;
	[sflag:s16] =	ssyncset.done $0x0  }
0x45: {  	s26 =	simm.s32 $0x8080;
	s31 =	sadd.s32 s3, s30;
	[sflag:s16] =	ssyncadd.s32 $0xFFFFFF00  }
0x46: {  	[tilespmem:s26], [sflag:$0x2] =	stream.linear.gather [hbm4b:s31+s28], $0x8000, $0x38;
	[tilespmem:$0x10080] =	vst v63  }
0x47: {  	_ =	swait.ge [sflag:s16], $0x8000  }
0x48: {  	[sflag:s16] =	ssyncset.done $0x0  }
0x49: {  	[sflag:s16] =	ssyncadd.s32 $0xFFFF8000  }
0x4a: {  	v1 =	vld [tilespmem:$0x7A80]  }
0x4b: {  	v2 =	vld [tilespmem:$0x7680];
	_ =	sdelay $0x6  }
0x4c: {  	v3 =	vld.idx.msk [tilespmem:v1+s28+$0x0], $0xffff  }
0x4d: {  	v2 =	vld.idx.msk [tilespmem:v2+s14+$0x0], $0xffff;
	_ =	sdelay $0x1  }
0x4e: {  	v4 =	vld [tilespmem:$0x7E80];
	_ =	sdelay $0x2  }
0x4f: {  	v2 =	vadd.f32 v2, v3;
	_ =	sdelay $0x1  }
0x50: {  	v2 =	vadd.f32 v4, v2;
	_ =	sdelay $0x1  }
0x51: {  	v3 =	vmul.f32 $2.000000030e-01, v2  }
0x52: {  	vm0 =	vge.f32 v2, $0.0e+00  }
0x53: {  	v2 =	vsel vm0, v2, v3  }
0x54: {  	v2 =	vmul.f32 $1.442695020e+00, v2;
	_ =	sdelay $0x1  }
0x55: {  	(erf) = vpow2.f32 v2;
	_ =	sdelay $0x8  }
0x56: {  	v2 =	vpop (erf)  }
0x57: {  	[tilespmem:$0x7F80] =	vst v2  }
0x58: {  	[tilespmem:v1+s19+$0x0] =	vst.idx.add.f32.msk $0xffff, v2  }
0x59: {  	v1 =	vld [tilespmem:$0x7A90]  }
0x5a: {  	v2 =	vld [tilespmem:$0x7690];
	_ =	sdelay $0x6  }
0x5b: {  	v3 =	vld.idx.msk [tilespmem:v1+s28+$0x0], $0xffff  }
0x5c: {  	v2 =	vld.idx.msk [tilespmem:v2+s14+$0x0], $0xffff;
	_ =	sdelay $0x1  }
0x5d: {  	v4 =	vld [tilespmem:$0x7E90];
	_ =	sdelay $0x2  }
0x5e: {  	v2 =	vadd.f32 v2, v3;
	_ =	sdelay $0x1  }
0x5f: {  	v2 =	vadd.f32 v4, v2;
	_ =	sdelay $0x1  }
0x60: {  	v3 =	vmul.f32 $2.000000030e-01, v2  }
0x61: {  	vm13 =	vge.f32 v2, $0.0e+00  }
0x62: {  	v2 =	vsel vm13, v2, v3  }
0x63: {  	v2 =	vmul.f32 $1.442695020e+00, v2;
	_ =	sdelay $0x1  }
0x64: {  	(erf) = vpow2.f32 v2;
	_ =	sdelay $0x8  }
0x65: {  	v2 =	vpop (erf)  }
0x66: {  	[tilespmem:$0x7F90] =	vst v2  }
0x67: {  	[tilespmem:v1+s19+$0x0] =	vst.idx.add.f32.msk $0xffff, v2  }
0x68: {  	v1 =	vld [tilespmem:$0x7AA0]  }
0x69: {  	v2 =	vld [tilespmem:$0x76A0];
	_ =	sdelay $0x6  }
0x6a: {  	v3 =	vld.idx.msk [tilespmem:v1+s28+$0x0], $0xffff  }
0x6b: {  	v2 =	vld.idx.msk [tilespmem:v2+s14+$0x0], $0xffff;
	_ =	sdelay $0x1  }
0x6c: {  	v4 =	vld [tilespmem:$0x7EA0];
	_ =	sdelay $0x2  }
0x6d: {  	v2 =	vadd.f32 v2, v3;
	_ =	sdelay $0x1  }
0x6e: {  	v2 =	vadd.f32 v4, v2;
	_ =	sdelay $0x1  }
0x6f: {  	v3 =	vmul.f32 $2.000000030e-01, v2  }
0x70: {  	vm14 =	vge.f32 v2, $0.0e+00  }
0x71: {  	v2 =	vsel vm14, v2, v3  }
0x72: {  	v2 =	vmul.f32 $1.442695020e+00, v2;
	_ =	sdelay $0x1  }
0x73: {  	(erf) = vpow2.f32 v2;
	_ =	sdelay $0x8  }
0x74: {  	v2 =	vpop (erf)  }
0x75: {  	[tilespmem:$0x7FA0] =	vst v2  }
0x76: {  	[tilespmem:v1+s19+$0x0] =	vst.idx.add.f32.msk $0xffff, v2  }
0x77: {  	v1 =	vld [tilespmem:$0x7AB0]  }
0x78: {  	v2 =	vld [tilespmem:$0x76B0];
	_ =	sdelay $0x6  }
0x79: {  	v3 =	vld.idx.msk [tilespmem:v1+s28+$0x0], $0xffff  }
0x7a: {  	v2 =	vld.idx.msk [tilespmem:v2+s14+$0x0], $0xffff;
	_ =	sdelay $0x1  }
0x7b: {  	v4 =	vld [tilespmem:$0x7EB0];
	_ =	sdelay $0x2  }
0x7c: {  	v2 =	vadd.f32 v2, v3;
	_ =	sdelay $0x1  }
0x7d: {  	v2 =	vadd.f32 v4, v2;
	_ =	sdelay $0x1  }
0x7e: {  	v3 =	vmul.f32 $2.000000030e-01, v2  }
0x7f: {  	vm15 =	vge.f32 v2, $0.0e+00  }
0x80: {  	v2 =	vsel vm15, v2, v3  }
0x81: {  	v2 =	vmul.f32 $1.442695020e+00, v2;
	_ =	sdelay $0x1  }
0x82: {  	(erf) = vpow2.f32 v2;
	_ =	sdelay $0x8  }
0x83: {  	v2 =	vpop (erf)  }
0x84: {  	[tilespmem:$0x7FB0] =	vst v2  }
0x85: {  	[tilespmem:v1+s19+$0x0] =	vst.idx.add.f32.msk $0xffff, v2  }
0x86: {  	v1 =	vld [tilespmem:$0x7AC0]  }
0x87: {  	v2 =	vld [tilespmem:$0x76C0];
	_ =	sdelay $0x6  }
0x88: {  	v3 =	vld.idx.msk [tilespmem:v1+s28+$0x0], $0xffff  }
0x89: {  	v2 =	vld.idx.msk [tilespmem:v2+s14+$0x0], $0xffff;
	_ =	sdelay $0x1  }
0x8a: {  	v4 =	vld [tilespmem:$0x7EC0];
	_ =	sdelay $0x2  }
0x8b: {  	v2 =	vadd.f32 v2, v3;
	_ =	sdelay $0x1  }
0x8c: {  	v2 =	vadd.f32 v4, v2;
	_ =	sdelay $0x1  }
0x8d: {  	v3 =	vmul.f32 $2.000000030e-01, v2  }
0x8e: {  	vm4 =	vge.f32 v2, $0.0e+00  }
0x8f: {  	v2 =	vsel vm4, v2, v3  }
0x90: {  	v2 =	vmul.f32 $1.442695020e+00, v2;
	_ =	sdelay $0x1  }
0x91: {  	(erf) = vpow2.f32 v2;
	_ =	sdelay $0x8  }
0x92: {  	v2 =	vpop (erf)  }
0x93: {  	[tilespmem:$0x7FC0] =	vst v2  }
0x94: {  	[tilespmem:v1+s19+$0x0] =	vst.idx.add.f32.msk $0xffff, v2  }
0x95: {  	v1 =	vld [tilespmem:$0x7AD0]  }
0x96: {  	v2 =	vld [tilespmem:$0x76D0];
	_ =	sdelay $0x6  }
0x97: {  	v3 =	vld.idx.msk [tilespmem:v1+s28+$0x0], $0xffff  }
0x98: {  	v2 =	vld.idx.msk [tilespmem:v2+s14+$0x0], $0xffff;
	_ =	sdelay $0x1  }
0x99: {  	v4 =	vld [tilespmem:$0x7ED0];
	_ =	sdelay $0x2  }
0x9a: {  	v2 =	vadd.f32 v2, v3;
	_ =	sdelay $0x1  }
0x9b: {  	v2 =	vadd.f32 v4, v2;
	_ =	sdelay $0x1  }
0x9c: {  	v3 =	vmul.f32 $2.000000030e-01, v2  }
0x9d: {  	vm5 =	vge.f32 v2, $0.0e+00  }
0x9e: {  	v2 =	vsel vm5, v2, v3  }
0x9f: {  	v2 =	vmul.f32 $1.442695020e+00, v2;
	_ =	sdelay $0x1  }
0xa0: {  	(erf) = vpow2.f32 v2;
	_ =	sdelay $0x8  }
0xa1: {  	v2 =	vpop (erf)  }
0xa2: {  	[tilespmem:$0x7FD0] =	vst v2  }
0xa3: {  	[tilespmem:v1+s19+$0x0] =	vst.idx.add.f32.msk $0xffff, v2  }
0xa4: {  	v1 =	vld [tilespmem:$0x7AE0]  }
0xa5: {  	v2 =	vld [tilespmem:$0x76E0];
	_ =	sdelay $0x6  }
0xa6: {  	v3 =	vld.idx.msk [tilespmem:v1+s28+$0x0], $0xffff  }
0xa7: {  	v2 =	vld.idx.msk [tilespmem:v2+s14+$0x0], $0xffff;
	_ =	sdelay $0x1  }
0xa8: {  	v4 =	vld [tilespmem:$0x7EE0];
	_ =	sdelay $0x2  }
0xa9: {  	v2 =	vadd.f32 v2, v3;
	_ =	sdelay $0x1  }
0xaa: {  	v2 =	vadd.f32 v4, v2;
	_ =	sdelay $0x1  }
0xab: {  	v3 =	vmul.f32 $2.000000030e-01, v2  }
0xac: {  	vm6 =	vge.f32 v2, $0.0e+00  }
0xad: {  	v2 =	vsel vm6, v2, v3  }
0xae: {  	v2 =	vmul.f32 $1.442695020e+00, v2;
	_ =	sdelay $0x1  }
0xaf: {  	(erf) = vpow2.f32 v2;
	_ =	sdelay $0x8  }
0xb0: {  	v2 =	vpop (erf)  }
0xb1: {  	[tilespmem:$0x7FE0] =	vst v2  }
0xb2: {  	[tilespmem:v1+s19+$0x0] =	vst.idx.add.f32.msk $0xffff, v2  }
0xb3: {  	v1 =	vld [tilespmem:$0x7AF0]  }
0xb4: {  	v2 =	vld [tilespmem:$0x76F0];
	_ =	sdelay $0x6  }
0xb5: {  	v3 =	vld.idx.msk [tilespmem:v1+s28+$0x0], $0xffff  }
0xb6: {  	v2 =	vld.idx.msk [tilespmem:v2+s14+$0x0], $0xffff;
	_ =	sdelay $0x1  }
0xb7: {  	v4 =	vld [tilespmem:$0x7EF0];
	_ =	sdelay $0x2  }
0xb8: {  	v2 =	vadd.f32 v2, v3;
	_ =	sdelay $0x1  }
0xb9: {  	v2 =	vadd.f32 v4, v2;
	_ =	sdelay $0x1  }
0xba: {  	v3 =	vmul.f32 $2.000000030e-01, v2  }
0xbb: {  	vm7 =	vge.f32 v2, $0.0e+00  }
0xbc: {  	v2 =	vsel vm7, v2, v3  }
0xbd: {  	v2 =	vmul.f32 $1.442695020e+00, v2;
	_ =	sdelay $0x1  }
0xbe: {  	(erf) = vpow2.f32 v2;
	_ =	sdelay $0x8  }
0xbf: {  	v2 =	vpop (erf)  }
0xc0: {  	[tilespmem:$0x7FF0] =	vst v2  }
0xc1: {  	[tilespmem:v1+s19+$0x0] =	vst.idx.add.f32.msk $0xffff, v2  }
0xc2: {  	v1 =	vld [tilespmem:$0x7B00]  }
0xc3: {  	v2 =	vld [tilespmem:$0x7700];
	_ =	sdelay $0x6  }
0xc4: {  	v3 =	vld.idx.msk [tilespmem:v1+s28+$0x0], $0xffff  }
0xc5: {  	v2 =	vld.idx.msk [tilespmem:v2+s14+$0x0], $0xffff;
	_ =	sdelay $0x1  }
0xc6: {  	v4 =	vld [tilespmem:$0x7F00];
	_ =	sdelay $0x2  }
0xc7: {  	v2 =	vadd.f32 v2, v3;
	_ =	sdelay $0x1  }
0xc8: {  	v2 =	vadd.f32 v4, v2;
	_ =	sdelay $0x1  }
0xc9: {  	v3 =	vmul.f32 $2.000000030e-01, v2  }
0xca: {  	vm8 =	vge.f32 v2, $0.0e+00  }
0xcb: {  	v2 =	vsel vm8, v2, v3  }
0xcc: {  	v2 =	vmul.f32 $1.442695020e+00, v2;
	_ =	sdelay $0x1  }
0xcd: {  	(erf) = vpow2.f32 v2;
	_ =	sdelay $0x8  }
0xce: {  	v2 =	vpop (erf)  }
0xcf: {  	[tilespmem:$0x8000] =	vst v2  }
0xd0: {  	[tilespmem:v1+s19+$0x0] =	vst.idx.add.f32.msk $0xffff, v2  }
0xd1: {  	v1 =	vld [tilespmem:$0x7B10]  }
0xd2: {  	v2 =	vld [tilespmem:$0x7710];
	_ =	sdelay $0x6  }
0xd3: {  	v3 =	vld.idx.msk [tilespmem:v1+s28+$0x0], $0xffff  }
0xd4: {  	v2 =	vld.idx.msk [tilespmem:v2+s14+$0x0], $0xffff;
	_ =	sdelay $0x1  }
0xd5: {  	v4 =	vld [tilespmem:$0x7F10];
	_ =	sdelay $0x2  }
0xd6: {  	v2 =	vadd.f32 v2, v3;
	_ =	sdelay $0x1  }
0xd7: {  	v2 =	vadd.f32 v4, v2;
	_ =	sdelay $0x1  }
0xd8: {  	v3 =	vmul.f32 $2.000000030e-01, v2  }
0xd9: {  	vm9 =	vge.f32 v2, $0.0e+00  }
0xda: {  	v2 =	vsel vm9, v2, v3  }
0xdb: {  	v2 =	vmul.f32 $1.442695020e+00, v2;
	_ =	sdelay $0x1  }
0xdc: {  	(erf) = vpow2.f32 v2;
	_ =	sdelay $0x8  }
0xdd: {  	v2 =	vpop (erf)  }
0xde: {  	[tilespmem:$0x8010] =	vst v2  }
0xdf: {  	[tilespmem:v1+s19+$0x0] =	vst.idx.add.f32.msk $0xffff, v2  }
0xe0: {  	v1 =	vld [tilespmem:$0x7B20]  }
0xe1: {  	v2 =	vld [tilespmem:$0x7720];
	_ =	sdelay $0x6  }
0xe2: {  	v3 =	vld.idx.msk [tilespmem:v1+s28+$0x0], $0xffff  }
0xe3: {  	v2 =	vld.idx.msk [tilespmem:v2+s14+$0x0], $0xffff;
	_ =	sdelay $0x1  }
0xe4: {  	v4 =	vld [tilespmem:$0x7F20];
	_ =	sdelay $0x2  }
0xe5: {  	v2 =	vadd.f32 v2, v3;
	_ =	sdelay $0x1  }
0xe6: {  	v2 =	vadd.f32 v4, v2;
	_ =	sdelay $0x1  }
0xe7: {  	v3 =	vmul.f32 $2.000000030e-01, v2  }
0xe8: {  	vm10 =	vge.f32 v2, $0.0e+00  }
0xe9: {  	v2 =	vsel vm10, v2, v3  }
0xea: {  	v2 =	vmul.f32 $1.442695020e+00, v2;
	_ =	sdelay $0x1  }
0xeb: {  	(erf) = vpow2.f32 v2;
	_ =	sdelay $0x8  }
0xec: {  	v2 =	vpop (erf)  }
0xed: {  	[tilespmem:$0x8020] =	vst v2  }
0xee: {  	[tilespmem:v1+s19+$0x0] =	vst.idx.add.f32.msk $0xffff, v2  }
0xef: {  	v1 =	vld [tilespmem:$0x7B30]  }
0xf0: {  	v2 =	vld [tilespmem:$0x7730];
	_ =	sdelay $0x6  }
0xf1: {  	v3 =	vld.idx.msk [tilespmem:v1+s28+$0x0], $0xffff  }
0xf2: {  	v2 =	vld.idx.msk [tilespmem:v2+s14+$0x0], $0xffff;
	_ =	sdelay $0x1  }
0xf3: {  	v4 =	vld [tilespmem:$0x7F30];
	_ =	sdelay $0x2  }
0xf4: {  	v2 =	vadd.f32 v2, v3;
	_ =	sdelay $0x1  }
0xf5: {  	v2 =	vadd.f32 v4, v2;
	_ =	sdelay $0x1  }
0xf6: {  	v3 =	vmul.f32 $2.000000030e-01, v2  }
0xf7: {  	vm11 =	vge.f32 v2, $0.0e+00  }
0xf8: {  	v2 =	vsel vm11, v2, v3  }
0xf9: {  	v2 =	vmul.f32 $1.442695020e+00, v2;
	_ =	sdelay $0x1  }
0xfa: {  	(erf) = vpow2.f32 v2;
	_ =	sdelay $0x8  }
0xfb: {  	v2 =	vpop (erf)  }
0xfc: {  	[tilespmem:$0x8030] =	vst v2  }
0xfd: {  	[tilespmem:v1+s19+$0x0] =	vst.idx.add.f32.msk $0xffff, v2  }
0xfe: {  	v1 =	vld [tilespmem:$0x7B40]  }
0xff: {  	v2 =	vld [tilespmem:$0x7740];
	_ =	sdelay $0x6  }
0x100: {  	v3 =	vld.idx.msk [tilespmem:v1+s28+$0x0], $0xffff  }
0x101: {  	v2 =	vld.idx.msk [tilespmem:v2+s14+$0x0], $0xffff;
	_ =	sdelay $0x1  }
0x102: {  	v4 =	vld [tilespmem:$0x7F40];
	_ =	sdelay $0x2  }
0x103: {  	v2 =	vadd.f32 v2, v3;
	_ =	sdelay $0x1  }
0x104: {  	v2 =	vadd.f32 v4, v2;
	_ =	sdelay $0x1  }
0x105: {  	v3 =	vmul.f32 $2.000000030e-01, v2  }
0x106: {  	vm12 =	vge.f32 v2, $0.0e+00  }
0x107: {  	v2 =	vsel vm12, v2, v3  }
0x108: {  	v2 =	vmul.f32 $1.442695020e+00, v2;
	_ =	sdelay $0x1  }
0x109: {  	(erf) = vpow2.f32 v2;
	_ =	sdelay $0x8  }
0x10a: {  	v2 =	vpop (erf)  }
0x10b: {  	[tilespmem:$0x8040] =	vst v2  }
0x10c: {  	[tilespmem:v1+s19+$0x0] =	vst.idx.add.f32.msk $0xffff, v2  }
0x10d: {  	v1 =	vld [tilespmem:$0x7B50]  }
0x10e: {  	v2 =	vld [tilespmem:$0x7750];
	_ =	sdelay $0x6  }
0x10f: {  	v3 =	vld.idx.msk [tilespmem:v1+s28+$0x0], $0xffff  }
0x110: {  	v2 =	vld.idx.msk [tilespmem:v2+s14+$0x0], $0xffff;
	_ =	sdelay $0x1  }
0x111: {  	v4 =	vld [tilespmem:$0x7F50];
	_ =	sdelay $0x2  }
0x112: {  	v2 =	vadd.f32 v2, v3;
	_ =	sdelay $0x1  }
0x113: {  	v2 =	vadd.f32 v4, v2;
	_ =	sdelay $0x1  }
0x114: {  	v3 =	vmul.f32 $2.000000030e-01, v2  }
0x115: {  	vm13 =	vge.f32 v2, $0.0e+00  }
0x116: {  	v2 =	vsel vm13, v2, v3  }
0x117: {  	v2 =	vmul.f32 $1.442695020e+00, v2;
	_ =	sdelay $0x1  }
0x118: {  	(erf) = vpow2.f32 v2;
	_ =	sdelay $0x8  }
0x119: {  	v2 =	vpop (erf)  }
0x11a: {  	[tilespmem:$0x8050] =	vst v2  }
0x11b: {  	[tilespmem:v1+s19+$0x0] =	vst.idx.add.f32.msk $0xffff, v2  }
0x11c: {  	v1 =	vld [tilespmem:$0x7B60]  }
0x11d: {  	v2 =	vld [tilespmem:$0x7760];
	_ =	sdelay $0x6  }
0x11e: {  	v3 =	vld.idx.msk [tilespmem:v1+s28+$0x0], $0xffff  }
0x11f: {  	v2 =	vld.idx.msk [tilespmem:v2+s14+$0x0], $0xffff;
	_ =	sdelay $0x1  }
0x120: {  	v4 =	vld [tilespmem:$0x7F60];
	_ =	sdelay $0x2  }
0x121: {  	v2 =	vadd.f32 v2, v3;
	_ =	sdelay $0x1  }
0x122: {  	v2 =	vadd.f32 v4, v2;
	_ =	sdelay $0x1  }
0x123: {  	v3 =	vmul.f32 $2.000000030e-01, v2  }
0x124: {  	vm14 =	vge.f32 v2, $0.0e+00  }
0x125: {  	v2 =	vsel vm14, v2, v3  }
0x126: {  	v2 =	vmul.f32 $1.442695020e+00, v2;
	_ =	sdelay $0x1  }
0x127: {  	(erf) = vpow2.f32 v2;
	_ =	sdelay $0x8  }
0x128: {  	v2 =	vpop (erf)  }
0x129: {  	[tilespmem:$0x8060] =	vst v2  }
0x12a: {  	[tilespmem:v1+s19+$0x0] =	vst.idx.add.f32.msk $0xffff, v2  }
0x12b: {  	v1 =	vld [tilespmem:$0x7B70]  }
0x12c: {  	v2 =	vld [tilespmem:$0x7770];
	_ =	sdelay $0x6  }
0x12d: {  	v3 =	vld.idx.msk [tilespmem:v1+s28+$0x0], $0xffff  }
0x12e: {  	v2 =	vld.idx.msk [tilespmem:v2+s14+$0x0], $0xffff;
	_ =	sdelay $0x1  }
0x12f: {  	v4 =	vld [tilespmem:$0x7F70];
	_ =	sdelay $0x2  }
0x130: {  	v2 =	vadd.f32 v2, v3;
	_ =	sdelay $0x1  }
0x131: {  	v2 =	vadd.f32 v4, v2;
	_ =	sdelay $0x1  }
0x132: {  	v3 =	vmul.f32 $2.000000030e-01, v2  }
0x133: {  	vm15 =	vge.f32 v2, $0.0e+00  }
0x134: {  	v2 =	vsel vm15, v2, v3  }
0x135: {  	v2 =	vmul.f32 $1.442695020e+00, v2;
	_ =	sdelay $0x1  }
0x136: {  	(erf) = vpow2.f32 v2;
	_ =	sdelay $0x6  }
0x137: {  	v2 =	vmov s28;
	_ =	sdelay $0x1  }
0x138: {  	v3 =	vpop (erf)  }
0x139: {  	[tilespmem:$0x8070] =	vst v3  }
0x13a: {  	[tilespmem:v1+s19+$0x0] =	vst.idx.add.f32.msk $0xffff, v3  }
0x13b: {  	v1 =	vld.idx.msk [tilespmem:v2+s20+$0x0], $0xffff  }
0x13c: {  	v3 =	vld [tilespmem:s26+$0x0];
	_ =	sdelay $0x1  }
0x13d: {  	s28 =	simm.s32 $0x1  }
0x13e: {  	v2 =	vmov s28;
	s28 =	simm.s32 $0x2  }
.LBB2_8:
0x13f: {  	p0 =	sne.s32 s28, $0xFF  }
0x140: {  	v1 =	vmul.f32 v3, v1;
	_ =	sdelay $0x1  }
0x141: {  	[tilespmem:s26+$0x0] =	vst v1  }
.Ltmp7:
0x142: {  	s26 =	sadd.s32 $0x80, s26;
	v1 =	vld.idx.msk [tilespmem:v2+s20+$0x0], $0xffff;
	(pc) =	sbr.rel @p0 .LBB2_8-.Ltmp7, $2  }
0x143: {  	v3 =	vld [tilespmem:s26+$0x0];
	_ =	sdelay $0x2  }
0x144: {  	v2 =	vmov s28;
	s28 =	sadd.s32 $0x1, s28  }
0x145: {  	_ = 	snop  }
0x146: {  	v1 =	vmul.f32 v3, v1;
	_ =	sdelay $0x1  }
0x147: {  	[tilespmem:s26+$0x0] =	vst v1  }
0x148: {  	s31 =	sadd.s32 $0x80, s26;
	v1 =	vld.idx.msk [tilespmem:v2+s20+$0x0], $0xffff  }
0x149: {  	v2 =	vld [tilespmem:s31+$0x0];
	_ =	sdelay $0x4  }
0x14a: {  	v1 =	vmul.f32 v2, v1;
	_ =	sdelay $0x1  }
.Ltmp8:
0x14b: {  	s25 =	sadd.s32 s10, s25;
	[tilespmem:s31+$0x0] =	vst v1;
	(pc) =	sbr.rel .LBB2_10-.Ltmp8, $4  }
0x14c: {  	[hbm4b:s25+s4] =	stream.linear.scatter [tilespmem:s20], [sflag:$0x1], $0x100, $0x38;
	[tilespmem:$0x10080] =	vst v63  }
0x14d: {  	_ =	swait.ge [sflag:s13], $0x100  }
0x14e: {  	[sflag:s13] =	ssyncset.done $0x0  }
0x14f: {  	[sflag:s13] =	ssyncadd.s32 $0xFFFFFF00  }
.LBB2_12:
0x150: {  	_ =	sfence.sel $0x180000  }
0x151: {  	[bflag:$0x0] =	sbarrier.arrive $0xFFFF  }
0x152: {  	p0 =	sne.s32 s1, $0x0;
	_ =	strace $0x90000047  }
0x153: {  	s0 =	sadd.s32 @!p0 $0x100000, s0;
	[bflag:$0x2] =	sbarrier.arrive $0xFFFF  }
0x154: {  	[sflag:s0] =	ssyncadd.tile.s32 @!p0 $0x1;
	_ =	shalt  }
.Lfunc_end2:
_tile_overlayer_lowered:
.L_overlay_start_2:
0x155: {  	(tag) =	ssettag $0x2  }
0x156: {  	s0 =	rddreg [dreg:$0x0];
	s2 =	stileid.u32  }
0x157: {  	s1 =	rddreg [dreg:$0x1];
	p0 =	sne.s32 s2, $0x0  }
0x158: {  	s3 =	rddreg [dreg:$0x2];
	[bflag:$0x3] =	sbarrier.arrive $0xFFFF;
	s2 =	simm.s32 @!p0 $0x1C01  }
0x159: {  	[timem:s3], [sflag:s2] =	dma.local @!p0 [hbm:s0], s1  }
0x15a: {  	s0 =	simm.s32 @!p0 $0x1  }
0x15b: {  	_ =	swait.ge @!p0 [sflag:s0], s1  }
0x15c: {  	s1 =	ssub.s32 @!p0 $0x0, s1;
	[sflag:s0] =	ssyncset.done @!p0 $0x0  }
0x15d: {  	[sflag:s0] =	ssyncadd.s32 @!p0 s1  }
0x15e: {  	[bflag:$0x3] =	sbarrier.arrive $0xFFFF  }
0x15f: {  	_ =	shalt  }

// kernel: kernel.13.cloned.1.call-start
scs
__scs_entry_jumppad:
0x0: {  	(pc) =	sbr.rel $0x88, $3  }
0x1: {  	(tag) =	ssettag $0x0;
	lr =	simm.s32 $0x1  }
0x2: {  	[smem:$0x3F93] =	sst lr;
	_ =	strace $0xD0000000  }
0x3: {  	_ = 	snop  }
0x4: {  	_ = 	snop  }
0x5: {  	_ = 	snop  }
0x6: {  	_ = 	snop  }
0x7: {  	_ = 	snop  }
__scs_overlays_trampoline_lowered:
0x8: {  	[smem:$0x3FA2] =	sst s0  }
0x9: {  	[smem:$0x3FA3] =	sst s1  }
0xa: {  	[smem:$0x3FA4] =	sst s2  }
0xb: {  	[smem:$0x3FA5] =	sst s3  }
0xc: {  	[smem:$0x3FA6] =	sst s4  }
0xd: {  	[smem:$0x3FA7] =	sst s5  }
0xe: {  	[smem:$0x3FA8] =	sst s6  }
0xf: {  	[smem:$0x3FA9] =	sst s7  }
0x10: {  	[smem:$0x3FAA] =	sst s8  }
0x11: {  	[smem:$0x3FAB] =	sst s9;
	s0 =	simm.s32 @!p0 $0x0  }
0x12: {  	s1 =	sld [smem:$0x3F91];
	s0 =	simm.s32 @p0 $0x1  }
0x13: {  	[smem:$0x3FAC] =	sst s0;
	s0 =	simm.s32 @!p1 $0x0  }
0x14: {  	s2 =	sld [smem:$0x3F90];
	s0 =	simm.s32 @p1 $0x1  }
0x15: {  	[smem:$0x3FAD] =	sst s0;
	s0 =	simm.s32 @!p2 $0x0  }
0x16: {  	s3 =	sld [smem:$0x3FDB];
	s0 =	simm.s32 @p2 $0x1  }
0x17: {  	s4 =	simm.s32 $0x1BF5;
	[smem:$0x3FAF] =	sst s0  }
0x18: {  	s0 =	sld [smem:$0x3F92];
	_ =	swait.ge [sflag:s4], $0x0  }
0x19: {  	s7 =	sld [smem:$0x3F93]  }
0x1a: {  	s8 =	sadd.s32 $0xFFFFE003, lr  }
0x1b: {  	s9 =	sadd.s32 $0xFFFFFEF7, lr;
	s5 =	simm.s32 $0xFFFFFFFF;
	p2 =	slt.u32 s8, $0xFFFFF086  }
0x1c: {  	p1 =	slt.u32 s9, $0xF7A;
	s5 =	simm.s32 @!p2 $0x0  }
0x1d: {  	s5 =	simm.s32 @p1 $0x1;
	p0 =	seq.s32 s7, s2  }
0x1e: {  	s7 =	smul.u32 @!p0 $0xF7A, s2;
	p2 =	seq.s32 @!p0 s5, $0x0  }
0x1f: {  	s9 =	smul.u32 $0xF7A, s1;
	s8 =	simm.s32 @!p0 $0x1BF5;
	p2 =	por !p2, p0  }
0x20: {  	[sflag:s8] =	ssyncset.s32 @!p0 $0xFFFFF086;
	s6 =	sadd.s32 @!p0 s3, s7;
	s7 =	simm.s32 @!p0 $0x108  }
0x21: {  	s3 =	sadd.s32 s3, s9;
	s6 =	sadd.s32 @!p0 $0x88, s6;
	s7 =	simm.s32 @p2 $0x1082  }
0x22: {  	[simem:s7], [sflag:s8] =	dma.local @!p0 [hbm:s6], $0xF7A  }
0x23: {  	s9 =	sor.u32 $0xD0000000, s2;
	s6 =	simm.s32 $0x108;
	_ =	swait.ge @!p0 [sflag:s8], $0x0  }
0x24: {  	s3 =	sadd.s32 $0x88, s3;
	s6 =	simm.s32 @!p1 $0x1082;
	[sflag:s4] =	ssyncset.s32 $0xFFFFF086  }
0x25: {  	[simem:s6], [sflag:s4] =	dma.local [hbm:s3], $0xF7A  }
0x26: {  	[smem:$0x3F93] =	sst s1;
	(tag) =	ssettag s2;
	_ =	strace s9  }
0x27: {  	s1 =	sld [smem:$0x3FA3]  }
0x28: {  	s2 =	sld [smem:$0x3FA4]  }
0x29: {  	s4 =	sld [smem:$0x3FA6]  }
0x2a: {  	p0 =	seq.s32 s5, $0x0;
	s5 =	sld [smem:$0x3FA7]  }
0x2b: {  	s6 =	sld [smem:$0x3FA8]  }
0x2c: {  	s7 =	sld [smem:$0x3FA9]  }
0x2d: {  	s3 =	simm.s32 $0x108;
	s8 =	sld [smem:$0x3FAA]  }
0x2e: {  	s3 =	simm.s32 @!p0 $0x1082;
	s9 =	sld [smem:$0x3FAB]  }
0x2f: {  	lr =	sadd.s32 s0, s3;
	s0 =	sld [smem:$0x3FA2]  }
0x30: {  	s3 =	sld [smem:$0x3FA5]  }
0x31: {  	[smem:$0x3FAE] =	sst s10  }
0x32: {  	s10 =	sld [smem:$0x3FAC];
	_ =	sdelay $0x3  }
0x33: {  	p0 =	seq.s32 s10, $0x1;
	s10 =	sld [smem:$0x3FAE];
	_ =	sdelay $0x3  }
0x34: {  	[smem:$0x3FAE] =	sst s10  }
0x35: {  	s10 =	sld [smem:$0x3FAD];
	_ =	sdelay $0x3  }
0x36: {  	p1 =	seq.s32 s10, $0x1;
	s10 =	sld [smem:$0x3FAE];
	_ =	sdelay $0x3  }
0x37: {  	[smem:$0x3FAE] =	sst s10  }
0x38: {  	s10 =	sld [smem:$0x3FAF]  }
0x39: {  	_ = 	snop;
	(pc) =	sbr.ind lr, $3  }
0x3a: {  	_ = 	snop  }
0x3b: {  	_ = 	snop  }
0x3c: {  	p2 =	seq.s32 s10, $0x1;
	s10 =	sld [smem:$0x3FAE]  }
0x3d: {  	_ =	shalt  }
0x3e: {  	_ =	shalt  }
0x3f: {  	_ =	shalt  }
0x40: {  	_ =	shalt  }
0x41: {  	_ =	shalt  }
0x42: {  	_ =	shalt  }
0x43: {  	_ =	shalt  }
0x44: {  	_ =	shalt  }
0x45: {  	_ =	shalt  }
0x46: {  	_ =	shalt  }
0x47: {  	_ =	shalt  }
0x48: {  	_ =	shalt  }
0x49: {  	_ =	shalt  }
0x4a: {  	_ =	shalt  }
0x4b: {  	_ =	shalt  }
0x4c: {  	_ =	shalt  }
0x4d: {  	_ =	shalt  }
0x4e: {  	_ =	shalt  }
0x4f: {  	_ =	shalt  }
0x50: {  	_ =	shalt  }
0x51: {  	_ =	shalt  }
0x52: {  	_ =	shalt  }
0x53: {  	_ =	shalt  }
0x54: {  	_ =	shalt  }
0x55: {  	_ =	shalt  }
0x56: {  	_ =	shalt  }
0x57: {  	_ =	shalt  }
0x58: {  	_ =	shalt  }
0x59: {  	_ =	shalt  }
0x5a: {  	_ =	shalt  }
0x5b: {  	_ =	shalt  }
0x5c: {  	_ =	shalt  }
0x5d: {  	_ =	shalt  }
0x5e: {  	_ =	shalt  }
0x5f: {  	_ =	shalt  }
0x60: {  	_ =	shalt  }
0x61: {  	_ =	shalt  }
0x62: {  	_ =	shalt  }
0x63: {  	_ =	shalt  }
0x64: {  	_ =	shalt  }
0x65: {  	_ =	shalt  }
0x66: {  	_ =	shalt  }
0x67: {  	_ =	shalt  }
0x68: {  	_ =	shalt  }
0x69: {  	_ =	shalt  }
0x6a: {  	_ =	shalt  }
0x6b: {  	_ =	shalt  }
0x6c: {  	_ =	shalt  }
0x6d: {  	_ =	shalt  }
0x6e: {  	_ =	shalt  }
0x6f: {  	_ =	shalt  }
0x70: {  	_ =	shalt  }
0x71: {  	_ =	shalt  }
0x72: {  	_ =	shalt  }
0x73: {  	_ =	shalt  }
0x74: {  	_ =	shalt  }
0x75: {  	_ =	shalt  }
0x76: {  	_ =	shalt  }
0x77: {  	_ =	shalt  }
0x78: {  	_ =	shalt  }
0x79: {  	_ =	shalt  }
0x7a: {  	_ =	shalt  }
0x7b: {  	_ =	shalt  }
0x7c: {  	_ =	shalt  }
0x7d: {  	_ =	shalt  }
0x7e: {  	_ =	shalt  }
0x7f: {  	_ =	shalt  }
0x80: {  	_ =	shalt  }
0x81: {  	_ =	shalt  }
0x82: {  	_ =	shalt  }
0x83: {  	_ =	shalt  }
0x84: {  	_ =	shalt  }
0x85: {  	_ =	shalt  }
0x86: {  	_ =	shalt  }
0x87: {  	_ =	shalt  }
.Lfunc_end0:
.L_simem_size_0:
called_computation.3_lowered:
.L_overlay_start_0:
0x88: {  	s2 =	sld [smem:$0x3FD9]  }
0x89: {  	s3 =	sld [smem:$0x3FFE];
	_ =	sdelay $0x1  }
0x8a: {  	s1 =	srdreg.scid  }
0x8b: {  	s0 =	sand.u32 $0x1, s1  }
0x8c: {  	s14 =	sshll.u32 s0, $0xA;
	s2 =	sadd.s32 s3, s2  }
0x8d: {  	s2 =	sadd.s32 s2, s14  }
0x8e: {  	[smem:$0x3FBA] =	sst s2  }
0x8f: {  	_ = 	snop  }
0x90: {  	s2 =	sld [smem:$0x3FD0];
	_ =	sdelay $0x2  }
0x91: {  	s15 =	simm.s32 $0xB;
	s4 =	simm.s32 $0x10  }
0x92: {  	[smem:s4], [sflag:s15] =	dma.local [hbm:s2], $0x1  }
0x93: {  	_ =	swait.eq [sflag:s15], $0x1  }
0x94: {  	[sflag:s15] =	ssyncset.done $0x0  }
0x95: {  	[sflag:s15] =	ssyncadd.s32 $0xFFFFFFFF  }
0x96: {  	s16 =	sld [smem:$0x11];
	(tm) =	ssettm $0x1  }
0x97: {  	s17 =	sld [smem:$0x3FFB];
	_ =	sdelay $0x3  }
0x98: {  	_ =	strace s17  }
0x99: {  	s3 =	sld [smem:$0x3FFC];
	_ =	sdelay $0x3  }
0x9a: {  	_ =	strace s3  }
0x9b: {  	s3 =	sld [smem:$0x3FFD];
	_ =	sdelay $0x3  }
0x9c: {  	_ =	strace s3  }
0x9d: {  	_ =	strace $0x8FFFFFFF  }
0x9e: {  	s18 =	sld [smem:$0x3FDB];
	_ =	sdelay $0x1  }
0x9f: {  	s19 =	simm.s32 $_scs_section_size  }
0xa0: {  	s5 =	simm.s32 $_size__tile_overlayer_lowered;
	s6 =	simm.s32 $_tile_overlayer_lowered  }
0xa1: {  	s22 =	simm.s32 $0x1BFF;
	s21 =	sshll.u32 s6, $0x1;
	s3 =	sadd.s32 s19, s18  }
0xa2: {  	s7 =	simm.s32 $0x0;
	s20 =	sshll.u32 s5, $0x1;
	s5 =	sadd.s32 s21, s3  }
0xa3: {  	[timem:s7], [sflag:s22] =	dma.local [hbm:s5], s20  }
0xa4: {  	_ =	swait.ge [sflag:s22], s20  }
0xa5: {  	s4 =	ssub.s32 $0x0, s20;
	[sflag:s22] =	ssyncset.done $0x0  }
0xa6: {  	[sflag:s22] =	ssyncadd.s32 s4;
	_ =	sdelay $0x1  }
0xa7: {  	s23 =	simm.s32 $0x1B8B  }
0xa8: {  	_ =	swait.ge [sflag:s23], $0x1  }
0xa9: {  	[sflag:s23] =	ssyncset.done $0x0  }
0xaa: {  	s25 =	simm.s32 $0x1B8E;
	s24 =	sld [smem:$0x3FFE];
	[sflag:s23] =	ssyncadd.s32 $0xFFFFFFFF  }
0xab: {  	s26 =	simm.s32 $execute0_lowered;
	[smem:$0x3FD2] =	sst s25  }
0xac: {  	s5 =	sshll.u32 s26, $0x1;
	_ =	strace $0x8000004F;
	[dreg:$0x1] =	wrdreg $0xFFFFFFFF  }
0xad: {  	s28 =	simm.s32 $_size_execute0_lowered;
	s3 =	sadd.s32 s3, s5;
	[dreg:$0x0] =	wrdreg $0x0  }
0xae: {  	s5 =	sshll.u32 s28, $0x1;
	[dreg:$0x2] =	wrdreg s3  }
0xaf: {  	[dreg:$0x3] =	wrdreg s5  }
0xb0: {  	[dreg:$0x4] =	wrdreg $0xC0  }
0xb1: {  	_ =	task [dreg:s7], $0x5FFFF  }
0xb2: {  	[dreg:$0x1] =	wrdreg $0xFFFFFFFF  }
0xb3: {  	[dreg:$0x0] =	wrdreg $0x60  }
0xb4: {  	[dreg:$0x2] =	wrdreg s24  }
0xb5: {  	[dreg:$0x3] =	wrdreg s16  }
0xb6: {  	[dreg:$0x4] =	wrdreg $0x9  }
0xb7: {  	_ =	task.clear_ibuf [dreg:s7], $0x5FFFF;
	_ =	strace $0x9000004F  }
0xb8: {  	s29 =	simm.s32 $0x9;
	_ =	strace $0x80000051  }
0xb9: {  	_ =	swait.ge [sflag:s29], $0x1  }
0xba: {  	[sflag:s29] =	ssyncadd.s32 $0xFFFFFFFF  }
0xbb: {  	_ =	strace $0x90000051  }
0xbc: {  	_ =	sfence  }
0xbd: {  	s30 =	sld [smem:$0x0];
	_ =	sdelay $0x2  }
0xbe: {  	s31 =	sshll.u32 s1, $0xD;
	s1 =	sshrl.u32 s1, $0x2  }
0xbf: {  	s3 =	sand.u32 $0x4000, s31;
	s1 =	sadd.s32 s1, s30  }
0xc0: {  	s0 =	sor.u32 s3, s0;
	s1 =	sshll.u32 s1, $0x11  }
0xc1: {  	s0 =	sor.u32 s1, s0  }
0xc2: {  	s0 =	sadd.s32 $0x8F2B, s0  }
0xc3: {  	[sflag:s0] =	ssyncadd.remote.s32 $0x1  }
0xc4: {  	_ =	sfence.sel $0xFFFF  }
0xc5: {  	[dreg:$0x0] =	wrdreg $0xFFFFFFFF;
	(pc) =	sbr.abs _section_cstart, $3  }
0xc6: {  	[dreg:$0x1] =	wrdreg $0xFFFFFFFF  }
0xc7: {  	_ =	task.clear_ibuf [dreg:s7], $0x2FFFF;
	_ =	strace $0x9FFFFFFF  }
0xc8: {  	(tm) =	ssettm $0x7FFFFFFF  }
0xc9: {  	_ =	shalt  }
tec
execute0_lowered:
.L_overlay_start_1:
0x0: {  	(tag) =	ssettag $0x1  }
0x1: {  	s0 =	srdreg.scid  }
0x2: {  	s19 =	stileid.u32;
	s3 =	rddreg [dreg:$0x0]  }
0x3: {  	s1 =	simm.s32 $0x0;
	s26 =	rddreg [dreg:$0x1];
	s29 =	simm.s32 $0x1  }
0x4: {  	s30 =	simm.s32 $0x2780;
	s0 =	sand.u32 $0x1, s0;
	s2 =	sshll.u32 s19, $0x1  }
0x5: {  	s31 =	simm.s32 $0x4F00;
	[smem:$0x7FF] =	sst s1;
	s2 =	sor.u32 s0, s2  }
0x6: {  	s5 =	sadd.s32 $0x3400, s3;
	s6 =	sadd.s32 $0xD200, s3;
	s4 =	smul.u32 $0x2710, s2  }
0x7: {  	s7 =	sadd.s32 $0x164200, s3;
	s20 =	sadd.s32 $0x134600, s3;
	s0 =	ssub.s32 $0x2, s0  }
0x8: {  	s25 =	sshrl.u32 s19, $0x2;
	s8 =	sshrl.u32 s0, $0x1;
	s4 =	sshrl.u32 s4, $0x3  }
0x9: {  	s2 =	sshll.u32 s2, $0x7;
	s0 =	ssub.s32 s0, s8;
	s17 =	sadd.s32 s5, s4  }
0xa: {  	s2 =	sand.u32 $0x380, s2;
	s18 =	sadd.s32 s6, s4;
	[dreg:$0x3] =	wrdreg s17  }
0xb: {  	s28 =	smax.u32 s0, $0x1;
	s21 =	sadd.s32 s7, s4;
	[dreg:$0x4] =	wrdreg s18  }
0xc: {  	s0 =	simm.s32 $0xA600;
	s22 =	sadd.s32 s20, s4;
	[dreg:$0x5] =	wrdreg s21  }
0xd: {  	s9 =	sadd.s32 $0xFA, s4;
	s13 =	sadd.s32 $0x1F4, s4;
	[dreg:$0x6] =	wrdreg s22  }
0xe: {  	s23 =	sadd.s32 s5, s9;
	s24 =	sadd.s32 s6, s9;
	s8 =	sadd.s32 s7, s9  }
0xf: {  	s9 =	sadd.s32 s20, s9;
	s10 =	sadd.s32 s5, s13;
	s11 =	sadd.s32 s6, s13  }
0x10: {  	s17 =	sadd.s32 $0x2EE, s4;
	s12 =	sadd.s32 s7, s13;
	[dreg:$0x7] =	wrdreg s23  }
0x11: {  	s13 =	sadd.s32 s20, s13;
	s4 =	sadd.s32 $0x3E8, s4;
	[dreg:$0x8] =	wrdreg s24  }
0x12: {  	s14 =	sadd.s32 s5, s17;
	s15 =	sadd.s32 s6, s17;
	s16 =	sadd.s32 s7, s17  }
0x13: {  	s17 =	sadd.s32 s20, s17;
	s18 =	sadd.s32 s5, s4;
	s5 =	smul.u32 $0x13C00, s25  }
0x14: {  	s19 =	sadd.s32 s6, s4;
	s21 =	sadd.s32 s7, s4;
	s22 =	sadd.s32 s20, s4  }
0x15: {  	s23 =	sadd.s32 $0x134000, s3;
	s25 =	sadd.s32 $0x133A00, s3;
	s2 =	sor.u32 s5, s2  }
0x16: {  	s20 =	simm.s32 $0x9E00;
	s4 =	simm.s32 $0xB600;
	s2 =	sshrl.u32 s2, $0x3  }
0x17: {  	_ =	strace $0x80000050;
	s5 =	simm.s32 $0x0;
	s24 =	sadd.s32 s26, s2  }
0x18: {  	v0 =	vimm.f32 $0.0e+00;
	s26 =	sadd.s32 $0x133400, s3;
	s2 =	simm.s32 $0xAE00;
	s3 =	simm.s32 $0x7680  }
.LBB2_1:
0x19: {  	[tilespmem:s1], [sflag:$0x1] =	stream.linear.gather [hbm4b:s23+s1], $0x2780, $0x38;
	[tilespmem:$0xBE00] =	vst v63  }
0x1a: {  	_ =	swait.ge [sflag:s29], $0x2780  }
0x1b: {  	[sflag:s29] =	ssyncset.done $0x0  }
0x1c: {  	[sflag:s29] =	ssyncadd.s32 $0xFFFFD880  }
0x1d: {  	[tilespmem:s30], [sflag:$0x1] =	stream.linear.gather [hbm4b:s25+s1], $0x2780, $0x38;
	[tilespmem:$0xBE00] =	vst v63  }
0x1e: {  	_ =	swait.ge [sflag:s29], $0x2780  }
0x1f: {  	[sflag:s29] =	ssyncset.done $0x0  }
0x20: {  	[sflag:s29] =	ssyncadd.s32 $0xFFFFD880  }
0x21: {  	[tilespmem:s31], [sflag:$0x1] =	stream.linear.gather [hbm4b:s26+s1], $0x2780, $0x38;
	[tilespmem:$0xBE00] =	vst v63  }
0x22: {  	_ =	swait.ge [sflag:s29], $0x2780  }
0x23: {  	[sflag:s29] =	ssyncset.done $0x0  }
0x24: {  	s6 =	simm.s32 $0x40;
	s7 =	simm.s32 $0x0;
	[sflag:s29] =	ssyncadd.s32 $0xFFFFD880  }
.LBB2_2:
0x25: {  	p0 =	sne.s32 s6, $0x9C00;
	[tilespmem:s7+$0x7680] =	vst v0;
	s7 =	smov.u32 s6;
	s6 =	sadd.s32 $0x40, s6  }
.Ltmp0:
0x26: {  	(pc) =	sbr.rel @p0 .LBB2_2-.Ltmp0, $2  }
0x27: {  	_ =	sdelay $0x2  }
0x28: {  	s7 =	sshra.s32 s7, $0x2  }
0x29: {  	[tilespmem:s7+$0x7680] =	vst v0;
	s6 =	simm.s32 $0x0;
	s7 =	rddreg [dreg:$0x3]  }
0x2a: {  	[tilespmem:s20], [sflag:$0x1] =	stream.linear.gather [hbm4b:s7+s6], $0x7D0, $0x38;
	[tilespmem:$0xBE00] =	vst v63  }
0x2b: {  	_ =	swait.ge [sflag:s29], $0x7D0  }
0x2c: {  	[sflag:s29] =	ssyncset.done $0x0  }
0x2d: {  	s7 =	rddreg [dreg:$0x4];
	[sflag:s29] =	ssyncadd.s32 $0xFFFFF830  }
0x2e: {  	[tilespmem:s0], [sflag:$0x1] =	stream.linear.gather [hbm4b:s7+s6], $0x7D0, $0x38;
	[tilespmem:$0xBE00] =	vst v63  }
0x2f: {  	_ =	swait.ge [sflag:s29], $0x7D0  }
0x30: {  	[sflag:s29] =	ssyncset.done $0x0  }
0x31: {  	s7 =	rddreg [dreg:$0x5];
	[sflag:s29] =	ssyncadd.s32 $0xFFFFF830  }
0x32: {  	[tilespmem:s2], [sflag:$0x1] =	stream.linear.gather [hbm4b:s7+s6], $0x7D0, $0x38;
	[tilespmem:$0xBE00] =	vst v63  }
0x33: {  	_ =	swait.ge [sflag:s29], $0x7D0  }
0x34: {  	[sflag:s29] =	ssyncset.done $0x0  }
0x35: {  	s6 =	simm.s32 $0x0;
	[sflag:s29] =	ssyncadd.s32 $0xFFFFF830  }
0x36: {  	v2 =	vld [tilespmem:s6+$0x9E00]  }
0x37: {  	s7 =	simm.s32 $0x40;
	v1 =	vld [tilespmem:s6+$0xA600]  }
.LBB2_4:
0x38: {  	p0 =	sne.s32 s7, $0x1F00;
	_ =	sdelay $0x5  }
0x39: {  	v2 =	vld.idx.msk [tilespmem:v2+s30+$0x0], $0xffff  }
0x3a: {  	v3 =	vld.idx.msk [tilespmem:v1+s1+$0x0], $0xffff  }
0x3b: {  	v4 =	vld.idx.msk [tilespmem:v1+s31+$0x0], $0xffff;
	_ =	sdelay $0x4  }
0x3c: {  	v2 =	vadd.f32 v2, v3;
	_ =	sdelay $0x1  }
0x3d: {  	v3 =	vmul.f32 $2.000000030e-01, v2  }
0x3e: {  	vm0 =	vge.f32 v2, $0.0e+00  }
0x3f: {  	v2 =	vsel vm0, v2, v3  }
0x40: {  	v2 =	vmul.f32 $1.442695020e+00, v2;
	_ =	sdelay $0x1  }
0x41: {  	(erf) = vpow2.f32 v2;
	_ =	sdelay $0x4  }
0x42: {  	v2 =	vld [tilespmem:s6+$0xAE00];
	_ =	sdelay $0x3  }
0x43: {  	v3 =	vpop (erf)  }
0x44: {  	v2 =	vmul.f32 v3, v2;
	_ =	sdelay $0x1  }
0x45: {  	v2 =	vmul.f32 v2, v4  }
.Ltmp1:
0x46: {  	(pc) =	sbr.rel @p0 .LBB2_4-.Ltmp1, $4  }
0x47: {  	[tilespmem:s6+$0xB600] =	vst v2  }
0x48: {  	s6 =	sshra.s32 s7, $0x2;
	[tilespmem:v1+s3+$0x0] =	vst.idx.add.f32.msk $0xffff, v3  }
0x49: {  	v2 =	vld [tilespmem:s6+$0x9E00]  }
0x4a: {  	s7 =	sadd.s32 $0x40, s7;
	v1 =	vld [tilespmem:s6+$0xA600]  }
0x4b: {  	_ =	sdelay $0x6  }
0x4c: {  	v2 =	vld.idx.msk [tilespmem:v2+s30+$0x0], $0xffff  }
0x4d: {  	v3 =	vld.idx.msk [tilespmem:v1+s1+$0x0], $0xffff;
	_ =	sdelay $0x4  }
0x4e: {  	v2 =	vadd.f32 v2, v3;
	_ =	sdelay $0x1  }
0x4f: {  	v3 =	vmul.f32 $2.000000030e-01, v2  }
0x50: {  	vm0 =	vge.f32 v2, $0.0e+00  }
0x51: {  	v2 =	vsel vm0, v2, v3  }
0x52: {  	v2 =	vmul.f32 $1.442695020e+00, v2;
	_ =	sdelay $0x1  }
0x53: {  	(erf) = vpow2.f32 v2;
	_ =	sdelay $0x4  }
0x54: {  	v2 =	vld [tilespmem:s6+$0xAE00];
	_ =	sdelay $0x1  }
0x55: {  	v3 =	vld.idx.msk [tilespmem:v1+s31+$0x0], $0xffff;
	_ =	sdelay $0x1  }
0x56: {  	v4 =	vpop (erf)  }
0x57: {  	v2 =	vmul.f32 v4, v2;
	_ =	sdelay $0x1  }
0x58: {  	v2 =	vmul.f32 v2, v3;
	_ =	sdelay $0x1  }
0x59: {  	[tilespmem:s6+$0xB600] =	vst v2  }
0x5a: {  	s7 =	rddreg [dreg:$0x6];
	s6 =	simm.s32 $0x0;
	[tilespmem:v1+s3+$0x0] =	vst.idx.add.f32.msk $0xffff, v4  }
0x5b: {  	[hbm4b:s7+s6] =	stream.linear.scatter [tilespmem:s4], [sflag:$0x1], $0x7D0, $0x38;
	[tilespmem:$0xBE00] =	vst v63  }
0x5c: {  	_ =	swait.ge [sflag:s29], $0x7D0  }
0x5d: {  	[sflag:s29] =	ssyncset.done $0x0  }
0x5e: {  	s7 =	rddreg [dreg:$0x7];
	[sflag:s29] =	ssyncadd.s32 $0xFFFFF830  }
0x5f: {  	[tilespmem:s20], [sflag:$0x1] =	stream.linear.gather [hbm4b:s7+s6], $0x7D0, $0x38;
	[tilespmem:$0xBE00] =	vst v63  }
0x60: {  	_ =	swait.ge [sflag:s29], $0x7D0  }
0x61: {  	[sflag:s29] =	ssyncset.done $0x0  }
0x62: {  	s7 =	rddreg [dreg:$0x8];
	[sflag:s29] =	ssyncadd.s32 $0xFFFFF830  }
0x63: {  	[tilespmem:s0], [sflag:$0x1] =	stream.linear.gather [hbm4b:s7+s6], $0x7D0, $0x38;
	[tilespmem:$0xBE00] =	vst v63  }
0x64: {  	_ =	swait.ge [sflag:s29], $0x7D0  }
0x65: {  	[sflag:s29] =	ssyncset.done $0x0  }
0x66: {  	[sflag:s29] =	ssyncadd.s32 $0xFFFFF830  }
0x67: {  	[tilespmem:s2], [sflag:$0x1] =	stream.linear.gather [hbm4b:s8+s6], $0x7D0, $0x38;
	[tilespmem:$0xBE00] =	vst v63  }
0x68: {  	_ =	swait.ge [sflag:s29], $0x7D0  }
0x69: {  	[sflag:s29] =	ssyncset.done $0x0  }
0x6a: {  	s6 =	simm.s32 $0x0;
	[sflag:s29] =	ssyncadd.s32 $0xFFFFF830  }
0x6b: {  	v2 =	vld [tilespmem:s6+$0x9E00]  }
0x6c: {  	s7 =	simm.s32 $0x40;
	v1 =	vld [tilespmem:s6+$0xA600]  }
.LBB2_6:
0x6d: {  	p0 =	sne.s32 s7, $0x1F00;
	_ =	sdelay $0x5  }
0x6e: {  	v2 =	vld.idx.msk [tilespmem:v2+s30+$0x0], $0xffff  }
0x6f: {  	v3 =	vld.idx.msk [tilespmem:v1+s1+$0x0], $0xffff  }
0x70: {  	v4 =	vld.idx.msk [tilespmem:v1+s31+$0x0], $0xffff;
	_ =	sdelay $0x4  }
0x71: {  	v2 =	vadd.f32 v2, v3;
	_ =	sdelay $0x1  }
0x72: {  	v3 =	vmul.f32 $2.000000030e-01, v2  }
0x73: {  	vm0 =	vge.f32 v2, $0.0e+00  }
0x74: {  	v2 =	vsel vm0, v2, v3  }
0x75: {  	v2 =	vmul.f32 $1.442695020e+00, v2;
	_ =	sdelay $0x1  }
0x76: {  	(erf) = vpow2.f32 v2;
	_ =	sdelay $0x4  }
0x77: {  	v2 =	vld [tilespmem:s6+$0xAE00];
	_ =	sdelay $0x3  }
0x78: {  	v3 =	vpop (erf)  }
0x79: {  	v2 =	vmul.f32 v3, v2;
	_ =	sdelay $0x1  }
0x7a: {  	v2 =	vmul.f32 v2, v4  }
.Ltmp2:
0x7b: {  	(pc) =	sbr.rel @p0 .LBB2_6-.Ltmp2, $4  }
0x7c: {  	[tilespmem:s6+$0xB600] =	vst v2  }
0x7d: {  	s6 =	sshra.s32 s7, $0x2;
	[tilespmem:v1+s3+$0x0] =	vst.idx.add.f32.msk $0xffff, v3  }
0x7e: {  	v2 =	vld [tilespmem:s6+$0x9E00]  }
0x7f: {  	s7 =	sadd.s32 $0x40, s7;
	v1 =	vld [tilespmem:s6+$0xA600]  }
0x80: {  	_ =	sdelay $0x6  }
0x81: {  	v2 =	vld.idx.msk [tilespmem:v2+s30+$0x0], $0xffff  }
0x82: {  	v3 =	vld.idx.msk [tilespmem:v1+s1+$0x0], $0xffff;
	_ =	sdelay $0x4  }
0x83: {  	v2 =	vadd.f32 v2, v3;
	_ =	sdelay $0x1  }
0x84: {  	v3 =	vmul.f32 $2.000000030e-01, v2  }
0x85: {  	vm0 =	vge.f32 v2, $0.0e+00  }
0x86: {  	v2 =	vsel vm0, v2, v3  }
0x87: {  	v2 =	vmul.f32 $1.442695020e+00, v2;
	_ =	sdelay $0x1  }
0x88: {  	(erf) = vpow2.f32 v2;
	_ =	sdelay $0x4  }
0x89: {  	v2 =	vld [tilespmem:s6+$0xAE00];
	_ =	sdelay $0x1  }
0x8a: {  	v3 =	vld.idx.msk [tilespmem:v1+s31+$0x0], $0xffff;
	_ =	sdelay $0x1  }
0x8b: {  	v4 =	vpop (erf)  }
0x8c: {  	v2 =	vmul.f32 v4, v2;
	_ =	sdelay $0x1  }
0x8d: {  	v2 =	vmul.f32 v2, v3;
	_ =	sdelay $0x1  }
0x8e: {  	[tilespmem:s6+$0xB600] =	vst v2  }
0x8f: {  	s7 =	simm.s32 $0x0;
	[tilespmem:v1+s3+$0x0] =	vst.idx.add.f32.msk $0xffff, v4  }
0x90: {  	[hbm4b:s9+s7] =	stream.linear.scatter [tilespmem:s4], [sflag:$0x1], $0x7D0, $0x38;
	[tilespmem:$0xBE00] =	vst v63  }
0x91: {  	_ =	swait.ge [sflag:s29], $0x7D0  }
0x92: {  	[sflag:s29] =	ssyncset.done $0x0  }
0x93: {  	[sflag:s29] =	ssyncadd.s32 $0xFFFFF830  }
0x94: {  	[tilespmem:s20], [sflag:$0x1] =	stream.linear.gather [hbm4b:s10+s7], $0x7D0, $0x38;
	[tilespmem:$0xBE00] =	vst v63  }
0x95: {  	_ =	swait.ge [sflag:s29], $0x7D0  }
0x96: {  	[sflag:s29] =	ssyncset.done $0x0  }
0x97: {  	[sflag:s29] =	ssyncadd.s32 $0xFFFFF830  }
0x98: {  	[tilespmem:s0], [sflag:$0x1] =	stream.linear.gather [hbm4b:s11+s7], $0x7D0, $0x38;
	[tilespmem:$0xBE00] =	vst v63  }
0x99: {  	_ =	swait.ge [sflag:s29], $0x7D0  }
0x9a: {  	[sflag:s29] =	ssyncset.done $0x0  }
0x9b: {  	[sflag:s29] =	ssyncadd.s32 $0xFFFFF830  }
0x9c: {  	[tilespmem:s2], [sflag:$0x1] =	stream.linear.gather [hbm4b:s12+s7], $0x7D0, $0x38;
	[tilespmem:$0xBE00] =	vst v63  }
0x9d: {  	_ =	swait.ge [sflag:s29], $0x7D0  }
0x9e: {  	[sflag:s29] =	ssyncset.done $0x0  }
0x9f: {  	s6 =	simm.s32 $0x0;
	[sflag:s29] =	ssyncadd.s32 $0xFFFFF830  }
0xa0: {  	v2 =	vld [tilespmem:s6+$0x9E00]  }
0xa1: {  	s7 =	simm.s32 $0x40;
	v1 =	vld [tilespmem:s6+$0xA600]  }
.LBB2_8:
0xa2: {  	p0 =	sne.s32 s7, $0x1F00;
	_ =	sdelay $0x5  }
0xa3: {  	v2 =	vld.idx.msk [tilespmem:v2+s30+$0x0], $0xffff  }
0xa4: {  	v3 =	vld.idx.msk [tilespmem:v1+s1+$0x0], $0xffff  }
0xa5: {  	v4 =	vld.idx.msk [tilespmem:v1+s31+$0x0], $0xffff;
	_ =	sdelay $0x4  }
0xa6: {  	v2 =	vadd.f32 v2, v3;
	_ =	sdelay $0x1  }
0xa7: {  	v3 =	vmul.f32 $2.000000030e-01, v2  }
0xa8: {  	vm0 =	vge.f32 v2, $0.0e+00  }
0xa9: {  	v2 =	vsel vm0, v2, v3  }
0xaa: {  	v2 =	vmul.f32 $1.442695020e+00, v2;
	_ =	sdelay $0x1  }
0xab: {  	(erf) = vpow2.f32 v2;
	_ =	sdelay $0x4  }
0xac: {  	v2 =	vld [tilespmem:s6+$0xAE00];
	_ =	sdelay $0x3  }
0xad: {  	v3 =	vpop (erf)  }
0xae: {  	v2 =	vmul.f32 v3, v2;
	_ =	sdelay $0x1  }
0xaf: {  	v2 =	vmul.f32 v2, v4  }
.Ltmp3:
0xb0: {  	(pc) =	sbr.rel @p0 .LBB2_8-.Ltmp3, $4  }
0xb1: {  	[tilespmem:s6+$0xB600] =	vst v2  }
0xb2: {  	s6 =	sshra.s32 s7, $0x2;
	[tilespmem:v1+s3+$0x0] =	vst.idx.add.f32.msk $0xffff, v3  }
0xb3: {  	v2 =	vld [tilespmem:s6+$0x9E00]  }
0xb4: {  	s7 =	sadd.s32 $0x40, s7;
	v1 =	vld [tilespmem:s6+$0xA600]  }
0xb5: {  	_ =	sdelay $0x6  }
0xb6: {  	v2 =	vld.idx.msk [tilespmem:v2+s30+$0x0], $0xffff  }
0xb7: {  	v3 =	vld.idx.msk [tilespmem:v1+s1+$0x0], $0xffff;
	_ =	sdelay $0x4  }
0xb8: {  	v2 =	vadd.f32 v2, v3;
	_ =	sdelay $0x1  }
0xb9: {  	v3 =	vmul.f32 $2.000000030e-01, v2  }
0xba: {  	vm0 =	vge.f32 v2, $0.0e+00  }
0xbb: {  	v2 =	vsel vm0, v2, v3  }
0xbc: {  	v2 =	vmul.f32 $1.442695020e+00, v2;
	_ =	sdelay $0x1  }
0xbd: {  	(erf) = vpow2.f32 v2;
	_ =	sdelay $0x4  }
0xbe: {  	v2 =	vld [tilespmem:s6+$0xAE00];
	_ =	sdelay $0x1  }
0xbf: {  	v3 =	vld.idx.msk [tilespmem:v1+s31+$0x0], $0xffff;
	_ =	sdelay $0x1  }
0xc0: {  	v4 =	vpop (erf)  }
0xc1: {  	v2 =	vmul.f32 v4, v2;
	_ =	sdelay $0x1  }
0xc2: {  	v2 =	vmul.f32 v2, v3;
	_ =	sdelay $0x1  }
0xc3: {  	[tilespmem:s6+$0xB600] =	vst v2  }
0xc4: {  	s7 =	simm.s32 $0x0;
	[tilespmem:v1+s3+$0x0] =	vst.idx.add.f32.msk $0xffff, v4  }
0xc5: {  	[hbm4b:s13+s7] =	stream.linear.scatter [tilespmem:s4], [sflag:$0x1], $0x7D0, $0x38;
	[tilespmem:$0xBE00] =	vst v63  }
0xc6: {  	_ =	swait.ge [sflag:s29], $0x7D0  }
0xc7: {  	[sflag:s29] =	ssyncset.done $0x0  }
0xc8: {  	[sflag:s29] =	ssyncadd.s32 $0xFFFFF830  }
0xc9: {  	[tilespmem:s20], [sflag:$0x1] =	stream.linear.gather [hbm4b:s14+s7], $0x7D0, $0x38;
	[tilespmem:$0xBE00] =	vst v63  }
0xca: {  	_ =	swait.ge [sflag:s29], $0x7D0  }
0xcb: {  	[sflag:s29] =	ssyncset.done $0x0  }
0xcc: {  	[sflag:s29] =	ssyncadd.s32 $0xFFFFF830  }
0xcd: {  	[tilespmem:s0], [sflag:$0x1] =	stream.linear.gather [hbm4b:s15+s7], $0x7D0, $0x38;
	[tilespmem:$0xBE00] =	vst v63  }
0xce: {  	_ =	swait.ge [sflag:s29], $0x7D0  }
0xcf: {  	[sflag:s29] =	ssyncset.done $0x0  }
0xd0: {  	[sflag:s29] =	ssyncadd.s32 $0xFFFFF830  }
0xd1: {  	[tilespmem:s2], [sflag:$0x1] =	stream.linear.gather [hbm4b:s16+s7], $0x7D0, $0x38;
	[tilespmem:$0xBE00] =	vst v63  }
0xd2: {  	_ =	swait.ge [sflag:s29], $0x7D0  }
0xd3: {  	[sflag:s29] =	ssyncset.done $0x0  }
0xd4: {  	s6 =	simm.s32 $0x0;
	[sflag:s29] =	ssyncadd.s32 $0xFFFFF830  }
0xd5: {  	v2 =	vld [tilespmem:s6+$0x9E00]  }
0xd6: {  	s7 =	simm.s32 $0x40;
	v1 =	vld [tilespmem:s6+$0xA600]  }
.LBB2_10:
0xd7: {  	p0 =	sne.s32 s7, $0x1F00;
	_ =	sdelay $0x5  }
0xd8: {  	v2 =	vld.idx.msk [tilespmem:v2+s30+$0x0], $0xffff  }
0xd9: {  	v3 =	vld.idx.msk [tilespmem:v1+s1+$0x0], $0xffff  }
0xda: {  	v4 =	vld.idx.msk [tilespmem:v1+s31+$0x0], $0xffff;
	_ =	sdelay $0x4  }
0xdb: {  	v2 =	vadd.f32 v2, v3;
	_ =	sdelay $0x1  }
0xdc: {  	v3 =	vmul.f32 $2.000000030e-01, v2  }
0xdd: {  	vm0 =	vge.f32 v2, $0.0e+00  }
0xde: {  	v2 =	vsel vm0, v2, v3  }
0xdf: {  	v2 =	vmul.f32 $1.442695020e+00, v2;
	_ =	sdelay $0x1  }
0xe0: {  	(erf) = vpow2.f32 v2;
	_ =	sdelay $0x4  }
0xe1: {  	v2 =	vld [tilespmem:s6+$0xAE00];
	_ =	sdelay $0x3  }
0xe2: {  	v3 =	vpop (erf)  }
0xe3: {  	v2 =	vmul.f32 v3, v2;
	_ =	sdelay $0x1  }
0xe4: {  	v2 =	vmul.f32 v2, v4  }
.Ltmp4:
0xe5: {  	(pc) =	sbr.rel @p0 .LBB2_10-.Ltmp4, $4  }
0xe6: {  	[tilespmem:s6+$0xB600] =	vst v2  }
0xe7: {  	s6 =	sshra.s32 s7, $0x2;
	[tilespmem:v1+s3+$0x0] =	vst.idx.add.f32.msk $0xffff, v3  }
0xe8: {  	v2 =	vld [tilespmem:s6+$0x9E00]  }
0xe9: {  	s7 =	sadd.s32 $0x40, s7;
	v1 =	vld [tilespmem:s6+$0xA600]  }
0xea: {  	_ =	sdelay $0x6  }
0xeb: {  	v2 =	vld.idx.msk [tilespmem:v2+s30+$0x0], $0xffff  }
0xec: {  	v3 =	vld.idx.msk [tilespmem:v1+s1+$0x0], $0xffff;
	_ =	sdelay $0x4  }
0xed: {  	v2 =	vadd.f32 v2, v3;
	_ =	sdelay $0x1  }
0xee: {  	v3 =	vmul.f32 $2.000000030e-01, v2  }
0xef: {  	vm0 =	vge.f32 v2, $0.0e+00  }
0xf0: {  	v2 =	vsel vm0, v2, v3  }
0xf1: {  	v2 =	vmul.f32 $1.442695020e+00, v2;
	_ =	sdelay $0x1  }
0xf2: {  	(erf) = vpow2.f32 v2;
	_ =	sdelay $0x4  }
0xf3: {  	v2 =	vld [tilespmem:s6+$0xAE00];
	_ =	sdelay $0x1  }
0xf4: {  	v3 =	vld.idx.msk [tilespmem:v1+s31+$0x0], $0xffff;
	_ =	sdelay $0x1  }
0xf5: {  	v4 =	vpop (erf)  }
0xf6: {  	v2 =	vmul.f32 v4, v2;
	_ =	sdelay $0x1  }
0xf7: {  	v2 =	vmul.f32 v2, v3;
	_ =	sdelay $0x1  }
0xf8: {  	[tilespmem:s6+$0xB600] =	vst v2  }
0xf9: {  	s7 =	simm.s32 $0x0;
	[tilespmem:v1+s3+$0x0] =	vst.idx.add.f32.msk $0xffff, v4  }
0xfa: {  	[hbm4b:s17+s7] =	stream.linear.scatter [tilespmem:s4], [sflag:$0x1], $0x7D0, $0x38;
	[tilespmem:$0xBE00] =	vst v63  }
0xfb: {  	_ =	swait.ge [sflag:s29], $0x7D0  }
0xfc: {  	[sflag:s29] =	ssyncset.done $0x0  }
0xfd: {  	[sflag:s29] =	ssyncadd.s32 $0xFFFFF830  }
0xfe: {  	[tilespmem:s20], [sflag:$0x1] =	stream.linear.gather [hbm4b:s18+s7], $0x7D0, $0x38;
	[tilespmem:$0xBE00] =	vst v63  }
0xff: {  	_ =	swait.ge [sflag:s29], $0x7D0  }
0x100: {  	[sflag:s29] =	ssyncset.done $0x0  }
0x101: {  	[sflag:s29] =	ssyncadd.s32 $0xFFFFF830  }
0x102: {  	[tilespmem:s0], [sflag:$0x1] =	stream.linear.gather [hbm4b:s19+s7], $0x7D0, $0x38;
	[tilespmem:$0xBE00] =	vst v63  }
0x103: {  	_ =	swait.ge [sflag:s29], $0x7D0  }
0x104: {  	[sflag:s29] =	ssyncset.done $0x0  }
0x105: {  	[sflag:s29] =	ssyncadd.s32 $0xFFFFF830  }
0x106: {  	[tilespmem:s2], [sflag:$0x1] =	stream.linear.gather [hbm4b:s21+s7], $0x7D0, $0x38;
	[tilespmem:$0xBE00] =	vst v63  }
0x107: {  	_ =	swait.ge [sflag:s29], $0x7D0  }
0x108: {  	[sflag:s29] =	ssyncset.done $0x0  }
0x109: {  	s6 =	simm.s32 $0x0;
	[sflag:s29] =	ssyncadd.s32 $0xFFFFF830  }
0x10a: {  	v2 =	vld [tilespmem:s6+$0x9E00]  }
0x10b: {  	s7 =	simm.s32 $0x40;
	v1 =	vld [tilespmem:s6+$0xA600]  }
.LBB2_12:
0x10c: {  	p0 =	sne.s32 s7, $0x1F00;
	_ =	sdelay $0x5  }
0x10d: {  	v2 =	vld.idx.msk [tilespmem:v2+s30+$0x0], $0xffff  }
0x10e: {  	v3 =	vld.idx.msk [tilespmem:v1+s1+$0x0], $0xffff  }
0x10f: {  	v4 =	vld.idx.msk [tilespmem:v1+s31+$0x0], $0xffff;
	_ =	sdelay $0x4  }
0x110: {  	v2 =	vadd.f32 v2, v3;
	_ =	sdelay $0x1  }
0x111: {  	v3 =	vmul.f32 $2.000000030e-01, v2  }
0x112: {  	vm0 =	vge.f32 v2, $0.0e+00  }
0x113: {  	v2 =	vsel vm0, v2, v3  }
0x114: {  	v2 =	vmul.f32 $1.442695020e+00, v2;
	_ =	sdelay $0x1  }
0x115: {  	(erf) = vpow2.f32 v2;
	_ =	sdelay $0x4  }
0x116: {  	v2 =	vld [tilespmem:s6+$0xAE00];
	_ =	sdelay $0x3  }
0x117: {  	v3 =	vpop (erf)  }
0x118: {  	v2 =	vmul.f32 v3, v2;
	_ =	sdelay $0x1  }
0x119: {  	v2 =	vmul.f32 v2, v4  }
.Ltmp5:
0x11a: {  	(pc) =	sbr.rel @p0 .LBB2_12-.Ltmp5, $4  }
0x11b: {  	[tilespmem:s6+$0xB600] =	vst v2  }
0x11c: {  	s6 =	sshra.s32 s7, $0x2;
	[tilespmem:v1+s3+$0x0] =	vst.idx.add.f32.msk $0xffff, v3  }
0x11d: {  	v2 =	vld [tilespmem:s6+$0x9E00]  }
0x11e: {  	s7 =	sadd.s32 $0x40, s7;
	v1 =	vld [tilespmem:s6+$0xA600]  }
0x11f: {  	_ =	sdelay $0x6  }
0x120: {  	v2 =	vld.idx.msk [tilespmem:v2+s30+$0x0], $0xffff  }
0x121: {  	v3 =	vld.idx.msk [tilespmem:v1+s1+$0x0], $0xffff;
	_ =	sdelay $0x4  }
0x122: {  	v2 =	vadd.f32 v2, v3;
	_ =	sdelay $0x1  }
0x123: {  	v3 =	vmul.f32 $2.000000030e-01, v2  }
0x124: {  	vm0 =	vge.f32 v2, $0.0e+00  }
0x125: {  	v2 =	vsel vm0, v2, v3  }
0x126: {  	v2 =	vmul.f32 $1.442695020e+00, v2;
	_ =	sdelay $0x1  }
0x127: {  	(erf) = vpow2.f32 v2;
	_ =	sdelay $0x4  }
0x128: {  	v2 =	vld [tilespmem:s6+$0xAE00];
	_ =	sdelay $0x1  }
0x129: {  	v3 =	vld.idx.msk [tilespmem:v1+s31+$0x0], $0xffff;
	_ =	sdelay $0x1  }
0x12a: {  	v4 =	vpop (erf)  }
0x12b: {  	v2 =	vmul.f32 v4, v2;
	_ =	sdelay $0x1  }
0x12c: {  	v2 =	vmul.f32 v2, v3;
	_ =	sdelay $0x1  }
0x12d: {  	[tilespmem:s6+$0xB600] =	vst v2  }
0x12e: {  	[tilespmem:v1+s3+$0x0] =	vst.idx.add.f32.msk $0xffff, v4  }
0x12f: {  	[hbm4b:s22+s1] =	stream.linear.scatter [tilespmem:s4], [sflag:$0x1], $0x7D0, $0x38;
	[tilespmem:$0xBE00] =	vst v63  }
0x130: {  	s5 =	sadd.s32 $0x1, s5;
	_ =	swait.ge [sflag:s29], $0x7D0  }
0x131: {  	s7 =	simm.s32 $0x400;
	p0 =	sne.s32 s5, s28;
	[sflag:s29] =	ssyncset.done $0x0  }
.Ltmp6:
0x132: {  	s6 =	simm.s32 $0x80;
	[sflag:s29] =	ssyncadd.s32 $0xFFFFF830;
	(pc) =	sbr.rel @p0 .LBB2_1-.Ltmp6, $4  }
0x133: {  	[hbm4b:s24+s6] =	stream.strided.scatter [tilespmem:s3], [sflag:$0x1], $0x2780, s7, s6, $0x38;
	[tilespmem:$0xBE00] =	vst v63  }
0x134: {  	_ =	swait.ge [sflag:s29], $0x2780  }
0x135: {  	[sflag:s29] =	ssyncset.done $0x0  }
0x136: {  	[sflag:s29] =	ssyncadd.s32 $0xFFFFD880  }
0x137: {  	_ =	sfence.sel $0x180000  }
0x138: {  	[bflag:$0x0] =	sbarrier.arrive $0xFFFF  }
0x139: {  	_ =	strace $0x90000050  }
0x13a: {  	s0 =	stileid.u32;
	[bflag:$0x2] =	sbarrier.arrive $0xFFFF  }
0x13b: {  	p0 =	sne.s32 s0, $0x0;
	s0 =	rddreg [dreg:$0x2]  }
0x13c: {  	s0 =	sadd.s32 @!p0 $0x100000, s0  }
0x13d: {  	[sflag:s0] =	ssyncadd.tile.s32 @!p0 $0x1;
	_ =	shalt  }
.Lfunc_end2:
_tile_overlayer_lowered:
.L_overlay_start_2:
0x13e: {  	(tag) =	ssettag $0x2  }
0x13f: {  	s0 =	rddreg [dreg:$0x0];
	s2 =	stileid.u32  }
0x140: {  	s1 =	rddreg [dreg:$0x1];
	p0 =	sne.s32 s2, $0x0  }
0x141: {  	s3 =	rddreg [dreg:$0x2];
	[bflag:$0x3] =	sbarrier.arrive $0xFFFF;
	s2 =	simm.s32 @!p0 $0x1C01  }
0x142: {  	[timem:s3], [sflag:s2] =	dma.local @!p0 [hbm:s0], s1  }
0x143: {  	s0 =	simm.s32 @!p0 $0x1  }
0x144: {  	_ =	swait.ge @!p0 [sflag:s0], s1  }
0x145: {  	s1 =	ssub.s32 @!p0 $0x0, s1;
	[sflag:s0] =	ssyncset.done @!p0 $0x0  }
0x146: {  	[sflag:s0] =	ssyncadd.s32 @!p0 s1  }
0x147: {  	[bflag:$0x3] =	sbarrier.arrive $0xFFFF  }
0x148: {  	_ =	shalt  }

// kernel: kernel.16.cloned.1.call-start
scs
__scs_entry_jumppad:
0x0: {  	(pc) =	sbr.rel $0x88, $3  }
0x1: {  	(tag) =	ssettag $0x0;
	lr =	simm.s32 $0x1  }
0x2: {  	[smem:$0x3F93] =	sst lr;
	_ =	strace $0xD0000000  }
0x3: {  	_ = 	snop  }
0x4: {  	_ = 	snop  }
0x5: {  	_ = 	snop  }
0x6: {  	_ = 	snop  }
0x7: {  	_ = 	snop  }
__scs_overlays_trampoline_lowered:
0x8: {  	[smem:$0x3FA2] =	sst s0  }
0x9: {  	[smem:$0x3FA3] =	sst s1  }
0xa: {  	[smem:$0x3FA4] =	sst s2  }
0xb: {  	[smem:$0x3FA5] =	sst s3  }
0xc: {  	[smem:$0x3FA6] =	sst s4  }
0xd: {  	[smem:$0x3FA7] =	sst s5  }
0xe: {  	[smem:$0x3FA8] =	sst s6  }
0xf: {  	[smem:$0x3FA9] =	sst s7  }
0x10: {  	[smem:$0x3FAA] =	sst s8  }
0x11: {  	[smem:$0x3FAB] =	sst s9;
	s0 =	simm.s32 @!p0 $0x0  }
0x12: {  	s1 =	sld [smem:$0x3F91];
	s0 =	simm.s32 @p0 $0x1  }
0x13: {  	[smem:$0x3FAC] =	sst s0;
	s0 =	simm.s32 @!p1 $0x0  }
0x14: {  	s2 =	sld [smem:$0x3F90];
	s0 =	simm.s32 @p1 $0x1  }
0x15: {  	[smem:$0x3FAD] =	sst s0;
	s0 =	simm.s32 @!p2 $0x0  }
0x16: {  	s3 =	sld [smem:$0x3FDB];
	s0 =	simm.s32 @p2 $0x1  }
0x17: {  	s4 =	simm.s32 $0x1BF5;
	[smem:$0x3FAF] =	sst s0  }
0x18: {  	s0 =	sld [smem:$0x3F92];
	_ =	swait.ge [sflag:s4], $0x0  }
0x19: {  	s7 =	sld [smem:$0x3F93]  }
0x1a: {  	s8 =	sadd.s32 $0xFFFFE003, lr  }
0x1b: {  	s9 =	sadd.s32 $0xFFFFFEF7, lr;
	s5 =	simm.s32 $0xFFFFFFFF;
	p2 =	slt.u32 s8, $0xFFFFF086  }
0x1c: {  	p1 =	slt.u32 s9, $0xF7A;
	s5 =	simm.s32 @!p2 $0x0  }
0x1d: {  	s5 =	simm.s32 @p1 $0x1;
	p0 =	seq.s32 s7, s2  }
0x1e: {  	s7 =	smul.u32 @!p0 $0xF7A, s2;
	p2 =	seq.s32 @!p0 s5, $0x0  }
0x1f: {  	s9 =	smul.u32 $0xF7A, s1;
	s8 =	simm.s32 @!p0 $0x1BF5;
	p2 =	por !p2, p0  }
0x20: {  	[sflag:s8] =	ssyncset.s32 @!p0 $0xFFFFF086;
	s6 =	sadd.s32 @!p0 s3, s7;
	s7 =	simm.s32 @!p0 $0x108  }
0x21: {  	s3 =	sadd.s32 s3, s9;
	s6 =	sadd.s32 @!p0 $0x88, s6;
	s7 =	simm.s32 @p2 $0x1082  }
0x22: {  	[simem:s7], [sflag:s8] =	dma.local @!p0 [hbm:s6], $0xF7A  }
0x23: {  	s9 =	sor.u32 $0xD0000000, s2;
	s6 =	simm.s32 $0x108;
	_ =	swait.ge @!p0 [sflag:s8], $0x0  }
0x24: {  	s3 =	sadd.s32 $0x88, s3;
	s6 =	simm.s32 @!p1 $0x1082;
	[sflag:s4] =	ssyncset.s32 $0xFFFFF086  }
0x25: {  	[simem:s6], [sflag:s4] =	dma.local [hbm:s3], $0xF7A  }
0x26: {  	[smem:$0x3F93] =	sst s1;
	(tag) =	ssettag s2;
	_ =	strace s9  }
0x27: {  	s1 =	sld [smem:$0x3FA3]  }
0x28: {  	s2 =	sld [smem:$0x3FA4]  }
0x29: {  	s4 =	sld [smem:$0x3FA6]  }
0x2a: {  	p0 =	seq.s32 s5, $0x0;
	s5 =	sld [smem:$0x3FA7]  }
0x2b: {  	s6 =	sld [smem:$0x3FA8]  }
0x2c: {  	s7 =	sld [smem:$0x3FA9]  }
0x2d: {  	s3 =	simm.s32 $0x108;
	s8 =	sld [smem:$0x3FAA]  }
0x2e: {  	s3 =	simm.s32 @!p0 $0x1082;
	s9 =	sld [smem:$0x3FAB]  }
0x2f: {  	lr =	sadd.s32 s0, s3;
	s0 =	sld [smem:$0x3FA2]  }
0x30: {  	s3 =	sld [smem:$0x3FA5]  }
0x31: {  	[smem:$0x3FAE] =	sst s10  }
0x32: {  	s10 =	sld [smem:$0x3FAC];
	_ =	sdelay $0x3  }
0x33: {  	p0 =	seq.s32 s10, $0x1;
	s10 =	sld [smem:$0x3FAE];
	_ =	sdelay $0x3  }
0x34: {  	[smem:$0x3FAE] =	sst s10  }
0x35: {  	s10 =	sld [smem:$0x3FAD];
	_ =	sdelay $0x3  }
0x36: {  	p1 =	seq.s32 s10, $0x1;
	s10 =	sld [smem:$0x3FAE];
	_ =	sdelay $0x3  }
0x37: {  	[smem:$0x3FAE] =	sst s10  }
0x38: {  	s10 =	sld [smem:$0x3FAF]  }
0x39: {  	_ = 	snop;
	(pc) =	sbr.ind lr, $3  }
0x3a: {  	_ = 	snop  }
0x3b: {  	_ = 	snop  }
0x3c: {  	p2 =	seq.s32 s10, $0x1;
	s10 =	sld [smem:$0x3FAE]  }
0x3d: {  	_ =	shalt  }
0x3e: {  	_ =	shalt  }
0x3f: {  	_ =	shalt  }
0x40: {  	_ =	shalt  }
0x41: {  	_ =	shalt  }
0x42: {  	_ =	shalt  }
0x43: {  	_ =	shalt  }
0x44: {  	_ =	shalt  }
0x45: {  	_ =	shalt  }
0x46: {  	_ =	shalt  }
0x47: {  	_ =	shalt  }
0x48: {  	_ =	shalt  }
0x49: {  	_ =	shalt  }
0x4a: {  	_ =	shalt  }
0x4b: {  	_ =	shalt  }
0x4c: {  	_ =	shalt  }
0x4d: {  	_ =	shalt  }
0x4e: {  	_ =	shalt  }
0x4f: {  	_ =	shalt  }
0x50: {  	_ =	shalt  }
0x51: {  	_ =	shalt  }
0x52: {  	_ =	shalt  }
0x53: {  	_ =	shalt  }
0x54: {  	_ =	shalt  }
0x55: {  	_ =	shalt  }
0x56: {  	_ =	shalt  }
0x57: {  	_ =	shalt  }
0x58: {  	_ =	shalt  }
0x59: {  	_ =	shalt  }
0x5a: {  	_ =	shalt  }
0x5b: {  	_ =	shalt  }
0x5c: {  	_ =	shalt  }
0x5d: {  	_ =	shalt  }
0x5e: {  	_ =	shalt  }
0x5f: {  	_ =	shalt  }
0x60: {  	_ =	shalt  }
0x61: {  	_ =	shalt  }
0x62: {  	_ =	shalt  }
0x63: {  	_ =	shalt  }
0x64: {  	_ =	shalt  }
0x65: {  	_ =	shalt  }
0x66: {  	_ =	shalt  }
0x67: {  	_ =	shalt  }
0x68: {  	_ =	shalt  }
0x69: {  	_ =	shalt  }
0x6a: {  	_ =	shalt  }
0x6b: {  	_ =	shalt  }
0x6c: {  	_ =	shalt  }
0x6d: {  	_ =	shalt  }
0x6e: {  	_ =	shalt  }
0x6f: {  	_ =	shalt  }
0x70: {  	_ =	shalt  }
0x71: {  	_ =	shalt  }
0x72: {  	_ =	shalt  }
0x73: {  	_ =	shalt  }
0x74: {  	_ =	shalt  }
0x75: {  	_ =	shalt  }
0x76: {  	_ =	shalt  }
0x77: {  	_ =	shalt  }
0x78: {  	_ =	shalt  }
0x79: {  	_ =	shalt  }
0x7a: {  	_ =	shalt  }
0x7b: {  	_ =	shalt  }
0x7c: {  	_ =	shalt  }
0x7d: {  	_ =	shalt  }
0x7e: {  	_ =	shalt  }
0x7f: {  	_ =	shalt  }
0x80: {  	_ =	shalt  }
0x81: {  	_ =	shalt  }
0x82: {  	_ =	shalt  }
0x83: {  	_ =	shalt  }
0x84: {  	_ =	shalt  }
0x85: {  	_ =	shalt  }
0x86: {  	_ =	shalt  }
0x87: {  	_ =	shalt  }
.Lfunc_end0:
.L_simem_size_0:
called_computation.4_lowered:
.L_overlay_start_0:
0x88: {  	s2 =	sld [smem:$0x3FD9]  }
0x89: {  	s3 =	sld [smem:$0x3FFE];
	_ =	sdelay $0x1  }
0x8a: {  	s1 =	srdreg.scid  }
0x8b: {  	s0 =	sand.u32 $0x1, s1  }
0x8c: {  	s14 =	sshll.u32 s0, $0xA;
	s2 =	sadd.s32 s3, s2  }
0x8d: {  	s2 =	sadd.s32 s2, s14  }
0x8e: {  	[smem:$0x3FBA] =	sst s2  }
0x8f: {  	_ = 	snop  }
0x90: {  	s2 =	sld [smem:$0x3FD0];
	_ =	sdelay $0x2  }
0x91: {  	s15 =	simm.s32 $0xB;
	s4 =	simm.s32 $0x10  }
0x92: {  	[smem:s4], [sflag:s15] =	dma.local [hbm:s2], $0x1  }
0x93: {  	_ =	swait.eq [sflag:s15], $0x1  }
0x94: {  	[sflag:s15] =	ssyncset.done $0x0  }
0x95: {  	[sflag:s15] =	ssyncadd.s32 $0xFFFFFFFF  }
0x96: {  	s16 =	sld [smem:$0x11];
	(tm) =	ssettm $0x1  }
0x97: {  	s17 =	sld [smem:$0x3FFB];
	_ =	sdelay $0x3  }
0x98: {  	_ =	strace s17  }
0x99: {  	s3 =	sld [smem:$0x3FFC];
	_ =	sdelay $0x3  }
0x9a: {  	_ =	strace s3  }
0x9b: {  	s3 =	sld [smem:$0x3FFD];
	_ =	sdelay $0x3  }
0x9c: {  	_ =	strace s3  }
0x9d: {  	_ =	strace $0x8FFFFFFF  }
0x9e: {  	s18 =	sld [smem:$0x3FDB];
	_ =	sdelay $0x1  }
0x9f: {  	s19 =	simm.s32 $_scs_section_size  }
0xa0: {  	s5 =	simm.s32 $_size__tile_overlayer_lowered;
	s6 =	simm.s32 $_tile_overlayer_lowered  }
0xa1: {  	s22 =	simm.s32 $0x1BFF;
	s21 =	sshll.u32 s6, $0x1;
	s3 =	sadd.s32 s19, s18  }
0xa2: {  	s7 =	simm.s32 $0x0;
	s20 =	sshll.u32 s5, $0x1;
	s5 =	sadd.s32 s21, s3  }
0xa3: {  	[timem:s7], [sflag:s22] =	dma.local [hbm:s5], s20  }
0xa4: {  	_ =	swait.ge [sflag:s22], s20  }
0xa5: {  	s4 =	ssub.s32 $0x0, s20;
	[sflag:s22] =	ssyncset.done $0x0  }
0xa6: {  	[sflag:s22] =	ssyncadd.s32 s4;
	_ =	sdelay $0x1  }
0xa7: {  	s23 =	simm.s32 $0x1B8B  }
0xa8: {  	_ =	swait.ge [sflag:s23], $0x1  }
0xa9: {  	[sflag:s23] =	ssyncset.done $0x0  }
0xaa: {  	s25 =	simm.s32 $0x1B8E;
	s24 =	sld [smem:$0x3FFE];
	[sflag:s23] =	ssyncadd.s32 $0xFFFFFFFF  }
0xab: {  	s26 =	simm.s32 $execute0_lowered;
	[smem:$0x3FD2] =	sst s25  }
0xac: {  	s5 =	sshll.u32 s26, $0x1;
	_ =	strace $0x80000052;
	[dreg:$0x1] =	wrdreg $0xFFFFFFFF  }
0xad: {  	s28 =	simm.s32 $_size_execute0_lowered;
	s3 =	sadd.s32 s3, s5;
	[dreg:$0x0] =	wrdreg $0x0  }
0xae: {  	s5 =	sshll.u32 s28, $0x1;
	[dreg:$0x2] =	wrdreg s3  }
0xaf: {  	[dreg:$0x3] =	wrdreg s5  }
0xb0: {  	[dreg:$0x4] =	wrdreg $0xC0  }
0xb1: {  	_ =	task [dreg:s7], $0x5FFFF  }
0xb2: {  	[dreg:$0x1] =	wrdreg $0xFFFFFFFF  }
0xb3: {  	[dreg:$0x0] =	wrdreg $0x60  }
0xb4: {  	[dreg:$0x2] =	wrdreg s24  }
0xb5: {  	[dreg:$0x3] =	wrdreg s16  }
0xb6: {  	[dreg:$0x4] =	wrdreg $0x9  }
0xb7: {  	_ =	task.clear_ibuf [dreg:s7], $0x5FFFF;
	_ =	strace $0x90000052  }
0xb8: {  	s29 =	simm.s32 $0x9;
	_ =	strace $0x80000054  }
0xb9: {  	_ =	swait.ge [sflag:s29], $0x1  }
0xba: {  	[sflag:s29] =	ssyncadd.s32 $0xFFFFFFFF  }
0xbb: {  	_ =	strace $0x90000054  }
0xbc: {  	_ =	sfence  }
0xbd: {  	s30 =	sld [smem:$0x0];
	_ =	sdelay $0x2  }
0xbe: {  	s31 =	sshll.u32 s1, $0xD;
	s1 =	sshrl.u32 s1, $0x2  }
0xbf: {  	s3 =	sand.u32 $0x4000, s31;
	s1 =	sadd.s32 s1, s30  }
0xc0: {  	s0 =	sor.u32 s3, s0;
	s1 =	sshll.u32 s1, $0x11  }
0xc1: {  	s0 =	sor.u32 s1, s0  }
0xc2: {  	s0 =	sadd.s32 $0x8F2B, s0  }
0xc3: {  	[sflag:s0] =	ssyncadd.remote.s32 $0x1  }
0xc4: {  	_ =	sfence.sel $0xFFFF  }
0xc5: {  	[dreg:$0x0] =	wrdreg $0xFFFFFFFF;
	(pc) =	sbr.abs _section_cstart, $3  }
0xc6: {  	[dreg:$0x1] =	wrdreg $0xFFFFFFFF  }
0xc7: {  	_ =	task.clear_ibuf [dreg:s7], $0x2FFFF;
	_ =	strace $0x9FFFFFFF  }
0xc8: {  	(tm) =	ssettm $0x7FFFFFFF  }
0xc9: {  	_ =	shalt  }
tec
execute0_lowered:
.L_overlay_start_1:
0x0: {  	(tag) =	ssettag $0x1  }
0x1: {  	s4 =	rddreg [dreg:$0x0];
	s1 =	srdreg.scid  }
0x2: {  	s0 =	stileid.u32;
	s2 =	rddreg [dreg:$0x1];
	s3 =	simm.s32 $0x0  }
0x3: {  	s21 =	simm.s32 $0x2780;
	s22 =	simm.s32 $0x2F80;
	s23 =	simm.s32 $0x3780  }
0x4: {  	s5 =	sand.u32 $0x1, s1;
	s6 =	sshll.u32 s0, $0x1;
	s1 =	rddreg [dreg:$0x2]  }
0x5: {  	s24 =	simm.s32 $0x0;
	[smem:$0x7FF] =	sst s3;
	s6 =	sor.u32 s5, s6  }
0x6: {  	s16 =	sadd.s32 $0xD200, s4;
	s5 =	ssub.s32 $0x2, s5;
	s6 =	smul.u32 $0x2710, s6  }
0x7: {  	s17 =	sadd.s32 $0x134600, s4;
	s19 =	sadd.s32 $0x3400, s4;
	s7 =	sshrl.u32 s5, $0x1  }
0x8: {  	_ =	strace $0x80000053;
	s20 =	ssub.s32 s5, s7;
	s18 =	sshrl.u32 s6, $0x3  }
0x9: {  	s4 =	sadd.s32 s16, s18;
	s5 =	sadd.s32 s17, s18;
	s6 =	sadd.s32 s19, s18  }
0xa: {  	s9 =	sadd.s32 $0xFA, s18;
	s12 =	sadd.s32 $0x1F4, s18;
	s15 =	sadd.s32 $0x2EE, s18  }
0xb: {  	s18 =	sadd.s32 $0x3E8, s18;
	s7 =	sadd.s32 s16, s9;
	s8 =	sadd.s32 s17, s9  }
0xc: {  	s9 =	sadd.s32 s19, s9;
	s10 =	sadd.s32 s16, s12;
	s11 =	sadd.s32 s17, s12  }
0xd: {  	s12 =	sadd.s32 s19, s12;
	s13 =	sadd.s32 s16, s15;
	s14 =	sadd.s32 s17, s15  }
0xe: {  	s15 =	sadd.s32 s19, s15;
	s16 =	sadd.s32 s16, s18;
	s17 =	sadd.s32 s17, s18  }
0xf: {  	s18 =	sadd.s32 s19, s18;
	s19 =	smax.u32 s20, $0x1;
	s20 =	simm.s32 $0x1  }
.LBB2_1:
0x10: {  	[tilespmem:s3], [sflag:$0x1] =	stream.linear.gather [hbm4b:s2+s3], $0x2780, $0x38;
	[tilespmem:$0x3F80] =	vst v63  }
0x11: {  	_ =	swait.ge [sflag:s20], $0x2780  }
0x12: {  	[sflag:s20] =	ssyncset.done $0x0  }
0x13: {  	[sflag:s20] =	ssyncadd.s32 $0xFFFFD880  }
0x14: {  	[tilespmem:s21], [sflag:$0x1] =	stream.linear.gather [hbm4b:s4+s3], $0x7D0, $0x38;
	[tilespmem:$0x3F80] =	vst v63  }
0x15: {  	_ =	swait.ge [sflag:s20], $0x7D0  }
0x16: {  	[sflag:s20] =	ssyncset.done $0x0  }
0x17: {  	[sflag:s20] =	ssyncadd.s32 $0xFFFFF830  }
0x18: {  	[tilespmem:s22], [sflag:$0x1] =	stream.linear.gather [hbm4b:s5+s3], $0x7D0, $0x38;
	[tilespmem:$0x3F80] =	vst v63  }
0x19: {  	_ =	swait.ge [sflag:s20], $0x7D0  }
0x1a: {  	[sflag:s20] =	ssyncset.done $0x0  }
0x1b: {  	s25 =	simm.s32 $0x0;
	[sflag:s20] =	ssyncadd.s32 $0xFFFFF830  }
0x1c: {  	v1 =	vld [tilespmem:s25+$0x2780];
	_ =	sdelay $0x6  }
0x1d: {  	v0 =	vld [tilespmem:s25+$0x2F80]  }
0x1e: {  	s26 =	simm.s32 $0x10;
	s28 =	simm.s32 $0x80;
	v1 =	vld.idx.msk [tilespmem:v1+s3+$0x0], $0xffff  }
.LBB2_2:
0x1f: {  	p0 =	sne.s32 s28, $0x1F00;
	v2 =	vld [tilespmem:s26+$0x2780];
	_ =	sdelay $0x3  }
.Ltmp0:
0x20: {  	(pc) =	sbr.rel @p0 .LBB2_2-.Ltmp0, $3  }
0x21: {  	v1 =	vmul.f32 v1, v0;
	_ =	sdelay $0x1  }
0x22: {  	v0 =	vld [tilespmem:s26+$0x2F80];
	[tilespmem:s25+$0x3780] =	vst v1;
	s25 =	smov.u32 s26  }
0x23: {  	s26 =	sshra.s32 s28, $0x2;
	s28 =	sadd.s32 $0x40, s28;
	v1 =	vld.idx.msk [tilespmem:v2+s3+$0x0], $0xffff  }
0x24: {  	v2 =	vld [tilespmem:s26+$0x2780];
	_ =	sdelay $0x4  }
0x25: {  	v0 =	vmul.f32 v1, v0;
	_ =	sdelay $0x1  }
0x26: {  	v1 =	vld [tilespmem:s26+$0x2F80];
	[tilespmem:s25+$0x3780] =	vst v0  }
0x27: {  	v0 =	vld.idx.msk [tilespmem:v2+s3+$0x0], $0xffff;
	_ =	sdelay $0x4  }
0x28: {  	v0 =	vmul.f32 v0, v1;
	_ =	sdelay $0x1  }
0x29: {  	s31 =	simm.s32 $0x0;
	[tilespmem:s26+$0x3780] =	vst v0  }
0x2a: {  	[hbm4b:s6+s31] =	stream.linear.scatter [tilespmem:s23], [sflag:$0x1], $0x7D0, $0x38;
	[tilespmem:$0x3F80] =	vst v63  }
0x2b: {  	_ =	swait.ge [sflag:s20], $0x7D0  }
0x2c: {  	[sflag:s20] =	ssyncset.done $0x0  }
0x2d: {  	[sflag:s20] =	ssyncadd.s32 $0xFFFFF830  }
0x2e: {  	[tilespmem:s21], [sflag:$0x1] =	stream.linear.gather [hbm4b:s7+s31], $0x7D0, $0x38;
	[tilespmem:$0x3F80] =	vst v63  }
0x2f: {  	_ =	swait.ge [sflag:s20], $0x7D0  }
0x30: {  	[sflag:s20] =	ssyncset.done $0x0  }
0x31: {  	[sflag:s20] =	ssyncadd.s32 $0xFFFFF830  }
0x32: {  	[tilespmem:s22], [sflag:$0x1] =	stream.linear.gather [hbm4b:s8+s31], $0x7D0, $0x38;
	[tilespmem:$0x3F80] =	vst v63  }
0x33: {  	_ =	swait.ge [sflag:s20], $0x7D0  }
0x34: {  	[sflag:s20] =	ssyncset.done $0x0  }
0x35: {  	s25 =	simm.s32 $0x0;
	[sflag:s20] =	ssyncadd.s32 $0xFFFFF830  }
0x36: {  	v1 =	vld [tilespmem:s25+$0x2780];
	_ =	sdelay $0x6  }
0x37: {  	v0 =	vld [tilespmem:s25+$0x2F80]  }
0x38: {  	s28 =	simm.s32 $0x80;
	s26 =	simm.s32 $0x10;
	v1 =	vld.idx.msk [tilespmem:v1+s3+$0x0], $0xffff  }
.LBB2_4:
0x39: {  	p0 =	sne.s32 s28, $0x1F00;
	v2 =	vld [tilespmem:s26+$0x2780];
	_ =	sdelay $0x3  }
.Ltmp1:
0x3a: {  	(pc) =	sbr.rel @p0 .LBB2_4-.Ltmp1, $3  }
0x3b: {  	v1 =	vmul.f32 v1, v0;
	_ =	sdelay $0x1  }
0x3c: {  	v0 =	vld [tilespmem:s26+$0x2F80];
	[tilespmem:s25+$0x3780] =	vst v1;
	s25 =	smov.u32 s26  }
0x3d: {  	s26 =	sshra.s32 s28, $0x2;
	s28 =	sadd.s32 $0x40, s28;
	v1 =	vld.idx.msk [tilespmem:v2+s3+$0x0], $0xffff  }
0x3e: {  	v2 =	vld [tilespmem:s26+$0x2780];
	_ =	sdelay $0x4  }
0x3f: {  	v0 =	vmul.f32 v1, v0;
	_ =	sdelay $0x1  }
0x40: {  	v1 =	vld [tilespmem:s26+$0x2F80];
	[tilespmem:s25+$0x3780] =	vst v0  }
0x41: {  	v0 =	vld.idx.msk [tilespmem:v2+s3+$0x0], $0xffff;
	_ =	sdelay $0x4  }
0x42: {  	v0 =	vmul.f32 v0, v1;
	_ =	sdelay $0x1  }
0x43: {  	s31 =	simm.s32 $0x0;
	[tilespmem:s26+$0x3780] =	vst v0  }
0x44: {  	[hbm4b:s9+s31] =	stream.linear.scatter [tilespmem:s23], [sflag:$0x1], $0x7D0, $0x38;
	[tilespmem:$0x3F80] =	vst v63  }
0x45: {  	_ =	swait.ge [sflag:s20], $0x7D0  }
0x46: {  	[sflag:s20] =	ssyncset.done $0x0  }
0x47: {  	[sflag:s20] =	ssyncadd.s32 $0xFFFFF830  }
0x48: {  	[tilespmem:s21], [sflag:$0x1] =	stream.linear.gather [hbm4b:s10+s31], $0x7D0, $0x38;
	[tilespmem:$0x3F80] =	vst v63  }
0x49: {  	_ =	swait.ge [sflag:s20], $0x7D0  }
0x4a: {  	[sflag:s20] =	ssyncset.done $0x0  }
0x4b: {  	[sflag:s20] =	ssyncadd.s32 $0xFFFFF830  }
0x4c: {  	[tilespmem:s22], [sflag:$0x1] =	stream.linear.gather [hbm4b:s11+s31], $0x7D0, $0x38;
	[tilespmem:$0x3F80] =	vst v63  }
0x4d: {  	_ =	swait.ge [sflag:s20], $0x7D0  }
0x4e: {  	[sflag:s20] =	ssyncset.done $0x0  }
0x4f: {  	s25 =	simm.s32 $0x0;
	[sflag:s20] =	ssyncadd.s32 $0xFFFFF830  }
0x50: {  	v1 =	vld [tilespmem:s25+$0x2780];
	_ =	sdelay $0x6  }
0x51: {  	v0 =	vld [tilespmem:s25+$0x2F80]  }
0x52: {  	s28 =	simm.s32 $0x80;
	s26 =	simm.s32 $0x10;
	v1 =	vld.idx.msk [tilespmem:v1+s3+$0x0], $0xffff  }
.LBB2_6:
0x53: {  	p0 =	sne.s32 s28, $0x1F00;
	v2 =	vld [tilespmem:s26+$0x2780];
	_ =	sdelay $0x3  }
.Ltmp2:
0x54: {  	(pc) =	sbr.rel @p0 .LBB2_6-.Ltmp2, $3  }
0x55: {  	v1 =	vmul.f32 v1, v0;
	_ =	sdelay $0x1  }
0x56: {  	v0 =	vld [tilespmem:s26+$0x2F80];
	[tilespmem:s25+$0x3780] =	vst v1;
	s25 =	smov.u32 s26  }
0x57: {  	s26 =	sshra.s32 s28, $0x2;
	s28 =	sadd.s32 $0x40, s28;
	v1 =	vld.idx.msk [tilespmem:v2+s3+$0x0], $0xffff  }
0x58: {  	v2 =	vld [tilespmem:s26+$0x2780];
	_ =	sdelay $0x4  }
0x59: {  	v0 =	vmul.f32 v1, v0;
	_ =	sdelay $0x1  }
0x5a: {  	v1 =	vld [tilespmem:s26+$0x2F80];
	[tilespmem:s25+$0x3780] =	vst v0  }
0x5b: {  	v0 =	vld.idx.msk [tilespmem:v2+s3+$0x0], $0xffff;
	_ =	sdelay $0x4  }
0x5c: {  	v0 =	vmul.f32 v0, v1;
	_ =	sdelay $0x1  }
0x5d: {  	s31 =	simm.s32 $0x0;
	[tilespmem:s26+$0x3780] =	vst v0  }
0x5e: {  	[hbm4b:s12+s31] =	stream.linear.scatter [tilespmem:s23], [sflag:$0x1], $0x7D0, $0x38;
	[tilespmem:$0x3F80] =	vst v63  }
0x5f: {  	_ =	swait.ge [sflag:s20], $0x7D0  }
0x60: {  	[sflag:s20] =	ssyncset.done $0x0  }
0x61: {  	[sflag:s20] =	ssyncadd.s32 $0xFFFFF830  }
0x62: {  	[tilespmem:s21], [sflag:$0x1] =	stream.linear.gather [hbm4b:s13+s31], $0x7D0, $0x38;
	[tilespmem:$0x3F80] =	vst v63  }
0x63: {  	_ =	swait.ge [sflag:s20], $0x7D0  }
0x64: {  	[sflag:s20] =	ssyncset.done $0x0  }
0x65: {  	[sflag:s20] =	ssyncadd.s32 $0xFFFFF830  }
0x66: {  	[tilespmem:s22], [sflag:$0x1] =	stream.linear.gather [hbm4b:s14+s31], $0x7D0, $0x38;
	[tilespmem:$0x3F80] =	vst v63  }
0x67: {  	_ =	swait.ge [sflag:s20], $0x7D0  }
0x68: {  	[sflag:s20] =	ssyncset.done $0x0  }
0x69: {  	s25 =	simm.s32 $0x0;
	[sflag:s20] =	ssyncadd.s32 $0xFFFFF830  }
0x6a: {  	v1 =	vld [tilespmem:s25+$0x2780];
	_ =	sdelay $0x6  }
0x6b: {  	v0 =	vld [tilespmem:s25+$0x2F80]  }
0x6c: {  	s28 =	simm.s32 $0x80;
	s26 =	simm.s32 $0x10;
	v1 =	vld.idx.msk [tilespmem:v1+s3+$0x0], $0xffff  }
.LBB2_8:
0x6d: {  	p0 =	sne.s32 s28, $0x1F00;
	v2 =	vld [tilespmem:s26+$0x2780];
	_ =	sdelay $0x3  }
.Ltmp3:
0x6e: {  	(pc) =	sbr.rel @p0 .LBB2_8-.Ltmp3, $3  }
0x6f: {  	v1 =	vmul.f32 v1, v0;
	_ =	sdelay $0x1  }
0x70: {  	v0 =	vld [tilespmem:s26+$0x2F80];
	[tilespmem:s25+$0x3780] =	vst v1;
	s25 =	smov.u32 s26  }
0x71: {  	s26 =	sshra.s32 s28, $0x2;
	s28 =	sadd.s32 $0x40, s28;
	v1 =	vld.idx.msk [tilespmem:v2+s3+$0x0], $0xffff  }
0x72: {  	v2 =	vld [tilespmem:s26+$0x2780];
	_ =	sdelay $0x4  }
0x73: {  	v0 =	vmul.f32 v1, v0;
	_ =	sdelay $0x1  }
0x74: {  	v1 =	vld [tilespmem:s26+$0x2F80];
	[tilespmem:s25+$0x3780] =	vst v0  }
0x75: {  	v0 =	vld.idx.msk [tilespmem:v2+s3+$0x0], $0xffff;
	_ =	sdelay $0x4  }
0x76: {  	v0 =	vmul.f32 v0, v1;
	_ =	sdelay $0x1  }
0x77: {  	s31 =	simm.s32 $0x0;
	[tilespmem:s26+$0x3780] =	vst v0  }
0x78: {  	[hbm4b:s15+s31] =	stream.linear.scatter [tilespmem:s23], [sflag:$0x1], $0x7D0, $0x38;
	[tilespmem:$0x3F80] =	vst v63  }
0x79: {  	_ =	swait.ge [sflag:s20], $0x7D0  }
0x7a: {  	[sflag:s20] =	ssyncset.done $0x0  }
0x7b: {  	[sflag:s20] =	ssyncadd.s32 $0xFFFFF830  }
0x7c: {  	[tilespmem:s21], [sflag:$0x1] =	stream.linear.gather [hbm4b:s16+s31], $0x7D0, $0x38;
	[tilespmem:$0x3F80] =	vst v63  }
0x7d: {  	_ =	swait.ge [sflag:s20], $0x7D0  }
0x7e: {  	[sflag:s20] =	ssyncset.done $0x0  }
0x7f: {  	[sflag:s20] =	ssyncadd.s32 $0xFFFFF830  }
0x80: {  	[tilespmem:s22], [sflag:$0x1] =	stream.linear.gather [hbm4b:s17+s31], $0x7D0, $0x38;
	[tilespmem:$0x3F80] =	vst v63  }
0x81: {  	_ =	swait.ge [sflag:s20], $0x7D0  }
0x82: {  	[sflag:s20] =	ssyncset.done $0x0  }
0x83: {  	s25 =	simm.s32 $0x0;
	[sflag:s20] =	ssyncadd.s32 $0xFFFFF830  }
0x84: {  	v1 =	vld [tilespmem:s25+$0x2780];
	_ =	sdelay $0x6  }
0x85: {  	v0 =	vld [tilespmem:s25+$0x2F80]  }
0x86: {  	s28 =	simm.s32 $0x80;
	s26 =	simm.s32 $0x10;
	v1 =	vld.idx.msk [tilespmem:v1+s3+$0x0], $0xffff  }
.LBB2_10:
0x87: {  	p0 =	sne.s32 s28, $0x1F00;
	v2 =	vld [tilespmem:s26+$0x2780];
	_ =	sdelay $0x3  }
.Ltmp4:
0x88: {  	(pc) =	sbr.rel @p0 .LBB2_10-.Ltmp4, $3  }
0x89: {  	v1 =	vmul.f32 v1, v0;
	_ =	sdelay $0x1  }
0x8a: {  	v0 =	vld [tilespmem:s26+$0x2F80];
	[tilespmem:s25+$0x3780] =	vst v1;
	s25 =	smov.u32 s26  }
0x8b: {  	s26 =	sshra.s32 s28, $0x2;
	s28 =	sadd.s32 $0x40, s28;
	v1 =	vld.idx.msk [tilespmem:v2+s3+$0x0], $0xffff  }
0x8c: {  	v2 =	vld [tilespmem:s26+$0x2780];
	_ =	sdelay $0x4  }
0x8d: {  	v0 =	vmul.f32 v1, v0;
	_ =	sdelay $0x1  }
0x8e: {  	v63 =	vld [tilespmem:s26+$0x2F80];
	[tilespmem:s25+$0x3780] =	vst v0  }
0x8f: {  	v0 =	vld.idx.msk [tilespmem:v2+s3+$0x0], $0xffff;
	_ =	sdelay $0x4  }
0x90: {  	s24 =	sadd.s32 $0x1, s24;
	v0 =	vmul.f32 v0, v63  }
0x91: {  	p0 =	sne.s32 s24, s19  }
.Ltmp5:
0x92: {  	[tilespmem:s26+$0x3780] =	vst v0;
	(pc) =	sbr.rel @p0 .LBB2_1-.Ltmp5, $4  }
0x93: {  	[hbm4b:s18+s3] =	stream.linear.scatter [tilespmem:s23], [sflag:$0x1], $0x7D0, $0x38;
	[tilespmem:$0x3F80] =	vst v63  }
0x94: {  	_ =	swait.ge [sflag:s20], $0x7D0  }
0x95: {  	[sflag:s20] =	ssyncset.done $0x0  }
0x96: {  	[sflag:s20] =	ssyncadd.s32 $0xFFFFF830  }
0x97: {  	_ =	sfence.sel $0x180000  }
0x98: {  	[bflag:$0x0] =	sbarrier.arrive $0xFFFF  }
0x99: {  	p0 =	sne.s32 s0, $0x0;
	_ =	strace $0x90000053  }
0x9a: {  	s0 =	sadd.s32 @!p0 $0x100000, s1;
	[bflag:$0x2] =	sbarrier.arrive $0xFFFF  }
0x9b: {  	[sflag:s0] =	ssyncadd.tile.s32 @!p0 $0x1;
	_ =	shalt  }
.Lfunc_end2:
_tile_overlayer_lowered:
.L_overlay_start_2:
0x9c: {  	(tag) =	ssettag $0x2  }
0x9d: {  	s0 =	rddreg [dreg:$0x0];
	s2 =	stileid.u32  }
0x9e: {  	s1 =	rddreg [dreg:$0x1];
	p0 =	sne.s32 s2, $0x0  }
0x9f: {  	s3 =	rddreg [dreg:$0x2];
	[bflag:$0x3] =	sbarrier.arrive $0xFFFF;
	s2 =	simm.s32 @!p0 $0x1C01  }
0xa0: {  	[timem:s3], [sflag:s2] =	dma.local @!p0 [hbm:s0], s1  }
0xa1: {  	s0 =	simm.s32 @!p0 $0x1  }
0xa2: {  	_ =	swait.ge @!p0 [sflag:s0], s1  }
0xa3: {  	s1 =	ssub.s32 @!p0 $0x0, s1;
	[sflag:s0] =	ssyncset.done @!p0 $0x0  }
0xa4: {  	[sflag:s0] =	ssyncadd.s32 @!p0 s1  }
0xa5: {  	[bflag:$0x3] =	sbarrier.arrive $0xFFFF  }
0xa6: {  	_ =	shalt  }

// kernel: kernel.19.cloned.1.call-start
scs
__scs_entry_jumppad:
0x0: {  	(pc) =	sbr.rel $0x88, $3  }
0x1: {  	(tag) =	ssettag $0x0;
	lr =	simm.s32 $0x1  }
0x2: {  	[smem:$0x3F93] =	sst lr;
	_ =	strace $0xD0000000  }
0x3: {  	_ = 	snop  }
0x4: {  	_ = 	snop  }
0x5: {  	_ = 	snop  }
0x6: {  	_ = 	snop  }
0x7: {  	_ = 	snop  }
__scs_overlays_trampoline_lowered:
0x8: {  	[smem:$0x3FA2] =	sst s0  }
0x9: {  	[smem:$0x3FA3] =	sst s1  }
0xa: {  	[smem:$0x3FA4] =	sst s2  }
0xb: {  	[smem:$0x3FA5] =	sst s3  }
0xc: {  	[smem:$0x3FA6] =	sst s4  }
0xd: {  	[smem:$0x3FA7] =	sst s5  }
0xe: {  	[smem:$0x3FA8] =	sst s6  }
0xf: {  	[smem:$0x3FA9] =	sst s7  }
0x10: {  	[smem:$0x3FAA] =	sst s8  }
0x11: {  	[smem:$0x3FAB] =	sst s9;
	s0 =	simm.s32 @!p0 $0x0  }
0x12: {  	s1 =	sld [smem:$0x3F91];
	s0 =	simm.s32 @p0 $0x1  }
0x13: {  	[smem:$0x3FAC] =	sst s0;
	s0 =	simm.s32 @!p1 $0x0  }
0x14: {  	s2 =	sld [smem:$0x3F90];
	s0 =	simm.s32 @p1 $0x1  }
0x15: {  	[smem:$0x3FAD] =	sst s0;
	s0 =	simm.s32 @!p2 $0x0  }
0x16: {  	s3 =	sld [smem:$0x3FDB];
	s0 =	simm.s32 @p2 $0x1  }
0x17: {  	s4 =	simm.s32 $0x1BF5;
	[smem:$0x3FAF] =	sst s0  }
0x18: {  	s0 =	sld [smem:$0x3F92];
	_ =	swait.ge [sflag:s4], $0x0  }
0x19: {  	s7 =	sld [smem:$0x3F93]  }
0x1a: {  	s8 =	sadd.s32 $0xFFFFE003, lr  }
0x1b: {  	s9 =	sadd.s32 $0xFFFFFEF7, lr;
	s5 =	simm.s32 $0xFFFFFFFF;
	p2 =	slt.u32 s8, $0xFFFFF086  }
0x1c: {  	p1 =	slt.u32 s9, $0xF7A;
	s5 =	simm.s32 @!p2 $0x0  }
0x1d: {  	s5 =	simm.s32 @p1 $0x1;
	p0 =	seq.s32 s7, s2  }
0x1e: {  	s7 =	smul.u32 @!p0 $0xF7A, s2;
	p2 =	seq.s32 @!p0 s5, $0x0  }
0x1f: {  	s9 =	smul.u32 $0xF7A, s1;
	s8 =	simm.s32 @!p0 $0x1BF5;
	p2 =	por !p2, p0  }
0x20: {  	[sflag:s8] =	ssyncset.s32 @!p0 $0xFFFFF086;
	s6 =	sadd.s32 @!p0 s3, s7;
	s7 =	simm.s32 @!p0 $0x108  }
0x21: {  	s3 =	sadd.s32 s3, s9;
	s6 =	sadd.s32 @!p0 $0x88, s6;
	s7 =	simm.s32 @p2 $0x1082  }
0x22: {  	[simem:s7], [sflag:s8] =	dma.local @!p0 [hbm:s6], $0xF7A  }
0x23: {  	s9 =	sor.u32 $0xD0000000, s2;
	s6 =	simm.s32 $0x108;
	_ =	swait.ge @!p0 [sflag:s8], $0x0  }
0x24: {  	s3 =	sadd.s32 $0x88, s3;
	s6 =	simm.s32 @!p1 $0x1082;
	[sflag:s4] =	ssyncset.s32 $0xFFFFF086  }
0x25: {  	[simem:s6], [sflag:s4] =	dma.local [hbm:s3], $0xF7A  }
0x26: {  	[smem:$0x3F93] =	sst s1;
	(tag) =	ssettag s2;
	_ =	strace s9  }
0x27: {  	s1 =	sld [smem:$0x3FA3]  }
0x28: {  	s2 =	sld [smem:$0x3FA4]  }
0x29: {  	s4 =	sld [smem:$0x3FA6]  }
0x2a: {  	p0 =	seq.s32 s5, $0x0;
	s5 =	sld [smem:$0x3FA7]  }
0x2b: {  	s6 =	sld [smem:$0x3FA8]  }
0x2c: {  	s7 =	sld [smem:$0x3FA9]  }
0x2d: {  	s3 =	simm.s32 $0x108;
	s8 =	sld [smem:$0x3FAA]  }
0x2e: {  	s3 =	simm.s32 @!p0 $0x1082;
	s9 =	sld [smem:$0x3FAB]  }
0x2f: {  	lr =	sadd.s32 s0, s3;
	s0 =	sld [smem:$0x3FA2]  }
0x30: {  	s3 =	sld [smem:$0x3FA5]  }
0x31: {  	[smem:$0x3FAE] =	sst s10  }
0x32: {  	s10 =	sld [smem:$0x3FAC];
	_ =	sdelay $0x3  }
0x33: {  	p0 =	seq.s32 s10, $0x1;
	s10 =	sld [smem:$0x3FAE];
	_ =	sdelay $0x3  }
0x34: {  	[smem:$0x3FAE] =	sst s10  }
0x35: {  	s10 =	sld [smem:$0x3FAD];
	_ =	sdelay $0x3  }
0x36: {  	p1 =	seq.s32 s10, $0x1;
	s10 =	sld [smem:$0x3FAE];
	_ =	sdelay $0x3  }
0x37: {  	[smem:$0x3FAE] =	sst s10  }
0x38: {  	s10 =	sld [smem:$0x3FAF]  }
0x39: {  	_ = 	snop;
	(pc) =	sbr.ind lr, $3  }
0x3a: {  	_ = 	snop  }
0x3b: {  	_ = 	snop  }
0x3c: {  	p2 =	seq.s32 s10, $0x1;
	s10 =	sld [smem:$0x3FAE]  }
0x3d: {  	_ =	shalt  }
0x3e: {  	_ =	shalt  }
0x3f: {  	_ =	shalt  }
0x40: {  	_ =	shalt  }
0x41: {  	_ =	shalt  }
0x42: {  	_ =	shalt  }
0x43: {  	_ =	shalt  }
0x44: {  	_ =	shalt  }
0x45: {  	_ =	shalt  }
0x46: {  	_ =	shalt  }
0x47: {  	_ =	shalt  }
0x48: {  	_ =	shalt  }
0x49: {  	_ =	shalt  }
0x4a: {  	_ =	shalt  }
0x4b: {  	_ =	shalt  }
0x4c: {  	_ =	shalt  }
0x4d: {  	_ =	shalt  }
0x4e: {  	_ =	shalt  }
0x4f: {  	_ =	shalt  }
0x50: {  	_ =	shalt  }
0x51: {  	_ =	shalt  }
0x52: {  	_ =	shalt  }
0x53: {  	_ =	shalt  }
0x54: {  	_ =	shalt  }
0x55: {  	_ =	shalt  }
0x56: {  	_ =	shalt  }
0x57: {  	_ =	shalt  }
0x58: {  	_ =	shalt  }
0x59: {  	_ =	shalt  }
0x5a: {  	_ =	shalt  }
0x5b: {  	_ =	shalt  }
0x5c: {  	_ =	shalt  }
0x5d: {  	_ =	shalt  }
0x5e: {  	_ =	shalt  }
0x5f: {  	_ =	shalt  }
0x60: {  	_ =	shalt  }
0x61: {  	_ =	shalt  }
0x62: {  	_ =	shalt  }
0x63: {  	_ =	shalt  }
0x64: {  	_ =	shalt  }
0x65: {  	_ =	shalt  }
0x66: {  	_ =	shalt  }
0x67: {  	_ =	shalt  }
0x68: {  	_ =	shalt  }
0x69: {  	_ =	shalt  }
0x6a: {  	_ =	shalt  }
0x6b: {  	_ =	shalt  }
0x6c: {  	_ =	shalt  }
0x6d: {  	_ =	shalt  }
0x6e: {  	_ =	shalt  }
0x6f: {  	_ =	shalt  }
0x70: {  	_ =	shalt  }
0x71: {  	_ =	shalt  }
0x72: {  	_ =	shalt  }
0x73: {  	_ =	shalt  }
0x74: {  	_ =	shalt  }
0x75: {  	_ =	shalt  }
0x76: {  	_ =	shalt  }
0x77: {  	_ =	shalt  }
0x78: {  	_ =	shalt  }
0x79: {  	_ =	shalt  }
0x7a: {  	_ =	shalt  }
0x7b: {  	_ =	shalt  }
0x7c: {  	_ =	shalt  }
0x7d: {  	_ =	shalt  }
0x7e: {  	_ =	shalt  }
0x7f: {  	_ =	shalt  }
0x80: {  	_ =	shalt  }
0x81: {  	_ =	shalt  }
0x82: {  	_ =	shalt  }
0x83: {  	_ =	shalt  }
0x84: {  	_ =	shalt  }
0x85: {  	_ =	shalt  }
0x86: {  	_ =	shalt  }
0x87: {  	_ =	shalt  }
.Lfunc_end0:
.L_simem_size_0:
called_computation.5_lowered:
.L_overlay_start_0:
0x88: {  	s2 =	sld [smem:$0x3FD9]  }
0x89: {  	s3 =	sld [smem:$0x3FFE];
	_ =	sdelay $0x1  }
0x8a: {  	s1 =	srdreg.scid  }
0x8b: {  	s0 =	sand.u32 $0x1, s1  }
0x8c: {  	s14 =	sshll.u32 s0, $0xA;
	s2 =	sadd.s32 s3, s2  }
0x8d: {  	s2 =	sadd.s32 s2, s14  }
0x8e: {  	[smem:$0x3FBA] =	sst s2  }
0x8f: {  	_ = 	snop  }
0x90: {  	s2 =	sld [smem:$0x3FD0];
	_ =	sdelay $0x2  }
0x91: {  	s15 =	simm.s32 $0xB;
	s4 =	simm.s32 $0x10  }
0x92: {  	[smem:s4], [sflag:s15] =	dma.local [hbm:s2], $0x1  }
0x93: {  	_ =	swait.eq [sflag:s15], $0x1  }
0x94: {  	[sflag:s15] =	ssyncset.done $0x0  }
0x95: {  	[sflag:s15] =	ssyncadd.s32 $0xFFFFFFFF  }
0x96: {  	s16 =	sld [smem:$0x11];
	(tm) =	ssettm $0x1  }
0x97: {  	s17 =	sld [smem:$0x3FFB];
	_ =	sdelay $0x3  }
0x98: {  	_ =	strace s17  }
0x99: {  	s3 =	sld [smem:$0x3FFC];
	_ =	sdelay $0x3  }
0x9a: {  	_ =	strace s3  }
0x9b: {  	s3 =	sld [smem:$0x3FFD];
	_ =	sdelay $0x3  }
0x9c: {  	_ =	strace s3  }
0x9d: {  	_ =	strace $0x8FFFFFFF  }
0x9e: {  	s18 =	sld [smem:$0x3FDB];
	_ =	sdelay $0x1  }
0x9f: {  	s19 =	simm.s32 $_scs_section_size  }
0xa0: {  	s5 =	simm.s32 $_size__tile_overlayer_lowered;
	s6 =	simm.s32 $_tile_overlayer_lowered  }
0xa1: {  	s22 =	simm.s32 $0x1BFF;
	s21 =	sshll.u32 s6, $0x1;
	s3 =	sadd.s32 s19, s18  }
0xa2: {  	s7 =	simm.s32 $0x0;
	s20 =	sshll.u32 s5, $0x1;
	s5 =	sadd.s32 s21, s3  }
0xa3: {  	[timem:s7], [sflag:s22] =	dma.local [hbm:s5], s20  }
0xa4: {  	_ =	swait.ge [sflag:s22], s20  }
0xa5: {  	s4 =	ssub.s32 $0x0, s20;
	[sflag:s22] =	ssyncset.done $0x0  }
0xa6: {  	[sflag:s22] =	ssyncadd.s32 s4;
	_ =	sdelay $0x1  }
0xa7: {  	s23 =	simm.s32 $0x1B8B  }
0xa8: {  	_ =	swait.ge [sflag:s23], $0x1  }
0xa9: {  	[sflag:s23] =	ssyncset.done $0x0  }
0xaa: {  	s25 =	simm.s32 $0x1B8E;
	s24 =	sld [smem:$0x3FFE];
	[sflag:s23] =	ssyncadd.s32 $0xFFFFFFFF  }
0xab: {  	s26 =	simm.s32 $execute0_lowered;
	[smem:$0x3FD2] =	sst s25  }
0xac: {  	s5 =	sshll.u32 s26, $0x1;
	_ =	strace $0x80000055;
	[dreg:$0x1] =	wrdreg $0xFFFFFFFF  }
0xad: {  	s28 =	simm.s32 $_size_execute0_lowered;
	s3 =	sadd.s32 s3, s5;
	[dreg:$0x0] =	wrdreg $0x0  }
0xae: {  	s5 =	sshll.u32 s28, $0x1;
	[dreg:$0x2] =	wrdreg s3  }
0xaf: {  	[dreg:$0x3] =	wrdreg s5  }
0xb0: {  	[dreg:$0x4] =	wrdreg $0xC0  }
0xb1: {  	_ =	task [dreg:s7], $0x5FFFF  }
0xb2: {  	[dreg:$0x1] =	wrdreg $0xFFFFFFFF  }
0xb3: {  	[dreg:$0x0] =	wrdreg $0x60  }
0xb4: {  	[dreg:$0x2] =	wrdreg s24  }
0xb5: {  	[dreg:$0x3] =	wrdreg s16  }
0xb6: {  	[dreg:$0x4] =	wrdreg $0x9  }
0xb7: {  	_ =	task.clear_ibuf [dreg:s7], $0x5FFFF;
	_ =	strace $0x90000055  }
0xb8: {  	s29 =	simm.s32 $0x9;
	_ =	strace $0x80000057  }
0xb9: {  	_ =	swait.ge [sflag:s29], $0x1  }
0xba: {  	[sflag:s29] =	ssyncadd.s32 $0xFFFFFFFF  }
0xbb: {  	_ =	strace $0x90000057  }
0xbc: {  	_ =	sfence  }
0xbd: {  	s30 =	sld [smem:$0x0];
	_ =	sdelay $0x2  }
0xbe: {  	s31 =	sshll.u32 s1, $0xD;
	s1 =	sshrl.u32 s1, $0x2  }
0xbf: {  	s3 =	sand.u32 $0x4000, s31;
	s1 =	sadd.s32 s1, s30  }
0xc0: {  	s0 =	sor.u32 s3, s0;
	s1 =	sshll.u32 s1, $0x11  }
0xc1: {  	s0 =	sor.u32 s1, s0  }
0xc2: {  	s0 =	sadd.s32 $0x8F2B, s0  }
0xc3: {  	[sflag:s0] =	ssyncadd.remote.s32 $0x1  }
0xc4: {  	_ =	sfence.sel $0xFFFF  }
0xc5: {  	[dreg:$0x0] =	wrdreg $0xFFFFFFFF;
	(pc) =	sbr.abs _section_cstart, $3  }
0xc6: {  	[dreg:$0x1] =	wrdreg $0xFFFFFFFF  }
0xc7: {  	_ =	task.clear_ibuf [dreg:s7], $0x2FFFF;
	_ =	strace $0x9FFFFFFF  }
0xc8: {  	(tm) =	ssettm $0x7FFFFFFF  }
0xc9: {  	_ =	shalt  }
tec
execute0_lowered:
.L_overlay_start_1:
0x0: {  	(tag) =	ssettag $0x1  }
0x1: {  	s8 =	rddreg [dreg:$0x0]  }
0x2: {  	s1 =	rddreg [dreg:$0x1]  }
0x3: {  	s0 =	rddreg [dreg:$0x2];
	s2 =	simm.s32 $0x0  }
0x4: {  	s3 =	srdreg.scid;
	s4 =	stileid.u32;
	s11 =	simm.s32 $0x3  }
0x5: {  	s12 =	simm.s32 $0x400;
	s13 =	simm.s32 $0x500;
	s14 =	simm.s32 $0x80  }
0x6: {  	s15 =	simm.s32 $0x8500;
	s16 =	simm.s32 $0xC500;
	s17 =	simm.s32 $0x1  }
.Ltmp0:
0x7: {  	s18 =	simm.s32 $0x2;
	s3 =	sand.u32 $0x1, s3;
	(pc) =	sbr.rel .LBB2_1-.Ltmp0, $4  }
0x8: {  	s19 =	simm.s32 $0x0;
	[smem:$0x7FF] =	sst s2;
	s9 =	ssub.s32 $0x2, s3  }
0x9: {  	s5 =	sadd.s32 $0xBDE00, s8;
	s6 =	sadd.s32 $0x3400, s8;
	s10 =	sshrl.u32 s9, $0x1  }
0xa: {  	s7 =	sadd.s32 $0xE5000, s8;
	s8 =	sadd.s32 $0x663C00, s8;
	s10 =	ssub.s32 s9, s10  }
0xb: {  	_ =	strace $0x80000056;
	s9 =	sshll.u32 s4, $0x1;
	s10 =	smax.u32 s10, $0x1  }
.LBB2_7:
0xc: {  	s19 =	sadd.s32 $0x1, s19  }
0xd: {  	p0 =	sne.s32 s19, s10  }
.Ltmp1:
0xe: {  	_ = 	snop;
	(pc) =	sbr.rel @!p0 .LBB2_8-.Ltmp1, $1  }
0xf: {  	_ =	sdelay $0x3  }
.LBB2_1:
.Ltmp2:
0x10: {  	(pc) =	sbr.rel .LBB2_2-.Ltmp2, $2  }
0x11: {  	_ =	sdelay $0x2  }
0x12: {  	s20 =	simm.s32 $0x0  }
.LBB2_6:
0x13: {  	s20 =	sadd.s32 $0x1, s20  }
0x14: {  	p0 =	sne.s32 s20, $0x28  }
.Ltmp3:
0x15: {  	_ = 	snop;
	(pc) =	sbr.rel @!p0 .LBB2_7-.Ltmp3, $1  }
0x16: {  	_ =	sdelay $0x3  }
.LBB2_2:
0x17: {  	s21 =	sshll.u32 s20, $0x5  }
0x18: {  	s21 =	sor.u32 s9, s21  }
0x19: {  	p0 =	sgt.u32 s21, $0x4E1  }
.Ltmp4:
0x1a: {  	_ = 	snop;
	(pc) =	sbr.rel @p0 .LBB2_6-.Ltmp4, $1  }
0x1b: {  	_ =	sdelay $0x3  }
0x1c: {  	s21 =	sor.u32 s3, s21  }
0x1d: {  	s22 =	sshll.u32 s21, $0x7  }
0x1e: {  	s23 =	simm.s32 $0x0;
	s22 =	sadd.s32 s5, s22  }
0x1f: {  	[tilespmem:s23], [sflag:$0x3] =	stream.linear.gather [hbm4b:s22+s23], $0x400, $0x38;
	[tilespmem:$0x10500] =	vst v63  }
0x20: {  	_ =	swait.ge [sflag:s11], $0x400  }
0x21: {  	s30 =	sshll.u32 s21, $0x5;
	[sflag:s11] =	ssyncset.done $0x0  }
0x22: {  	s22 =	sadd.s32 s6, s30;
	[sflag:s11] =	ssyncadd.s32 $0xFFFFFC00  }
0x23: {  	[tilespmem:s12], [sflag:$0x3] =	stream.linear.gather [hbm4b:s22+s23], $0x100, $0x38;
	[tilespmem:$0x10500] =	vst v63  }
0x24: {  	_ =	swait.ge [sflag:s11], $0x100  }
0x25: {  	s21 =	sshll.u32 s21, $0xC;
	[sflag:s11] =	ssyncset.done $0x0  }
0x26: {  	s31 =	sadd.s32 s7, s21;
	[sflag:s11] =	ssyncadd.s32 $0xFFFFFF00  }
0x27: {  	[tilespmem:s13], [sflag:$0x3] =	stream.linear.gather [hbm4b:s31+s23], $0x8000, $0x38;
	[tilespmem:$0x10500] =	vst v63  }
0x28: {  	_ =	swait.ge [sflag:s11], $0x8000  }
0x29: {  	[sflag:s11] =	ssyncset.done $0x0  }
0x2a: {  	[sflag:s11] =	ssyncadd.s32 $0xFFFF8000  }
0x2b: {  	[tilespmem:s15], [sflag:$0x1] =	stream.indirect.gather [hbm4b:s8+s14], $0x80, s23, s14, $0xb8;
	[tilespmem:$0x10500] =	vst v63  }
0x2c: {  	_ = 	snop  }
0x2d: {  	[tilespmem:s16], [sflag:$0x1] =	stream.indirect.gather [hbm4b:s8+s14], $0x80, s14, s14, $0xb8;
	[tilespmem:$0x10500] =	vst v63  }
0x2e: {  	_ =	swait.ge [sflag:s17], $0x4000  }
0x2f: {  	v0 =	vmov s23;
	[sflag:s17] =	ssyncset.done $0x0  }
0x30: {  	[sflag:s17] =	ssyncadd.s32 $0xFFFFC000  }
0x31: {  	_ =	swait.ge [sflag:s17], $0x4000  }
0x32: {  	[sflag:s17] =	ssyncset.done $0x0  }
0x33: {  	[sflag:s17] =	ssyncadd.s32 $0xFFFFC000  }
0x34: {  	s22 =	simm.s32 $0x8540;
	v0 =	vld.idx.msk [tilespmem:v0+s12+$0x0], $0xffff  }
0x35: {  	v1 =	vld [tilespmem:s22+$0xFFFFFFC0]  }
0x36: {  	s23 =	simm.s32 $0x540  }
0x37: {  	v2 =	vld [tilespmem:s23+$0xFFFFFFC0];
	_ =	sdelay $0x2  }
0x38: {  	v1 =	vmul.f32 v1, v0;
	_ =	sdelay $0x1  }
0x39: {  	v1 =	vadd.f32 v1, v2;
	_ =	sdelay $0x1  }
0x3a: {  	v1 =	vmax.f32 v1, $0.0e+00  }
0x3b: {  	[tilespmem:s23+$0xFFFFFFC0] =	vst v1  }
0x3c: {  	v1 =	vld [tilespmem:s22+$0xFFFFFFD0];
	_ =	sdelay $0x1  }
0x3d: {  	v2 =	vld [tilespmem:s23+$0xFFFFFFD0];
	_ =	sdelay $0x2  }
0x3e: {  	v1 =	vmul.f32 v1, v0;
	_ =	sdelay $0x1  }
0x3f: {  	v1 =	vadd.f32 v1, v2;
	_ =	sdelay $0x1  }
0x40: {  	v1 =	vmax.f32 v1, $0.0e+00  }
0x41: {  	[tilespmem:s23+$0xFFFFFFD0] =	vst v1  }
0x42: {  	v1 =	vld [tilespmem:s22+$0xFFFFFFE0];
	_ =	sdelay $0x1  }
0x43: {  	v2 =	vld [tilespmem:s23+$0xFFFFFFE0];
	_ =	sdelay $0x2  }
0x44: {  	v1 =	vmul.f32 v1, v0;
	_ =	sdelay $0x1  }
0x45: {  	v1 =	vadd.f32 v1, v2;
	_ =	sdelay $0x1  }
0x46: {  	v1 =	vmax.f32 v1, $0.0e+00  }
0x47: {  	[tilespmem:s23+$0xFFFFFFE0] =	vst v1  }
0x48: {  	v1 =	vld [tilespmem:s22+$0xFFFFFFF0];
	_ =	sdelay $0x1  }
0x49: {  	v2 =	vld [tilespmem:s23+$0xFFFFFFF0];
	_ =	sdelay $0x2  }
0x4a: {  	v1 =	vmul.f32 v1, v0;
	_ =	sdelay $0x1  }
0x4b: {  	v1 =	vadd.f32 v1, v2;
	_ =	sdelay $0x1  }
0x4c: {  	v1 =	vmax.f32 v1, $0.0e+00  }
0x4d: {  	[tilespmem:s23+$0xFFFFFFF0] =	vst v1  }
0x4e: {  	v1 =	vld [tilespmem:s22+$0x0];
	_ =	sdelay $0x1  }
0x4f: {  	v2 =	vld [tilespmem:s23+$0x0];
	_ =	sdelay $0x2  }
0x50: {  	v1 =	vmul.f32 v1, v0;
	_ =	sdelay $0x1  }
0x51: {  	v1 =	vadd.f32 v1, v2;
	_ =	sdelay $0x1  }
0x52: {  	v1 =	vmax.f32 v1, $0.0e+00  }
0x53: {  	[tilespmem:s23+$0x0] =	vst v1  }
0x54: {  	v1 =	vld [tilespmem:s22+$0x10];
	_ =	sdelay $0x1  }
0x55: {  	v2 =	vld [tilespmem:s23+$0x10];
	_ =	sdelay $0x2  }
0x56: {  	v1 =	vmul.f32 v1, v0;
	_ =	sdelay $0x1  }
0x57: {  	v1 =	vadd.f32 v1, v2;
	_ =	sdelay $0x1  }
0x58: {  	v1 =	vmax.f32 v1, $0.0e+00  }
0x59: {  	[tilespmem:s23+$0x10] =	vst v1  }
0x5a: {  	v1 =	vld [tilespmem:s22+$0x20];
	_ =	sdelay $0x1  }
0x5b: {  	v2 =	vld [tilespmem:s23+$0x20];
	_ =	sdelay $0x2  }
0x5c: {  	v1 =	vmul.f32 v1, v0;
	_ =	sdelay $0x1  }
0x5d: {  	v1 =	vadd.f32 v1, v2;
	_ =	sdelay $0x1  }
0x5e: {  	v1 =	vmax.f32 v1, $0.0e+00  }
0x5f: {  	[tilespmem:s23+$0x20] =	vst v1  }
0x60: {  	v2 =	vld [tilespmem:s22+$0x30];
	_ =	sdelay $0x1  }
0x61: {  	v1 =	vld [tilespmem:s23+$0x30];
	_ =	sdelay $0x2  }
0x62: {  	s24 =	simm.s32 $0x1;
	v2 =	vmul.f32 v2, v0  }
0x63: {  	v0 =	vmov s24;
	s24 =	simm.s32 $0x2  }
.LBB2_4:
0x64: {  	p0 =	sne.s32 s24, $0xFF;
	v1 =	vadd.f32 v2, v1;
	_ =	sdelay $0x1  }
0x65: {  	v1 =	vmax.f32 v1, $0.0e+00  }
0x66: {  	[tilespmem:s23+$0x30] =	vst v1  }
0x67: {  	s22 =	sadd.s32 $0x80, s22;
	v0 =	vld.idx.msk [tilespmem:v0+s12+$0x0], $0xffff  }
0x68: {  	v1 =	vld [tilespmem:s22+$0xFFFFFFC0]  }
0x69: {  	s23 =	sadd.s32 $0x80, s23  }
0x6a: {  	v2 =	vld [tilespmem:s23+$0xFFFFFFC0];
	_ =	sdelay $0x2  }
0x6b: {  	v1 =	vmul.f32 v1, v0;
	_ =	sdelay $0x1  }
0x6c: {  	v1 =	vadd.f32 v1, v2;
	_ =	sdelay $0x1  }
0x6d: {  	v1 =	vmax.f32 v1, $0.0e+00  }
0x6e: {  	[tilespmem:s23+$0xFFFFFFC0] =	vst v1  }
0x6f: {  	v1 =	vld [tilespmem:s22+$0xFFFFFFD0];
	_ =	sdelay $0x1  }
0x70: {  	v2 =	vld [tilespmem:s23+$0xFFFFFFD0];
	_ =	sdelay $0x2  }
0x71: {  	v1 =	vmul.f32 v1, v0;
	_ =	sdelay $0x1  }
0x72: {  	v1 =	vadd.f32 v1, v2;
	_ =	sdelay $0x1  }
0x73: {  	v1 =	vmax.f32 v1, $0.0e+00  }
0x74: {  	[tilespmem:s23+$0xFFFFFFD0] =	vst v1  }
0x75: {  	v1 =	vld [tilespmem:s22+$0xFFFFFFE0];
	_ =	sdelay $0x1  }
0x76: {  	v2 =	vld [tilespmem:s23+$0xFFFFFFE0];
	_ =	sdelay $0x2  }
0x77: {  	v1 =	vmul.f32 v1, v0;
	_ =	sdelay $0x1  }
0x78: {  	v1 =	vadd.f32 v1, v2;
	_ =	sdelay $0x1  }
0x79: {  	v1 =	vmax.f32 v1, $0.0e+00  }
0x7a: {  	[tilespmem:s23+$0xFFFFFFE0] =	vst v1  }
0x7b: {  	v1 =	vld [tilespmem:s22+$0xFFFFFFF0];
	_ =	sdelay $0x1  }
0x7c: {  	v2 =	vld [tilespmem:s23+$0xFFFFFFF0];
	_ =	sdelay $0x2  }
0x7d: {  	v1 =	vmul.f32 v1, v0;
	_ =	sdelay $0x1  }
0x7e: {  	v1 =	vadd.f32 v1, v2;
	_ =	sdelay $0x1  }
0x7f: {  	v1 =	vmax.f32 v1, $0.0e+00  }
0x80: {  	[tilespmem:s23+$0xFFFFFFF0] =	vst v1  }
0x81: {  	v1 =	vld [tilespmem:s22+$0x0];
	_ =	sdelay $0x1  }
0x82: {  	v2 =	vld [tilespmem:s23+$0x0];
	_ =	sdelay $0x2  }
0x83: {  	v1 =	vmul.f32 v1, v0;
	_ =	sdelay $0x1  }
0x84: {  	v1 =	vadd.f32 v1, v2;
	_ =	sdelay $0x1  }
0x85: {  	v1 =	vmax.f32 v1, $0.0e+00  }
0x86: {  	[tilespmem:s23+$0x0] =	vst v1  }
0x87: {  	v1 =	vld [tilespmem:s22+$0x10];
	_ =	sdelay $0x1  }
0x88: {  	v2 =	vld [tilespmem:s23+$0x10];
	_ =	sdelay $0x2  }
0x89: {  	v1 =	vmul.f32 v1, v0;
	_ =	sdelay $0x1  }
0x8a: {  	v1 =	vadd.f32 v1, v2;
	_ =	sdelay $0x1  }
0x8b: {  	v1 =	vmax.f32 v1, $0.0e+00  }
0x8c: {  	[tilespmem:s23+$0x10] =	vst v1  }
0x8d: {  	v1 =	vld [tilespmem:s22+$0x20];
	_ =	sdelay $0x1  }
0x8e: {  	v2 =	vld [tilespmem:s23+$0x20];
	_ =	sdelay $0x2  }
0x8f: {  	v1 =	vmul.f32 v1, v0;
	_ =	sdelay $0x1  }
0x90: {  	v1 =	vadd.f32 v1, v2;
	_ =	sdelay $0x1  }
0x91: {  	v1 =	vmax.f32 v1, $0.0e+00  }
0x92: {  	[tilespmem:s23+$0x20] =	vst v1  }
0x93: {  	v2 =	vld [tilespmem:s22+$0x30];
	_ =	sdelay $0x1  }
.Ltmp5:
0x94: {  	v1 =	vld [tilespmem:s23+$0x30];
	(pc) =	sbr.rel @p0 .LBB2_4-.Ltmp5, $3  }
0x95: {  	_ =	sdelay $0x1  }
0x96: {  	v2 =	vmul.f32 v2, v0  }
0x97: {  	v0 =	vmov s24;
	s24 =	sadd.s32 $0x1, s24  }
0x98: {  	v1 =	vadd.f32 v2, v1;
	_ =	sdelay $0x1  }
0x99: {  	v1 =	vmax.f32 v1, $0.0e+00  }
0x9a: {  	[tilespmem:s23+$0x30] =	vst v1  }
0x9b: {  	s22 =	sadd.s32 $0x80, s22;
	v0 =	vld.idx.msk [tilespmem:v0+s12+$0x0], $0xffff  }
0x9c: {  	v1 =	vld [tilespmem:s22+$0xFFFFFFC0]  }
0x9d: {  	s31 =	sadd.s32 $0x80, s23  }
0x9e: {  	v56 =	vld [tilespmem:s31+$0xFFFFFFC0];
	_ =	sdelay $0x2  }
0x9f: {  	v1 =	vmul.f32 v1, v0;
	_ =	sdelay $0x1  }
0xa0: {  	v1 =	vadd.f32 v1, v56;
	_ =	sdelay $0x1  }
0xa1: {  	v1 =	vmax.f32 v1, $0.0e+00  }
0xa2: {  	[tilespmem:s31+$0xFFFFFFC0] =	vst v1  }
0xa3: {  	v1 =	vld [tilespmem:s22+$0xFFFFFFD0];
	_ =	sdelay $0x1  }
0xa4: {  	v57 =	vld [tilespmem:s31+$0xFFFFFFD0];
	_ =	sdelay $0x2  }
0xa5: {  	v1 =	vmul.f32 v1, v0;
	_ =	sdelay $0x1  }
0xa6: {  	v1 =	vadd.f32 v1, v57;
	_ =	sdelay $0x1  }
0xa7: {  	v1 =	vmax.f32 v1, $0.0e+00  }
0xa8: {  	[tilespmem:s31+$0xFFFFFFD0] =	vst v1  }
0xa9: {  	v1 =	vld [tilespmem:s22+$0xFFFFFFE0];
	_ =	sdelay $0x1  }
0xaa: {  	v58 =	vld [tilespmem:s31+$0xFFFFFFE0];
	_ =	sdelay $0x2  }
0xab: {  	v1 =	vmul.f32 v1, v0;
	_ =	sdelay $0x1  }
0xac: {  	v1 =	vadd.f32 v1, v58;
	_ =	sdelay $0x1  }
0xad: {  	v1 =	vmax.f32 v1, $0.0e+00  }
0xae: {  	[tilespmem:s31+$0xFFFFFFE0] =	vst v1  }
0xaf: {  	v1 =	vld [tilespmem:s22+$0xFFFFFFF0];
	_ =	sdelay $0x1  }
0xb0: {  	v59 =	vld [tilespmem:s31+$0xFFFFFFF0];
	_ =	sdelay $0x2  }
0xb1: {  	v1 =	vmul.f32 v1, v0;
	_ =	sdelay $0x1  }
0xb2: {  	v1 =	vadd.f32 v1, v59;
	_ =	sdelay $0x1  }
0xb3: {  	v1 =	vmax.f32 v1, $0.0e+00  }
0xb4: {  	[tilespmem:s31+$0xFFFFFFF0] =	vst v1  }
0xb5: {  	v1 =	vld [tilespmem:s22+$0x0];
	_ =	sdelay $0x1  }
0xb6: {  	v60 =	vld [tilespmem:s31+$0x0];
	_ =	sdelay $0x2  }
0xb7: {  	v1 =	vmul.f32 v1, v0;
	_ =	sdelay $0x1  }
0xb8: {  	v1 =	vadd.f32 v1, v60;
	_ =	sdelay $0x1  }
0xb9: {  	v1 =	vmax.f32 v1, $0.0e+00  }
0xba: {  	[tilespmem:s31+$0x0] =	vst v1  }
0xbb: {  	v1 =	vld [tilespmem:s22+$0x10];
	_ =	sdelay $0x1  }
0xbc: {  	v61 =	vld [tilespmem:s31+$0x10];
	_ =	sdelay $0x2  }
0xbd: {  	v1 =	vmul.f32 v1, v0;
	_ =	sdelay $0x1  }
0xbe: {  	v1 =	vadd.f32 v1, v61;
	_ =	sdelay $0x1  }
0xbf: {  	v1 =	vmax.f32 v1, $0.0e+00  }
0xc0: {  	[tilespmem:s31+$0x10] =	vst v1  }
0xc1: {  	v1 =	vld [tilespmem:s22+$0x20];
	_ =	sdelay $0x1  }
0xc2: {  	v62 =	vld [tilespmem:s31+$0x20];
	_ =	sdelay $0x2  }
0xc3: {  	v1 =	vmul.f32 v1, v0;
	_ =	sdelay $0x1  }
0xc4: {  	v1 =	vadd.f32 v1, v62;
	_ =	sdelay $0x1  }
0xc5: {  	v1 =	vmax.f32 v1, $0.0e+00  }
0xc6: {  	[tilespmem:s31+$0x20] =	vst v1  }
0xc7: {  	v1 =	vld [tilespmem:s22+$0x30];
	_ =	sdelay $0x1  }
0xc8: {  	v63 =	vld [tilespmem:s31+$0x30];
	_ =	sdelay $0x2  }
0xc9: {  	v0 =	vmul.f32 v1, v0;
	_ =	sdelay $0x1  }
0xca: {  	v0 =	vadd.f32 v0, v63;
	_ =	sdelay $0x1  }
0xcb: {  	v0 =	vmax.f32 v0, $0.0e+00  }
.Ltmp6:
0xcc: {  	s21 =	sadd.s32 s1, s21;
	[tilespmem:s31+$0x30] =	vst v0;
	(pc) =	sbr.rel .LBB2_6-.Ltmp6, $4  }
0xcd: {  	[hbm4b:s21+s2] =	stream.linear.scatter [tilespmem:s13], [sflag:$0x2], $0x8000, $0x38;
	[tilespmem:$0x10500] =	vst v63  }
0xce: {  	_ =	swait.ge [sflag:s18], $0x8000  }
0xcf: {  	[sflag:s18] =	ssyncset.done $0x0  }
0xd0: {  	[sflag:s18] =	ssyncadd.s32 $0xFFFF8000  }
.LBB2_8:
0xd1: {  	_ =	sfence.sel $0x180000  }
0xd2: {  	[bflag:$0x0] =	sbarrier.arrive $0xFFFF  }
0xd3: {  	p0 =	sne.s32 s4, $0x0;
	_ =	strace $0x90000056  }
0xd4: {  	s0 =	sadd.s32 @!p0 $0x100000, s0;
	[bflag:$0x2] =	sbarrier.arrive $0xFFFF  }
0xd5: {  	[sflag:s0] =	ssyncadd.tile.s32 @!p0 $0x1;
	_ =	shalt  }
.Lfunc_end2:
_tile_overlayer_lowered:
.L_overlay_start_2:
0xd6: {  	(tag) =	ssettag $0x2  }
0xd7: {  	s0 =	rddreg [dreg:$0x0];
	s2 =	stileid.u32  }
0xd8: {  	s1 =	rddreg [dreg:$0x1];
	p0 =	sne.s32 s2, $0x0  }
0xd9: {  	s3 =	rddreg [dreg:$0x2];
	[bflag:$0x3] =	sbarrier.arrive $0xFFFF;
	s2 =	simm.s32 @!p0 $0x1C02  }
0xda: {  	[timem:s3], [sflag:s2] =	dma.local @!p0 [hbm:s0], s1  }
0xdb: {  	s0 =	simm.s32 @!p0 $0x2  }
0xdc: {  	_ =	swait.ge @!p0 [sflag:s0], s1  }
0xdd: {  	s1 =	ssub.s32 @!p0 $0x0, s1;
	[sflag:s0] =	ssyncset.done @!p0 $0x0  }
0xde: {  	[sflag:s0] =	ssyncadd.s32 @!p0 s1  }
0xdf: {  	[bflag:$0x3] =	sbarrier.arrive $0xFFFF  }
0xe0: {  	_ =	shalt  }

// kernel: scatter_offload_async_start.1
scs
__scs_entry_jumppad:
0x0: {  	(pc) =	sbr.rel $0x88, $3  }
0x1: {  	(tag) =	ssettag $0x0;
	lr =	simm.s32 $0x1  }
0x2: {  	[smem:$0x3F93] =	sst lr;
	_ =	strace $0xD0000000  }
0x3: {  	_ = 	snop  }
0x4: {  	_ = 	snop  }
0x5: {  	_ = 	snop  }
0x6: {  	_ = 	snop  }
0x7: {  	_ = 	snop  }
__scs_overlays_trampoline_lowered:
0x8: {  	[smem:$0x3FA2] =	sst s0  }
0x9: {  	[smem:$0x3FA3] =	sst s1  }
0xa: {  	[smem:$0x3FA4] =	sst s2  }
0xb: {  	[smem:$0x3FA5] =	sst s3  }
0xc: {  	[smem:$0x3FA6] =	sst s4  }
0xd: {  	[smem:$0x3FA7] =	sst s5  }
0xe: {  	[smem:$0x3FA8] =	sst s6  }
0xf: {  	[smem:$0x3FA9] =	sst s7  }
0x10: {  	[smem:$0x3FAA] =	sst s8  }
0x11: {  	[smem:$0x3FAB] =	sst s9;
	s0 =	simm.s32 @!p0 $0x0  }
0x12: {  	s1 =	sld [smem:$0x3F91];
	s0 =	simm.s32 @p0 $0x1  }
0x13: {  	[smem:$0x3FAC] =	sst s0;
	s0 =	simm.s32 @!p1 $0x0  }
0x14: {  	s2 =	sld [smem:$0x3F90];
	s0 =	simm.s32 @p1 $0x1  }
0x15: {  	[smem:$0x3FAD] =	sst s0;
	s0 =	simm.s32 @!p2 $0x0  }
0x16: {  	s3 =	sld [smem:$0x3FDB];
	s0 =	simm.s32 @p2 $0x1  }
0x17: {  	s4 =	simm.s32 $0x1BF5;
	[smem:$0x3FAF] =	sst s0  }
0x18: {  	s0 =	sld [smem:$0x3F92];
	_ =	swait.ge [sflag:s4], $0x0  }
0x19: {  	s7 =	sld [smem:$0x3F93]  }
0x1a: {  	s8 =	sadd.s32 $0xFFFFE003, lr  }
0x1b: {  	s9 =	sadd.s32 $0xFFFFFEF7, lr;
	s5 =	simm.s32 $0xFFFFFFFF;
	p2 =	slt.u32 s8, $0xFFFFF086  }
0x1c: {  	p1 =	slt.u32 s9, $0xF7A;
	s5 =	simm.s32 @!p2 $0x0  }
0x1d: {  	s5 =	simm.s32 @p1 $0x1;
	p0 =	seq.s32 s7, s2  }
0x1e: {  	s7 =	smul.u32 @!p0 $0xF7A, s2;
	p2 =	seq.s32 @!p0 s5, $0x0  }
0x1f: {  	s9 =	smul.u32 $0xF7A, s1;
	s8 =	simm.s32 @!p0 $0x1BF5;
	p2 =	por !p2, p0  }
0x20: {  	[sflag:s8] =	ssyncset.s32 @!p0 $0xFFFFF086;
	s6 =	sadd.s32 @!p0 s3, s7;
	s7 =	simm.s32 @!p0 $0x108  }
0x21: {  	s3 =	sadd.s32 s3, s9;
	s6 =	sadd.s32 @!p0 $0x88, s6;
	s7 =	simm.s32 @p2 $0x1082  }
0x22: {  	[simem:s7], [sflag:s8] =	dma.local @!p0 [hbm:s6], $0xF7A  }
0x23: {  	s9 =	sor.u32 $0xD0000000, s2;
	s6 =	simm.s32 $0x108;
	_ =	swait.ge @!p0 [sflag:s8], $0x0  }
0x24: {  	s3 =	sadd.s32 $0x88, s3;
	s6 =	simm.s32 @!p1 $0x1082;
	[sflag:s4] =	ssyncset.s32 $0xFFFFF086  }
0x25: {  	[simem:s6], [sflag:s4] =	dma.local [hbm:s3], $0xF7A  }
0x26: {  	[smem:$0x3F93] =	sst s1;
	(tag) =	ssettag s2;
	_ =	strace s9  }
0x27: {  	s1 =	sld [smem:$0x3FA3]  }
0x28: {  	s2 =	sld [smem:$0x3FA4]  }
0x29: {  	s4 =	sld [smem:$0x3FA6]  }
0x2a: {  	p0 =	seq.s32 s5, $0x0;
	s5 =	sld [smem:$0x3FA7]  }
0x2b: {  	s6 =	sld [smem:$0x3FA8]  }
0x2c: {  	s7 =	sld [smem:$0x3FA9]  }
0x2d: {  	s3 =	simm.s32 $0x108;
	s8 =	sld [smem:$0x3FAA]  }
0x2e: {  	s3 =	simm.s32 @!p0 $0x1082;
	s9 =	sld [smem:$0x3FAB]  }
0x2f: {  	lr =	sadd.s32 s0, s3;
	s0 =	sld [smem:$0x3FA2]  }
0x30: {  	s3 =	sld [smem:$0x3FA5]  }
0x31: {  	[smem:$0x3FAE] =	sst s10  }
0x32: {  	s10 =	sld [smem:$0x3FAC];
	_ =	sdelay $0x3  }
0x33: {  	p0 =	seq.s32 s10, $0x1;
	s10 =	sld [smem:$0x3FAE];
	_ =	sdelay $0x3  }
0x34: {  	[smem:$0x3FAE] =	sst s10  }
0x35: {  	s10 =	sld [smem:$0x3FAD];
	_ =	sdelay $0x3  }
0x36: {  	p1 =	seq.s32 s10, $0x1;
	s10 =	sld [smem:$0x3FAE];
	_ =	sdelay $0x3  }
0x37: {  	[smem:$0x3FAE] =	sst s10  }
0x38: {  	s10 =	sld [smem:$0x3FAF]  }
0x39: {  	_ = 	snop;
	(pc) =	sbr.ind lr, $3  }
0x3a: {  	_ = 	snop  }
0x3b: {  	_ = 	snop  }
0x3c: {  	p2 =	seq.s32 s10, $0x1;
	s10 =	sld [smem:$0x3FAE]  }
0x3d: {  	_ =	shalt  }
0x3e: {  	_ =	shalt  }
0x3f: {  	_ =	shalt  }
0x40: {  	_ =	shalt  }
0x41: {  	_ =	shalt  }
0x42: {  	_ =	shalt  }
0x43: {  	_ =	shalt  }
0x44: {  	_ =	shalt  }
0x45: {  	_ =	shalt  }
0x46: {  	_ =	shalt  }
0x47: {  	_ =	shalt  }
0x48: {  	_ =	shalt  }
0x49: {  	_ =	shalt  }
0x4a: {  	_ =	shalt  }
0x4b: {  	_ =	shalt  }
0x4c: {  	_ =	shalt  }
0x4d: {  	_ =	shalt  }
0x4e: {  	_ =	shalt  }
0x4f: {  	_ =	shalt  }
0x50: {  	_ =	shalt  }
0x51: {  	_ =	shalt  }
0x52: {  	_ =	shalt  }
0x53: {  	_ =	shalt  }
0x54: {  	_ =	shalt  }
0x55: {  	_ =	shalt  }
0x56: {  	_ =	shalt  }
0x57: {  	_ =	shalt  }
0x58: {  	_ =	shalt  }
0x59: {  	_ =	shalt  }
0x5a: {  	_ =	shalt  }
0x5b: {  	_ =	shalt  }
0x5c: {  	_ =	shalt  }
0x5d: {  	_ =	shalt  }
0x5e: {  	_ =	shalt  }
0x5f: {  	_ =	shalt  }
0x60: {  	_ =	shalt  }
0x61: {  	_ =	shalt  }
0x62: {  	_ =	shalt  }
0x63: {  	_ =	shalt  }
0x64: {  	_ =	shalt  }
0x65: {  	_ =	shalt  }
0x66: {  	_ =	shalt  }
0x67: {  	_ =	shalt  }
0x68: {  	_ =	shalt  }
0x69: {  	_ =	shalt  }
0x6a: {  	_ =	shalt  }
0x6b: {  	_ =	shalt  }
0x6c: {  	_ =	shalt  }
0x6d: {  	_ =	shalt  }
0x6e: {  	_ =	shalt  }
0x6f: {  	_ =	shalt  }
0x70: {  	_ =	shalt  }
0x71: {  	_ =	shalt  }
0x72: {  	_ =	shalt  }
0x73: {  	_ =	shalt  }
0x74: {  	_ =	shalt  }
0x75: {  	_ =	shalt  }
0x76: {  	_ =	shalt  }
0x77: {  	_ =	shalt  }
0x78: {  	_ =	shalt  }
0x79: {  	_ =	shalt  }
0x7a: {  	_ =	shalt  }
0x7b: {  	_ =	shalt  }
0x7c: {  	_ =	shalt  }
0x7d: {  	_ =	shalt  }
0x7e: {  	_ =	shalt  }
0x7f: {  	_ =	shalt  }
0x80: {  	_ =	shalt  }
0x81: {  	_ =	shalt  }
0x82: {  	_ =	shalt  }
0x83: {  	_ =	shalt  }
0x84: {  	_ =	shalt  }
0x85: {  	_ =	shalt  }
0x86: {  	_ =	shalt  }
0x87: {  	_ =	shalt  }
.Lfunc_end0:
.L_simem_size_0:
called_computation.1_lowered:
.L_overlay_start_0:
0x88: {  	s2 =	sld [smem:$0x3FD9]  }
0x89: {  	s3 =	sld [smem:$0x3FFE];
	_ =	sdelay $0x1  }
0x8a: {  	s1 =	srdreg.scid  }
0x8b: {  	s0 =	sand.u32 $0x1, s1  }
0x8c: {  	s15 =	sshll.u32 s0, $0xA;
	s2 =	sadd.s32 s3, s2  }
0x8d: {  	s2 =	sadd.s32 s2, s15  }
0x8e: {  	[smem:$0x3FBA] =	sst s2  }
0x8f: {  	_ = 	snop  }
0x90: {  	s2 =	sld [smem:$0x3FD0];
	_ =	sdelay $0x2  }
0x91: {  	s16 =	simm.s32 $0xB;
	s4 =	simm.s32 $0x10  }
0x92: {  	[smem:s4], [sflag:s16] =	dma.local [hbm:s2], $0x1  }
0x93: {  	_ =	swait.eq [sflag:s16], $0x1  }
0x94: {  	[sflag:s16] =	ssyncset.done $0x0  }
0x95: {  	s17 =	sld [smem:$0x10];
	[sflag:s16] =	ssyncadd.s32 $0xFFFFFFFF  }
0x96: {  	s18 =	sld [smem:$0x11];
	(tm) =	ssettm $0x1  }
0x97: {  	s19 =	sld [smem:$0x3FFB];
	_ =	sdelay $0x3  }
0x98: {  	_ =	strace s19  }
0x99: {  	s2 =	sld [smem:$0x3FFC];
	_ =	sdelay $0x3  }
0x9a: {  	_ =	strace s2  }
0x9b: {  	s2 =	sld [smem:$0x3FFD];
	_ =	sdelay $0x3  }
0x9c: {  	_ =	strace s2  }
0x9d: {  	_ =	strace $0x8FFFFFFF  }
0x9e: {  	s20 =	sld [smem:$0x3FDB];
	_ =	sdelay $0x1  }
0x9f: {  	s5 =	simm.s32 $_scs_section_size  }
0xa0: {  	s6 =	simm.s32 $_size__tile_overlayer_lowered;
	s7 =	simm.s32 $_tile_overlayer_lowered  }
0xa1: {  	s8 =	simm.s32 $0x1BFF;
	s21 =	sshll.u32 s7, $0x1;
	s5 =	sadd.s32 s5, s20  }
0xa2: {  	s22 =	simm.s32 $0x0;
	s6 =	sshll.u32 s6, $0x1;
	s7 =	sadd.s32 s21, s5  }
0xa3: {  	[timem:s22], [sflag:s8] =	dma.local [hbm:s7], s6  }
0xa4: {  	_ =	swait.ge [sflag:s8], s6  }
0xa5: {  	s6 =	ssub.s32 $0x0, s6;
	[sflag:s8] =	ssyncset.done $0x0  }
0xa6: {  	[sflag:s8] =	ssyncadd.s32 s6;
	_ =	sdelay $0x1  }
0xa7: {  	s23 =	simm.s32 $0x1B8B  }
0xa8: {  	_ =	swait.ge [sflag:s23], $0x1  }
0xa9: {  	[sflag:s23] =	ssyncset.done $0x0  }
0xaa: {  	[sflag:s23] =	ssyncadd.s32 $0xFFFFFFFF  }
0xab: {  	s6 =	sld [smem:$0x0]  }
0xac: {  	s7 =	sand.u32 $0xFFFFFFFE, s1  }
0xad: {  	p0 =	sne.s32 s1, s7  }
0xae: {  	s7 =	sshll.u32 @p0 s7, $0xE  }
0xaf: {  	s7 =	sadd.s32 @p0 $0x11B8D, s7;
	s8 =	sshll.u32 @p0 s6, $0x11  }
0xb0: {  	s7 =	sor.u32 @p0 s8, s7  }
0xb1: {  	[sflag:s7] =	ssyncadd.remote.s32 @p0 $0x1;
	_ =	sdelay $0x1  }
0xb2: {  	s7 =	simm.s32 @p0 $0x1B8D  }
0xb3: {  	_ =	swait.eq @p0 [sflag:s7], $0x1  }
0xb4: {  	[sflag:s7] =	ssyncadd.s32 @p0 $0xFFFFFFFF  }
0xb5: {  	s8 =	sshll.u32 @!p0 s1, $0xE  }
0xb6: {  	s8 =	sor.u32 @!p0 $0x4000, s8;
	s7 =	simm.s32 @!p0 $0x1B8D  }
0xb7: {  	s9 =	sshll.u32 @!p0 s6, $0x11;
	s8 =	sadd.s32 @!p0 $0x11B8D, s8;
	_ =	swait.eq @!p0 [sflag:s7], $0x1  }
0xb8: {  	[sflag:s7] =	ssyncadd.s32 @!p0 $0xFFFFFFFF;
	s7 =	sor.u32 @!p0 s9, s8  }
0xb9: {  	s25 =	simm.s32 $0x1B8E;
	s24 =	sld [smem:$0x3FFE];
	[sflag:s7] =	ssyncadd.remote.s32 @!p0 $0x1  }
0xba: {  	s26 =	simm.s32 $execute0_lowered;
	[smem:$0x3FD2] =	sst s25  }
0xbb: {  	s8 =	sshll.u32 s26, $0x1;
	_ =	strace $0x8000004C;
	[dreg:$0x1] =	wrdreg $0xFFFFFFFF  }
0xbc: {  	s28 =	simm.s32 $_size_execute0_lowered;
	s5 =	sadd.s32 s5, s8;
	[dreg:$0x0] =	wrdreg $0x0  }
0xbd: {  	s8 =	sshll.u32 s28, $0x1;
	[dreg:$0x2] =	wrdreg s5  }
0xbe: {  	[dreg:$0x3] =	wrdreg s8  }
0xbf: {  	[dreg:$0x4] =	wrdreg $0xC0  }
0xc0: {  	_ =	task [dreg:s22], $0x5FFFF  }
0xc1: {  	[dreg:$0x1] =	wrdreg $0xFFFFFFFF  }
0xc2: {  	[dreg:$0x0] =	wrdreg $0x60  }
0xc3: {  	[dreg:$0x2] =	wrdreg s17  }
0xc4: {  	[dreg:$0x3] =	wrdreg s24  }
0xc5: {  	[dreg:$0x4] =	wrdreg s18  }
0xc6: {  	[dreg:$0x5] =	wrdreg s1  }
0xc7: {  	[dreg:$0x6] =	wrdreg s6  }
0xc8: {  	[dreg:$0x7] =	wrdreg $0xA  }
0xc9: {  	_ =	task.clear_ibuf [dreg:s22], $0x8FFFF;
	_ =	strace $0x9000004C  }
0xca: {  	s29 =	simm.s32 $0xA;
	_ =	strace $0x8000004E  }
0xcb: {  	_ =	swait.ge [sflag:s29], $0x1  }
0xcc: {  	[sflag:s29] =	ssyncadd.s32 $0xFFFFFFFF  }
0xcd: {  	_ =	strace $0x9000004E  }
0xce: {  	_ =	sfence  }
0xcf: {  	s30 =	sld [smem:$0x0];
	_ =	sdelay $0x2  }
0xd0: {  	s31 =	sshll.u32 s1, $0xD;
	s1 =	sshrl.u32 s1, $0x2  }
0xd1: {  	s4 =	sand.u32 $0x4000, s31;
	s1 =	sadd.s32 s1, s30  }
0xd2: {  	s0 =	sor.u32 s4, s0;
	s1 =	sshll.u32 s1, $0x11  }
0xd3: {  	s0 =	sor.u32 s1, s0  }
0xd4: {  	s0 =	sadd.s32 $0x8F2B, s0  }
0xd5: {  	[sflag:s0] =	ssyncadd.remote.s32 $0x1  }
0xd6: {  	_ =	sfence.sel $0xFFFF  }
0xd7: {  	[dreg:$0x0] =	wrdreg $0xFFFFFFFF;
	(pc) =	sbr.abs _section_cstart, $3  }
0xd8: {  	[dreg:$0x1] =	wrdreg $0xFFFFFFFF  }
0xd9: {  	_ =	task.clear_ibuf [dreg:s22], $0x2FFFF;
	_ =	strace $0x9FFFFFFF  }
0xda: {  	(tm) =	ssettm $0x7FFFFFFF  }
0xdb: {  	_ =	shalt  }
tec
execute0_lowered:
.L_overlay_start_1:
0x0: {  	(tag) =	ssettag $0x1  }
0x1: {  	s1 =	rddreg [dreg:$0x0]  }
0x2: {  	s2 =	rddreg [dreg:$0x1]  }
0x3: {  	s9 =	rddreg [dreg:$0x2]  }
0x4: {  	s3 =	rddreg [dreg:$0x3];
	_ =	strace $0x8000004D;
	s0 =	simm.s32 $0x1  }
0x5: {  	v0 =	vimm.s32 $0x0;
	[sflag:s0] =	ssyncpa.u1 $0x0;
	s0 =	simm.s32 $0x108  }
0x6: {  	[tilespmem:s0+$0x70] =	vst v0  }
0x7: {  	[tilespmem:s0+$0x60] =	vst v0  }
0x8: {  	[tilespmem:s0+$0x50] =	vst v0  }
0x9: {  	[tilespmem:s0+$0x40] =	vst v0  }
0xa: {  	[tilespmem:s0+$0x30] =	vst v0  }
0xb: {  	s15 =	sadd.s32 $0x16E000, s2;
	[tilespmem:s0+$0x20] =	vst v0  }
0xc: {  	s14 =	sadd.s32 $0x177E00, s2;
	s5 =	sand.u32 $0x1, s3;
	s3 =	simm.s32 $0x40;
	[tilespmem:s0+$0x10] =	vst v0  }
.LBB2_1:
0xd: {  	s3 =	sadd.s32 $0x40, s3;
	[tilespmem:s0+$0x0] =	vst v0;
	s0 =	sadd.s32 $0x80, s0  }
0xe: {  	p0 =	slt.u32 s3, $0x3C40;
	[tilespmem:s0+$0x70] =	vst v0  }
0xf: {  	[tilespmem:s0+$0x60] =	vst v0  }
.Ltmp0:
0x10: {  	[tilespmem:s0+$0x50] =	vst v0;
	(pc) =	sbr.rel @p0 .LBB2_1-.Ltmp0, $4  }
0x11: {  	[tilespmem:s0+$0x40] =	vst v0  }
0x12: {  	[tilespmem:s0+$0x30] =	vst v0  }
0x13: {  	[tilespmem:s0+$0x20] =	vst v0  }
0x14: {  	[tilespmem:s0+$0x10] =	vst v0  }
0x15: {  	s6 =	stileid.u32  }
0x16: {  	s2 =	smul.u32 $0x29, s6  }
0x17: {  	s3 =	smin.u32 s6, $0xB  }
0x18: {  	s2 =	sadd.s32 s3, s2  }
0x19: {  	p0 =	slt.u32 s6, $0xB;
	s7 =	smul.u32 $0xF0, s2;
	s2 =	simm.s32 $0x2760  }
0x1a: {  	s2 =	simm.s32 @!p0 $0x2670  }
0x1b: {  	s2 =	sadd.s32 s2, s7  }
0x1c: {  	s8 =	smin.u32 s2, $0x27100  }
0x1d: {  	s2 =	ssub.s32 s8, s7  }
0x1e: {  	p0 =	sgt.s32 s2, $0x0  }
0x1f: {  	s29 =	simm.s32 $0x2;
	s10 =	simm.s32 $0x9;
	s2 =	simm.s32 @!p0 $0x0  }
0x20: {  	s4 =	simm.s32 $0xA;
	s11 =	simm.s32 $0xB;
	s28 =	smulhi.u32 $0x88888889, s2  }
0x21: {  	[dreg:$0x6] =	wrdreg s5;
	s31 =	smul.u32 $0x4E20, s5;
	s12 =	simm.s32 $0x1  }
0x22: {  	s22 =	simm.s32 $0x0;
	s18 =	simm.s32 $0xC;
	s30 =	sshrl.u32 s28, $0x7  }
0x23: {  	s20 =	simm.s32 $0x0;
	s21 =	simm.s32 $0x0;
	s3 =	smul.u32 $0xF0, s30  }
.Ltmp1:
0x24: {  	[tilespmem:s0+$0x0] =	vst v0;
	v0 =	vimm.s32 $0xFFFFFFFF;
	[sflag:s29] =	ssyncpa.u1 $0x0;
	s16 =	sshll.u32 s6, $0x8;
	(pc) =	sbr.rel .LBB2_3-.Ltmp1, $4  }
0x25: {  	[tilespmem:$0xF208] =	vst v0;
	[sflag:s10] =	ssyncpa.u1 $0x0;
	p0 =	sne.s32 s2, s3;
	s2 =	simm.s32 $0x1  }
0x26: {  	s14 =	sadd.s32 s31, s14;
	[sflag:s4] =	ssyncpa.u1 $0x0;
	s2 =	simm.s32 @!p0 $0x0  }
0x27: {  	s15 =	sadd.s32 s31, s15;
	[sflag:s11] =	ssyncpa.u1 $0x0;
	s13 =	sadd.s32 s2, s30  }
0x28: {  	v0 =	vlaneseq.u32;
	s19 =	smov.u32 s7;
	p0 =	por $0x0, $0x0;
	s17 =	sadd.s32 $0x1, s13  }
.LBB2_18:
0x29: {  	s0 =	sshrl.u32 s31, $0x2  }
.LBB2_20:
0x2a: {  	_ =	swait.ge [sflag:s18], s0  }
0x2b: {  	s31 =	ssub.s32 $0x0, s0;
	v1 =	vmov s24;
	vm0 =	veq.s32 v0, $0x0;
	[sflag:s18] =	ssyncset.done $0x0  }
0x2c: {  	vm15 =	veq.s32 v0, $0x2;
	v1 =	vsel vm0, s30, v1;
	[sflag:s18] =	ssyncadd.s32 s31  }
0x2d: {  	v1 =	vsel vm15, s22, v1;
	[sflag:s18] =	ssyncpa.u1 $0x1  }
0x2e: {  	[tilespmem:$0xF208] =	vst v1  }
.LBB2_21:
0x2f: {  	s0 =	sadd.s32 $0xF0, s19  }
0x30: {  	s2 =	smov.u32 s7;
	p1 =	slt.s32 s0, s8  }
0x31: {  	s2 =	smov.u32 @p1 s0;
	p1 =	sne.s32 s21, s17  }
.Ltmp2:
0x32: {  	_ = 	snop;
	(pc) =	sbr.rel @!p1 .LBB2_22-.Ltmp2, $3  }
0x33: {  	_ =	sdelay $0x1  }
0x34: {  	s22 =	smov.u32 s20;
	s31 =	sadd.s32 $0x1, s21;
	s20 =	smov.u32 s19  }
0x35: {  	p0 =	por !p0, !p0;
	s21 =	smov.u32 s31;
	s19 =	smov.u32 s2  }
.LBB2_3:
0x36: {  	p1 =	sge.u32 s21, s13  }
0x37: {  	s0 =	smulhi.u32 @!p1 $0xAAAAAAAB, s21  }
0x38: {  	s2 =	smov.u32 s19;
	p2 =	sgt.s32 @!p1 s19, $0x27010  }
0x39: {  	s3 =	sshra.s32 @!p1 s19, $0x1F;
	p2 =	por !p2, p1;
	s0 =	sshrl.u32 @!p1 s0, $0x1  }
0x3a: {  	s3 =	sand.u32 @!p1 s3, s19;
	s2 =	simm.s32 @p2 $0x27010;
	s0 =	smul.u32 @!p1 $0x3, s0  }
0x3b: {  	s2 =	ssub.s32 @!p1 s2, s3  }
0x3c: {  	s2 =	sadd.s32 @!p1 $0xFFFD8FF0, s2;
	s0 =	ssub.s32 @!p1 s21, s0  }
0x3d: {  	s3 =	sshll.u32 @!p1 s2, $0x2;
	p2 =	sgt.s32 @!p1 s2, $0xEF;
	s0 =	smul.u32 @!p1 $0x3C0, s0  }
0x3e: {  	s4 =	sand.u32 @!p1 $0x7, s19;
	s2 =	ssub.s32 @!p1 $0x3C0, s3;
	p2 =	por !p2, p1  }
0x3f: {  	s3 =	sshrl.u32 @!p1 s19, $0x3;
	s2 =	sshrl.u32 @!p1 s2, $0x2;
	s0 =	sshrl.u32 @!p1 s0, $0x2  }
0x40: {  	s3 =	sadd.s32 @!p1 s3, s14;
	s2 =	simm.s32 @!p2 $0x0;
	s0 =	sadd.s32 @!p1 $0x10248, s0  }
0x41: {  	[tilespmem:s0], [sflag:$0xA] =	stream.linear.gather @!p1 [hbm4b:s3+s4], s2, $0x38;
	[tilespmem:$0x1F6F8] =	vst v63  }
0x42: {  	s0 =	sadd.s32 $0xFFFFFFFF, s21  }
0x43: {  	p1 =	sge.u32 s0, s13  }
0x44: {  	p2 =	sgt.s32 @!p1 s20, $0x27010  }
0x45: {  	s2 =	smov.u32 s20;
	s3 =	sshra.s32 @!p1 s20, $0x1F;
	p2 =	por !p2, p1  }
0x46: {  	s3 =	sand.u32 @!p1 s3, s20;
	s2 =	simm.s32 @p2 $0x27010  }
0x47: {  	s2 =	ssub.s32 @!p1 s2, s3  }
0x48: {  	s2 =	sadd.s32 @!p1 $0xFFFD8FF0, s2  }
0x49: {  	s4 =	sand.u32 @!p1 $0x1, s0;
	s3 =	sshll.u32 @!p1 s2, $0x2  }
0x4a: {  	p2 =	sgt.s32 @!p1 s2, $0xEF;
	s2 =	ssub.s32 @!p1 $0x3C0, s3;
	s3 =	smulhi.u32 @!p1 $0xAAAAAAAB, s0  }
0x4b: {  	s23 =	smul.u32 @!p1 $0x3C0, s4;
	p2 =	por !p2, p1;
	s2 =	sshrl.u32 @!p1 s2, $0x2  }
0x4c: {  	s5 =	simm.s32 @!p1 $0xA;
	s2 =	simm.s32 @!p2 $0x0;
	s3 =	sshrl.u32 @!p1 s3, $0x1  }
0x4d: {  	s23 =	sshrl.u32 @!p1 s23, $0x2;
	_ =	swait.ge @!p1 [sflag:s5], s2;
	s3 =	smul.u32 @!p1 $0x3, s3  }
0x4e: {  	s23 =	sadd.s32 @!p1 $0x10518, s23;
	s24 =	ssub.s32 @!p1 $0x0, s2;
	[sflag:s5] =	ssyncset.done @!p1 $0x0  }
0x4f: {  	[sflag:s5] =	ssyncadd.s32 @!p1 s24;
	s5 =	sshrl.u32 @!p1 s20, $0x3;
	s0 =	ssub.s32 @!p1 s0, s3  }
0x50: {  	s24 =	sand.u32 @!p1 $0x7, s20;
	s5 =	sadd.s32 @!p1 s5, s15;
	s0 =	smul.u32 @!p1 $0x3C0, s0  }
0x51: {  	[tilespmem:s23], [sflag:$0xB] =	stream.linear.gather @!p1 [hbm4b:s5+s24], s2, $0x38;
	[tilespmem:$0x1F6F8] =	vst v63  }
0x52: {  	s3 =	ssub.s32 @!p1 $0x27100, s20;
	s2 =	smul.u32 @!p1 $0x1E000, s4  }
0x53: {  	p2 =	slt.s32 @!p1 s3, $0xF0  }
0x54: {  	p2 =	por !p2, p1;
	s0 =	sshrl.u32 @!p1 s0, $0x2;
	s2 =	sshrl.u32 @!p1 s2, $0x2  }
0x55: {  	s3 =	simm.s32 @p2 $0xF0;
	s0 =	sadd.s32 @!p1 $0x10248, s0;
	s2 =	sor.u32 @!p1 $0x106F8, s2  }
0x56: {  	[tilespmem:s2], [sflag:$0x9] =	stream.indirect.gather @!p1 [hbm4b:s9+s3], $0x80, s0, s3, $0xb8;
	[tilespmem:$0x1F6F8] =	vst v63  }
0x57: {  	p1 =	slt.u32 s21, $0x2  }
.Ltmp3:
0x58: {  	_ = 	snop;
	(pc) =	sbr.rel @p1 .LBB2_21-.Ltmp3, $1  }
0x59: {  	_ =	sdelay $0x3  }
0x5a: {  	p1 =	sgt.s32 s22, $0x27010  }
0x5b: {  	s0 =	smov.u32 s22;
	s2 =	sshra.s32 s22, $0x1F;
	s3 =	ssub.s32 $0x27100, s22  }
0x5c: {  	s0 =	simm.s32 @!p1 $0x27010;
	s2 =	sand.u32 s2, s22;
	p1 =	slt.s32 s3, $0xF0  }
0x5d: {  	s0 =	ssub.s32 s0, s2;
	s3 =	simm.s32 @!p1 $0xF0  }
0x5e: {  	s0 =	sadd.s32 $0xFFFD8FF0, s0;
	s25 =	sshll.u32 s3, $0x7  }
0x5f: {  	s26 =	sshll.u32 s0, $0x2;
	s2 =	sand.u32 $0x3FFFFF80, s25  }
0x60: {  	p1 =	sgt.s32 s0, $0xEF;
	s29 =	ssub.s32 $0x3C0, s26;
	_ =	swait.ge [sflag:s10], s2  }
0x61: {  	s2 =	ssub.s32 $0x0, s2;
	[sflag:s10] =	ssyncset.done $0x0;
	s0 =	sshrl.u32 s29, $0x2  }
0x62: {  	[sflag:s10] =	ssyncadd.s32 s2;
	s0 =	simm.s32 @p1 $0x0  }
0x63: {  	_ =	swait.ge [sflag:s11], s0  }
0x64: {  	s0 =	ssub.s32 $0x0, s0;
	[sflag:s11] =	ssyncset.done $0x0  }
0x65: {  	[sflag:s11] =	ssyncadd.s32 s0  }
0x66: {  	v1 =	vld [tilespmem:$0xF208];
	_ =	sdelay $0x4  }
0x67: {  	(v2sf) =	vpush v1, $0x0  }
0x68: {  	(v2sf) =	vpush v1, $0x1  }
0x69: {  	(v2sf) =	vpush v1, $0x2;
	_ =	sdelay $0x3  }
0x6a: {  	s0 =	sadd.s32 $0xF0, s22  }
0x6b: {  	s2 =	ssub.s32 $0x4E200, s22;
	p1 =	slt.s32 s8, s0  }
0x6c: {  	s0 =	smov.u32 @p1 s8;
	p1 =	sgt.s32 s2, $0x0  }
0x6d: {  	s26 =	ssub.s32 s0, s22;
	s2 =	simm.s32 @!p1 $0x0  }
0x6e: {  	p1 =	slt.s32 s2, s26  }
0x6f: {  	s26 =	smov.u32 @p1 s2  }
0x70: {  	s25 =	simm.s32 $0x1;
	p1 =	slt.s32 s26, $0x1  }
.Ltmp4:
0x71: {  	s25 =	simm.s32 @!p0 $0x0;
	(pc) =	sbr.rel @p1 .LBB2_8-.Ltmp4, $4  }
0x72: {  	s31 =	smul.u32 $0x3C0, s25  }
0x73: {  	s28 =	spop (v2sf)  }
0x74: {  	s0 =	sshrl.u32 s31, $0x2;
	s30 =	spop (v2sf)  }
0x75: {  	s23 =	sadd.s32 $0x10518, s0;
	s22 =	spop (v2sf)  }
0x76: {  	s0 =	smin.u32 s26, $0x10  }
0x77: {  	v1 =	vmov s0  }
0x78: {  	p2 =	sgt.s32 s26, $0x10;
	vm1 =	vgt.u32 v1, v0  }
.Ltmp5:
0x79: {  	_ = 	snop;
	(pc) =	sbr.rel @!p2 .LBB2_7-.Ltmp5, $2  }
0x7a: {  	_ =	sdelay $0x2  }
0x7b: {  	s4 =	simm.s32 $0x10;
	s24 =	sadd.s32 $0xFFFFFFF0, s26;
	s0 =	smov.u32 s23;
	vm0 =	vmmov vm1  }
.LBB2_6:
0x7c: {  	s2 =	smin.u32 s24, $0x10;
	s4 =	sadd.s32 $0x10, s4;
	v1 =	vld.msk [tilespmem:s0+$0x0 ss:$0x1], vm1  }
0x7d: {  	v2 =	vmov s2;
	p2 =	slt.s32 s4, s26  }
0x7e: {  	vm1 =	vgt.u32 v2, v0  }
.Ltmp6:
0x7f: {  	(pc) =	sbr.rel @p2 .LBB2_6-.Ltmp6, $3  }
0x80: {  	_ =	sdelay $0x1  }
0x81: {  	v1 =	vshll.u32 v1, $0x4  }
0x82: {  	s24 =	sadd.s32 $0xFFFFFFF0, s24;
	[tilespmem:s0+$0x0] =	vst.msk vm0, v1;
	s0 =	sadd.s32 $0x10, s0;
	vm0 =	vmmov vm1  }
.LBB2_7:
0x83: {  	_ =	sdelay $0x4  }
0x84: {  	v1 =	vld.msk [tilespmem:s0+$0x0 ss:$0x1], vm1;
	_ =	sdelay $0x4  }
0x85: {  	v1 =	vshll.u32 v1, $0x4  }
0x86: {  	[tilespmem:s0+$0x0] =	vst.msk vm0, v1  }
.LBB2_8:
0x87: {  	s0 =	sand.u32 $0x1, s21  }
0x88: {  	s0 =	smul.u32 $0xF0, s0  }
0x89: {  	p2 =	sne.s32 s30, $0xFFFFFFFF  }
0x8a: {  	v1 =	vld.msk @!p2 [tilespmem:s0+$0x10518], $0x1;
	_ =	sdelay $0x4  }
0x8b: {  	(v2sf) =	vpush @!p2 v1, $0x0;
	_ =	sdelay $0xc  }
.Ltmp7:
0x8c: {  	_ = 	snop;
	(pc) =	sbr.rel @p1 .LBB2_19-.Ltmp7, $4  }
0x8d: {  	_ = 	snop  }
0x8e: {  	s29 =	spop @!p2 (v2sf)  }
0x8f: {  	s22 =	simm.s32 @!p2 $0x0;
	s24 =	smov.u32 s29  }
0x90: {  	[sflag:s18] =	ssyncpa.u1 $0x0;
	s29 =	smov.u32 @p2 s28;
	s24 =	smov.u32 @p2 s30  }
0x91: {  	v1 =	vld.msk [tilespmem:s23+$0x0], $0x1;
	_ =	sdelay $0x4  }
0x92: {  	(v2sf) =	vpush v1, $0x0;
	_ =	sdelay $0xe  }
0x93: {  	s2 =	smul.u32 $0x1E000, s25;
	s0 =	spop (v2sf)  }
0x94: {  	s26 =	ssub.s32 $0x0, s26;
	p1 =	seq.s32 s29, s0  }
0x95: {  	s30 =	sadd.s32 $0x1, s26;
	s2 =	sshrl.u32 s2, $0x2;
	p2 =	sgt.s32 @!p1 s29, $0x0  }
0x96: {  	s25 =	sor.u32 $0x10738, s2;
	s2 =	smov.u32 s29;
	p2 =	por !p2, p1  }
0x97: {  	s2 =	simm.s32 @p2 $0x0;
	p2 =	seq.s32 s30, $0x0  }
.Ltmp8:
0x98: {  	_ = 	snop;
	(pc) =	sbr.rel @p2 .LBB2_11-.Ltmp8, $4  }
0x99: {  	_ = 	snop  }
0x9a: {  	s28 =	simm.s32 $0x0;
	s31 =	sadd.s32 $0x1, s23;
	s2 =	smin.u32 @!p1 s2, $0x270F0  }
0x9b: {  	s4 =	simm.s32 @!p1 $0x1;
	s5 =	simm.s32 @!p1 $0x7988;
	s3 =	sand.u32 @!p1 $0x3FFF8, s2  }
0x9c: {  	s4 =	smov.u32 @p1 s28;
	s2 =	sand.u32 @!p1 $0x7, s2;
	s3 =	sadd.s32 @!p1 s1, s3  }
.LBB2_10:
0x9d: {  	s6 =	smov.u32 s4  }
0x9e: {  	[tilespmem:s5], [sflag:$0x2] =	stream.linear.gather @!p1 [hbm4b:s3+s2], $0x80, $0x38;
	[tilespmem:$0x1F6F8] =	vst v63  }
0x9f: {  	s30 =	sadd.s32 $0x1, s30;
	s2 =	smov.u32 s0;
	v1 =	vld.msk [tilespmem:s31+$0x0], $0x1  }
0xa0: {  	p2 =	seq.s32 s30, $0x0;
	_ =	sdelay $0x3  }
0xa1: {  	(v2sf) =	vpush v1, $0x0;
	_ =	sdelay $0xe  }
0xa2: {  	s0 =	spop (v2sf)  }
0xa3: {  	p1 =	seq.s32 s2, s0  }
0xa4: {  	p3 =	sgt.s32 @!p1 s2, $0x0;
	s3 =	sshll.u32 @!p1 s4, $0x9;
	s4 =	sadd.s32 @!p1 $0x1, s4  }
.Ltmp9:
0xa5: {  	p3 =	por !p3, p1;
	s3 =	sshra.s32 @!p1 s3, $0x2;
	(pc) =	sbr.rel @!p2 .LBB2_10-.Ltmp9, $4  }
0xa6: {  	s4 =	smov.u32 @p1 s6;
	s2 =	simm.s32 @p3 $0x0;
	s5 =	sadd.s32 @!p1 $0x7988, s3  }
0xa7: {  	s2 =	smin.u32 @!p1 s2, $0x270F0  }
0xa8: {  	s3 =	sand.u32 @!p1 $0x3FFF8, s2;
	s2 =	sand.u32 @!p1 $0x7, s2  }
0xa9: {  	s31 =	sadd.s32 $0x1, s31;
	s3 =	sadd.s32 @!p1 s1, s3  }
.LBB2_11:
0xaa: {  	[tilespmem:s5], [sflag:$0x2] =	stream.linear.gather @!p1 [hbm4b:s3+s2], $0x80, $0x38;
	[tilespmem:$0x1F6F8] =	vst v63  }
.Ltmp10:
0xab: {  	s0 =	sshll.u32 s4, $0x7;
	(pc) =	sbr.rel .LBB2_12-.Ltmp10, $4  }
0xac: {  	s30 =	simm.s32 $0x2;
	s0 =	sand.u32 $0x3FFFFF80, s0  }
0xad: {  	_ =	swait.ge [sflag:s30], s0  }
0xae: {  	s0 =	ssub.s32 $0x0, s0;
	[sflag:s30] =	ssyncset.done $0x0  }
0xaf: {  	s31 =	simm.s32 $0x0;
	[sflag:s30] =	ssyncadd.s32 s0  }
.LBB2_13:
0xb0: {  	v1 =	vld [tilespmem:s25+$0xFFFFFFC0];
	_ =	sdelay $0x3  }
0xb1: {  	s0 =	sshra.s32 s0, $0x2  }
0xb2: {  	[tilespmem:s0+$0x108] =	vst.add.f32.msk $0xffff, v1  }
0xb3: {  	v1 =	vld [tilespmem:s25+$0xFFFFFFD0];
	_ =	sdelay $0x4  }
0xb4: {  	[tilespmem:s0+$0x118] =	vst.add.f32.msk $0xffff, v1  }
0xb5: {  	v1 =	vld [tilespmem:s25+$0xFFFFFFE0];
	_ =	sdelay $0x4  }
0xb6: {  	[tilespmem:s0+$0x128] =	vst.add.f32.msk $0xffff, v1  }
0xb7: {  	v1 =	vld [tilespmem:s25+$0xFFFFFFF0];
	_ =	sdelay $0x4  }
0xb8: {  	[tilespmem:s0+$0x138] =	vst.add.f32.msk $0xffff, v1  }
0xb9: {  	v1 =	vld [tilespmem:s25+$0x0];
	_ =	sdelay $0x4  }
0xba: {  	[tilespmem:s0+$0x148] =	vst.add.f32.msk $0xffff, v1  }
0xbb: {  	v1 =	vld [tilespmem:s25+$0x10];
	_ =	sdelay $0x4  }
0xbc: {  	[tilespmem:s0+$0x158] =	vst.add.f32.msk $0xffff, v1  }
0xbd: {  	v1 =	vld [tilespmem:s25+$0x20];
	_ =	sdelay $0x4  }
0xbe: {  	[tilespmem:s0+$0x168] =	vst.add.f32.msk $0xffff, v1  }
0xbf: {  	v1 =	vld [tilespmem:s25+$0x30];
	_ =	sdelay $0x4  }
0xc0: {  	[tilespmem:s0+$0x178] =	vst.add.f32.msk $0xffff, v1  }
.LBB2_17:
0xc1: {  	s26 =	sadd.s32 $0x1, s26  }
0xc2: {  	p1 =	seq.s32 s26, $0x0  }
.Ltmp11:
0xc3: {  	_ = 	snop;
	(pc) =	sbr.rel @p1 .LBB2_18-.Ltmp11, $2  }
0xc4: {  	_ =	sdelay $0x2  }
0xc5: {  	s23 =	sadd.s32 $0x1, s23;
	s25 =	sadd.s32 $0x80, s25;
	s29 =	smov.u32 s30  }
.LBB2_12:
0xc6: {  	v1 =	vld.msk [tilespmem:s23+$0x0], $0x1;
	_ =	sdelay $0x4  }
0xc7: {  	(v2sf) =	vpush v1, $0x0;
	_ =	sdelay $0xe  }
0xc8: {  	s30 =	spop (v2sf)  }
0xc9: {  	p1 =	sne.s32 s29, s30  }
.Ltmp12:
0xca: {  	_ = 	snop;
	(pc) =	sbr.rel @!p1 .LBB2_13-.Ltmp12, $2  }
0xcb: {  	_ =	sdelay $0x2  }
0xcc: {  	s0 =	sshll.u32 s22, $0x9  }
0xcd: {  	p1 =	seq.s32 s29, s24  }
.Ltmp13:
0xce: {  	_ = 	snop;
	(pc) =	sbr.rel @!p1 .LBB2_15-.Ltmp13, $1  }
0xcf: {  	_ =	sdelay $0x3  }
0xd0: {  	s0 =	sshra.s32 s0, $0x2  }
.Ltmp14:
0xd1: {  	s0 =	sadd.s32 $0x108, s0;
	(pc) =	sbr.rel .LBB2_16-.Ltmp14, $4  }
0xd2: {  	[spmem:s16] =	stream.linear.scatter [tilespmem:s0], [sflag:$0x1], $0x80, $0x38;
	[tilespmem:$0x1F6F8] =	vst v63  }
0xd3: {  	_ =	swait.ge [sflag:s12], $0x80  }
0xd4: {  	[sflag:s12] =	ssyncset.done $0x0  }
0xd5: {  	[sflag:s12] =	ssyncadd.s32 $0xFFFFFF80  }
.LBB2_15:
0xd6: {  	s2 =	sshll.u32 s28, $0x9  }
0xd7: {  	s2 =	sshra.s32 s2, $0x2  }
0xd8: {  	v1 =	vld [tilespmem:s2+$0x7988];
	_ =	sdelay $0x3  }
0xd9: {  	s0 =	sshra.s32 s0, $0x2  }
0xda: {  	[tilespmem:s0+$0x108] =	vst.add.f32.msk $0xffff, v1  }
0xdb: {  	v1 =	vld [tilespmem:s2+$0x7998];
	_ =	sdelay $0x4  }
0xdc: {  	[tilespmem:s0+$0x118] =	vst.add.f32.msk $0xffff, v1  }
0xdd: {  	v1 =	vld [tilespmem:s2+$0x79A8];
	_ =	sdelay $0x4  }
0xde: {  	[tilespmem:s0+$0x128] =	vst.add.f32.msk $0xffff, v1  }
0xdf: {  	v1 =	vld [tilespmem:s2+$0x79B8];
	_ =	sdelay $0x4  }
0xe0: {  	[tilespmem:s0+$0x138] =	vst.add.f32.msk $0xffff, v1  }
0xe1: {  	v1 =	vld [tilespmem:s2+$0x79C8];
	_ =	sdelay $0x4  }
0xe2: {  	[tilespmem:s0+$0x148] =	vst.add.f32.msk $0xffff, v1  }
0xe3: {  	v1 =	vld [tilespmem:s2+$0x79D8];
	_ =	sdelay $0x4  }
0xe4: {  	[tilespmem:s0+$0x158] =	vst.add.f32.msk $0xffff, v1  }
0xe5: {  	v1 =	vld [tilespmem:s2+$0x79E8];
	_ =	sdelay $0x4  }
0xe6: {  	[tilespmem:s0+$0x168] =	vst.add.f32.msk $0xffff, v1  }
0xe7: {  	v1 =	vld [tilespmem:s2+$0x79F8];
	_ =	sdelay $0x2  }
0xe8: {  	p1 =	sgt.u32 s29, $0x270F0  }
0xe9: {  	s2 =	sand.u32 @!p1 $0x3FFF8, s29  }
0xea: {  	s3 =	sadd.s32 $0x108, s0;
	[tilespmem:s0+$0x178] =	vst.add.f32.msk $0xffff, v1;
	s0 =	sadd.s32 @!p1 s1, s2;
	s2 =	sand.u32 @!p1 $0x7, s29  }
0xeb: {  	[hbm4b:s0+s2] =	stream.linear.scatter @!p1 [tilespmem:s3], [sflag:$0xC], $0x80, $0x38;
	[tilespmem:$0x1F6F8] =	vst v63  }
0xec: {  	s0 =	simm.s32 $0x0  }
0xed: {  	s0 =	simm.s32 @!p1 $0x200  }
0xee: {  	s31 =	sadd.s32 s0, s31  }
.LBB2_16:
0xef: {  	s0 =	sadd.s32 $0x1, s22  }
0xf0: {  	s2 =	smulhi.u32 $0x88888889, s0;
	_ =	sdelay $0x1  }
0xf1: {  	v1 =	vld [tilespmem:s25+$0xFFFFFFC0];
	s2 =	sshrl.u32 s2, $0x7  }
0xf2: {  	s2 =	smul.u32 $0xF0, s2;
	_ =	sdelay $0x1  }
0xf3: {  	s22 =	ssub.s32 s0, s2  }
0xf4: {  	s0 =	sshll.u32 s22, $0x7  }
0xf5: {  	[tilespmem:s0+$0x108] =	vst v1  }
0xf6: {  	v1 =	vld [tilespmem:s25+$0xFFFFFFD0];
	_ =	sdelay $0x4  }
0xf7: {  	[tilespmem:s0+$0x118] =	vst v1  }
0xf8: {  	v1 =	vld [tilespmem:s25+$0xFFFFFFE0];
	_ =	sdelay $0x4  }
0xf9: {  	[tilespmem:s0+$0x128] =	vst v1  }
0xfa: {  	v1 =	vld [tilespmem:s25+$0xFFFFFFF0];
	_ =	sdelay $0x4  }
0xfb: {  	[tilespmem:s0+$0x138] =	vst v1  }
0xfc: {  	v1 =	vld [tilespmem:s25+$0x0];
	_ =	sdelay $0x4  }
0xfd: {  	[tilespmem:s0+$0x148] =	vst v1  }
0xfe: {  	v1 =	vld [tilespmem:s25+$0x10];
	_ =	sdelay $0x4  }
0xff: {  	[tilespmem:s0+$0x158] =	vst v1  }
0x100: {  	v1 =	vld [tilespmem:s25+$0x20];
	_ =	sdelay $0x4  }
0x101: {  	[tilespmem:s0+$0x168] =	vst v1  }
0x102: {  	v1 =	vld [tilespmem:s25+$0x30]  }
.Ltmp15:
0x103: {  	_ = 	snop;
	(pc) =	sbr.rel .LBB2_17-.Ltmp15, $2  }
0x104: {  	_ =	sdelay $0x2  }
0x105: {  	s28 =	sadd.s32 $0x1, s28;
	[tilespmem:s0+$0x178] =	vst v1  }
.LBB2_19:
.Ltmp16:
0x106: {  	(pc) =	sbr.rel .LBB2_20-.Ltmp16, $4  }
0x107: {  	_ = 	snop  }
0x108: {  	s0 =	simm.s32 $0x2  }
0x109: {  	_ =	swait.ge [sflag:s0], $0x0  }
0x10a: {  	s30 =	smov.u32 s29;
	[sflag:s0] =	ssyncset.done $0x0;
	s0 =	simm.s32 $0x0  }
.LBB2_22:
0x10b: {  	_ =	sfence.sel $0x180000  }
0x10c: {  	s0 =	simm.s32 $0x9;
	[bflag:$0x0] =	sbarrier.arrive $0xFFFF  }
0x10d: {  	s24 =	simm.s32 $0xA;
	[sflag:s0] =	ssyncpa.u1 $0x1  }
0x10e: {  	s25 =	simm.s32 $0xB;
	[sflag:s24] =	ssyncpa.u1 $0x1  }
0x10f: {  	s26 =	simm.s32 $0x2;
	[sflag:s25] =	ssyncpa.u1 $0x1  }
0x110: {  	[sflag:s26] =	ssyncpa.u1 $0x1  }
0x111: {  	v0 =	vld [tilespmem:$0xF208];
	_ =	sdelay $0x4  }
0x112: {  	(v2sf) =	vpush v0, $0x0  }
0x113: {  	(v2sf) =	vpush v0, $0x1;
	_ =	sdelay $0x1  }
0x114: {  	(v2sf) =	vpush v0, $0x2;
	_ =	sdelay $0xb  }
0x115: {  	s0 =	spop (v2sf)  }
0x116: {  	s2 =	spop (v2sf)  }
0x117: {  	s3 =	smov.u32 s0;
	p0 =	sne.s32 s0, s2  }
0x118: {  	s4 =	spop (v2sf);
	s3 =	simm.s32 @!p0 $0xFFFFFFFF  }
0x119: {  	v2 =	vimm.s32 $0x1;
	v3 =	vlaneseq.u32;
	p0 =	seq.s32 s4, $0xFFFFFFFF;
	v1 =	vmov s3  }
0x11a: {  	s16 =	stileid.u32;
	v0 =	vperm.xlane v0, v2;
	p1 =	sne.s32 @!p0 s0, s2;
	v1 =	vperm.xlane v1, v3  }
0x11b: {  	vm0 =	vcmask $0x3F04;
	s6 =	simm.s32 $0xF208;
	s0 =	simm.s32 @!p0 $0x1;
	p1 =	por !p1, p0  }
0x11c: {  	s3 =	sshll.u32 s16, $0x1;
	s2 =	sshll.u32 @!p0 s4, $0x9;
	s0 =	simm.s32 @p1 $0x0;
	v0 =	vsel vm0, v1, v0  }
0x11d: {  	s5 =	sor.u32 $0x1000, s3;
	s2 =	sshra.s32 @!p0 s2, $0x2;
	s0 =	sor.u32 @!p0 s0, s3;
	[tilespmem:$0xF208] =	vst v0  }
0x11e: {  	[spmem:s5] =	stream.linear.scatter [tilespmem:s6], [sflag:$0x1], $0x2, $0x38;
	[tilespmem:$0x1F6F8] =	vst v63  }
0x11f: {  	s2 =	sadd.s32 @!p0 $0x108, s2;
	s0 =	sshll.u32 @!p0 s0, $0x7  }
0x120: {  	[spmem:s0] =	stream.linear.scatter @!p0 [tilespmem:s2], [sflag:$0x1], $0x80, $0x38;
	[tilespmem:$0x1F6F8] =	vst v63  }
0x121: {  	s0 =	simm.s32 @!p0 $0x82  }
0x122: {  	s28 =	simm.s32 $0x1;
	s0 =	simm.s32 @p0 $0x2  }
0x123: {  	_ =	swait.ge [sflag:s28], s0  }
0x124: {  	s0 =	ssub.s32 $0x0, s0;
	[sflag:s28] =	ssyncset.done $0x0  }
0x125: {  	p0 =	sne.s32 s16, $0x0;
	[sflag:s28] =	ssyncadd.s32 s0  }
.Ltmp17:
0x126: {  	_ =	sfence.stream.spmem;
	(pc) =	sbr.rel @p0 .LBB2_39-.Ltmp17, $4  }
0x127: {  	s29 =	simm.s32 $0x3;
	[bflag:$0x0] =	sbarrier.arrive $0xFFFF  }
0x128: {  	s30 =	simm.s32 $0x4;
	[sflag:s29] =	ssyncpa.u1 $0x1  }
0x129: {  	s31 =	simm.s32 $0x3C;
	[sflag:s30] =	ssyncpa.u1 $0x1  }
0x12a: {  	s15 =	rddreg [dreg:$0x6];
	[sflag:s31] =	ssyncpa.u1 $0x1  }
0x12b: {  	_ =	sfence.stream.spmem;
	s0 =	simm.s32 $0x5  }
0x12c: {  	s2 =	simm.s32 $0x1000;
	s3 =	simm.s32 $0xF218;
	[sflag:s0] =	ssyncpa.u1 $0x0  }
0x12d: {  	[tilespmem:s3], [sflag:$0x5] =	stream.linear.gather [spmem:s2], $0x20, $0x38;
	[tilespmem:$0x1F6F8] =	vst v63  }
0x12e: {  	s26 =	simm.s32 $0x0;
	s28 =	simm.s32 $0xF238  }
0x12f: {  	[tilespmem:s28], [sflag:$0x5] =	stream.linear.gather [spmem:s26], $0x1000, $0x38;
	[tilespmem:$0x1F6F8] =	vst v63  }
0x130: {  	_ =	swait.ge [sflag:s0], $0x1020  }
0x131: {  	[sflag:s0] =	ssyncset.done $0x0  }
0x132: {  	s29 =	simm.s32 $0x0;
	[sflag:s0] =	ssyncadd.s32 $0xFFFFEFE0  }
0x133: {  	v0 =	vld.msk [tilespmem:s29+$0xF218], $0x1;
	_ =	sdelay $0x1  }
0x134: {  	s30 =	simm.s32 $0x1  }
0x135: {  	v1 =	vld.msk [tilespmem:s30+$0xF218], $0x1;
	_ =	sdelay $0x1  }
0x136: {  	(v2sf) =	vpush v0, $0x0;
	_ =	sdelay $0x2  }
0x137: {  	(v2sf) =	vpush v1, $0x0;
	_ =	sdelay $0x2  }
0x138: {  	s31 =	simm.s32 $0x2  }
0x139: {  	v0 =	vld.msk [tilespmem:s31+$0xF218], $0x1;
	_ =	sdelay $0x2  }
0x13a: {  	s4 =	simm.s32 $0xFFFFFFFF;
	s5 =	simm.s32 $0xFFFFFFFF;
	s0 =	simm.s32 $0xC  }
.LBB2_24:
0x13b: {  	s2 =	smov.u32 s5;
	s3 =	smov.u32 s4  }
0x13c: {  	s4 =	sshra.s32 s0, $0x2;
	p1 =	sne.s32 s0, $0x7C;
	s0 =	sadd.s32 $0x4, s0;
	(v2sf) =	vpush v0, $0x0  }
0x13d: {  	v0 =	vld.msk [tilespmem:s4+$0xF218], $0x1  }
.Ltmp18:
0x13e: {  	(pc) =	sbr.rel @p1 .LBB2_24-.Ltmp18, $4  }
0x13f: {  	s5 =	spop (v2sf)  }
0x140: {  	p2 =	sne.s32 s3, $0xFFFFFFFF;
	s4 =	smov.u32 s5  }
0x141: {  	p3 =	seq.s32 s5, $0xFFFFFFFF;
	s4 =	smov.u32 @p2 s3  }
0x142: {  	s5 =	smov.u32 @p3 s2;
	s4 =	smov.u32 @p3 s3  }
0x143: {  	(v2sf) =	vpush v0, $0x0;
	_ =	sdelay $0x8  }
0x144: {  	s0 =	spop (v2sf)  }
0x145: {  	p1 =	sne.s32 s4, $0xFFFFFFFF;
	s2 =	smov.u32 s0  }
0x146: {  	s9 =	simm.s32 $0x6;
	p2 =	seq.s32 s0, $0xFFFFFFFF;
	s2 =	smov.u32 @p1 s4  }
0x147: {  	s6 =	simm.s32 $0x0;
	s2 =	smov.u32 @p2 s4;
	s3 =	spop (v2sf)  }
0x148: {  	s0 =	smov.u32 @p2 s5;
	p1 =	sne.s32 s2, $0xFFFFFFFF;
	s4 =	smov.u32 s3  }
.Ltmp19:
0x149: {  	p2 =	seq.s32 s3, $0xFFFFFFFF;
	s4 =	smov.u32 @p1 s2;
	(pc) =	sbr.rel .LBB2_26-.Ltmp19, $4  }
0x14a: {  	s10 =	simm.s32 $0xF188;
	s4 =	smov.u32 @p2 s2;
	s7 =	spop (v2sf)  }
0x14b: {  	s11 =	simm.s32 $0x0;
	p1 =	sne.s32 s4, $0xFFFFFFFF;
	s8 =	smov.u32 s7  }
0x14c: {  	s3 =	smov.u32 @p2 s0;
	p2 =	seq.s32 s7, $0xFFFFFFFF;
	s8 =	smov.u32 @p1 s4  }
0x14d: {  	[sflag:s9] =	ssyncpa.u1 $0x0;
	s7 =	smov.u32 @p2 s3;
	s8 =	smov.u32 @p2 s4  }
.LBB2_32:
0x14e: {  	p1 =	sgt.u32 s12, $0x270F0  }
0x14f: {  	p2 =	seq.s32 @!p1 s12, s8  }
0x150: {  	p1 =	por p1, p2  }
0x151: {  	p2 =	sne.s32 @!p1 s12, s7  }
0x152: {  	p1 =	por p1, !p2  }
0x153: {  	s0 =	sshll.u32 @p1 s11, $0x9  }
0x154: {  	s0 =	sand.u32 @!p1 $0x3FFF8, s12  }
0x155: {  	s2 =	sand.u32 @!p1 $0x7, s12;
	s0 =	sadd.s32 @!p1 s1, s0  }
0x156: {  	[tilespmem:s10], [sflag:$0x6] =	stream.linear.gather @!p1 [hbm4b:s0+s2], $0x80, $0x38;
	[tilespmem:$0x1F6F8] =	vst v63  }
0x157: {  	_ =	swait.ge @!p1 [sflag:s9], $0x80  }
0x158: {  	[sflag:s9] =	ssyncset.done @!p1 $0x0  }
0x159: {  	[sflag:s9] =	ssyncadd.s32 @!p1 $0xFFFFFF80  }
0x15a: {  	v1 =	vld @!p1 [tilespmem:$0xF188];
	_ =	sdelay $0x2  }
0x15b: {  	s0 =	sshll.u32 @!p1 s11, $0x9  }
0x15c: {  	s2 =	sshrl.u32 @!p1 s0, $0x2  }
0x15d: {  	[tilespmem:s2+$0xF238] =	vst.add.f32.msk @!p1 $0xffff, v1  }
0x15e: {  	v1 =	vld @!p1 [tilespmem:$0xF198];
	_ =	sdelay $0x4  }
0x15f: {  	[tilespmem:s2+$0xF248] =	vst.add.f32.msk @!p1 $0xffff, v1  }
0x160: {  	v1 =	vld @!p1 [tilespmem:$0xF1A8];
	_ =	sdelay $0x4  }
0x161: {  	[tilespmem:s2+$0xF258] =	vst.add.f32.msk @!p1 $0xffff, v1  }
0x162: {  	v1 =	vld @!p1 [tilespmem:$0xF1B8];
	_ =	sdelay $0x4  }
0x163: {  	[tilespmem:s2+$0xF268] =	vst.add.f32.msk @!p1 $0xffff, v1  }
0x164: {  	v1 =	vld @!p1 [tilespmem:$0xF1C8];
	_ =	sdelay $0x4  }
0x165: {  	[tilespmem:s2+$0xF278] =	vst.add.f32.msk @!p1 $0xffff, v1  }
0x166: {  	v1 =	vld @!p1 [tilespmem:$0xF1D8];
	_ =	sdelay $0x4  }
0x167: {  	[tilespmem:s2+$0xF288] =	vst.add.f32.msk @!p1 $0xffff, v1  }
0x168: {  	v1 =	vld @!p1 [tilespmem:$0xF1E8];
	_ =	sdelay $0x4  }
0x169: {  	[tilespmem:s2+$0xF298] =	vst.add.f32.msk @!p1 $0xffff, v1  }
0x16a: {  	v1 =	vld @!p1 [tilespmem:$0xF1F8];
	_ =	sdelay $0x4  }
0x16b: {  	[tilespmem:s2+$0xF2A8] =	vst.add.f32.msk @!p1 $0xffff, v1  }
0x16c: {  	s0 =	sshrl.u32 s0, $0x2;
	[tilespmem:s6+$0xF218] =	vst.msk $0x1, v0  }
0x16d: {  	v0 =	vld [tilespmem:s0+$0xF238];
	_ =	sdelay $0x2  }
0x16e: {  	s31 =	sshll.u32 s6, $0x9  }
0x16f: {  	s2 =	sshra.s32 s31, $0x2  }
0x170: {  	[tilespmem:s2+$0xF238] =	vst v0  }
0x171: {  	v0 =	vld [tilespmem:s0+$0xF248];
	_ =	sdelay $0x4  }
0x172: {  	[tilespmem:s2+$0xF248] =	vst v0  }
0x173: {  	v0 =	vld [tilespmem:s0+$0xF258];
	_ =	sdelay $0x4  }
0x174: {  	[tilespmem:s2+$0xF258] =	vst v0  }
0x175: {  	v0 =	vld [tilespmem:s0+$0xF268];
	_ =	sdelay $0x4  }
0x176: {  	[tilespmem:s2+$0xF268] =	vst v0  }
0x177: {  	v0 =	vld [tilespmem:s0+$0xF278];
	_ =	sdelay $0x4  }
0x178: {  	[tilespmem:s2+$0xF278] =	vst v0  }
0x179: {  	v0 =	vld [tilespmem:s0+$0xF288];
	_ =	sdelay $0x4  }
0x17a: {  	[tilespmem:s2+$0xF288] =	vst v0  }
0x17b: {  	v0 =	vld [tilespmem:s0+$0xF298];
	_ =	sdelay $0x4  }
0x17c: {  	[tilespmem:s2+$0xF298] =	vst v0  }
0x17d: {  	v0 =	vld [tilespmem:s0+$0xF2A8];
	_ =	sdelay $0x4  }
0x17e: {  	s6 =	sadd.s32 $0x1, s6;
	[tilespmem:s2+$0xF2A8] =	vst v0  }
.LBB2_33:
0x17f: {  	s11 =	sadd.s32 $0x1, s11  }
0x180: {  	p1 =	sne.s32 s11, $0x20  }
.Ltmp20:
0x181: {  	_ = 	snop;
	(pc) =	sbr.rel @!p1 .LBB2_34-.Ltmp20, $1  }
0x182: {  	_ =	sdelay $0x3  }
.LBB2_26:
0x183: {  	v0 =	vld.msk [tilespmem:s11+$0xF218], $0x1;
	_ =	sdelay $0x4  }
0x184: {  	(v2sf) =	vpush v0, $0x0;
	_ =	sdelay $0xe  }
0x185: {  	s12 =	spop (v2sf)  }
0x186: {  	p1 =	seq.s32 s12, $0xFFFFFFFF  }
.Ltmp21:
0x187: {  	_ = 	snop;
	(pc) =	sbr.rel @p1 .LBB2_33-.Ltmp21, $1  }
0x188: {  	_ =	sdelay $0x3  }
0x189: {  	p1 =	slt.s32 s6, $0x1  }
.Ltmp22:
0x18a: {  	_ = 	snop;
	(pc) =	sbr.rel @p1 .LBB2_32-.Ltmp22, $1  }
0x18b: {  	_ =	sdelay $0x3  }
0x18c: {  	s13 =	simm.s32 $0xF218;
	p1 =	por $0x0, $0x0  }
0x18d: {  	v1 =	vld.msk @!p1 [tilespmem:s13+$0x0], $0x1;
	_ =	sdelay $0x4  }
0x18e: {  	(v2sf) =	vpush @!p1 v1, $0x0;
	_ =	sdelay $0xd  }
0x18f: {  	p3 =	sne.s32 s6, $0x1  }
.Ltmp23:
0x190: {  	s0 =	spop @!p1 (v2sf);
	(pc) =	sbr.rel @!p3 .LBB2_30-.Ltmp23, $4  }
0x191: {  	p2 =	seq.s32 @!p1 s12, s0  }
0x192: {  	s14 =	simm.s32 $0x0;
	p2 =	por !p2, p1  }
0x193: {  	s2 =	simm.s32 $0xFFFFFFFF;
	s14 =	simm.s32 @p2 $0xFFFFFFFF  }
0x194: {  	s0 =	simm.s32 $0x1;
	s14 =	smov.u32 @p1 s2  }
.LBB2_29:
0x195: {  	s2 =	smov.u32 s14;
	p1 =	sne.s32 s14, $0xFFFFFFFF  }
0x196: {  	s13 =	sadd.s32 $0x1, s13;
	s14 =	smov.u32 s0;
	s0 =	sadd.s32 $0x1, s0  }
0x197: {  	p2 =	sne.s32 s6, s0;
	v1 =	vld.msk @!p1 [tilespmem:s13+$0x0], $0x1;
	_ =	sdelay $0x4  }
0x198: {  	(v2sf) =	vpush @!p1 v1, $0x0;
	_ =	sdelay $0xe  }
.Ltmp24:
0x199: {  	s3 =	spop @!p1 (v2sf);
	(pc) =	sbr.rel @p2 .LBB2_29-.Ltmp24, $4  }
0x19a: {  	p3 =	seq.s32 @!p1 s12, s3  }
0x19b: {  	p3 =	por !p3, p1  }
0x19c: {  	s14 =	simm.s32 @p3 $0xFFFFFFFF  }
0x19d: {  	s14 =	smov.u32 @p1 s2  }
.LBB2_30:
0x19e: {  	p1 =	seq.s32 s14, $0xFFFFFFFF  }
.Ltmp25:
0x19f: {  	_ = 	snop;
	(pc) =	sbr.rel @p1 .LBB2_32-.Ltmp25, $1  }
0x1a0: {  	_ =	sdelay $0x3  }
0x1a1: {  	s0 =	sshll.u32 s11, $0x7  }
0x1a2: {  	s0 =	sand.u32 $0x3FFFFF80, s0  }
0x1a3: {  	v0 =	vld [tilespmem:s0+$0xF238];
	_ =	sdelay $0x2  }
0x1a4: {  	s2 =	sshll.u32 s14, $0x9  }
0x1a5: {  	s2 =	sshra.s32 s2, $0x2  }
0x1a6: {  	[tilespmem:s2+$0xF238] =	vst.add.f32.msk $0xffff, v0  }
0x1a7: {  	v0 =	vld [tilespmem:s0+$0xF248];
	_ =	sdelay $0x4  }
0x1a8: {  	[tilespmem:s2+$0xF248] =	vst.add.f32.msk $0xffff, v0  }
0x1a9: {  	v0 =	vld [tilespmem:s0+$0xF258];
	_ =	sdelay $0x4  }
0x1aa: {  	[tilespmem:s2+$0xF258] =	vst.add.f32.msk $0xffff, v0  }
0x1ab: {  	v0 =	vld [tilespmem:s0+$0xF268];
	_ =	sdelay $0x4  }
0x1ac: {  	[tilespmem:s2+$0xF268] =	vst.add.f32.msk $0xffff, v0  }
0x1ad: {  	v0 =	vld [tilespmem:s0+$0xF278];
	_ =	sdelay $0x4  }
0x1ae: {  	[tilespmem:s2+$0xF278] =	vst.add.f32.msk $0xffff, v0  }
0x1af: {  	v0 =	vld [tilespmem:s0+$0xF288];
	_ =	sdelay $0x4  }
0x1b0: {  	[tilespmem:s2+$0xF288] =	vst.add.f32.msk $0xffff, v0  }
0x1b1: {  	v0 =	vld [tilespmem:s0+$0xF298];
	_ =	sdelay $0x4  }
0x1b2: {  	[tilespmem:s2+$0xF298] =	vst.add.f32.msk $0xffff, v0  }
0x1b3: {  	v0 =	vld [tilespmem:s0+$0xF2A8]  }
.Ltmp26:
0x1b4: {  	_ = 	snop;
	(pc) =	sbr.rel .LBB2_33-.Ltmp26, $2  }
0x1b5: {  	_ =	sdelay $0x2  }
0x1b6: {  	[tilespmem:s2+$0xF2A8] =	vst.add.f32.msk $0xffff, v0  }
.LBB2_34:
0x1b7: {  	s0 =	simm.s32 $0x6;
	p1 =	seq.s32 s6, $0x0  }
0x1b8: {  	[sflag:s0] =	ssyncpa.u1 $0x1;
	v0 =	vimm.s32 @p1 $0xFFFFFFFF  }
0x1b9: {  	s9 =	sadd.s32 $0xFFFFFFFF, s6;
	[tilespmem:$0x10238] =	vst @p1 v0  }
0x1ba: {  	v0 =	vld.msk @!p1 [tilespmem:s9+$0xF218], $0x1;
	_ =	sdelay $0x1  }
0x1bb: {  	v1 =	vld.msk @!p1 [tilespmem:$0xF218], $0x1;
	_ =	sdelay $0x2  }
0x1bc: {  	p2 =	seq.s32 @!p1 s9, $0x0;
	v0 =	vbroadcast @!p1 v0, $0x0  }
0x1bd: {  	vm0 =	vmmov @!p1 $0x1;
	p2 =	por !p2, p1  }
0x1be: {  	v1 =	vnsel @!p1 vm0, $0xFFFFFFFF, v1;
	vm0 =	vcmask @!p1 $0x308;
	v0 =	vpsel !p2, $0xFFFFFFFF, v0  }
0x1bf: {  	p2 =	sne.s32 @!p1 s8, s7;
	v0 =	vsel @!p1 vm0, v1, v0  }
0x1c0: {  	s0 =	simm.s32 @!p1 $0xF238;
	s2 =	simm.s32 @!p1 $0x0;
	p3 =	por !p2, p1;
	[tilespmem:$0x10238] =	vst @!p1 v0  }
0x1c1: {  	[spmem:s2] =	stream.linear.scatter @!p1 [tilespmem:s0], [sflag:$0x1], $0x80, $0x38;
	[tilespmem:$0x1F6F8] =	vst v63  }
0x1c2: {  	s0 =	sshll.u32 @!p3 s9, $0x9  }
0x1c3: {  	s0 =	sshra.s32 @!p3 s0, $0x2  }
0x1c4: {  	s2 =	simm.s32 @!p3 $0x80;
	s0 =	sadd.s32 @!p3 $0xF238, s0  }
0x1c5: {  	[spmem:s2] =	stream.linear.scatter @!p3 [tilespmem:s0], [sflag:$0x1], $0x80, $0x38;
	[tilespmem:$0x1F6F8] =	vst v63  }
0x1c6: {  	s0 =	simm.s32 @!p3 $0x1  }
0x1c7: {  	_ =	swait.ge @!p3 [sflag:s0], $0x100  }
0x1c8: {  	p1 =	por p2, p1;
	[sflag:s0] =	ssyncset.done @!p3 $0x0  }
0x1c9: {  	[sflag:s0] =	ssyncadd.s32 @!p3 $0xFFFFFF00;
	s0 =	simm.s32 @!p1 $0x1  }
0x1ca: {  	_ =	swait.ge @!p1 [sflag:s0], $0x80  }
0x1cb: {  	s29 =	simm.s32 $0x10238;
	[sflag:s0] =	ssyncset.done @!p1 $0x0  }
0x1cc: {  	s30 =	simm.s32 $0x1000;
	s31 =	simm.s32 $0x1;
	[sflag:s0] =	ssyncadd.s32 @!p1 $0xFFFFFF80  }
0x1cd: {  	[spmem:s30] =	stream.linear.scatter [tilespmem:s29], [sflag:$0x1], $0x10, $0x38;
	[tilespmem:$0x1F6F8] =	vst v63  }
0x1ce: {  	_ =	swait.ge [sflag:s31], $0x10  }
0x1cf: {  	[sflag:s31] =	ssyncset.done $0x0  }
0x1d0: {  	p1 =	seq.s32 s15, $0x0;
	s8 =	rddreg [dreg:$0x3];
	[sflag:s31] =	ssyncadd.s32 $0xFFFFFFF0  }
0x1d1: {  	s2 =	sshll.u32 @p1 s8, $0xE;
	s7 =	rddreg [dreg:$0x4]  }
0x1d2: {  	s0 =	sadd.s32 @p1 $0x15C3C, s2;
	s2 =	sshll.u32 @p1 s7, $0x11  }
0x1d3: {  	_ =	sfence.stream.spmem;
	s0 =	sor.u32 @p1 s2, s0  }
0x1d4: {  	[sflag:s0] =	ssyncadd.remote.s32 @p1 $0x1;
	s0 =	simm.s32 @p1 $0x4  }
0x1d5: {  	s3 =	simm.s32 @!p1 $0x3C;
	s2 =	sand.u32 $0xFFFFFFFE, s8;
	_ =	swait.ge @p1 [sflag:s0], $0x22  }
0x1d6: {  	s4 =	simm.s32 @!p1 $0x0;
	s2 =	sadd.s32 @!p1 $0x4, s2;
	[sflag:s0] =	ssyncset.done @p1 $0x0  }
0x1d7: {  	s5 =	simm.s32 @!p1 $0x100;
	[sflag:s0] =	ssyncadd.s32 @p1 $0xFFFFFFDE;
	s0 =	sshll.u32 @!p1 s2, $0x1A  }
0x1d8: {  	s2 =	sshll.u32 @!p1 s2, $0xD;
	s0 =	sor.u32 @!p1 s0, s7;
	_ =	swait.eq @!p1 [sflag:s3], $0x1  }
0x1d9: {  	s2 =	sor.u32 @!p1 $0x1C04, s2;
	s3 =	simm.s32 @!p1 $0x1C03;
	s0 =	sor.u32 @!p1 $0x80004000, s0  }
0x1da: {  	[spmem:s5], [sflag:s2] =	dma.general @!p1 [spmem:s4], [sflag:s3], length:$0x20, [dreg:$0x0], stride_count:$0x0, ici_dest:s0, dma_misc:DstOpCode:WRITE  }
0x1db: {  	p2 =	slt.s32 s9, $0x2;
	s4 =	simm.s32 @!p1 $0x200;
	s5 =	simm.s32 @!p1 $0x202  }
0x1dc: {  	[spmem:s5], [sflag:s2] =	dma.general @!p1 [spmem:s4], [sflag:s3], length:$0x2, [dreg:$0x0], stride_count:$0x0, ici_dest:s0, dma_misc:DstOpCode:WRITE  }
.Ltmp27:
0x1dd: {  	s0 =	simm.s32 @!p1 $0x3;
	(pc) =	sbr.rel @p2 .LBB2_38-.Ltmp27, $4  }
0x1de: {  	s2 =	sshll.u32 @!p1 s8, $0xE;
	_ =	swait.ge @!p1 [sflag:s0], $0x22  }
0x1df: {  	s3 =	sshll.u32 @!p1 s7, $0x11;
	s2 =	sadd.s32 @!p1 $0x11C3C, s2;
	[sflag:s0] =	ssyncset.done @!p1 $0x0  }
0x1e0: {  	[sflag:s0] =	ssyncadd.s32 @!p1 $0xFFFFFFDE;
	s0 =	sor.u32 @!p1 s3, s2  }
0x1e1: {  	[sflag:s0] =	ssyncadd.remote.s32 @!p1 $0xFFFFFFFF;
	s0 =	simm.s32 $0x0  }
0x1e2: {  	s0 =	simm.s32 $0xF219  }
0x1e3: {  	v0 =	vld.msk [tilespmem:s0+$0x0], $0x1;
	_ =	sdelay $0x4  }
0x1e4: {  	(v2sf) =	vpush v0, $0x0;
	_ =	sdelay $0xb  }
0x1e5: {  	s31 =	sadd.s32 $0xFFFFFFFE, s6  }
0x1e6: {  	s0 =	sadd.s32 $0xFFFFFFFF, s31  }
0x1e7: {  	p2 =	sne.s32 s0, $0x0  }
.Ltmp28:
0x1e8: {  	s2 =	spop (v2sf);
	(pc) =	sbr.rel @!p2 .LBB2_37-.Ltmp28, $4  }
0x1e9: {  	s4 =	simm.s32 $0xF2B8;
	s7 =	simm.s32 $0x0;
	p1 =	sgt.u32 s2, $0x270F0  }
0x1ea: {  	s5 =	simm.s32 $0x0;
	s6 =	simm.s32 $0xF21A;
	s3 =	sand.u32 @!p1 $0x3FFF8, s2  }
0x1eb: {  	s2 =	sand.u32 @!p1 $0x7, s2;
	s7 =	simm.s32 @!p1 $0x200;
	s3 =	sadd.s32 @!p1 s1, s3  }
0x1ec: {  	[hbm4b:s3+s2] =	stream.linear.scatter @!p1 [tilespmem:s4], [sflag:$0x5], $0x80, $0x38;
	[tilespmem:$0x1F6F8] =	vst v63  }
.LBB2_36:
0x1ed: {  	v0 =	vld.msk [tilespmem:s6+$0x0], $0x1;
	s0 =	sadd.s32 $0xFFFFFFFF, s0;
	s5 =	sadd.s32 s5, s7  }
0x1ee: {  	p1 =	sne.s32 s0, $0x0;
	_ =	sdelay $0x3  }
0x1ef: {  	(v2sf) =	vpush v0, $0x0;
	_ =	sdelay $0xe  }
.Ltmp29:
0x1f0: {  	s2 =	spop (v2sf);
	(pc) =	sbr.rel @p1 .LBB2_36-.Ltmp29, $4  }
0x1f1: {  	s7 =	simm.s32 $0x0;
	p2 =	sgt.u32 s2, $0x270F0  }
0x1f2: {  	s4 =	sadd.s32 $0x80, s4;
	s7 =	simm.s32 @!p2 $0x200;
	s3 =	sand.u32 @!p2 $0x3FFF8, s2  }
0x1f3: {  	s6 =	sadd.s32 $0x1, s6;
	s2 =	sand.u32 @!p2 $0x7, s2;
	s3 =	sadd.s32 @!p2 s1, s3  }
0x1f4: {  	[hbm4b:s3+s2] =	stream.linear.scatter @!p2 [tilespmem:s4], [sflag:$0x5], $0x80, $0x38;
	[tilespmem:$0x1F6F8] =	vst v63  }
.LBB2_37:
0x1f5: {  	s0 =	sadd.s32 s5, s7  }
0x1f6: {  	s0 =	sshrl.u32 s0, $0x2  }
.LBB2_38:
0x1f7: {  	s2 =	simm.s32 $0x5  }
0x1f8: {  	_ =	swait.ge [sflag:s2], s0  }
0x1f9: {  	s31 =	ssub.s32 $0x0, s0;
	[sflag:s2] =	ssyncset.done $0x0  }
0x1fa: {  	[sflag:s2] =	ssyncadd.s32 s31  }
0x1fb: {  	[sflag:s2] =	ssyncpa.u1 $0x1  }
.LBB2_39:
0x1fc: {  	s0 =	sor.u32 s15, s16  }
0x1fd: {  	p1 =	sne.s32 s0, $0x0  }
.Ltmp30:
0x1fe: {  	_ = 	snop;
	(pc) =	sbr.rel @p1 .LBB2_54-.Ltmp30, $3  }
0x1ff: {  	_ =	sdelay $0x1  }
0x200: {  	[bflag:$0x0] =	sbarrier.arrive $0xFFFF  }
0x201: {  	_ =	sfence  }
0x202: {  	s0 =	simm.s32 $0x7  }
0x203: {  	s2 =	simm.s32 $0x1000;
	s3 =	simm.s32 $0xF218;
	[sflag:s0] =	ssyncpa.u1 $0x0  }
0x204: {  	[tilespmem:s3], [sflag:$0x7] =	stream.linear.gather [spmem:s2], $0x20, $0x38;
	[tilespmem:$0x1F6F8] =	vst v63  }
0x205: {  	s30 =	simm.s32 $0xF238;
	s2 =	simm.s32 $0x0  }
0x206: {  	[tilespmem:s30], [sflag:$0x7] =	stream.linear.gather [spmem:s2], $0x1000, $0x38;
	[tilespmem:$0x1F6F8] =	vst v63  }
.Ltmp31:
0x207: {  	_ = 	snop;
	(pc) =	sbr.rel .LBB2_41-.Ltmp31, $4  }
0x208: {  	_ =	swait.ge [sflag:s0], $0x1020  }
0x209: {  	[sflag:s0] =	ssyncset.done $0x0  }
0x20a: {  	s31 =	simm.s32 $0x8;
	[sflag:s0] =	ssyncadd.s32 $0xFFFFEFE0  }
0x20b: {  	s3 =	simm.s32 $0x0;
	[sflag:s31] =	ssyncpa.u1 $0x0  }
.LBB2_47:
0x20c: {  	p1 =	slt.u32 s4, $0x270F1  }
0x20d: {  	s0 =	sand.u32 @p1 $0x3FFF8, s4  }
0x20e: {  	s4 =	sand.u32 @p1 $0x7, s4;
	s5 =	simm.s32 @p1 $0xF188;
	s0 =	sadd.s32 @p1 s1, s0  }
0x20f: {  	[tilespmem:s5], [sflag:$0x8] =	stream.linear.gather @p1 [hbm4b:s0+s4], $0x80, $0x38;
	[tilespmem:$0x1F6F8] =	vst v63  }
0x210: {  	s0 =	simm.s32 @p1 $0x8  }
0x211: {  	_ =	swait.ge @p1 [sflag:s0], $0x80  }
0x212: {  	[sflag:s0] =	ssyncset.done @p1 $0x0  }
0x213: {  	[sflag:s0] =	ssyncadd.s32 @p1 $0xFFFFFF80  }
0x214: {  	v1 =	vld @p1 [tilespmem:$0xF188];
	_ =	sdelay $0x2  }
0x215: {  	s0 =	sshll.u32 @p1 s3, $0x9  }
0x216: {  	s4 =	sshrl.u32 @p1 s0, $0x2  }
0x217: {  	[tilespmem:s4+$0xF238] =	vst.add.f32.msk @p1 $0xffff, v1  }
0x218: {  	v1 =	vld @p1 [tilespmem:$0xF198];
	_ =	sdelay $0x4  }
0x219: {  	[tilespmem:s4+$0xF248] =	vst.add.f32.msk @p1 $0xffff, v1  }
0x21a: {  	v1 =	vld @p1 [tilespmem:$0xF1A8];
	_ =	sdelay $0x4  }
0x21b: {  	[tilespmem:s4+$0xF258] =	vst.add.f32.msk @p1 $0xffff, v1  }
0x21c: {  	v1 =	vld @p1 [tilespmem:$0xF1B8];
	_ =	sdelay $0x4  }
0x21d: {  	[tilespmem:s4+$0xF268] =	vst.add.f32.msk @p1 $0xffff, v1  }
0x21e: {  	v1 =	vld @p1 [tilespmem:$0xF1C8];
	_ =	sdelay $0x4  }
0x21f: {  	[tilespmem:s4+$0xF278] =	vst.add.f32.msk @p1 $0xffff, v1  }
0x220: {  	v1 =	vld @p1 [tilespmem:$0xF1D8];
	_ =	sdelay $0x4  }
0x221: {  	[tilespmem:s4+$0xF288] =	vst.add.f32.msk @p1 $0xffff, v1  }
0x222: {  	v1 =	vld @p1 [tilespmem:$0xF1E8];
	_ =	sdelay $0x4  }
0x223: {  	[tilespmem:s4+$0xF298] =	vst.add.f32.msk @p1 $0xffff, v1  }
0x224: {  	v1 =	vld @p1 [tilespmem:$0xF1F8];
	_ =	sdelay $0x3  }
0x225: {  	s5 =	sshll.u32 @!p1 s3, $0x9  }
0x226: {  	s5 =	smov.u32 @p1 s0;
	[tilespmem:s4+$0xF2A8] =	vst.add.f32.msk @p1 $0xffff, v1  }
0x227: {  	s0 =	sshrl.u32 s5, $0x2;
	[tilespmem:s2+$0xF218] =	vst.msk $0x1, v0  }
0x228: {  	v0 =	vld [tilespmem:s0+$0xF238];
	_ =	sdelay $0x2  }
0x229: {  	s31 =	sshll.u32 s2, $0x9  }
0x22a: {  	s4 =	sshra.s32 s31, $0x2  }
0x22b: {  	[tilespmem:s4+$0xF238] =	vst v0  }
0x22c: {  	v0 =	vld [tilespmem:s0+$0xF248];
	_ =	sdelay $0x4  }
0x22d: {  	[tilespmem:s4+$0xF248] =	vst v0  }
0x22e: {  	v0 =	vld [tilespmem:s0+$0xF258];
	_ =	sdelay $0x4  }
0x22f: {  	[tilespmem:s4+$0xF258] =	vst v0  }
0x230: {  	v0 =	vld [tilespmem:s0+$0xF268];
	_ =	sdelay $0x4  }
0x231: {  	[tilespmem:s4+$0xF268] =	vst v0  }
0x232: {  	v0 =	vld [tilespmem:s0+$0xF278];
	_ =	sdelay $0x4  }
0x233: {  	[tilespmem:s4+$0xF278] =	vst v0  }
0x234: {  	v0 =	vld [tilespmem:s0+$0xF288];
	_ =	sdelay $0x4  }
0x235: {  	[tilespmem:s4+$0xF288] =	vst v0  }
0x236: {  	v0 =	vld [tilespmem:s0+$0xF298];
	_ =	sdelay $0x4  }
0x237: {  	[tilespmem:s4+$0xF298] =	vst v0  }
0x238: {  	v0 =	vld [tilespmem:s0+$0xF2A8];
	_ =	sdelay $0x4  }
0x239: {  	s2 =	sadd.s32 $0x1, s2;
	[tilespmem:s4+$0xF2A8] =	vst v0  }
.LBB2_48:
0x23a: {  	s3 =	sadd.s32 $0x1, s3  }
0x23b: {  	p1 =	sne.s32 s3, $0x20  }
.Ltmp32:
0x23c: {  	_ = 	snop;
	(pc) =	sbr.rel @!p1 .LBB2_49-.Ltmp32, $1  }
0x23d: {  	_ =	sdelay $0x3  }
.LBB2_41:
0x23e: {  	v0 =	vld.msk [tilespmem:s3+$0xF218], $0x1;
	_ =	sdelay $0x4  }
0x23f: {  	(v2sf) =	vpush v0, $0x0;
	_ =	sdelay $0xe  }
0x240: {  	s4 =	spop (v2sf)  }
0x241: {  	p1 =	seq.s32 s4, $0xFFFFFFFF  }
.Ltmp33:
0x242: {  	_ = 	snop;
	(pc) =	sbr.rel @p1 .LBB2_48-.Ltmp33, $1  }
0x243: {  	_ =	sdelay $0x3  }
0x244: {  	p1 =	slt.s32 s2, $0x1  }
.Ltmp34:
0x245: {  	_ = 	snop;
	(pc) =	sbr.rel @p1 .LBB2_47-.Ltmp34, $1  }
0x246: {  	_ =	sdelay $0x3  }
0x247: {  	s5 =	simm.s32 $0xF218;
	p1 =	por $0x0, $0x0  }
0x248: {  	v1 =	vld.msk @!p1 [tilespmem:s5+$0x0], $0x1;
	_ =	sdelay $0x4  }
0x249: {  	(v2sf) =	vpush @!p1 v1, $0x0;
	_ =	sdelay $0xd  }
0x24a: {  	p3 =	sne.s32 s2, $0x1  }
.Ltmp35:
0x24b: {  	s0 =	spop @!p1 (v2sf);
	(pc) =	sbr.rel @!p3 .LBB2_45-.Ltmp35, $4  }
0x24c: {  	p2 =	seq.s32 @!p1 s4, s0  }
0x24d: {  	s6 =	simm.s32 $0x0;
	p2 =	por !p2, p1  }
0x24e: {  	s7 =	simm.s32 $0xFFFFFFFF;
	s6 =	simm.s32 @p2 $0xFFFFFFFF  }
0x24f: {  	s0 =	simm.s32 $0x1;
	s6 =	smov.u32 @p1 s7  }
.LBB2_44:
0x250: {  	s7 =	smov.u32 s6;
	p1 =	sne.s32 s6, $0xFFFFFFFF  }
0x251: {  	s5 =	sadd.s32 $0x1, s5;
	s6 =	smov.u32 s0;
	s0 =	sadd.s32 $0x1, s0  }
0x252: {  	p2 =	sne.s32 s2, s0;
	v1 =	vld.msk @!p1 [tilespmem:s5+$0x0], $0x1;
	_ =	sdelay $0x4  }
0x253: {  	(v2sf) =	vpush @!p1 v1, $0x0;
	_ =	sdelay $0xe  }
.Ltmp36:
0x254: {  	s8 =	spop @!p1 (v2sf);
	(pc) =	sbr.rel @p2 .LBB2_44-.Ltmp36, $4  }
0x255: {  	p3 =	seq.s32 @!p1 s4, s8  }
0x256: {  	p3 =	por !p3, p1  }
0x257: {  	s6 =	simm.s32 @p3 $0xFFFFFFFF  }
0x258: {  	s6 =	smov.u32 @p1 s7  }
.LBB2_45:
0x259: {  	p1 =	seq.s32 s6, $0xFFFFFFFF  }
.Ltmp37:
0x25a: {  	_ = 	snop;
	(pc) =	sbr.rel @p1 .LBB2_47-.Ltmp37, $1  }
0x25b: {  	_ =	sdelay $0x3  }
0x25c: {  	s0 =	sshll.u32 s3, $0x7  }
0x25d: {  	s0 =	sand.u32 $0x3FFFFF80, s0  }
0x25e: {  	v0 =	vld [tilespmem:s0+$0xF238];
	_ =	sdelay $0x2  }
0x25f: {  	s4 =	sshll.u32 s6, $0x9  }
0x260: {  	s4 =	sshra.s32 s4, $0x2  }
0x261: {  	[tilespmem:s4+$0xF238] =	vst.add.f32.msk $0xffff, v0  }
0x262: {  	v0 =	vld [tilespmem:s0+$0xF248];
	_ =	sdelay $0x4  }
0x263: {  	[tilespmem:s4+$0xF248] =	vst.add.f32.msk $0xffff, v0  }
0x264: {  	v0 =	vld [tilespmem:s0+$0xF258];
	_ =	sdelay $0x4  }
0x265: {  	[tilespmem:s4+$0xF258] =	vst.add.f32.msk $0xffff, v0  }
0x266: {  	v0 =	vld [tilespmem:s0+$0xF268];
	_ =	sdelay $0x4  }
0x267: {  	[tilespmem:s4+$0xF268] =	vst.add.f32.msk $0xffff, v0  }
0x268: {  	v0 =	vld [tilespmem:s0+$0xF278];
	_ =	sdelay $0x4  }
0x269: {  	[tilespmem:s4+$0xF278] =	vst.add.f32.msk $0xffff, v0  }
0x26a: {  	v0 =	vld [tilespmem:s0+$0xF288];
	_ =	sdelay $0x4  }
0x26b: {  	[tilespmem:s4+$0xF288] =	vst.add.f32.msk $0xffff, v0  }
0x26c: {  	v0 =	vld [tilespmem:s0+$0xF298];
	_ =	sdelay $0x4  }
0x26d: {  	[tilespmem:s4+$0xF298] =	vst.add.f32.msk $0xffff, v0  }
0x26e: {  	v0 =	vld [tilespmem:s0+$0xF2A8]  }
.Ltmp38:
0x26f: {  	_ = 	snop;
	(pc) =	sbr.rel .LBB2_48-.Ltmp38, $2  }
0x270: {  	_ =	sdelay $0x2  }
0x271: {  	[tilespmem:s4+$0xF2A8] =	vst.add.f32.msk $0xffff, v0  }
.LBB2_49:
0x272: {  	p1 =	slt.s32 s2, $0x1  }
.Ltmp39:
0x273: {  	_ = 	snop;
	(pc) =	sbr.rel @p1 .LBB2_53-.Ltmp39, $3  }
0x274: {  	_ =	sdelay $0x1  }
0x275: {  	s0 =	simm.s32 $0x8  }
0x276: {  	s3 =	simm.s32 $0x0;
	[sflag:s0] =	ssyncpa.u1 $0x1  }
0x277: {  	s0 =	simm.s32 $0xF218  }
0x278: {  	v0 =	vld.msk [tilespmem:s0+$0x0], $0x1;
	_ =	sdelay $0x4  }
0x279: {  	(v2sf) =	vpush v0, $0x0;
	_ =	sdelay $0xe  }
0x27a: {  	s0 =	sadd.s32 $0xFFFFFFFF, s2;
	s5 =	spop (v2sf)  }
0x27b: {  	p2 =	sne.s32 s0, $0x0;
	p1 =	sgt.u32 s5, $0x270F0  }
.Ltmp40:
0x27c: {  	s6 =	sand.u32 @!p1 $0x3FFF8, s5;
	(pc) =	sbr.rel @!p2 .LBB2_52-.Ltmp40, $4  }
0x27d: {  	s4 =	simm.s32 $0xF238;
	s5 =	sand.u32 @!p1 $0x7, s5;
	s2 =	sadd.s32 @!p1 s1, s6  }
0x27e: {  	[hbm4b:s2+s5] =	stream.linear.scatter @!p1 [tilespmem:s4], [sflag:$0x7], $0x80, $0x38;
	[tilespmem:$0x1F6F8] =	vst v63  }
0x27f: {  	s5 =	simm.s32 $0x0  }
0x280: {  	s2 =	simm.s32 $0xF219;
	s5 =	simm.s32 @!p1 $0x200  }
.LBB2_51:
0x281: {  	v0 =	vld.msk [tilespmem:s2+$0x0], $0x1;
	s0 =	sadd.s32 $0xFFFFFFFF, s0;
	s3 =	sadd.s32 s3, s5  }
0x282: {  	p1 =	sne.s32 s0, $0x0;
	_ =	sdelay $0x3  }
0x283: {  	(v2sf) =	vpush v0, $0x0;
	_ =	sdelay $0xe  }
.Ltmp41:
0x284: {  	s6 =	spop (v2sf);
	(pc) =	sbr.rel @p1 .LBB2_51-.Ltmp41, $4  }
0x285: {  	s5 =	simm.s32 $0x0;
	p2 =	sgt.u32 s6, $0x270F0  }
0x286: {  	s4 =	sadd.s32 $0x80, s4;
	s5 =	simm.s32 @!p2 $0x200;
	s7 =	sand.u32 @!p2 $0x3FFF8, s6  }
0x287: {  	s2 =	sadd.s32 $0x1, s2;
	s6 =	sand.u32 @!p2 $0x7, s6;
	s7 =	sadd.s32 @!p2 s1, s7  }
0x288: {  	[hbm4b:s7+s6] =	stream.linear.scatter @!p2 [tilespmem:s4], [sflag:$0x7], $0x80, $0x38;
	[tilespmem:$0x1F6F8] =	vst v63  }
.LBB2_52:
0x289: {  	s0 =	sadd.s32 s3, s5  }
0x28a: {  	s3 =	sshrl.u32 s0, $0x2  }
.LBB2_53:
0x28b: {  	s0 =	simm.s32 $0x7  }
0x28c: {  	_ =	swait.ge [sflag:s0], s3  }
0x28d: {  	s1 =	ssub.s32 $0x0, s3;
	[sflag:s0] =	ssyncset.done $0x0  }
0x28e: {  	[sflag:s0] =	ssyncadd.s32 s1  }
0x28f: {  	[sflag:s0] =	ssyncpa.u1 $0x1  }
.LBB2_54:
0x290: {  	_ =	sfence;
	s0 =	simm.s32 $0x1  }
0x291: {  	[sflag:s0] =	ssyncpa.u1 $0x1  }
0x292: {  	_ =	strace $0x9000004D  }
0x293: {  	[bflag:$0x2] =	sbarrier.arrive $0xFFFF  }
0x294: {  	s0 =	rddreg [dreg:$0x5]  }
0x295: {  	s0 =	sadd.s32 @!p0 $0x100000, s0  }
0x296: {  	[sflag:s0] =	ssyncadd.tile.s32 @!p0 $0x1;
	_ =	shalt  }
.Lfunc_end2:
_tile_overlayer_lowered:
.L_overlay_start_2:
0x297: {  	(tag) =	ssettag $0x2  }
0x298: {  	s0 =	rddreg [dreg:$0x0];
	s2 =	stileid.u32  }
0x299: {  	s1 =	rddreg [dreg:$0x1];
	p0 =	sne.s32 s2, $0x0  }
0x29a: {  	s3 =	rddreg [dreg:$0x2];
	[bflag:$0x3] =	sbarrier.arrive $0xFFFF;
	s2 =	simm.s32 @!p0 $0x1C01  }
0x29b: {  	[timem:s3], [sflag:s2] =	dma.local @!p0 [hbm:s0], s1  }
0x29c: {  	s0 =	simm.s32 @!p0 $0x1  }
0x29d: {  	_ =	swait.ge @!p0 [sflag:s0], s1  }
0x29e: {  	s1 =	ssub.s32 @!p0 $0x0, s1;
	[sflag:s0] =	ssyncset.done @!p0 $0x0  }
0x29f: {  	[sflag:s0] =	ssyncadd.s32 @!p0 s1  }
0x2a0: {  	[bflag:$0x3] =	sbarrier.arrive $0xFFFF  }
0x2a1: {  	_ =	shalt  }

// kernel: scatter_offload_async_start
scs
__scs_entry_jumppad:
0x0: {  	(pc) =	sbr.rel $0x88, $3  }
0x1: {  	(tag) =	ssettag $0x0;
	lr =	simm.s32 $0x1  }
0x2: {  	[smem:$0x3F93] =	sst lr;
	_ =	strace $0xD0000000  }
0x3: {  	_ = 	snop  }
0x4: {  	_ = 	snop  }
0x5: {  	_ = 	snop  }
0x6: {  	_ = 	snop  }
0x7: {  	_ = 	snop  }
__scs_overlays_trampoline_lowered:
0x8: {  	[smem:$0x3FA2] =	sst s0  }
0x9: {  	[smem:$0x3FA3] =	sst s1  }
0xa: {  	[smem:$0x3FA4] =	sst s2  }
0xb: {  	[smem:$0x3FA5] =	sst s3  }
0xc: {  	[smem:$0x3FA6] =	sst s4  }
0xd: {  	[smem:$0x3FA7] =	sst s5  }
0xe: {  	[smem:$0x3FA8] =	sst s6  }
0xf: {  	[smem:$0x3FA9] =	sst s7  }
0x10: {  	[smem:$0x3FAA] =	sst s8  }
0x11: {  	[smem:$0x3FAB] =	sst s9;
	s0 =	simm.s32 @!p0 $0x0  }
0x12: {  	s1 =	sld [smem:$0x3F91];
	s0 =	simm.s32 @p0 $0x1  }
0x13: {  	[smem:$0x3FAC] =	sst s0;
	s0 =	simm.s32 @!p1 $0x0  }
0x14: {  	s2 =	sld [smem:$0x3F90];
	s0 =	simm.s32 @p1 $0x1  }
0x15: {  	[smem:$0x3FAD] =	sst s0;
	s0 =	simm.s32 @!p2 $0x0  }
0x16: {  	s3 =	sld [smem:$0x3FDB];
	s0 =	simm.s32 @p2 $0x1  }
0x17: {  	s4 =	simm.s32 $0x1BF5;
	[smem:$0x3FAF] =	sst s0  }
0x18: {  	s0 =	sld [smem:$0x3F92];
	_ =	swait.ge [sflag:s4], $0x0  }
0x19: {  	s7 =	sld [smem:$0x3F93]  }
0x1a: {  	s8 =	sadd.s32 $0xFFFFE003, lr  }
0x1b: {  	s9 =	sadd.s32 $0xFFFFFEF7, lr;
	s5 =	simm.s32 $0xFFFFFFFF;
	p2 =	slt.u32 s8, $0xFFFFF086  }
0x1c: {  	p1 =	slt.u32 s9, $0xF7A;
	s5 =	simm.s32 @!p2 $0x0  }
0x1d: {  	s5 =	simm.s32 @p1 $0x1;
	p0 =	seq.s32 s7, s2  }
0x1e: {  	s7 =	smul.u32 @!p0 $0xF7A, s2;
	p2 =	seq.s32 @!p0 s5, $0x0  }
0x1f: {  	s9 =	smul.u32 $0xF7A, s1;
	s8 =	simm.s32 @!p0 $0x1BF5;
	p2 =	por !p2, p0  }
0x20: {  	[sflag:s8] =	ssyncset.s32 @!p0 $0xFFFFF086;
	s6 =	sadd.s32 @!p0 s3, s7;
	s7 =	simm.s32 @!p0 $0x108  }
0x21: {  	s3 =	sadd.s32 s3, s9;
	s6 =	sadd.s32 @!p0 $0x88, s6;
	s7 =	simm.s32 @p2 $0x1082  }
0x22: {  	[simem:s7], [sflag:s8] =	dma.local @!p0 [hbm:s6], $0xF7A  }
0x23: {  	s9 =	sor.u32 $0xD0000000, s2;
	s6 =	simm.s32 $0x108;
	_ =	swait.ge @!p0 [sflag:s8], $0x0  }
0x24: {  	s3 =	sadd.s32 $0x88, s3;
	s6 =	simm.s32 @!p1 $0x1082;
	[sflag:s4] =	ssyncset.s32 $0xFFFFF086  }
0x25: {  	[simem:s6], [sflag:s4] =	dma.local [hbm:s3], $0xF7A  }
0x26: {  	[smem:$0x3F93] =	sst s1;
	(tag) =	ssettag s2;
	_ =	strace s9  }
0x27: {  	s1 =	sld [smem:$0x3FA3]  }
0x28: {  	s2 =	sld [smem:$0x3FA4]  }
0x29: {  	s4 =	sld [smem:$0x3FA6]  }
0x2a: {  	p0 =	seq.s32 s5, $0x0;
	s5 =	sld [smem:$0x3FA7]  }
0x2b: {  	s6 =	sld [smem:$0x3FA8]  }
0x2c: {  	s7 =	sld [smem:$0x3FA9]  }
0x2d: {  	s3 =	simm.s32 $0x108;
	s8 =	sld [smem:$0x3FAA]  }
0x2e: {  	s3 =	simm.s32 @!p0 $0x1082;
	s9 =	sld [smem:$0x3FAB]  }
0x2f: {  	lr =	sadd.s32 s0, s3;
	s0 =	sld [smem:$0x3FA2]  }
0x30: {  	s3 =	sld [smem:$0x3FA5]  }
0x31: {  	[smem:$0x3FAE] =	sst s10  }
0x32: {  	s10 =	sld [smem:$0x3FAC];
	_ =	sdelay $0x3  }
0x33: {  	p0 =	seq.s32 s10, $0x1;
	s10 =	sld [smem:$0x3FAE];
	_ =	sdelay $0x3  }
0x34: {  	[smem:$0x3FAE] =	sst s10  }
0x35: {  	s10 =	sld [smem:$0x3FAD];
	_ =	sdelay $0x3  }
0x36: {  	p1 =	seq.s32 s10, $0x1;
	s10 =	sld [smem:$0x3FAE];
	_ =	sdelay $0x3  }
0x37: {  	[smem:$0x3FAE] =	sst s10  }
0x38: {  	s10 =	sld [smem:$0x3FAF]  }
0x39: {  	_ = 	snop;
	(pc) =	sbr.ind lr, $3  }
0x3a: {  	_ = 	snop  }
0x3b: {  	_ = 	snop  }
0x3c: {  	p2 =	seq.s32 s10, $0x1;
	s10 =	sld [smem:$0x3FAE]  }
0x3d: {  	_ =	shalt  }
0x3e: {  	_ =	shalt  }
0x3f: {  	_ =	shalt  }
0x40: {  	_ =	shalt  }
0x41: {  	_ =	shalt  }
0x42: {  	_ =	shalt  }
0x43: {  	_ =	shalt  }
0x44: {  	_ =	shalt  }
0x45: {  	_ =	shalt  }
0x46: {  	_ =	shalt  }
0x47: {  	_ =	shalt  }
0x48: {  	_ =	shalt  }
0x49: {  	_ =	shalt  }
0x4a: {  	_ =	shalt  }
0x4b: {  	_ =	shalt  }
0x4c: {  	_ =	shalt  }
0x4d: {  	_ =	shalt  }
0x4e: {  	_ =	shalt  }
0x4f: {  	_ =	shalt  }
0x50: {  	_ =	shalt  }
0x51: {  	_ =	shalt  }
0x52: {  	_ =	shalt  }
0x53: {  	_ =	shalt  }
0x54: {  	_ =	shalt  }
0x55: {  	_ =	shalt  }
0x56: {  	_ =	shalt  }
0x57: {  	_ =	shalt  }
0x58: {  	_ =	shalt  }
0x59: {  	_ =	shalt  }
0x5a: {  	_ =	shalt  }
0x5b: {  	_ =	shalt  }
0x5c: {  	_ =	shalt  }
0x5d: {  	_ =	shalt  }
0x5e: {  	_ =	shalt  }
0x5f: {  	_ =	shalt  }
0x60: {  	_ =	shalt  }
0x61: {  	_ =	shalt  }
0x62: {  	_ =	shalt  }
0x63: {  	_ =	shalt  }
0x64: {  	_ =	shalt  }
0x65: {  	_ =	shalt  }
0x66: {  	_ =	shalt  }
0x67: {  	_ =	shalt  }
0x68: {  	_ =	shalt  }
0x69: {  	_ =	shalt  }
0x6a: {  	_ =	shalt  }
0x6b: {  	_ =	shalt  }
0x6c: {  	_ =	shalt  }
0x6d: {  	_ =	shalt  }
0x6e: {  	_ =	shalt  }
0x6f: {  	_ =	shalt  }
0x70: {  	_ =	shalt  }
0x71: {  	_ =	shalt  }
0x72: {  	_ =	shalt  }
0x73: {  	_ =	shalt  }
0x74: {  	_ =	shalt  }
0x75: {  	_ =	shalt  }
0x76: {  	_ =	shalt  }
0x77: {  	_ =	shalt  }
0x78: {  	_ =	shalt  }
0x79: {  	_ =	shalt  }
0x7a: {  	_ =	shalt  }
0x7b: {  	_ =	shalt  }
0x7c: {  	_ =	shalt  }
0x7d: {  	_ =	shalt  }
0x7e: {  	_ =	shalt  }
0x7f: {  	_ =	shalt  }
0x80: {  	_ =	shalt  }
0x81: {  	_ =	shalt  }
0x82: {  	_ =	shalt  }
0x83: {  	_ =	shalt  }
0x84: {  	_ =	shalt  }
0x85: {  	_ =	shalt  }
0x86: {  	_ =	shalt  }
0x87: {  	_ =	shalt  }
.Lfunc_end0:
.L_simem_size_0:
called_computation_lowered:
.L_overlay_start_0:
0x88: {  	s2 =	sld [smem:$0x3FD9]  }
0x89: {  	s3 =	sld [smem:$0x3FFE];
	_ =	sdelay $0x1  }
0x8a: {  	s1 =	srdreg.scid  }
0x8b: {  	s0 =	sand.u32 $0x1, s1  }
0x8c: {  	s15 =	sshll.u32 s0, $0xA;
	s2 =	sadd.s32 s3, s2  }
0x8d: {  	s2 =	sadd.s32 s2, s15  }
0x8e: {  	[smem:$0x3FBA] =	sst s2  }
0x8f: {  	_ = 	snop  }
0x90: {  	(tm) =	ssettm $0x1  }
0x91: {  	s16 =	sld [smem:$0x3FFB];
	_ =	sdelay $0x3  }
0x92: {  	_ =	strace s16  }
0x93: {  	s2 =	sld [smem:$0x3FFC];
	_ =	sdelay $0x3  }
0x94: {  	_ =	strace s2  }
0x95: {  	s2 =	sld [smem:$0x3FFD];
	_ =	sdelay $0x3  }
0x96: {  	_ =	strace s2  }
0x97: {  	_ =	strace $0x8FFFFFFF  }
0x98: {  	s17 =	sld [smem:$0x3FDB];
	_ =	sdelay $0x1  }
0x99: {  	s18 =	simm.s32 $_scs_section_size  }
0x9a: {  	s4 =	simm.s32 $_size__tile_overlayer_lowered;
	s5 =	simm.s32 $_tile_overlayer_lowered  }
0x9b: {  	s21 =	simm.s32 $0x1BFF;
	s20 =	sshll.u32 s5, $0x1;
	s2 =	sadd.s32 s18, s17  }
0x9c: {  	s6 =	simm.s32 $0x0;
	s19 =	sshll.u32 s4, $0x1;
	s4 =	sadd.s32 s20, s2  }
0x9d: {  	[timem:s6], [sflag:s21] =	dma.local [hbm:s4], s19  }
0x9e: {  	_ =	swait.ge [sflag:s21], s19  }
0x9f: {  	s3 =	ssub.s32 $0x0, s19;
	[sflag:s21] =	ssyncset.done $0x0  }
0xa0: {  	[sflag:s21] =	ssyncadd.s32 s3;
	_ =	sdelay $0x1  }
0xa1: {  	s22 =	simm.s32 $0x1B8B  }
0xa2: {  	_ =	swait.ge [sflag:s22], $0x1  }
0xa3: {  	[sflag:s22] =	ssyncset.done $0x0  }
0xa4: {  	s23 =	sld [smem:$0x3FFE];
	[sflag:s22] =	ssyncadd.s32 $0xFFFFFFFF  }
0xa5: {  	s25 =	simm.s32 $0x1B8E;
	s24 =	sld [smem:$0x0]  }
0xa6: {  	s26 =	simm.s32 $execute0_lowered;
	[smem:$0x3FD2] =	sst s25  }
0xa7: {  	s5 =	sshll.u32 s26, $0x1;
	_ =	strace $0x80000049;
	[dreg:$0x1] =	wrdreg $0xFFFFFFFF  }
0xa8: {  	s28 =	simm.s32 $_size_execute0_lowered;
	s2 =	sadd.s32 s2, s5;
	[dreg:$0x0] =	wrdreg $0x0  }
0xa9: {  	s5 =	sshll.u32 s28, $0x1;
	[dreg:$0x2] =	wrdreg s2  }
0xaa: {  	[dreg:$0x3] =	wrdreg s5  }
0xab: {  	[dreg:$0x4] =	wrdreg $0xC0  }
0xac: {  	_ =	task [dreg:s6], $0x5FFFF  }
0xad: {  	[dreg:$0x1] =	wrdreg $0xFFFFFFFF  }
0xae: {  	[dreg:$0x0] =	wrdreg $0x60  }
0xaf: {  	[dreg:$0x2] =	wrdreg s23  }
0xb0: {  	[dreg:$0x3] =	wrdreg s1  }
0xb1: {  	[dreg:$0x4] =	wrdreg s24  }
0xb2: {  	[dreg:$0x5] =	wrdreg $0x9  }
0xb3: {  	_ =	task.clear_ibuf [dreg:s6], $0x6FFFF;
	_ =	strace $0x90000049  }
0xb4: {  	s29 =	simm.s32 $0x9;
	_ =	strace $0x8000004B  }
0xb5: {  	_ =	swait.ge [sflag:s29], $0x1  }
0xb6: {  	[sflag:s29] =	ssyncadd.s32 $0xFFFFFFFF  }
0xb7: {  	_ =	strace $0x9000004B  }
0xb8: {  	_ =	sfence  }
0xb9: {  	s30 =	sld [smem:$0x0];
	_ =	sdelay $0x2  }
0xba: {  	s31 =	sshll.u32 s1, $0xD;
	s1 =	sshrl.u32 s1, $0x2  }
0xbb: {  	s3 =	sand.u32 $0x4000, s31;
	s1 =	sadd.s32 s1, s30  }
0xbc: {  	s0 =	sor.u32 s3, s0;
	s1 =	sshll.u32 s1, $0x11  }
0xbd: {  	s0 =	sor.u32 s1, s0  }
0xbe: {  	s0 =	sadd.s32 $0x8F2B, s0  }
0xbf: {  	[sflag:s0] =	ssyncadd.remote.s32 $0x1  }
0xc0: {  	_ =	sfence.sel $0xFFFF  }
0xc1: {  	[dreg:$0x0] =	wrdreg $0xFFFFFFFF;
	(pc) =	sbr.abs _section_cstart, $3  }
0xc2: {  	[dreg:$0x1] =	wrdreg $0xFFFFFFFF  }
0xc3: {  	_ =	task.clear_ibuf [dreg:s6], $0x2FFFF;
	_ =	strace $0x9FFFFFFF  }
0xc4: {  	(tm) =	ssettm $0x7FFFFFFF  }
0xc5: {  	_ =	shalt  }
tec
execute0_lowered:
.L_overlay_start_1:
0x0: {  	(tag) =	ssettag $0x1  }
0x1: {  	s11 =	rddreg [dreg:$0x0]  }
0x2: {  	s2 =	rddreg [dreg:$0x1];
	_ =	strace $0x8000004A;
	s12 =	simm.s32 $0x1  }
0x3: {  	v0 =	vimm.s32 $0x0;
	[sflag:s12] =	ssyncpa.u1 $0x0  }
0x4: {  	[tilespmem:$0x28] =	vst v0  }
0x5: {  	[tilespmem:$0x38] =	vst v0  }
0x6: {  	[tilespmem:$0x48] =	vst v0  }
0x7: {  	[tilespmem:$0x58] =	vst v0  }
0x8: {  	[tilespmem:$0x68] =	vst v0  }
0x9: {  	[tilespmem:$0x78] =	vst v0  }
0xa: {  	[tilespmem:$0x88] =	vst v0  }
0xb: {  	[tilespmem:$0x98] =	vst v0  }
0xc: {  	[tilespmem:$0xA8] =	vst v0  }
0xd: {  	[tilespmem:$0xB8] =	vst v0  }
0xe: {  	[tilespmem:$0xC8] =	vst v0  }
0xf: {  	[tilespmem:$0xD8] =	vst v0  }
0x10: {  	[tilespmem:$0xE8] =	vst v0  }
0x11: {  	[tilespmem:$0xF8] =	vst v0  }
0x12: {  	[tilespmem:$0x108] =	vst v0  }
0x13: {  	[tilespmem:$0x118] =	vst v0  }
0x14: {  	[tilespmem:$0x128] =	vst v0  }
0x15: {  	[tilespmem:$0x138] =	vst v0  }
0x16: {  	[tilespmem:$0x148] =	vst v0  }
0x17: {  	[tilespmem:$0x158] =	vst v0  }
0x18: {  	[tilespmem:$0x168] =	vst v0  }
0x19: {  	[tilespmem:$0x178] =	vst v0  }
0x1a: {  	[tilespmem:$0x188] =	vst v0  }
0x1b: {  	[tilespmem:$0x198] =	vst v0  }
0x1c: {  	[tilespmem:$0x1A8] =	vst v0  }
0x1d: {  	[tilespmem:$0x1B8] =	vst v0  }
0x1e: {  	[tilespmem:$0x1C8] =	vst v0  }
0x1f: {  	[tilespmem:$0x1D8] =	vst v0  }
0x20: {  	[tilespmem:$0x1E8] =	vst v0  }
0x21: {  	[tilespmem:$0x1F8] =	vst v0  }
0x22: {  	[tilespmem:$0x208] =	vst v0  }
0x23: {  	[tilespmem:$0x218] =	vst v0  }
0x24: {  	[tilespmem:$0x228] =	vst v0  }
0x25: {  	[tilespmem:$0x238] =	vst v0  }
0x26: {  	[tilespmem:$0x248] =	vst v0  }
0x27: {  	[tilespmem:$0x258] =	vst v0  }
0x28: {  	[tilespmem:$0x268] =	vst v0  }
0x29: {  	[tilespmem:$0x278] =	vst v0  }
0x2a: {  	[tilespmem:$0x288] =	vst v0  }
0x2b: {  	[tilespmem:$0x298] =	vst v0  }
0x2c: {  	[tilespmem:$0x2A8] =	vst v0  }
0x2d: {  	[tilespmem:$0x2B8] =	vst v0  }
0x2e: {  	[tilespmem:$0x2C8] =	vst v0  }
0x2f: {  	[tilespmem:$0x2D8] =	vst v0  }
0x30: {  	[tilespmem:$0x2E8] =	vst v0  }
0x31: {  	[tilespmem:$0x2F8] =	vst v0  }
0x32: {  	[tilespmem:$0x308] =	vst v0  }
0x33: {  	[tilespmem:$0x318] =	vst v0  }
0x34: {  	[tilespmem:$0x328] =	vst v0  }
0x35: {  	[tilespmem:$0x338] =	vst v0  }
0x36: {  	[tilespmem:$0x348] =	vst v0  }
0x37: {  	[tilespmem:$0x358] =	vst v0  }
0x38: {  	[tilespmem:$0x368] =	vst v0  }
0x39: {  	[tilespmem:$0x378] =	vst v0  }
0x3a: {  	[tilespmem:$0x388] =	vst v0  }
0x3b: {  	[tilespmem:$0x398] =	vst v0  }
0x3c: {  	[tilespmem:$0x3A8] =	vst v0  }
0x3d: {  	[tilespmem:$0x3B8] =	vst v0  }
0x3e: {  	[tilespmem:$0x3C8] =	vst v0  }
0x3f: {  	[tilespmem:$0x3D8] =	vst v0  }
0x40: {  	[tilespmem:$0x3E8] =	vst v0  }
0x41: {  	[tilespmem:$0x3F8] =	vst v0  }
0x42: {  	[tilespmem:$0x408] =	vst v0  }
0x43: {  	[tilespmem:$0x418] =	vst v0  }
0x44: {  	[tilespmem:$0x428] =	vst v0  }
0x45: {  	[tilespmem:$0x438] =	vst v0  }
0x46: {  	[tilespmem:$0x448] =	vst v0  }
0x47: {  	[tilespmem:$0x458] =	vst v0  }
0x48: {  	[tilespmem:$0x468] =	vst v0  }
0x49: {  	[tilespmem:$0x478] =	vst v0  }
0x4a: {  	[tilespmem:$0x488] =	vst v0  }
0x4b: {  	[tilespmem:$0x498] =	vst v0  }
0x4c: {  	[tilespmem:$0x4A8] =	vst v0  }
0x4d: {  	[tilespmem:$0x4B8] =	vst v0  }
0x4e: {  	[tilespmem:$0x4C8] =	vst v0  }
0x4f: {  	[tilespmem:$0x4D8] =	vst v0  }
0x50: {  	[tilespmem:$0x4E8] =	vst v0  }
0x51: {  	[tilespmem:$0x4F8] =	vst v0  }
0x52: {  	[tilespmem:$0x508] =	vst v0  }
0x53: {  	[tilespmem:$0x518] =	vst v0  }
0x54: {  	[tilespmem:$0x528] =	vst v0  }
0x55: {  	[tilespmem:$0x538] =	vst v0  }
0x56: {  	[tilespmem:$0x548] =	vst v0  }
0x57: {  	[tilespmem:$0x558] =	vst v0  }
0x58: {  	[tilespmem:$0x568] =	vst v0  }
0x59: {  	[tilespmem:$0x578] =	vst v0  }
0x5a: {  	[tilespmem:$0x588] =	vst v0  }
0x5b: {  	[tilespmem:$0x598] =	vst v0  }
0x5c: {  	[tilespmem:$0x5A8] =	vst v0  }
0x5d: {  	[tilespmem:$0x5B8] =	vst v0  }
0x5e: {  	[tilespmem:$0x5C8] =	vst v0  }
0x5f: {  	[tilespmem:$0x5D8] =	vst v0  }
0x60: {  	[tilespmem:$0x5E8] =	vst v0  }
0x61: {  	[tilespmem:$0x5F8] =	vst v0  }
0x62: {  	[tilespmem:$0x608] =	vst v0  }
0x63: {  	[tilespmem:$0x618] =	vst v0  }
0x64: {  	[tilespmem:$0x628] =	vst v0  }
0x65: {  	[tilespmem:$0x638] =	vst v0  }
0x66: {  	[tilespmem:$0x648] =	vst v0  }
0x67: {  	[tilespmem:$0x658] =	vst v0  }
0x68: {  	[tilespmem:$0x668] =	vst v0  }
0x69: {  	[tilespmem:$0x678] =	vst v0  }
0x6a: {  	[tilespmem:$0x688] =	vst v0  }
0x6b: {  	[tilespmem:$0x698] =	vst v0  }
0x6c: {  	[tilespmem:$0x6A8] =	vst v0  }
0x6d: {  	[tilespmem:$0x6B8] =	vst v0  }
0x6e: {  	[tilespmem:$0x6C8] =	vst v0  }
0x6f: {  	[tilespmem:$0x6D8] =	vst v0  }
0x70: {  	[tilespmem:$0x6E8] =	vst v0  }
0x71: {  	[tilespmem:$0x6F8] =	vst v0  }
0x72: {  	[tilespmem:$0x708] =	vst v0  }
0x73: {  	[tilespmem:$0x718] =	vst v0  }
0x74: {  	[tilespmem:$0x728] =	vst v0  }
0x75: {  	[tilespmem:$0x738] =	vst v0  }
0x76: {  	[tilespmem:$0x748] =	vst v0  }
0x77: {  	[tilespmem:$0x758] =	vst v0  }
0x78: {  	[tilespmem:$0x768] =	vst v0  }
0x79: {  	[tilespmem:$0x778] =	vst v0  }
0x7a: {  	[tilespmem:$0x788] =	vst v0  }
0x7b: {  	[tilespmem:$0x798] =	vst v0  }
0x7c: {  	[tilespmem:$0x7A8] =	vst v0  }
0x7d: {  	[tilespmem:$0x7B8] =	vst v0  }
0x7e: {  	[tilespmem:$0x7C8] =	vst v0  }
0x7f: {  	[tilespmem:$0x7D8] =	vst v0  }
0x80: {  	[tilespmem:$0x7E8] =	vst v0  }
0x81: {  	[tilespmem:$0x7F8] =	vst v0  }
0x82: {  	[tilespmem:$0x808] =	vst v0  }
0x83: {  	[tilespmem:$0x818] =	vst v0  }
0x84: {  	[tilespmem:$0x828] =	vst v0  }
0x85: {  	[tilespmem:$0x838] =	vst v0  }
0x86: {  	[tilespmem:$0x848] =	vst v0  }
0x87: {  	[tilespmem:$0x858] =	vst v0  }
0x88: {  	[tilespmem:$0x868] =	vst v0  }
0x89: {  	[tilespmem:$0x878] =	vst v0  }
0x8a: {  	[tilespmem:$0x888] =	vst v0  }
0x8b: {  	[tilespmem:$0x898] =	vst v0  }
0x8c: {  	[tilespmem:$0x8A8] =	vst v0  }
0x8d: {  	[tilespmem:$0x8B8] =	vst v0  }
0x8e: {  	[tilespmem:$0x8C8] =	vst v0  }
0x8f: {  	[tilespmem:$0x8D8] =	vst v0  }
0x90: {  	[tilespmem:$0x8E8] =	vst v0  }
0x91: {  	[tilespmem:$0x8F8] =	vst v0  }
0x92: {  	[tilespmem:$0x908] =	vst v0  }
0x93: {  	[tilespmem:$0x918] =	vst v0  }
0x94: {  	[tilespmem:$0x928] =	vst v0  }
0x95: {  	[tilespmem:$0x938] =	vst v0  }
0x96: {  	[tilespmem:$0x948] =	vst v0  }
0x97: {  	[tilespmem:$0x958] =	vst v0  }
0x98: {  	[tilespmem:$0x968] =	vst v0  }
0x99: {  	[tilespmem:$0x978] =	vst v0  }
0x9a: {  	[tilespmem:$0x988] =	vst v0  }
0x9b: {  	[tilespmem:$0x998] =	vst v0  }
0x9c: {  	[tilespmem:$0x9A8] =	vst v0  }
0x9d: {  	[tilespmem:$0x9B8] =	vst v0  }
0x9e: {  	[tilespmem:$0x9C8] =	vst v0  }
0x9f: {  	[tilespmem:$0x9D8] =	vst v0  }
0xa0: {  	[tilespmem:$0x9E8] =	vst v0  }
0xa1: {  	[tilespmem:$0x9F8] =	vst v0  }
0xa2: {  	[tilespmem:$0xA08] =	vst v0  }
0xa3: {  	[tilespmem:$0xA18] =	vst v0  }
0xa4: {  	[tilespmem:$0xA28] =	vst v0  }
0xa5: {  	[tilespmem:$0xA38] =	vst v0  }
0xa6: {  	[tilespmem:$0xA48] =	vst v0  }
0xa7: {  	[tilespmem:$0xA58] =	vst v0  }
0xa8: {  	[tilespmem:$0xA68] =	vst v0  }
0xa9: {  	[tilespmem:$0xA78] =	vst v0  }
0xaa: {  	[tilespmem:$0xA88] =	vst v0  }
0xab: {  	[tilespmem:$0xA98] =	vst v0  }
0xac: {  	[tilespmem:$0xAA8] =	vst v0  }
0xad: {  	[tilespmem:$0xAB8] =	vst v0  }
0xae: {  	[tilespmem:$0xAC8] =	vst v0  }
0xaf: {  	[tilespmem:$0xAD8] =	vst v0  }
0xb0: {  	[tilespmem:$0xAE8] =	vst v0  }
0xb1: {  	[tilespmem:$0xAF8] =	vst v0  }
0xb2: {  	[tilespmem:$0xB08] =	vst v0  }
0xb3: {  	[tilespmem:$0xB18] =	vst v0  }
0xb4: {  	[tilespmem:$0xB28] =	vst v0  }
0xb5: {  	[tilespmem:$0xB38] =	vst v0  }
0xb6: {  	[tilespmem:$0xB48] =	vst v0  }
0xb7: {  	[tilespmem:$0xB58] =	vst v0  }
0xb8: {  	[tilespmem:$0xB68] =	vst v0  }
0xb9: {  	[tilespmem:$0xB78] =	vst v0  }
0xba: {  	[tilespmem:$0xB88] =	vst v0  }
0xbb: {  	[tilespmem:$0xB98] =	vst v0  }
0xbc: {  	[tilespmem:$0xBA8] =	vst v0  }
0xbd: {  	[tilespmem:$0xBB8] =	vst v0  }
0xbe: {  	[tilespmem:$0xBC8] =	vst v0  }
0xbf: {  	[tilespmem:$0xBD8] =	vst v0  }
0xc0: {  	[tilespmem:$0xBE8] =	vst v0  }
0xc1: {  	[tilespmem:$0xBF8] =	vst v0  }
0xc2: {  	[tilespmem:$0xC08] =	vst v0  }
0xc3: {  	[tilespmem:$0xC18] =	vst v0  }
0xc4: {  	[tilespmem:$0xC28] =	vst v0  }
0xc5: {  	[tilespmem:$0xC38] =	vst v0  }
0xc6: {  	[tilespmem:$0xC48] =	vst v0  }
0xc7: {  	[tilespmem:$0xC58] =	vst v0  }
0xc8: {  	[tilespmem:$0xC68] =	vst v0  }
0xc9: {  	[tilespmem:$0xC78] =	vst v0  }
0xca: {  	[tilespmem:$0xC88] =	vst v0  }
0xcb: {  	[tilespmem:$0xC98] =	vst v0  }
0xcc: {  	[tilespmem:$0xCA8] =	vst v0  }
0xcd: {  	[tilespmem:$0xCB8] =	vst v0  }
0xce: {  	[tilespmem:$0xCC8] =	vst v0  }
0xcf: {  	[tilespmem:$0xCD8] =	vst v0  }
0xd0: {  	[tilespmem:$0xCE8] =	vst v0  }
0xd1: {  	[tilespmem:$0xCF8] =	vst v0  }
0xd2: {  	[tilespmem:$0xD08] =	vst v0  }
0xd3: {  	[tilespmem:$0xD18] =	vst v0  }
0xd4: {  	[tilespmem:$0xD28] =	vst v0  }
0xd5: {  	[tilespmem:$0xD38] =	vst v0  }
0xd6: {  	[tilespmem:$0xD48] =	vst v0  }
0xd7: {  	[tilespmem:$0xD58] =	vst v0  }
0xd8: {  	[tilespmem:$0xD68] =	vst v0  }
0xd9: {  	[tilespmem:$0xD78] =	vst v0  }
0xda: {  	[tilespmem:$0xD88] =	vst v0  }
0xdb: {  	[tilespmem:$0xD98] =	vst v0  }
0xdc: {  	[tilespmem:$0xDA8] =	vst v0  }
0xdd: {  	[tilespmem:$0xDB8] =	vst v0  }
0xde: {  	[tilespmem:$0xDC8] =	vst v0  }
0xdf: {  	[tilespmem:$0xDD8] =	vst v0  }
0xe0: {  	[tilespmem:$0xDE8] =	vst v0  }
0xe1: {  	[tilespmem:$0xDF8] =	vst v0  }
0xe2: {  	[tilespmem:$0xE08] =	vst v0  }
0xe3: {  	[tilespmem:$0xE18] =	vst v0  }
0xe4: {  	[tilespmem:$0xE28] =	vst v0  }
0xe5: {  	[tilespmem:$0xE38] =	vst v0  }
0xe6: {  	[tilespmem:$0xE48] =	vst v0  }
0xe7: {  	[tilespmem:$0xE58] =	vst v0  }
0xe8: {  	[tilespmem:$0xE68] =	vst v0  }
0xe9: {  	[tilespmem:$0xE78] =	vst v0  }
0xea: {  	[tilespmem:$0xE88] =	vst v0  }
0xeb: {  	[tilespmem:$0xE98] =	vst v0  }
0xec: {  	[tilespmem:$0xEA8] =	vst v0  }
0xed: {  	[tilespmem:$0xEB8] =	vst v0  }
0xee: {  	[tilespmem:$0xEC8] =	vst v0  }
0xef: {  	[tilespmem:$0xED8] =	vst v0  }
0xf0: {  	[tilespmem:$0xEE8] =	vst v0  }
0xf1: {  	[tilespmem:$0xEF8] =	vst v0  }
0xf2: {  	[tilespmem:$0xF08] =	vst v0  }
0xf3: {  	[tilespmem:$0xF18] =	vst v0  }
0xf4: {  	[tilespmem:$0xF28] =	vst v0  }
0xf5: {  	[tilespmem:$0xF38] =	vst v0  }
0xf6: {  	[tilespmem:$0xF48] =	vst v0  }
0xf7: {  	[tilespmem:$0xF58] =	vst v0  }
0xf8: {  	[tilespmem:$0xF68] =	vst v0  }
0xf9: {  	[tilespmem:$0xF78] =	vst v0  }
0xfa: {  	[tilespmem:$0xF88] =	vst v0  }
0xfb: {  	[tilespmem:$0xF98] =	vst v0  }
0xfc: {  	[tilespmem:$0xFA8] =	vst v0  }
0xfd: {  	[tilespmem:$0xFB8] =	vst v0  }
0xfe: {  	[tilespmem:$0xFC8] =	vst v0  }
0xff: {  	[tilespmem:$0xFD8] =	vst v0  }
0x100: {  	[tilespmem:$0xFE8] =	vst v0  }
0x101: {  	[tilespmem:$0xFF8] =	vst v0  }
0x102: {  	[tilespmem:$0x1028] =	vst v0  }
0x103: {  	[tilespmem:$0x10E8] =	vst v0  }
0x104: {  	[tilespmem:$0x1068] =	vst v0  }
0x105: {  	[tilespmem:$0x1B28] =	vst v0  }
0x106: {  	[tilespmem:$0x1B18] =	vst v0  }
0x107: {  	[tilespmem:$0x1B08] =	vst v0  }
0x108: {  	[tilespmem:$0x1AF8] =	vst v0  }
0x109: {  	[tilespmem:$0x1AE8] =	vst v0  }
0x10a: {  	[tilespmem:$0x1AD8] =	vst v0  }
0x10b: {  	[tilespmem:$0x1AC8] =	vst v0  }
0x10c: {  	[tilespmem:$0x1AB8] =	vst v0  }
0x10d: {  	[tilespmem:$0x1AA8] =	vst v0  }
0x10e: {  	[tilespmem:$0x1A98] =	vst v0  }
0x10f: {  	[tilespmem:$0x1A88] =	vst v0  }
0x110: {  	[tilespmem:$0x1A78] =	vst v0  }
0x111: {  	[tilespmem:$0x1A68] =	vst v0  }
0x112: {  	[tilespmem:$0x1A58] =	vst v0  }
0x113: {  	[tilespmem:$0x1A48] =	vst v0  }
0x114: {  	[tilespmem:$0x1A38] =	vst v0  }
0x115: {  	[tilespmem:$0x1A28] =	vst v0  }
0x116: {  	[tilespmem:$0x1A18] =	vst v0  }
0x117: {  	[tilespmem:$0x1A08] =	vst v0  }
0x118: {  	[tilespmem:$0x19F8] =	vst v0  }
0x119: {  	[tilespmem:$0x19E8] =	vst v0  }
0x11a: {  	[tilespmem:$0x19D8] =	vst v0  }
0x11b: {  	[tilespmem:$0x19C8] =	vst v0  }
0x11c: {  	[tilespmem:$0x19B8] =	vst v0  }
0x11d: {  	[tilespmem:$0x19A8] =	vst v0  }
0x11e: {  	[tilespmem:$0x1998] =	vst v0  }
0x11f: {  	[tilespmem:$0x1988] =	vst v0  }
0x120: {  	[tilespmem:$0x1978] =	vst v0  }
0x121: {  	[tilespmem:$0x1968] =	vst v0  }
0x122: {  	[tilespmem:$0x1958] =	vst v0  }
0x123: {  	[tilespmem:$0x1948] =	vst v0  }
0x124: {  	[tilespmem:$0x1938] =	vst v0  }
0x125: {  	[tilespmem:$0x1928] =	vst v0  }
0x126: {  	[tilespmem:$0x1918] =	vst v0  }
0x127: {  	[tilespmem:$0x1908] =	vst v0  }
0x128: {  	[tilespmem:$0x18F8] =	vst v0  }
0x129: {  	[tilespmem:$0x18E8] =	vst v0  }
0x12a: {  	[tilespmem:$0x18D8] =	vst v0  }
0x12b: {  	[tilespmem:$0x18C8] =	vst v0  }
0x12c: {  	[tilespmem:$0x18B8] =	vst v0  }
0x12d: {  	[tilespmem:$0x18A8] =	vst v0  }
0x12e: {  	[tilespmem:$0x1898] =	vst v0  }
0x12f: {  	[tilespmem:$0x1888] =	vst v0  }
0x130: {  	[tilespmem:$0x1878] =	vst v0  }
0x131: {  	[tilespmem:$0x1868] =	vst v0  }
0x132: {  	[tilespmem:$0x1858] =	vst v0  }
0x133: {  	[tilespmem:$0x1848] =	vst v0  }
0x134: {  	[tilespmem:$0x1838] =	vst v0  }
0x135: {  	[tilespmem:$0x1828] =	vst v0  }
0x136: {  	[tilespmem:$0x1818] =	vst v0  }
0x137: {  	[tilespmem:$0x1808] =	vst v0  }
0x138: {  	[tilespmem:$0x17F8] =	vst v0  }
0x139: {  	[tilespmem:$0x17E8] =	vst v0  }
0x13a: {  	[tilespmem:$0x17D8] =	vst v0  }
0x13b: {  	[tilespmem:$0x17C8] =	vst v0  }
0x13c: {  	[tilespmem:$0x17B8] =	vst v0  }
0x13d: {  	[tilespmem:$0x17A8] =	vst v0  }
0x13e: {  	[tilespmem:$0x1798] =	vst v0  }
0x13f: {  	[tilespmem:$0x1788] =	vst v0  }
0x140: {  	[tilespmem:$0x1778] =	vst v0  }
0x141: {  	[tilespmem:$0x1768] =	vst v0  }
0x142: {  	[tilespmem:$0x1758] =	vst v0  }
0x143: {  	[tilespmem:$0x1748] =	vst v0  }
0x144: {  	[tilespmem:$0x1738] =	vst v0  }
0x145: {  	[tilespmem:$0x1728] =	vst v0  }
0x146: {  	[tilespmem:$0x1718] =	vst v0  }
0x147: {  	[tilespmem:$0x1708] =	vst v0  }
0x148: {  	[tilespmem:$0x16F8] =	vst v0  }
0x149: {  	[tilespmem:$0x16E8] =	vst v0  }
0x14a: {  	[tilespmem:$0x16D8] =	vst v0  }
0x14b: {  	[tilespmem:$0x16C8] =	vst v0  }
0x14c: {  	[tilespmem:$0x16B8] =	vst v0  }
0x14d: {  	[tilespmem:$0x16A8] =	vst v0  }
0x14e: {  	[tilespmem:$0x1698] =	vst v0  }
0x14f: {  	[tilespmem:$0x1688] =	vst v0  }
0x150: {  	[tilespmem:$0x1678] =	vst v0  }
0x151: {  	[tilespmem:$0x1668] =	vst v0  }
0x152: {  	[tilespmem:$0x1658] =	vst v0  }
0x153: {  	[tilespmem:$0x1648] =	vst v0  }
0x154: {  	[tilespmem:$0x1638] =	vst v0  }
0x155: {  	[tilespmem:$0x1628] =	vst v0  }
0x156: {  	[tilespmem:$0x1618] =	vst v0  }
0x157: {  	[tilespmem:$0x1608] =	vst v0  }
0x158: {  	[tilespmem:$0x15F8] =	vst v0  }
0x159: {  	[tilespmem:$0x15E8] =	vst v0  }
0x15a: {  	[tilespmem:$0x15D8] =	vst v0  }
0x15b: {  	[tilespmem:$0x15C8] =	vst v0  }
0x15c: {  	[tilespmem:$0x15B8] =	vst v0  }
0x15d: {  	[tilespmem:$0x15A8] =	vst v0  }
0x15e: {  	[tilespmem:$0x1598] =	vst v0  }
0x15f: {  	[tilespmem:$0x1588] =	vst v0  }
0x160: {  	[tilespmem:$0x1578] =	vst v0  }
0x161: {  	[tilespmem:$0x1568] =	vst v0  }
0x162: {  	[tilespmem:$0x1558] =	vst v0  }
0x163: {  	[tilespmem:$0x1548] =	vst v0  }
0x164: {  	[tilespmem:$0x1538] =	vst v0  }
0x165: {  	[tilespmem:$0x1528] =	vst v0  }
0x166: {  	[tilespmem:$0x1518] =	vst v0  }
0x167: {  	[tilespmem:$0x1508] =	vst v0  }
0x168: {  	[tilespmem:$0x14F8] =	vst v0  }
0x169: {  	[tilespmem:$0x14E8] =	vst v0  }
0x16a: {  	[tilespmem:$0x14D8] =	vst v0  }
0x16b: {  	[tilespmem:$0x14C8] =	vst v0  }
0x16c: {  	[tilespmem:$0x14B8] =	vst v0  }
0x16d: {  	[tilespmem:$0x14A8] =	vst v0  }
0x16e: {  	[tilespmem:$0x1498] =	vst v0  }
0x16f: {  	[tilespmem:$0x1488] =	vst v0  }
0x170: {  	[tilespmem:$0x1478] =	vst v0  }
0x171: {  	[tilespmem:$0x1468] =	vst v0  }
0x172: {  	[tilespmem:$0x1458] =	vst v0  }
0x173: {  	[tilespmem:$0x1448] =	vst v0  }
0x174: {  	[tilespmem:$0x1438] =	vst v0  }
0x175: {  	[tilespmem:$0x1428] =	vst v0  }
0x176: {  	[tilespmem:$0x1418] =	vst v0  }
0x177: {  	[tilespmem:$0x1408] =	vst v0  }
0x178: {  	[tilespmem:$0x13F8] =	vst v0  }
0x179: {  	[tilespmem:$0x13E8] =	vst v0  }
0x17a: {  	[tilespmem:$0x13D8] =	vst v0  }
0x17b: {  	[tilespmem:$0x13C8] =	vst v0  }
0x17c: {  	[tilespmem:$0x13B8] =	vst v0  }
0x17d: {  	[tilespmem:$0x13A8] =	vst v0  }
0x17e: {  	[tilespmem:$0x1398] =	vst v0  }
0x17f: {  	[tilespmem:$0x1388] =	vst v0  }
0x180: {  	[tilespmem:$0x1378] =	vst v0  }
0x181: {  	[tilespmem:$0x1368] =	vst v0  }
0x182: {  	[tilespmem:$0x1358] =	vst v0  }
0x183: {  	[tilespmem:$0x1348] =	vst v0  }
0x184: {  	[tilespmem:$0x1338] =	vst v0  }
0x185: {  	[tilespmem:$0x1328] =	vst v0  }
0x186: {  	[tilespmem:$0x1318] =	vst v0  }
0x187: {  	[tilespmem:$0x1308] =	vst v0  }
0x188: {  	[tilespmem:$0x12F8] =	vst v0  }
0x189: {  	[tilespmem:$0x12E8] =	vst v0  }
0x18a: {  	[tilespmem:$0x12D8] =	vst v0  }
0x18b: {  	[tilespmem:$0x12C8] =	vst v0  }
0x18c: {  	[tilespmem:$0x12B8] =	vst v0  }
0x18d: {  	[tilespmem:$0x12A8] =	vst v0  }
0x18e: {  	[tilespmem:$0x1298] =	vst v0  }
0x18f: {  	[tilespmem:$0x1288] =	vst v0  }
0x190: {  	[tilespmem:$0x1278] =	vst v0  }
0x191: {  	[tilespmem:$0x1268] =	vst v0  }
0x192: {  	[tilespmem:$0x1258] =	vst v0  }
0x193: {  	[tilespmem:$0x1248] =	vst v0  }
0x194: {  	[tilespmem:$0x1238] =	vst v0  }
0x195: {  	[tilespmem:$0x1228] =	vst v0  }
0x196: {  	[tilespmem:$0x1218] =	vst v0  }
0x197: {  	[tilespmem:$0x1208] =	vst v0  }
0x198: {  	[tilespmem:$0x11F8] =	vst v0  }
0x199: {  	[tilespmem:$0x11E8] =	vst v0  }
0x19a: {  	[tilespmem:$0x11D8] =	vst v0  }
0x19b: {  	[tilespmem:$0x11C8] =	vst v0  }
0x19c: {  	[tilespmem:$0x11B8] =	vst v0  }
0x19d: {  	[tilespmem:$0x11A8] =	vst v0  }
0x19e: {  	[tilespmem:$0x1198] =	vst v0  }
0x19f: {  	[tilespmem:$0x1188] =	vst v0  }
0x1a0: {  	[tilespmem:$0x1178] =	vst v0  }
0x1a1: {  	[tilespmem:$0x1168] =	vst v0  }
0x1a2: {  	[tilespmem:$0x1158] =	vst v0  }
0x1a3: {  	[tilespmem:$0x1148] =	vst v0  }
0x1a4: {  	[tilespmem:$0x1138] =	vst v0  }
0x1a5: {  	[tilespmem:$0x1128] =	vst v0  }
0x1a6: {  	[tilespmem:$0x1118] =	vst v0  }
0x1a7: {  	s4 =	stileid.u32;
	[tilespmem:$0x1108] =	vst v0  }
0x1a8: {  	s0 =	smul.u32 $0x17, s4;
	[tilespmem:$0x10F8] =	vst v0  }
0x1a9: {  	s1 =	smin.u32 s4, $0x3;
	[tilespmem:$0x10C8] =	vst v0  }
0x1aa: {  	[tilespmem:$0x10D8] =	vst v0;
	s0 =	sadd.s32 s1, s0  }
0x1ab: {  	p0 =	slt.u32 s4, $0x3;
	[tilespmem:$0x10B8] =	vst v0;
	s1 =	simm.s32 $0x2880;
	s6 =	smul.u32 $0x1B0, s0  }
0x1ac: {  	s1 =	simm.s32 @!p0 $0x26D0;
	[tilespmem:$0x1038] =	vst v0  }
0x1ad: {  	[tilespmem:$0x10A8] =	vst v0;
	s0 =	sadd.s32 s1, s6  }
0x1ae: {  	s3 =	simm.s32 $0x2;
	s8 =	simm.s32 $0x9;
	[tilespmem:$0x1098] =	vst v0;
	s7 =	smin.u32 s0, $0x27100  }
0x1af: {  	s10 =	simm.s32 $0xA;
	s30 =	simm.s32 $0xB;
	[tilespmem:$0x1088] =	vst v0;
	s0 =	ssub.s32 s7, s6  }
0x1b0: {  	s16 =	simm.s32 $0x0;
	p4 =	por $0x0, $0x0;
	[tilespmem:$0x1078] =	vst v0;
	p0 =	sgt.s32 s0, $0x0  }
0x1b1: {  	s17 =	simm.s32 $0xC;
	s21 =	simm.s32 $0x0;
	[tilespmem:$0x1058] =	vst v0;
	s0 =	simm.s32 @!p0 $0x0  }
0x1b2: {  	s18 =	simm.s32 $0x0;
	s2 =	sand.u32 $0x1, s2;
	[tilespmem:$0x1048] =	vst v0;
	s29 =	smulhi.u32 $0x4BDA12F7, s0  }
0x1b3: {  	s20 =	simm.s32 $0x0;
	s31 =	sshll.u32 s4, $0x5;
	[tilespmem:$0x1018] =	vst v0;
	[dreg:$0x5] =	wrdreg s2  }
0x1b4: {  	s2 =	smul.u32 $0x4E20, s2;
	[tilespmem:$0x1008] =	vst v0;
	[sflag:s3] =	ssyncpa.u1 $0x0;
	s1 =	sshrl.u32 s29, $0x7  }
0x1b5: {  	v0 =	vimm.s32 $0xFFFFFFFF;
	s3 =	sadd.s32 $0xE5000, s11;
	[dreg:$0x4] =	wrdreg s31;
	s5 =	smul.u32 $0x1B0, s1  }
.Ltmp0:
0x1b6: {  	[tilespmem:$0x3648] =	vst v0;
	[sflag:s8] =	ssyncpa.u1 $0x0;
	s2 =	sadd.s32 s2, s11;
	(pc) =	sbr.rel .LBB2_1-.Ltmp0, $4  }
0x1b7: {  	[sflag:s10] =	ssyncpa.u1 $0x0;
	s11 =	sadd.s32 $0x181C00, s11;
	p0 =	sne.s32 s0, s5  }
0x1b8: {  	[sflag:s30] =	ssyncpa.u1 $0x0;
	s14 =	sadd.s32 $0x177E00, s2;
	s12 =	simm.s32 @!p0 $0x0  }
0x1b9: {  	s15 =	sadd.s32 $0x16E000, s2;
	s19 =	smov.u32 s6;
	s12 =	sadd.s32 s12, s1  }
0x1ba: {  	v0 =	vlaneseq.u32;
	[dreg:$0x6] =	wrdreg s6;
	p0 =	por $0x1, $0x1;
	s4 =	sadd.s32 $0x1, s12  }
.LBB2_18:
0x1bb: {  	s0 =	simm.s32 $0x2  }
0x1bc: {  	_ =	swait.ge [sflag:s0], $0x0  }
0x1bd: {  	[sflag:s0] =	ssyncset.done $0x0;
	s0 =	simm.s32 $0x0  }
.LBB2_19:
0x1be: {  	_ =	swait.ge [sflag:s17], s0  }
0x1bf: {  	s31 =	ssub.s32 $0x0, s0;
	v1 =	vmov s23;
	vm0 =	veq.s32 v0, $0x0;
	[sflag:s17] =	ssyncset.done $0x0  }
0x1c0: {  	vm15 =	veq.s32 v0, $0x2;
	v1 =	vsel vm0, s28, v1;
	[sflag:s17] =	ssyncadd.s32 s31  }
0x1c1: {  	v1 =	vsel vm15, s21, v1;
	[sflag:s17] =	ssyncpa.u1 $0x1  }
0x1c2: {  	[tilespmem:$0x3648] =	vst v1  }
.LBB2_20:
0x1c3: {  	s0 =	sadd.s32 $0x1B0, s19  }
0x1c4: {  	s1 =	smov.u32 s6;
	p1 =	slt.s32 s0, s7  }
0x1c5: {  	s1 =	smov.u32 @p1 s0;
	p1 =	sne.s32 s20, s4  }
.Ltmp1:
0x1c6: {  	_ = 	snop;
	(pc) =	sbr.rel @!p1 .LBB2_21-.Ltmp1, $4  }
0x1c7: {  	_ = 	snop  }
0x1c8: {  	s21 =	smov.u32 s18  }
0x1c9: {  	s31 =	sadd.s32 $0x1, s20;
	s18 =	smov.u32 s19;
	p0 =	por !p0, !p0  }
0x1ca: {  	p4 =	por !p4, !p4;
	s20 =	smov.u32 s31;
	s19 =	smov.u32 s1  }
.LBB2_1:
0x1cb: {  	p2 =	sge.u32 s20, s12  }
0x1cc: {  	s0 =	smulhi.u32 @!p2 $0xAAAAAAAB, s20  }
0x1cd: {  	s1 =	smov.u32 s19;
	p3 =	sgt.s32 @!p2 s19, $0x26F50  }
0x1ce: {  	s2 =	sshra.s32 @!p2 s19, $0x1F;
	p3 =	por !p3, p2;
	s0 =	sshrl.u32 @!p2 s0, $0x1  }
0x1cf: {  	s2 =	sand.u32 @!p2 s2, s19;
	s1 =	simm.s32 @p3 $0x26F50;
	s0 =	smul.u32 @!p2 $0x3, s0  }
0x1d0: {  	s1 =	ssub.s32 @!p2 s1, s2  }
0x1d1: {  	s23 =	sadd.s32 $0xFFFFFFFF, s20;
	s1 =	sadd.s32 @!p2 $0xFFFD90B0, s1;
	s0 =	ssub.s32 @!p2 s20, s0  }
0x1d2: {  	s2 =	sshll.u32 @!p2 s1, $0x2;
	p3 =	sgt.s32 @!p2 s1, $0x1AF;
	s0 =	smul.u32 @!p2 $0x6C0, s0  }
0x1d3: {  	s5 =	sand.u32 @!p2 $0x7, s19;
	s1 =	ssub.s32 @!p2 $0x6C0, s2;
	p3 =	por !p3, p2  }
0x1d4: {  	s2 =	sshrl.u32 @!p2 s19, $0x3;
	s1 =	sshrl.u32 @!p2 s1, $0x2;
	s0 =	sshrl.u32 @!p2 s0, $0x2  }
0x1d5: {  	s2 =	sadd.s32 @!p2 s2, s14;
	s1 =	simm.s32 @!p3 $0x0;
	s0 =	sadd.s32 @!p2 $0x3888, s0  }
0x1d6: {  	[tilespmem:s0], [sflag:$0xA] =	stream.linear.gather @!p2 [hbm4b:s2+s5], s1, $0x38;
	[tilespmem:$0x1F0F8] =	vst v63  }
0x1d7: {  	p2 =	sge.u32 s23, s12  }
0x1d8: {  	p3 =	sgt.s32 @!p2 s18, $0x26F50  }
0x1d9: {  	s0 =	smov.u32 s18;
	s1 =	sshra.s32 @!p2 s18, $0x1F;
	p3 =	por !p3, p2  }
0x1da: {  	s1 =	sand.u32 @!p2 s1, s18;
	s0 =	simm.s32 @p3 $0x26F50  }
0x1db: {  	s0 =	ssub.s32 @!p2 s0, s1  }
0x1dc: {  	s0 =	sadd.s32 @!p2 $0xFFFD90B0, s0  }
0x1dd: {  	s1 =	sshll.u32 @!p2 s0, $0x2  }
0x1de: {  	p3 =	sgt.s32 @!p2 s0, $0x1AF;
	s0 =	ssub.s32 @!p2 $0x6C0, s1  }
0x1df: {  	s22 =	ssub.s32 @!p2 $0x27100, s18;
	p3 =	por !p3, p2;
	s0 =	sshrl.u32 @!p2 s0, $0x2  }
0x1e0: {  	s1 =	sand.u32 @!p2 $0x1, s23;
	s0 =	simm.s32 @!p3 $0x0;
	p3 =	slt.s32 @!p2 s22, $0x1  }
0x1e1: {  	s2 =	simm.s32 @!p2 $0xA;
	s1 =	smul.u32 @!p2 $0x6C0, s1;
	p3 =	por p2, p3  }
.Ltmp2:
0x1e2: {  	_ =	swait.ge @!p2 [sflag:s2], s0;
	(pc) =	sbr.rel @p3 .LBB2_7-.Ltmp2, $4  }
0x1e3: {  	s5 =	ssub.s32 @!p2 $0x0, s0;
	[sflag:s2] =	ssyncset.done @!p2 $0x0  }
0x1e4: {  	s1 =	sshrl.u32 @!p2 s1, $0x2;
	[sflag:s2] =	ssyncadd.s32 @!p2 s5;
	s2 =	sshrl.u32 @!p2 s18, $0x3  }
0x1e5: {  	s1 =	sadd.s32 @!p2 $0x3D98, s1;
	s5 =	sand.u32 @!p2 $0x7, s18;
	s2 =	sadd.s32 @!p2 s2, s15  }
0x1e6: {  	[tilespmem:s1], [sflag:$0xB] =	stream.linear.gather @!p2 [hbm4b:s2+s5], s0, $0x38;
	[tilespmem:$0x1F0F8] =	vst v63  }
0x1e7: {  	s0 =	smulhi.u32 $0xAAAAAAAB, s23;
	_ =	sdelay $0x1  }
0x1e8: {  	s0 =	sshrl.u32 s0, $0x1  }
0x1e9: {  	s0 =	smul.u32 $0x3, s0;
	_ =	sdelay $0x1  }
0x1ea: {  	s0 =	ssub.s32 s23, s0  }
0x1eb: {  	s1 =	simm.s32 $0x1;
	s0 =	smul.u32 $0x6C0, s0  }
.Ltmp3:
0x1ec: {  	s1 =	simm.s32 @!p0 $0x0;
	(pc) =	sbr.rel .LBB2_4-.Ltmp3, $4  }
0x1ed: {  	s1 =	smul.u32 $0x36000, s1  }
0x1ee: {  	p3 =	slt.s32 @!p2 s22, $0x1B0;
	s0 =	sshrl.u32 s0, $0x2  }
0x1ef: {  	p2 =	por !p3, p2;
	s1 =	sshrl.u32 s1, $0x2;
	s0 =	sadd.s32 $0x3888, s0  }
0x1f0: {  	s24 =	simm.s32 $0x0;
	s22 =	simm.s32 @p2 $0x1B0;
	s23 =	sadd.s32 $0x40F8, s1;
	v1 =	vmov s0  }
.LBB2_3:
0x1f1: {  	p2 =	sge.s32 s24, s22  }
.Ltmp4:
0x1f2: {  	_ = 	snop;
	(pc) =	sbr.rel @p2 .LBB2_7-.Ltmp4, $2  }
0x1f3: {  	_ =	sdelay $0x2  }
0x1f4: {  	s23 =	sadd.s32 $0x800, s23  }
.LBB2_4:
0x1f5: {  	p2 =	sle.s32 s22, s24  }
.Ltmp5:
0x1f6: {  	_ = 	snop;
	(pc) =	sbr.rel @p2 .LBB2_3-.Ltmp5, $2  }
0x1f7: {  	_ =	sdelay $0x2  }
0x1f8: {  	s0 =	smov.u32 s24;
	s24 =	sadd.s32 $0x10, s24  }
0x1f9: {  	s1 =	ssub.s32 s22, s0  }
0x1fa: {  	p2 =	slt.s32 s1, $0x10  }
0x1fb: {  	s1 =	simm.s32 @!p2 $0x10  }
0x1fc: {  	v2 =	vmov s1  }
0x1fd: {  	vm0 =	vgt.s32 v2, v0;
	_ =	sdelay $0x5  }
0x1fe: {  	v2 =	vld.idx.msk [tilespmem:v1+s0+$0x0 ss:$0x1], vm0;
	_ =	sdelay $0x2  }
0x1ff: {  	p2 =	slt.s32 s24, s22;
	s1 =	smov.u32 s22  }
0x200: {  	s2 =	smov.u32 s23;
	s25 =	simm.s32 $0x0;
	s1 =	smov.u32 @p2 s24  }
.LBB2_6:
0x201: {  	(v2sf) =	vpush v2, s25;
	_ =	sdelay $0xc  }
0x202: {  	s25 =	sadd.s32 $0x1, s25  }
0x203: {  	s31 =	sadd.s32 s25, s0  }
0x204: {  	p2 =	slt.s32 s31, s1;
	s5 =	spop (v2sf)  }
.Ltmp6:
0x205: {  	s5 =	sshll.u32 s5, $0x4;
	(pc) =	sbr.rel @p2 .LBB2_6-.Ltmp6, $4  }
0x206: {  	s5 =	sand.u32 $0x1FFFFFF0, s5  }
0x207: {  	s5 =	sadd.s32 s11, s5  }
0x208: {  	[tilespmem:s2], [sflag:$0x9] =	stream.linear.gather [hbm4b:s5+s16], $0x10, $0x38;
	[tilespmem:$0x1F0F8] =	vst v63  }
0x209: {  	s2 =	sadd.s32 $0x80, s2  }
.Ltmp7:
0x20a: {  	_ = 	snop;
	(pc) =	sbr.rel .LBB2_3-.Ltmp7, $1  }
0x20b: {  	_ =	sdelay $0x3  }
.LBB2_7:
0x20c: {  	p2 =	slt.u32 s20, $0x2  }
.Ltmp8:
0x20d: {  	_ = 	snop;
	(pc) =	sbr.rel @p2 .LBB2_20-.Ltmp8, $1  }
0x20e: {  	_ =	sdelay $0x3  }
0x20f: {  	p2 =	sgt.s32 s21, $0x26F50  }
0x210: {  	s0 =	smov.u32 s21;
	s1 =	sshra.s32 s21, $0x1F;
	s2 =	ssub.s32 $0x27100, s21  }
0x211: {  	s0 =	simm.s32 @!p2 $0x26F50;
	s1 =	sand.u32 s1, s21;
	p2 =	slt.s32 s2, $0x1B0  }
0x212: {  	s0 =	ssub.s32 s0, s1;
	s2 =	simm.s32 @!p2 $0x1B0  }
0x213: {  	s0 =	sadd.s32 $0xFFFD90B0, s0;
	s24 =	sshll.u32 s2, $0x4  }
0x214: {  	s28 =	simm.s32 $0x9;
	s25 =	sshll.u32 s0, $0x2;
	s1 =	sand.u32 $0x3FFFFFF0, s24  }
0x215: {  	p2 =	sgt.s32 s0, $0x1AF;
	s26 =	ssub.s32 $0x6C0, s25;
	_ =	swait.ge [sflag:s28], s1  }
0x216: {  	s1 =	ssub.s32 $0x0, s1;
	[sflag:s28] =	ssyncset.done $0x0;
	s0 =	sshrl.u32 s26, $0x2  }
0x217: {  	s30 =	simm.s32 $0xB;
	[sflag:s28] =	ssyncadd.s32 s1;
	s0 =	simm.s32 @p2 $0x0  }
0x218: {  	_ =	swait.ge [sflag:s30], s0  }
0x219: {  	s0 =	ssub.s32 $0x0, s0;
	[sflag:s30] =	ssyncset.done $0x0  }
0x21a: {  	[sflag:s30] =	ssyncadd.s32 s0  }
0x21b: {  	v1 =	vld [tilespmem:$0x3648];
	_ =	sdelay $0x4  }
0x21c: {  	(v2sf) =	vpush v1, $0x0  }
0x21d: {  	(v2sf) =	vpush v1, $0x1  }
0x21e: {  	(v2sf) =	vpush v1, $0x2;
	_ =	sdelay $0x3  }
0x21f: {  	s0 =	sadd.s32 $0x1B0, s21  }
0x220: {  	s1 =	ssub.s32 $0x4E200, s21;
	p2 =	slt.s32 s7, s0  }
0x221: {  	s0 =	smov.u32 @p2 s7;
	p2 =	sgt.s32 s1, $0x0  }
0x222: {  	s25 =	ssub.s32 s0, s21;
	s1 =	simm.s32 @!p2 $0x0  }
0x223: {  	p2 =	slt.s32 s1, s25  }
0x224: {  	s25 =	smov.u32 @p2 s1  }
0x225: {  	s24 =	simm.s32 $0x1;
	p2 =	slt.s32 s25, $0x1  }
.Ltmp9:
0x226: {  	s24 =	simm.s32 @!p4 $0x0;
	(pc) =	sbr.rel @p2 .LBB2_12-.Ltmp9, $4  }
0x227: {  	s31 =	smul.u32 $0x6C0, s24  }
0x228: {  	s26 =	spop (v2sf)  }
0x229: {  	s0 =	sshrl.u32 s31, $0x2;
	s29 =	spop (v2sf)  }
0x22a: {  	s22 =	sadd.s32 $0x3D98, s0;
	s21 =	spop (v2sf)  }
0x22b: {  	s0 =	smin.u32 s25, $0x10  }
0x22c: {  	v1 =	vmov s0  }
0x22d: {  	p3 =	sgt.s32 s25, $0x10;
	vm1 =	vgt.u32 v1, v0  }
.Ltmp10:
0x22e: {  	_ = 	snop;
	(pc) =	sbr.rel @!p3 .LBB2_11-.Ltmp10, $2  }
0x22f: {  	_ =	sdelay $0x2  }
0x230: {  	s23 =	simm.s32 $0x10;
	s28 =	sadd.s32 $0xFFFFFFF0, s25;
	s0 =	smov.u32 s22;
	vm0 =	vmmov vm1  }
.LBB2_10:
0x231: {  	s1 =	smin.u32 s28, $0x10;
	s23 =	sadd.s32 $0x10, s23;
	v1 =	vld.msk [tilespmem:s0+$0x0 ss:$0x1], vm1  }
0x232: {  	v2 =	vmov s1;
	p3 =	slt.s32 s23, s25  }
0x233: {  	vm1 =	vgt.u32 v2, v0  }
.Ltmp11:
0x234: {  	(pc) =	sbr.rel @p3 .LBB2_10-.Ltmp11, $3  }
0x235: {  	_ =	sdelay $0x1  }
0x236: {  	v1 =	vshll.u32 v1, $0x4  }
0x237: {  	s28 =	sadd.s32 $0xFFFFFFF0, s28;
	[tilespmem:s0+$0x0] =	vst.msk vm0, v1;
	s0 =	sadd.s32 $0x10, s0;
	vm0 =	vmmov vm1  }
.LBB2_11:
0x238: {  	_ =	sdelay $0x4  }
0x239: {  	v1 =	vld.msk [tilespmem:s0+$0x0 ss:$0x1], vm1;
	_ =	sdelay $0x4  }
0x23a: {  	v1 =	vshll.u32 v1, $0x4  }
0x23b: {  	[tilespmem:s0+$0x0] =	vst.msk vm0, v1  }
.LBB2_12:
0x23c: {  	s0 =	sand.u32 $0x1, s20  }
0x23d: {  	s0 =	smul.u32 $0x1B0, s0  }
0x23e: {  	p3 =	sne.s32 s29, $0xFFFFFFFF  }
0x23f: {  	v1 =	vld.msk @!p3 [tilespmem:s0+$0x3D98], $0x1;
	_ =	sdelay $0x4  }
0x240: {  	(v2sf) =	vpush @!p3 v1, $0x0;
	_ =	sdelay $0xc  }
.Ltmp12:
0x241: {  	_ = 	snop;
	(pc) =	sbr.rel @p2 .LBB2_18-.Ltmp12, $4  }
0x242: {  	_ = 	snop  }
0x243: {  	s28 =	spop @!p3 (v2sf)  }
0x244: {  	s21 =	simm.s32 @!p3 $0x0;
	s23 =	smov.u32 s28  }
0x245: {  	[sflag:s17] =	ssyncpa.u1 $0x0;
	s28 =	smov.u32 @p3 s26;
	s23 =	smov.u32 @p3 s29  }
0x246: {  	v1 =	vld.msk [tilespmem:s22+$0x0], $0x1;
	_ =	sdelay $0x4  }
0x247: {  	(v2sf) =	vpush v1, $0x0;
	_ =	sdelay $0xe  }
0x248: {  	s0 =	simm.s32 @!p4 $0x0;
	s26 =	smul.u32 $0x36000, s24;
	s31 =	spop (v2sf)  }
0x249: {  	s29 =	ssub.s32 $0x0, s25;
	s0 =	simm.s32 @p4 $0x1;
	p2 =	seq.s32 s28, s31  }
0x24a: {  	s1 =	smov.u32 s28;
	[smem:$0x7FD] =	sst s0;
	p3 =	sgt.s32 @!p2 s28, $0x0  }
0x24b: {  	s0 =	sshrl.u32 s26, $0x2;
	s26 =	sadd.s32 $0x1, s29;
	p3 =	por !p3, p2  }
0x24c: {  	s1 =	simm.s32 @p3 $0x0;
	p3 =	seq.s32 s26, $0x0  }
.Ltmp13:
0x24d: {  	_ = 	snop;
	(pc) =	sbr.rel @p3 .LBB2_15-.Ltmp13, $4  }
0x24e: {  	s6 =	smov.u32 s4;
	s25 =	simm.s32 $0x0  }
0x24f: {  	s24 =	sadd.s32 $0x40F8, s0;
	s0 =	simm.s32 @!p2 $0x1;
	s2 =	smin.u32 @!p2 s1, $0x270FE  }
0x250: {  	s30 =	sadd.s32 $0x1, s22;
	s0 =	smov.u32 @p2 s25;
	s5 =	sand.u32 @!p2 $0x3FFF8, s2  }
0x251: {  	s1 =	simm.s32 @!p2 $0x1B38;
	s2 =	sand.u32 @!p2 $0x7, s2;
	s5 =	sadd.s32 @!p2 s3, s5  }
.LBB2_14:
0x252: {  	s4 =	smov.u32 s0  }
0x253: {  	[tilespmem:s1], [sflag:$0x2] =	stream.linear.gather @!p2 [hbm4b:s5+s2], $0x10, $0x38;
	[tilespmem:$0x1F0F8] =	vst v63  }
0x254: {  	s26 =	sadd.s32 $0x1, s26;
	s2 =	smov.u32 s31;
	v1 =	vld.msk [tilespmem:s30+$0x0], $0x1  }
0x255: {  	p3 =	seq.s32 s26, $0x0;
	_ =	sdelay $0x3  }
0x256: {  	(v2sf) =	vpush v1, $0x0;
	_ =	sdelay $0xe  }
0x257: {  	s31 =	spop (v2sf)  }
0x258: {  	p2 =	seq.s32 s2, s31  }
0x259: {  	p4 =	sgt.s32 @!p2 s2, $0x0;
	s1 =	sshll.u32 @!p2 s0, $0x6;
	s0 =	sadd.s32 @!p2 $0x1, s0  }
.Ltmp14:
0x25a: {  	p4 =	por !p4, p2;
	s1 =	sshra.s32 @!p2 s1, $0x2;
	(pc) =	sbr.rel @!p3 .LBB2_14-.Ltmp14, $4  }
0x25b: {  	s0 =	smov.u32 @p2 s4;
	s2 =	simm.s32 @p4 $0x0;
	s1 =	sadd.s32 @!p2 $0x1B38, s1  }
0x25c: {  	s2 =	smin.u32 @!p2 s2, $0x270FE  }
0x25d: {  	s4 =	sand.u32 @!p2 $0x3FFF8, s2;
	s2 =	sand.u32 @!p2 $0x7, s2  }
0x25e: {  	s30 =	sadd.s32 $0x1, s30;
	s5 =	sadd.s32 @!p2 s3, s4  }
.LBB2_15:
0x25f: {  	[tilespmem:s1], [sflag:$0x2] =	stream.linear.gather @!p2 [hbm4b:s5+s2], $0x10, $0x38;
	[tilespmem:$0x1F0F8] =	vst v63  }
0x260: {  	s0 =	sshll.u32 s0, $0x4  }
0x261: {  	s31 =	simm.s32 $0x2;
	s0 =	sand.u32 $0x3FFFFFF0, s0  }
0x262: {  	_ =	swait.ge [sflag:s31], s0  }
0x263: {  	s0 =	ssub.s32 $0x0, s0;
	[sflag:s31] =	ssyncset.done $0x0  }
0x264: {  	[sflag:s31] =	ssyncadd.s32 s0  }
0x265: {  	v1 =	vld.msk [tilespmem:s22+$0x0], $0x1;
	_ =	sdelay $0x4  }
0x266: {  	(v2sf) =	vpush v1, $0x0;
	_ =	sdelay $0xe  }
0x267: {  	s26 =	spop (v2sf)  }
0x268: {  	p2 =	sne.s32 s28, s26  }
0x269: {  	p4 =	sne.s32 @p2 s28, s23  }
0x26a: {  	p3 =	por !p4, !p2  }
0x26b: {  	s0 =	simm.s32 @!p3 $0x0  }
0x26c: {  	v1 =	vld @!p3 [tilespmem:s0+$0x1B38]  }
0x26d: {  	p5 =	sgt.u32 @!p3 s28, $0x270FE  }
0x26e: {  	s1 =	sshll.u32 @!p3 s21, $0x6;
	p6 =	por @p2 p5, !p4  }
0x26f: {  	s1 =	sshra.s32 @!p3 s1, $0x2;
	p1 =	por p6, !p2;
	p6 =	por p4, !p2  }
0x270: {  	s2 =	sadd.s32 @!p3 $0x28, s1;
	s4 =	sand.u32 @!p1 $0x3FFF8, s28;
	s5 =	sshll.u32 @!p6 s21, $0x6  }
0x271: {  	s28 =	sand.u32 @!p1 $0x7, s28;
	[tilespmem:s1+$0x28] =	vst.add.f32.msk @!p3 $0xffff, v1;
	s1 =	sadd.s32 @!p1 s3, s4;
	s4 =	sshra.s32 @!p6 s5, $0x2  }
0x272: {  	[hbm4b:s1+s28] =	stream.linear.scatter @!p1 [tilespmem:s2], [sflag:$0xC], $0x10, $0x38;
	[tilespmem:$0x1F0F8] =	vst v63  }
0x273: {  	s0 =	rddreg [dreg:$0x4];
	s1 =	sadd.s32 @!p6 $0x28, s4;
	s2 =	simm.s32 @!p6 $0x1  }
0x274: {  	[spmem:s0] =	stream.linear.scatter @!p6 [tilespmem:s1], [sflag:$0x1], $0x10, $0x38;
	[tilespmem:$0x1F0F8] =	vst v63  }
0x275: {  	s0 =	sadd.s32 @p2 $0x1, s21;
	_ =	swait.ge @!p6 [sflag:s2], $0x10  }
0x276: {  	s1 =	sshrl.u32 @p2 s0, $0x4;
	[sflag:s2] =	ssyncset.done @!p6 $0x0  }
0x277: {  	s1 =	smulhi.u32 @p2 $0x97B425F, s1;
	[sflag:s2] =	ssyncadd.s32 @!p6 $0xFFFFFFF0  }
0x278: {  	s28 =	sadd.s32 $0x1, s29;
	v1 =	vld @p2 [tilespmem:s24+$0x0]  }
0x279: {  	p1 =	por @p2 !p5, !p4;
	p4 =	seq.s32 s28, $0x0;
	s1 =	smul.u32 @p2 $0x1B0, s1  }
.Ltmp15:
0x27a: {  	p1 =	por !p1, !p2;
	s2 =	simm.s32 @!p3 $0x0;
	(pc) =	sbr.rel @p4 .LBB2_17-.Ltmp15, $4  }
0x27b: {  	s4 =	sshll.u32 @!p2 s21, $0x6;
	s2 =	simm.s32 @!p1 $0x40;
	s0 =	ssub.s32 @p2 s0, s1  }
0x27c: {  	s29 =	simm.s32 $0x0;
	s2 =	sadd.s32 @!p3 $0x0, s2;
	s5 =	sshll.u32 @p2 s0, $0x4  }
0x27d: {  	s30 =	sshra.s32 @!p2 s4, $0x2;
	s1 =	simm.s32 @p2 $0x1;
	s2 =	smov.u32 @p3 s25;
	[tilespmem:s5+$0x28] =	vst @p2 v1  }
0x27e: {  	s21 =	smov.u32 @p2 s0;
	s29 =	smov.u32 @p2 s2;
	s25 =	smov.u32 @p2 s1;
	v1 =	vld @!p2 [tilespmem:s24+$0x0]  }
.LBB2_16:
0x27f: {  	_ =	sdelay $0x3  }
0x280: {  	s22 =	sadd.s32 $0x1, s22;
	[tilespmem:s30+$0x28] =	vst.add.f32.msk @!p2 $0xffff, v1  }
0x281: {  	v1 =	vld.msk [tilespmem:s22+$0x0], $0x1;
	_ =	sdelay $0x4  }
0x282: {  	(v2sf) =	vpush v1, $0x0;
	_ =	sdelay $0xe  }
0x283: {  	s0 =	smov.u32 s26;
	s26 =	spop (v2sf)  }
0x284: {  	p2 =	sne.s32 s0, s26  }
0x285: {  	p5 =	sne.s32 @p2 s0, s23  }
0x286: {  	s4 =	sshll.u32 @!p2 s21, $0x6;
	p4 =	por !p5, !p2  }
0x287: {  	s30 =	sshra.s32 @!p2 s4, $0x2;
	s4 =	sshll.u32 @!p4 s25, $0x6  }
0x288: {  	s4 =	sshra.s32 @!p4 s4, $0x2  }
0x289: {  	p1 =	sgt.u32 @!p4 s0, $0x270FE;
	v1 =	vld @!p4 [tilespmem:s4+$0x1B38]  }
0x28a: {  	s31 =	sshll.u32 @!p4 s21, $0x6;
	p6 =	por @p2 p1, !p5;
	p1 =	por @p2 !p1, !p5  }
0x28b: {  	s8 =	simm.s32 @!p4 $0x0;
	s31 =	sshra.s32 @!p4 s31, $0x2;
	p1 =	por !p1, !p2  }
0x28c: {  	p5 =	por p5, !p2;
	s8 =	simm.s32 @!p1 $0x40;
	p1 =	por p6, !p2  }
0x28d: {  	s4 =	sadd.s32 @!p4 $0x28, s31;
	s13 =	sshll.u32 @!p5 s21, $0x6;
	s10 =	sand.u32 @!p1 $0x3FFF8, s0  }
0x28e: {  	s13 =	sshra.s32 @!p5 s13, $0x2;
	s0 =	sand.u32 @!p1 $0x7, s0;
	s10 =	sadd.s32 @!p1 s3, s10;
	[tilespmem:s31+$0x28] =	vst.add.f32.msk @!p4 $0xffff, v1  }
0x28f: {  	[hbm4b:s10+s0] =	stream.linear.scatter @!p1 [tilespmem:s4], [sflag:$0xC], $0x10, $0x38;
	[tilespmem:$0x1F0F8] =	vst v63  }
0x290: {  	s1 =	rddreg [dreg:$0x4];
	s0 =	sadd.s32 @!p5 $0x28, s13;
	s4 =	simm.s32 @!p5 $0x1  }
0x291: {  	[spmem:s1] =	stream.linear.scatter @!p5 [tilespmem:s0], [sflag:$0x1], $0x10, $0x38;
	[tilespmem:$0x1F0F8] =	vst v63  }
0x292: {  	s2 =	sadd.s32 @p2 $0x1, s21;
	_ =	swait.ge @!p5 [sflag:s4], $0x10  }
0x293: {  	s5 =	sshrl.u32 @p2 s2, $0x4;
	[sflag:s4] =	ssyncset.done @!p5 $0x0  }
0x294: {  	s24 =	sadd.s32 $0x80, s24;
	s5 =	smulhi.u32 @p2 $0x97B425F, s5;
	[sflag:s4] =	ssyncadd.s32 @!p5 $0xFFFFFFF0  }
0x295: {  	s28 =	sadd.s32 $0x1, s28;
	v1 =	vld @p2 [tilespmem:s24+$0x0]  }
0x296: {  	p3 =	seq.s32 s28, $0x0;
	s5 =	smul.u32 @p2 $0x1B0, s5  }
.Ltmp16:
0x297: {  	_ = 	snop;
	(pc) =	sbr.rel @!p3 .LBB2_16-.Ltmp16, $4  }
0x298: {  	s2 =	ssub.s32 @p2 s2, s5  }
0x299: {  	s8 =	sadd.s32 @!p4 s8, s29;
	s5 =	sshll.u32 @p2 s2, $0x4  }
0x29a: {  	s9 =	sadd.s32 @p2 $0x1, s25;
	s8 =	smov.u32 @p4 s29;
	[tilespmem:s5+$0x28] =	vst @p2 v1  }
0x29b: {  	s25 =	smov.u32 @p2 s9;
	s21 =	smov.u32 @p2 s2;
	s29 =	smov.u32 @p2 s8;
	v1 =	vld @!p2 [tilespmem:s24+$0x0]  }
.LBB2_17:
.Ltmp17:
0x29c: {  	_ = 	snop;
	(pc) =	sbr.rel .LBB2_19-.Ltmp17, $3  }
0x29d: {  	s1 =	sld [smem:$0x7FD];
	_ =	sdelay $0x1  }
0x29e: {  	s0 =	sshrl.u32 s29, $0x2;
	s28 =	smov.u32 s26  }
0x29f: {  	s4 =	smov.u32 s6;
	s6 =	rddreg [dreg:$0x6];
	p4 =	seq.s32 s1, $0x1;
	[tilespmem:s30+$0x28] =	vst.add.f32.msk @!p2 $0xffff, v1  }
.LBB2_21:
0x2a0: {  	_ =	sfence.sel $0x180000  }
0x2a1: {  	s0 =	simm.s32 $0x9;
	[bflag:$0x0] =	sbarrier.arrive $0xFFFF  }
0x2a2: {  	s24 =	simm.s32 $0xA;
	[sflag:s0] =	ssyncpa.u1 $0x1  }
0x2a3: {  	s25 =	simm.s32 $0xB;
	[sflag:s24] =	ssyncpa.u1 $0x1  }
0x2a4: {  	s26 =	simm.s32 $0x2;
	[sflag:s25] =	ssyncpa.u1 $0x1  }
0x2a5: {  	[sflag:s26] =	ssyncpa.u1 $0x1  }
0x2a6: {  	v0 =	vld [tilespmem:$0x3648];
	_ =	sdelay $0x4  }
0x2a7: {  	(v2sf) =	vpush v0, $0x0  }
0x2a8: {  	(v2sf) =	vpush v0, $0x1;
	_ =	sdelay $0x1  }
0x2a9: {  	(v2sf) =	vpush v0, $0x2;
	_ =	sdelay $0xb  }
0x2aa: {  	s0 =	spop (v2sf)  }
0x2ab: {  	s1 =	spop (v2sf)  }
0x2ac: {  	s2 =	smov.u32 s0;
	p0 =	sne.s32 s0, s1  }
0x2ad: {  	s4 =	spop (v2sf);
	s2 =	simm.s32 @!p0 $0xFFFFFFFF  }
0x2ae: {  	v2 =	vimm.s32 $0x1;
	v3 =	vlaneseq.u32;
	p0 =	seq.s32 s4, $0xFFFFFFFF;
	v1 =	vmov s2  }
0x2af: {  	s16 =	stileid.u32;
	v0 =	vperm.xlane v0, v2;
	p1 =	sne.s32 @!p0 s0, s1;
	v1 =	vperm.xlane v1, v3  }
0x2b0: {  	vm0 =	vcmask $0x3F04;
	s6 =	simm.s32 $0x3648;
	s0 =	simm.s32 @!p0 $0x1;
	p1 =	por !p1, p0  }
0x2b1: {  	s2 =	sshll.u32 s16, $0x1;
	s1 =	sshll.u32 @!p0 s4, $0x6;
	s0 =	simm.s32 @p1 $0x0;
	v0 =	vsel vm0, v1, v0  }
0x2b2: {  	s5 =	sor.u32 $0x200, s2;
	s1 =	sshra.s32 @!p0 s1, $0x2;
	s0 =	sor.u32 @!p0 s0, s2;
	[tilespmem:$0x3648] =	vst v0  }
0x2b3: {  	[spmem:s5] =	stream.linear.scatter [tilespmem:s6], [sflag:$0x1], $0x2, $0x38;
	[tilespmem:$0x1F0F8] =	vst v63  }
0x2b4: {  	s1 =	sadd.s32 @!p0 $0x28, s1;
	s0 =	sshll.u32 @!p0 s0, $0x4  }
0x2b5: {  	[spmem:s0] =	stream.linear.scatter @!p0 [tilespmem:s1], [sflag:$0x1], $0x10, $0x38;
	[tilespmem:$0x1F0F8] =	vst v63  }
0x2b6: {  	s0 =	simm.s32 @!p0 $0x12  }
0x2b7: {  	s28 =	simm.s32 $0x1;
	s0 =	simm.s32 @p0 $0x2  }
0x2b8: {  	_ =	swait.ge [sflag:s28], s0  }
0x2b9: {  	s0 =	ssub.s32 $0x0, s0;
	[sflag:s28] =	ssyncset.done $0x0  }
0x2ba: {  	p0 =	sne.s32 s16, $0x0;
	[sflag:s28] =	ssyncadd.s32 s0  }
.Ltmp18:
0x2bb: {  	_ =	sfence.stream.spmem;
	(pc) =	sbr.rel @p0 .LBB2_38-.Ltmp18, $4  }
0x2bc: {  	s29 =	simm.s32 $0x3;
	[bflag:$0x0] =	sbarrier.arrive $0xFFFF  }
0x2bd: {  	s30 =	simm.s32 $0x4;
	[sflag:s29] =	ssyncpa.u1 $0x1  }
0x2be: {  	s31 =	simm.s32 $0x3C;
	[sflag:s30] =	ssyncpa.u1 $0x1  }
0x2bf: {  	s17 =	rddreg [dreg:$0x5];
	[sflag:s31] =	ssyncpa.u1 $0x1  }
0x2c0: {  	_ =	sfence.stream.spmem;
	s0 =	simm.s32 $0x5  }
0x2c1: {  	s1 =	simm.s32 $0x200;
	s2 =	simm.s32 $0x3658;
	[sflag:s0] =	ssyncpa.u1 $0x0  }
0x2c2: {  	[tilespmem:s2], [sflag:$0x5] =	stream.linear.gather [spmem:s1], $0x20, $0x38;
	[tilespmem:$0x1F0F8] =	vst v63  }
0x2c3: {  	s26 =	simm.s32 $0x0;
	s28 =	simm.s32 $0x3678  }
0x2c4: {  	[tilespmem:s28], [sflag:$0x5] =	stream.linear.gather [spmem:s26], $0x200, $0x38;
	[tilespmem:$0x1F0F8] =	vst v63  }
0x2c5: {  	_ =	swait.ge [sflag:s0], $0x220  }
0x2c6: {  	[sflag:s0] =	ssyncset.done $0x0  }
0x2c7: {  	s29 =	simm.s32 $0x0;
	[sflag:s0] =	ssyncadd.s32 $0xFFFFFDE0  }
0x2c8: {  	v0 =	vld.msk [tilespmem:s29+$0x3658], $0x1;
	_ =	sdelay $0x1  }
0x2c9: {  	s30 =	simm.s32 $0x1  }
0x2ca: {  	v1 =	vld.msk [tilespmem:s30+$0x3658], $0x1;
	_ =	sdelay $0x1  }
0x2cb: {  	(v2sf) =	vpush v0, $0x0;
	_ =	sdelay $0x2  }
0x2cc: {  	(v2sf) =	vpush v1, $0x0;
	_ =	sdelay $0x2  }
0x2cd: {  	s31 =	simm.s32 $0x2  }
0x2ce: {  	v0 =	vld.msk [tilespmem:s31+$0x3658], $0x1;
	_ =	sdelay $0x2  }
0x2cf: {  	s6 =	simm.s32 $0xFFFFFFFF;
	s1 =	simm.s32 $0xFFFFFFFF;
	s0 =	simm.s32 $0xC  }
.LBB2_23:
0x2d0: {  	s2 =	smov.u32 s6;
	s4 =	smov.u32 s1  }
0x2d1: {  	s1 =	sshra.s32 s0, $0x2;
	p1 =	sne.s32 s0, $0x7C;
	s0 =	sadd.s32 $0x4, s0;
	(v2sf) =	vpush v0, $0x0  }
0x2d2: {  	v0 =	vld.msk [tilespmem:s1+$0x3658], $0x1  }
.Ltmp19:
0x2d3: {  	(pc) =	sbr.rel @p1 .LBB2_23-.Ltmp19, $4  }
0x2d4: {  	s6 =	spop (v2sf)  }
0x2d5: {  	p2 =	sne.s32 s4, $0xFFFFFFFF;
	s1 =	smov.u32 s6  }
0x2d6: {  	p3 =	seq.s32 s6, $0xFFFFFFFF;
	s1 =	smov.u32 @p2 s4  }
0x2d7: {  	s6 =	smov.u32 @p3 s2;
	s1 =	smov.u32 @p3 s4  }
0x2d8: {  	(v2sf) =	vpush v0, $0x0;
	_ =	sdelay $0x8  }
0x2d9: {  	s0 =	spop (v2sf)  }
0x2da: {  	p1 =	sne.s32 s1, $0xFFFFFFFF;
	s2 =	smov.u32 s0  }
0x2db: {  	s9 =	simm.s32 $0x6;
	p2 =	seq.s32 s0, $0xFFFFFFFF;
	s2 =	smov.u32 @p1 s1  }
0x2dc: {  	s10 =	simm.s32 $0x3638;
	s2 =	smov.u32 @p2 s1;
	s1 =	spop (v2sf)  }
0x2dd: {  	s0 =	smov.u32 @p2 s6;
	p1 =	sne.s32 s2, $0xFFFFFFFF;
	s4 =	smov.u32 s1  }
.Ltmp20:
0x2de: {  	p2 =	seq.s32 s1, $0xFFFFFFFF;
	s4 =	smov.u32 @p1 s2;
	(pc) =	sbr.rel .LBB2_25-.Ltmp20, $4  }
0x2df: {  	s11 =	simm.s32 $0x0;
	s4 =	smov.u32 @p2 s2;
	s7 =	spop (v2sf)  }
0x2e0: {  	[sflag:s9] =	ssyncpa.u1 $0x0;
	p1 =	sne.s32 s4, $0xFFFFFFFF;
	s8 =	smov.u32 s7  }
0x2e1: {  	s1 =	smov.u32 @p2 s0;
	p2 =	seq.s32 s7, $0xFFFFFFFF;
	s8 =	smov.u32 @p1 s4  }
0x2e2: {  	s6 =	simm.s32 $0x0;
	s7 =	smov.u32 @p2 s1;
	s8 =	smov.u32 @p2 s4  }
.LBB2_30:
0x2e3: {  	p1 =	sgt.u32 s12, $0x270FE  }
0x2e4: {  	p2 =	seq.s32 @!p1 s12, s8  }
0x2e5: {  	p1 =	por p1, p2  }
0x2e6: {  	p2 =	sne.s32 @!p1 s12, s7  }
0x2e7: {  	p1 =	por p1, !p2  }
0x2e8: {  	s0 =	sshll.u32 @p1 s11, $0x6  }
0x2e9: {  	s0 =	sand.u32 @!p1 $0x3FFF8, s12  }
0x2ea: {  	s1 =	sand.u32 @!p1 $0x7, s12;
	s0 =	sadd.s32 @!p1 s3, s0  }
0x2eb: {  	[tilespmem:s10], [sflag:$0x6] =	stream.linear.gather @!p1 [hbm4b:s0+s1], $0x10, $0x38;
	[tilespmem:$0x1F0F8] =	vst v63  }
0x2ec: {  	_ =	swait.ge @!p1 [sflag:s9], $0x10  }
0x2ed: {  	[sflag:s9] =	ssyncset.done @!p1 $0x0  }
0x2ee: {  	[sflag:s9] =	ssyncadd.s32 @!p1 $0xFFFFFFF0  }
0x2ef: {  	v1 =	vld @!p1 [tilespmem:$0x3638];
	_ =	sdelay $0x2  }
0x2f0: {  	s0 =	sshll.u32 @!p1 s11, $0x6  }
0x2f1: {  	s1 =	sshrl.u32 @!p1 s0, $0x2  }
0x2f2: {  	[tilespmem:s1+$0x3678] =	vst.add.f32.msk @!p1 $0xffff, v1  }
0x2f3: {  	s0 =	sshrl.u32 s0, $0x2;
	[tilespmem:s6+$0x3658] =	vst.msk $0x1, v0  }
0x2f4: {  	v0 =	vld [tilespmem:s0+$0x3678];
	_ =	sdelay $0x2  }
0x2f5: {  	s31 =	sshll.u32 s6, $0x6  }
0x2f6: {  	s0 =	sshra.s32 s31, $0x2  }
0x2f7: {  	s6 =	sadd.s32 $0x1, s6;
	[tilespmem:s0+$0x3678] =	vst v0  }
.LBB2_32:
0x2f8: {  	s11 =	sadd.s32 $0x1, s11  }
0x2f9: {  	p1 =	sne.s32 s11, $0x20  }
.Ltmp21:
0x2fa: {  	_ = 	snop;
	(pc) =	sbr.rel @!p1 .LBB2_33-.Ltmp21, $1  }
0x2fb: {  	_ =	sdelay $0x3  }
.LBB2_25:
0x2fc: {  	v0 =	vld.msk [tilespmem:s11+$0x3658], $0x1;
	_ =	sdelay $0x4  }
0x2fd: {  	(v2sf) =	vpush v0, $0x0;
	_ =	sdelay $0xe  }
0x2fe: {  	s12 =	spop (v2sf)  }
0x2ff: {  	p1 =	seq.s32 s12, $0xFFFFFFFF  }
.Ltmp22:
0x300: {  	_ = 	snop;
	(pc) =	sbr.rel @p1 .LBB2_32-.Ltmp22, $1  }
0x301: {  	_ =	sdelay $0x3  }
0x302: {  	p1 =	slt.s32 s6, $0x1  }
.Ltmp23:
0x303: {  	_ = 	snop;
	(pc) =	sbr.rel @p1 .LBB2_30-.Ltmp23, $1  }
0x304: {  	_ =	sdelay $0x3  }
0x305: {  	s13 =	simm.s32 $0x3658;
	p1 =	por $0x0, $0x0  }
0x306: {  	v1 =	vld.msk @!p1 [tilespmem:s13+$0x0], $0x1;
	_ =	sdelay $0x4  }
0x307: {  	(v2sf) =	vpush @!p1 v1, $0x0;
	_ =	sdelay $0xd  }
0x308: {  	p3 =	sne.s32 s6, $0x1  }
.Ltmp24:
0x309: {  	s0 =	spop @!p1 (v2sf);
	(pc) =	sbr.rel @!p3 .LBB2_29-.Ltmp24, $4  }
0x30a: {  	p2 =	seq.s32 @!p1 s12, s0  }
0x30b: {  	s14 =	simm.s32 $0x0;
	p2 =	por !p2, p1  }
0x30c: {  	s0 =	simm.s32 $0xFFFFFFFF;
	s14 =	simm.s32 @p2 $0xFFFFFFFF  }
0x30d: {  	s15 =	simm.s32 $0x1;
	s14 =	smov.u32 @p1 s0  }
.LBB2_28:
0x30e: {  	s0 =	smov.u32 s14;
	p1 =	sne.s32 s14, $0xFFFFFFFF  }
0x30f: {  	s13 =	sadd.s32 $0x1, s13;
	s14 =	smov.u32 s15;
	s15 =	sadd.s32 $0x1, s15  }
0x310: {  	p2 =	sne.s32 s6, s15;
	v1 =	vld.msk @!p1 [tilespmem:s13+$0x0], $0x1;
	_ =	sdelay $0x4  }
0x311: {  	(v2sf) =	vpush @!p1 v1, $0x0;
	_ =	sdelay $0xe  }
.Ltmp25:
0x312: {  	s1 =	spop @!p1 (v2sf);
	(pc) =	sbr.rel @p2 .LBB2_28-.Ltmp25, $4  }
0x313: {  	p3 =	seq.s32 @!p1 s12, s1  }
0x314: {  	p3 =	por !p3, p1  }
0x315: {  	s14 =	simm.s32 @p3 $0xFFFFFFFF  }
0x316: {  	s14 =	smov.u32 @p1 s0  }
.LBB2_29:
0x317: {  	p1 =	sne.s32 s14, $0xFFFFFFFF  }
.Ltmp26:
0x318: {  	_ = 	snop;
	(pc) =	sbr.rel @!p1 .LBB2_30-.Ltmp26, $1  }
0x319: {  	_ =	sdelay $0x3  }
0x31a: {  	s0 =	sshll.u32 s11, $0x4  }
0x31b: {  	s0 =	sand.u32 $0x3FFFFFF0, s0  }
0x31c: {  	v0 =	vld [tilespmem:s0+$0x3678]  }
.Ltmp27:
0x31d: {  	_ = 	snop;
	(pc) =	sbr.rel .LBB2_32-.Ltmp27, $4  }
0x31e: {  	_ = 	snop  }
0x31f: {  	s31 =	sshll.u32 s14, $0x6  }
0x320: {  	s0 =	sshra.s32 s31, $0x2  }
0x321: {  	[tilespmem:s0+$0x3678] =	vst.add.f32.msk $0xffff, v0  }
.LBB2_33:
0x322: {  	s0 =	simm.s32 $0x6;
	p1 =	seq.s32 s6, $0x0  }
0x323: {  	[sflag:s0] =	ssyncpa.u1 $0x1;
	v0 =	vimm.s32 @p1 $0xFFFFFFFF  }
0x324: {  	s9 =	sadd.s32 $0xFFFFFFFF, s6;
	[tilespmem:$0x3878] =	vst @p1 v0  }
0x325: {  	v0 =	vld.msk @!p1 [tilespmem:s9+$0x3658], $0x1;
	_ =	sdelay $0x1  }
0x326: {  	v1 =	vld.msk @!p1 [tilespmem:$0x3658], $0x1;
	_ =	sdelay $0x2  }
0x327: {  	p2 =	seq.s32 @!p1 s9, $0x0;
	v0 =	vbroadcast @!p1 v0, $0x0  }
0x328: {  	vm0 =	vmmov @!p1 $0x1;
	p2 =	por !p2, p1  }
0x329: {  	v1 =	vnsel @!p1 vm0, $0xFFFFFFFF, v1;
	vm0 =	vcmask @!p1 $0x308;
	v0 =	vpsel !p2, $0xFFFFFFFF, v0  }
0x32a: {  	p2 =	sne.s32 @!p1 s8, s7;
	v0 =	vsel @!p1 vm0, v1, v0  }
0x32b: {  	s0 =	simm.s32 @!p1 $0x3678;
	s1 =	simm.s32 @!p1 $0x0;
	p3 =	por !p2, p1;
	[tilespmem:$0x3878] =	vst @!p1 v0  }
0x32c: {  	[spmem:s1] =	stream.linear.scatter @!p1 [tilespmem:s0], [sflag:$0x1], $0x10, $0x38;
	[tilespmem:$0x1F0F8] =	vst v63  }
0x32d: {  	s0 =	sshll.u32 @!p3 s9, $0x6  }
0x32e: {  	s0 =	sshra.s32 @!p3 s0, $0x2  }
0x32f: {  	s1 =	simm.s32 @!p3 $0x10;
	s0 =	sadd.s32 @!p3 $0x3678, s0  }
0x330: {  	[spmem:s1] =	stream.linear.scatter @!p3 [tilespmem:s0], [sflag:$0x1], $0x10, $0x38;
	[tilespmem:$0x1F0F8] =	vst v63  }
0x331: {  	s0 =	simm.s32 @!p3 $0x1  }
0x332: {  	_ =	swait.ge @!p3 [sflag:s0], $0x20  }
0x333: {  	p1 =	por p2, p1;
	[sflag:s0] =	ssyncset.done @!p3 $0x0  }
0x334: {  	[sflag:s0] =	ssyncadd.s32 @!p3 $0xFFFFFFE0;
	s0 =	simm.s32 @!p1 $0x1  }
0x335: {  	_ =	swait.ge @!p1 [sflag:s0], $0x10  }
0x336: {  	s29 =	simm.s32 $0x3878;
	[sflag:s0] =	ssyncset.done @!p1 $0x0  }
0x337: {  	s30 =	simm.s32 $0x200;
	s31 =	simm.s32 $0x1;
	[sflag:s0] =	ssyncadd.s32 @!p1 $0xFFFFFFF0  }
0x338: {  	[spmem:s30] =	stream.linear.scatter [tilespmem:s29], [sflag:$0x1], $0x10, $0x38;
	[tilespmem:$0x1F0F8] =	vst v63  }
0x339: {  	_ =	swait.ge [sflag:s31], $0x10  }
0x33a: {  	[sflag:s31] =	ssyncset.done $0x0  }
0x33b: {  	p1 =	seq.s32 s17, $0x0;
	s8 =	rddreg [dreg:$0x1];
	[sflag:s31] =	ssyncadd.s32 $0xFFFFFFF0  }
0x33c: {  	s1 =	sshll.u32 @p1 s8, $0xE;
	s7 =	rddreg [dreg:$0x2]  }
0x33d: {  	s0 =	sadd.s32 @p1 $0x15C3C, s1;
	s1 =	sshll.u32 @p1 s7, $0x11  }
0x33e: {  	_ =	sfence.stream.spmem;
	s0 =	sor.u32 @p1 s1, s0  }
0x33f: {  	[sflag:s0] =	ssyncadd.remote.s32 @p1 $0x1;
	s0 =	simm.s32 @p1 $0x4  }
0x340: {  	s2 =	simm.s32 @!p1 $0x3C;
	s1 =	sand.u32 $0xFFFFFFFE, s8;
	_ =	swait.ge @p1 [sflag:s0], $0x6  }
0x341: {  	s4 =	simm.s32 @!p1 $0x0;
	s1 =	sadd.s32 @!p1 $0x4, s1;
	[sflag:s0] =	ssyncset.done @p1 $0x0  }
0x342: {  	s5 =	simm.s32 @!p1 $0x20;
	[sflag:s0] =	ssyncadd.s32 @p1 $0xFFFFFFFA;
	s0 =	sshll.u32 @!p1 s1, $0x1A  }
0x343: {  	s1 =	sshll.u32 @!p1 s1, $0xD;
	s0 =	sor.u32 @!p1 s0, s7;
	_ =	swait.eq @!p1 [sflag:s2], $0x1  }
0x344: {  	s1 =	sor.u32 @!p1 $0x1C04, s1;
	s2 =	simm.s32 @!p1 $0x1C03;
	s0 =	sor.u32 @!p1 $0x80004000, s0  }
0x345: {  	[spmem:s5], [sflag:s1] =	dma.general @!p1 [spmem:s4], [sflag:s2], length:$0x4, [dreg:$0x0], stride_count:$0x0, ici_dest:s0, dma_misc:DstOpCode:WRITE  }
0x346: {  	p2 =	slt.s32 s9, $0x2;
	s4 =	simm.s32 @!p1 $0x40;
	s5 =	simm.s32 @!p1 $0x42  }
0x347: {  	[spmem:s5], [sflag:s1] =	dma.general @!p1 [spmem:s4], [sflag:s2], length:$0x2, [dreg:$0x0], stride_count:$0x0, ici_dest:s0, dma_misc:DstOpCode:WRITE  }
.Ltmp28:
0x348: {  	s0 =	simm.s32 @!p1 $0x3;
	(pc) =	sbr.rel @p2 .LBB2_37-.Ltmp28, $4  }
0x349: {  	s1 =	sshll.u32 @!p1 s8, $0xE;
	_ =	swait.ge @!p1 [sflag:s0], $0x6  }
0x34a: {  	s2 =	sshll.u32 @!p1 s7, $0x11;
	s1 =	sadd.s32 @!p1 $0x11C3C, s1;
	[sflag:s0] =	ssyncset.done @!p1 $0x0  }
0x34b: {  	[sflag:s0] =	ssyncadd.s32 @!p1 $0xFFFFFFFA;
	s0 =	sor.u32 @!p1 s2, s1  }
0x34c: {  	[sflag:s0] =	ssyncadd.remote.s32 @!p1 $0xFFFFFFFF;
	s0 =	simm.s32 $0x0  }
0x34d: {  	s0 =	simm.s32 $0x3659  }
0x34e: {  	v0 =	vld.msk [tilespmem:s0+$0x0], $0x1;
	_ =	sdelay $0x4  }
0x34f: {  	(v2sf) =	vpush v0, $0x0;
	_ =	sdelay $0xd  }
0x350: {  	s2 =	sadd.s32 $0xFFFFFFFE, s6  }
0x351: {  	s2 =	sadd.s32 $0xFFFFFFFF, s2;
	s0 =	spop (v2sf)  }
0x352: {  	p2 =	sne.s32 s2, $0x0;
	p1 =	sgt.u32 s0, $0x270FE  }
.Ltmp29:
0x353: {  	s4 =	sand.u32 @!p1 $0x3FFF8, s0;
	(pc) =	sbr.rel @!p2 .LBB2_36-.Ltmp29, $4  }
0x354: {  	s1 =	simm.s32 $0x3688;
	s0 =	sand.u32 @!p1 $0x7, s0;
	s4 =	sadd.s32 @!p1 s3, s4  }
0x355: {  	[hbm4b:s4+s0] =	stream.linear.scatter @!p1 [tilespmem:s1], [sflag:$0x5], $0x10, $0x38;
	[tilespmem:$0x1F0F8] =	vst v63  }
0x356: {  	s0 =	simm.s32 $0x0  }
0x357: {  	s6 =	simm.s32 $0x0;
	s7 =	simm.s32 $0x365A;
	s0 =	simm.s32 @!p1 $0x40  }
.LBB2_35:
0x358: {  	v0 =	vld.msk [tilespmem:s7+$0x0], $0x1;
	s2 =	sadd.s32 $0xFFFFFFFF, s2;
	s6 =	sadd.s32 s6, s0  }
0x359: {  	p1 =	sne.s32 s2, $0x0;
	_ =	sdelay $0x3  }
0x35a: {  	(v2sf) =	vpush v0, $0x0;
	_ =	sdelay $0xe  }
.Ltmp30:
0x35b: {  	s4 =	spop (v2sf);
	(pc) =	sbr.rel @p1 .LBB2_35-.Ltmp30, $4  }
0x35c: {  	s0 =	simm.s32 $0x0;
	p2 =	sgt.u32 s4, $0x270FE  }
0x35d: {  	s1 =	sadd.s32 $0x10, s1;
	s0 =	simm.s32 @!p2 $0x40;
	s5 =	sand.u32 @!p2 $0x3FFF8, s4  }
0x35e: {  	s7 =	sadd.s32 $0x1, s7;
	s4 =	sand.u32 @!p2 $0x7, s4;
	s5 =	sadd.s32 @!p2 s3, s5  }
0x35f: {  	[hbm4b:s5+s4] =	stream.linear.scatter @!p2 [tilespmem:s1], [sflag:$0x5], $0x10, $0x38;
	[tilespmem:$0x1F0F8] =	vst v63  }
.LBB2_36:
0x360: {  	s0 =	sadd.s32 s6, s0  }
0x361: {  	s0 =	sshrl.u32 s0, $0x2  }
.LBB2_37:
0x362: {  	s1 =	simm.s32 $0x5  }
0x363: {  	_ =	swait.ge [sflag:s1], s0  }
0x364: {  	s31 =	ssub.s32 $0x0, s0;
	[sflag:s1] =	ssyncset.done $0x0  }
0x365: {  	[sflag:s1] =	ssyncadd.s32 s31  }
0x366: {  	[sflag:s1] =	ssyncpa.u1 $0x1  }
.LBB2_38:
0x367: {  	s0 =	sor.u32 s17, s16  }
0x368: {  	p1 =	sne.s32 s0, $0x0  }
.Ltmp31:
0x369: {  	_ = 	snop;
	(pc) =	sbr.rel @p1 .LBB2_53-.Ltmp31, $3  }
0x36a: {  	_ =	sdelay $0x1  }
0x36b: {  	[bflag:$0x0] =	sbarrier.arrive $0xFFFF  }
0x36c: {  	_ =	sfence  }
0x36d: {  	s0 =	simm.s32 $0x7  }
0x36e: {  	s1 =	simm.s32 $0x200;
	s2 =	simm.s32 $0x3658;
	[sflag:s0] =	ssyncpa.u1 $0x0  }
0x36f: {  	[tilespmem:s2], [sflag:$0x7] =	stream.linear.gather [spmem:s1], $0x20, $0x38;
	[tilespmem:$0x1F0F8] =	vst v63  }
0x370: {  	s30 =	simm.s32 $0x3678;
	s1 =	simm.s32 $0x0  }
0x371: {  	[tilespmem:s30], [sflag:$0x7] =	stream.linear.gather [spmem:s1], $0x200, $0x38;
	[tilespmem:$0x1F0F8] =	vst v63  }
.Ltmp32:
0x372: {  	_ = 	snop;
	(pc) =	sbr.rel .LBB2_40-.Ltmp32, $4  }
0x373: {  	_ =	swait.ge [sflag:s0], $0x220  }
0x374: {  	[sflag:s0] =	ssyncset.done $0x0  }
0x375: {  	s31 =	simm.s32 $0x8;
	[sflag:s0] =	ssyncadd.s32 $0xFFFFFDE0  }
0x376: {  	s2 =	simm.s32 $0x0;
	[sflag:s31] =	ssyncpa.u1 $0x0  }
.LBB2_45:
0x377: {  	p1 =	slt.u32 s4, $0x270FF  }
0x378: {  	s0 =	sand.u32 @p1 $0x3FFF8, s4  }
0x379: {  	s4 =	sand.u32 @p1 $0x7, s4;
	s5 =	simm.s32 @p1 $0x3638;
	s0 =	sadd.s32 @p1 s3, s0  }
0x37a: {  	[tilespmem:s5], [sflag:$0x8] =	stream.linear.gather @p1 [hbm4b:s0+s4], $0x10, $0x38;
	[tilespmem:$0x1F0F8] =	vst v63  }
0x37b: {  	s0 =	simm.s32 @p1 $0x8  }
0x37c: {  	_ =	swait.ge @p1 [sflag:s0], $0x10  }
0x37d: {  	[sflag:s0] =	ssyncset.done @p1 $0x0  }
0x37e: {  	[sflag:s0] =	ssyncadd.s32 @p1 $0xFFFFFFF0  }
0x37f: {  	v1 =	vld @p1 [tilespmem:$0x3638];
	_ =	sdelay $0x2  }
0x380: {  	s0 =	sshll.u32 @p1 s2, $0x6  }
0x381: {  	s5 =	sshll.u32 @!p1 s2, $0x6;
	s4 =	sshrl.u32 @p1 s0, $0x2  }
0x382: {  	s5 =	smov.u32 @p1 s0;
	[tilespmem:s4+$0x3678] =	vst.add.f32.msk @p1 $0xffff, v1  }
0x383: {  	s0 =	sshrl.u32 s5, $0x2;
	[tilespmem:s1+$0x3658] =	vst.msk $0x1, v0  }
0x384: {  	v0 =	vld [tilespmem:s0+$0x3678];
	_ =	sdelay $0x2  }
0x385: {  	s31 =	sshll.u32 s1, $0x6  }
0x386: {  	s0 =	sshra.s32 s31, $0x2  }
0x387: {  	s1 =	sadd.s32 $0x1, s1;
	[tilespmem:s0+$0x3678] =	vst v0  }
.LBB2_47:
0x388: {  	s2 =	sadd.s32 $0x1, s2  }
0x389: {  	p1 =	sne.s32 s2, $0x20  }
.Ltmp33:
0x38a: {  	_ = 	snop;
	(pc) =	sbr.rel @!p1 .LBB2_48-.Ltmp33, $1  }
0x38b: {  	_ =	sdelay $0x3  }
.LBB2_40:
0x38c: {  	v0 =	vld.msk [tilespmem:s2+$0x3658], $0x1;
	_ =	sdelay $0x4  }
0x38d: {  	(v2sf) =	vpush v0, $0x0;
	_ =	sdelay $0xe  }
0x38e: {  	s4 =	spop (v2sf)  }
0x38f: {  	p1 =	seq.s32 s4, $0xFFFFFFFF  }
.Ltmp34:
0x390: {  	_ = 	snop;
	(pc) =	sbr.rel @p1 .LBB2_47-.Ltmp34, $1  }
0x391: {  	_ =	sdelay $0x3  }
0x392: {  	p1 =	slt.s32 s1, $0x1  }
.Ltmp35:
0x393: {  	_ = 	snop;
	(pc) =	sbr.rel @p1 .LBB2_45-.Ltmp35, $1  }
0x394: {  	_ =	sdelay $0x3  }
0x395: {  	s5 =	simm.s32 $0x3658;
	p1 =	por $0x0, $0x0  }
0x396: {  	v1 =	vld.msk @!p1 [tilespmem:s5+$0x0], $0x1;
	_ =	sdelay $0x4  }
0x397: {  	(v2sf) =	vpush @!p1 v1, $0x0;
	_ =	sdelay $0xd  }
0x398: {  	p3 =	sne.s32 s1, $0x1  }
.Ltmp36:
0x399: {  	s0 =	spop @!p1 (v2sf);
	(pc) =	sbr.rel @!p3 .LBB2_44-.Ltmp36, $4  }
0x39a: {  	p2 =	seq.s32 @!p1 s4, s0  }
0x39b: {  	s6 =	simm.s32 $0x0;
	p2 =	por !p2, p1  }
0x39c: {  	s0 =	simm.s32 $0xFFFFFFFF;
	s6 =	simm.s32 @p2 $0xFFFFFFFF  }
0x39d: {  	s7 =	simm.s32 $0x1;
	s6 =	smov.u32 @p1 s0  }
.LBB2_43:
0x39e: {  	s0 =	smov.u32 s6;
	p1 =	sne.s32 s6, $0xFFFFFFFF  }
0x39f: {  	s5 =	sadd.s32 $0x1, s5;
	s6 =	smov.u32 s7;
	s7 =	sadd.s32 $0x1, s7  }
0x3a0: {  	p2 =	sne.s32 s1, s7;
	v1 =	vld.msk @!p1 [tilespmem:s5+$0x0], $0x1;
	_ =	sdelay $0x4  }
0x3a1: {  	(v2sf) =	vpush @!p1 v1, $0x0;
	_ =	sdelay $0xe  }
.Ltmp37:
0x3a2: {  	s8 =	spop @!p1 (v2sf);
	(pc) =	sbr.rel @p2 .LBB2_43-.Ltmp37, $4  }
0x3a3: {  	p3 =	seq.s32 @!p1 s4, s8  }
0x3a4: {  	p3 =	por !p3, p1  }
0x3a5: {  	s6 =	simm.s32 @p3 $0xFFFFFFFF  }
0x3a6: {  	s6 =	smov.u32 @p1 s0  }
.LBB2_44:
0x3a7: {  	p1 =	sne.s32 s6, $0xFFFFFFFF  }
.Ltmp38:
0x3a8: {  	_ = 	snop;
	(pc) =	sbr.rel @!p1 .LBB2_45-.Ltmp38, $1  }
0x3a9: {  	_ =	sdelay $0x3  }
0x3aa: {  	s0 =	sshll.u32 s2, $0x4  }
0x3ab: {  	s0 =	sand.u32 $0x3FFFFFF0, s0  }
0x3ac: {  	v0 =	vld [tilespmem:s0+$0x3678]  }
.Ltmp39:
0x3ad: {  	_ = 	snop;
	(pc) =	sbr.rel .LBB2_47-.Ltmp39, $4  }
0x3ae: {  	_ = 	snop  }
0x3af: {  	s31 =	sshll.u32 s6, $0x6  }
0x3b0: {  	s0 =	sshra.s32 s31, $0x2  }
0x3b1: {  	[tilespmem:s0+$0x3678] =	vst.add.f32.msk $0xffff, v0  }
.LBB2_48:
0x3b2: {  	p1 =	slt.s32 s1, $0x1  }
.Ltmp40:
0x3b3: {  	_ = 	snop;
	(pc) =	sbr.rel @p1 .LBB2_52-.Ltmp40, $3  }
0x3b4: {  	_ =	sdelay $0x1  }
0x3b5: {  	s0 =	simm.s32 $0x8  }
0x3b6: {  	s2 =	simm.s32 $0x0;
	[sflag:s0] =	ssyncpa.u1 $0x1  }
0x3b7: {  	s0 =	simm.s32 $0x3658  }
0x3b8: {  	v0 =	vld.msk [tilespmem:s0+$0x0], $0x1;
	_ =	sdelay $0x4  }
0x3b9: {  	(v2sf) =	vpush v0, $0x0;
	_ =	sdelay $0xe  }
0x3ba: {  	s1 =	sadd.s32 $0xFFFFFFFF, s1;
	s0 =	spop (v2sf)  }
0x3bb: {  	p2 =	sne.s32 s1, $0x0;
	p1 =	sgt.u32 s0, $0x270FE  }
.Ltmp41:
0x3bc: {  	s5 =	sand.u32 @!p1 $0x3FFF8, s0;
	(pc) =	sbr.rel @!p2 .LBB2_51-.Ltmp41, $4  }
0x3bd: {  	s4 =	simm.s32 $0x3678;
	s0 =	sand.u32 @!p1 $0x7, s0;
	s5 =	sadd.s32 @!p1 s3, s5  }
0x3be: {  	[hbm4b:s5+s0] =	stream.linear.scatter @!p1 [tilespmem:s4], [sflag:$0x7], $0x10, $0x38;
	[tilespmem:$0x1F0F8] =	vst v63  }
0x3bf: {  	s0 =	simm.s32 $0x0  }
0x3c0: {  	s5 =	simm.s32 $0x3659;
	s0 =	simm.s32 @!p1 $0x40  }
.LBB2_50:
0x3c1: {  	v0 =	vld.msk [tilespmem:s5+$0x0], $0x1;
	s1 =	sadd.s32 $0xFFFFFFFF, s1;
	s2 =	sadd.s32 s2, s0  }
0x3c2: {  	p1 =	sne.s32 s1, $0x0;
	_ =	sdelay $0x3  }
0x3c3: {  	(v2sf) =	vpush v0, $0x0;
	_ =	sdelay $0xe  }
.Ltmp42:
0x3c4: {  	s6 =	spop (v2sf);
	(pc) =	sbr.rel @p1 .LBB2_50-.Ltmp42, $4  }
0x3c5: {  	s0 =	simm.s32 $0x0;
	p2 =	sgt.u32 s6, $0x270FE  }
0x3c6: {  	s4 =	sadd.s32 $0x10, s4;
	s0 =	simm.s32 @!p2 $0x40;
	s7 =	sand.u32 @!p2 $0x3FFF8, s6  }
0x3c7: {  	s5 =	sadd.s32 $0x1, s5;
	s6 =	sand.u32 @!p2 $0x7, s6;
	s7 =	sadd.s32 @!p2 s3, s7  }
0x3c8: {  	[hbm4b:s7+s6] =	stream.linear.scatter @!p2 [tilespmem:s4], [sflag:$0x7], $0x10, $0x38;
	[tilespmem:$0x1F0F8] =	vst v63  }
.LBB2_51:
0x3c9: {  	s0 =	sadd.s32 s2, s0  }
0x3ca: {  	s2 =	sshrl.u32 s0, $0x2  }
.LBB2_52:
0x3cb: {  	s0 =	simm.s32 $0x7  }
0x3cc: {  	_ =	swait.ge [sflag:s0], s2  }
0x3cd: {  	s1 =	ssub.s32 $0x0, s2;
	[sflag:s0] =	ssyncset.done $0x0  }
0x3ce: {  	[sflag:s0] =	ssyncadd.s32 s1  }
0x3cf: {  	[sflag:s0] =	ssyncpa.u1 $0x1  }
.LBB2_53:
0x3d0: {  	_ =	sfence;
	s0 =	simm.s32 $0x1  }
0x3d1: {  	[sflag:s0] =	ssyncpa.u1 $0x1  }
0x3d2: {  	_ =	strace $0x9000004A  }
0x3d3: {  	[bflag:$0x2] =	sbarrier.arrive $0xFFFF  }
0x3d4: {  	s0 =	rddreg [dreg:$0x3]  }
0x3d5: {  	s0 =	sadd.s32 @!p0 $0x100000, s0  }
0x3d6: {  	[sflag:s0] =	ssyncadd.tile.s32 @!p0 $0x1;
	_ =	shalt  }
.Lfunc_end2:
_tile_overlayer_lowered:
.L_overlay_start_2:
0x3d7: {  	(tag) =	ssettag $0x2  }
0x3d8: {  	s0 =	rddreg [dreg:$0x0];
	s2 =	stileid.u32  }
0x3d9: {  	s1 =	rddreg [dreg:$0x1];
	p0 =	sne.s32 s2, $0x0  }
0x3da: {  	s3 =	rddreg [dreg:$0x2];
	[bflag:$0x3] =	sbarrier.arrive $0xFFFF;
	s2 =	simm.s32 @!p0 $0x1C01  }
0x3db: {  	[timem:s3], [sflag:s2] =	dma.local @!p0 [hbm:s0], s1  }
0x3dc: {  	s0 =	simm.s32 @!p0 $0x1  }
0x3dd: {  	_ =	swait.ge @!p0 [sflag:s0], s1  }
0x3de: {  	s1 =	ssub.s32 @!p0 $0x0, s1;
	[sflag:s0] =	ssyncset.done @!p0 $0x0  }
0x3df: {  	[sflag:s0] =	ssyncadd.s32 @!p0 s1  }
0x3e0: {  	[bflag:$0x3] =	sbarrier.arrive $0xFFFF  }
0x3e1: {  	_ =	shalt  }

</sc_bundles>
